<compile_context>
chip_gen: v7x
topology: tpu7x:2x2x1
jax: 0.10.2.dev20260603
libtpu: 0.0.44.dev20260713+nightly
codegen_flags: <defaults>
</compile_context>

<pallas_src>
import jax
import jax.numpy as jnp
from jax import lax
from jax.experimental import pallas as pl
from jax.experimental.pallas import tpu as pltpu
from jax.experimental.pallas import tpu_sc as plsc

B = 16384
N_CAT = 26
N_CONT = 13
D = 64

NC = 2
NS = 16
NW = NC * NS
BPW = B // NW
CB = 256
CPJ = BPW // CB
NCH = N_CAT * CPJ


def _cat_sc_kernel(idxT_hbm, table_hbm, bias_hbm, out_hbm,
                   idx_all, r0, r1, r2, r3, bias_v,
                   g0, g1, g2, g3, w0, w1, w2, w3):
    wid = lax.axis_index("s") * NC + lax.axis_index("c")
    wb0 = wid * BPW
    rbufs = (r0, r1, r2, r3)
    gsems = (g0, g1, g2, g3)
    wsems = (w0, w1, w2, w3)

    pltpu.sync_copy(idxT_hbm.at[:, pl.ds(wb0, BPW)], idx_all)
    pltpu.sync_copy(bias_hbm, bias_v)

    def fire(c, k):
        j = c // CPJ
        h = c % CPJ
        pltpu.make_async_copy(
            table_hbm.at[idx_all.at[j, pl.ds(h * CB, CB)]],
            rbufs[k], gsems[k]).start()

    def wait_gather(c, k):
        j = c // CPJ
        h = c % CPJ
        pltpu.make_async_copy(
            table_hbm.at[idx_all.at[j, pl.ds(h * CB, CB)]],
            rbufs[k], gsems[k]).wait()

    def write(c, k):
        j = c // CPJ
        b0 = wb0 + (c % CPJ) * CB
        pltpu.make_async_copy(rbufs[k],
                              out_hbm.at[j, pl.ds(b0, CB)],
                              wsems[k]).start()

    def wait_write(c, k):
        j = c // CPJ
        b0 = wb0 + (c % CPJ) * CB
        pltpu.make_async_copy(rbufs[k],
                              out_hbm.at[j, pl.ds(b0, CB)],
                              wsems[k]).wait()

    def bias_pass(c, k):
        j = c // CPJ
        rows = rbufs[k]
        b4 = [bias_v[j, pl.ds(v * 16, 16)] for v in range(D // 16)]

        @plsc.parallel_loop(0, CB // 8, unroll=2)
        def _bp(r8, rows=rows, b4=b4):
            for u in range(8):
                r = r8 * 8 + u
                for v in range(D // 16):
                    sl = pl.ds(v * 16, 16)
                    rows[r, sl] = rows[r, sl] + b4[v]

    fire(0, 0)
    fire(1, 1)

    def body(i, carry):
        c0 = 4 * i
        for u in range(4):
            c = c0 + u
            k = u
            wait_gather(c, k)
            bias_pass(c, k)
            write(c, k)
            kn = (u + 2) % 4

            @pl.when(c >= 2)
            def _(c=c, kn=kn):
                wait_write(c - 2, kn)

            @pl.when(c + 2 < NCH)
            def _(c=c, kn=kn):
                fire(c + 2, kn)
        return carry

    lax.fori_loop(0, NCH // 4, body, 0)
    wait_write(NCH - 2, 2)
    wait_write(NCH - 1, 3)


def _cat_call(idxT, table, cat_bias):
    mesh = plsc.VectorSubcoreMesh(core_axis_name="c", subcore_axis_name="s",
                                  num_cores=NC, num_subcores=NS)
    return pl.kernel(
        _cat_sc_kernel,
        out_type=jax.ShapeDtypeStruct((N_CAT, B, D), jnp.float32),
        mesh=mesh,
        scratch_types=[
            pltpu.VMEM((N_CAT, BPW), jnp.int32),
            pltpu.VMEM((CB, D), jnp.float32),
            pltpu.VMEM((CB, D), jnp.float32),
            pltpu.VMEM((CB, D), jnp.float32),
            pltpu.VMEM((CB, D), jnp.float32),
            pltpu.VMEM((N_CAT, D), jnp.float32),
            pltpu.SemaphoreType.DMA,
            pltpu.SemaphoreType.DMA,
            pltpu.SemaphoreType.DMA,
            pltpu.SemaphoreType.DMA,
            pltpu.SemaphoreType.DMA,
            pltpu.SemaphoreType.DMA,
            pltpu.SemaphoreType.DMA,
            pltpu.SemaphoreType.DMA,
        ],
        compiler_params=pltpu.CompilerParams(use_tc_tiling_on_sc=False,
                                             needs_layout_passes=False),
    )(idxT, table, cat_bias)


XPB = 512


def _xpose_tc_kernel(x_ref, o_ref):
    n = XPB // 2
    eye = (lax.broadcasted_iota(jnp.int32, (n, n), 0)
           == lax.broadcasted_iota(jnp.int32, (n, n), 1)
           ).astype(jnp.float32)
    for w in range(B // XPB):
        x = x_ref[0, pl.ds(w * n, n), :]
        xt = lax.dot_general(x, eye, (((0,), (0,)), ((), ())),
                             preferred_element_type=jnp.float32,
                             precision=lax.Precision.HIGHEST)
        o_ref[0, :, pl.ds(w * XPB, n)] = xt[:D]
        o_ref[0, :, pl.ds(w * XPB + n, n)] = xt[D:]


def _xpose_call(cat_v):
    grid = (N_CAT,)
    return pl.pallas_call(
        _xpose_tc_kernel,
        grid=grid,
        in_specs=[pl.BlockSpec((1, B * D // 128, 128), lambda j: (j, 0, 0))],
        out_specs=pl.BlockSpec((1, D, B), lambda j: (j, 0, 0)),
        out_shape=jax.ShapeDtypeStruct((N_CAT, D, B), jnp.float32),
    )(cat_v)


BLK = 2048


def _cont_tc_kernel(xcT_ref, g_ref, b_ref, wT_ref, bT_ref, o_ref):
    xc = xcT_ref[...]
    mu = jnp.mean(xc, axis=0, keepdims=True)
    var = jnp.mean((xc - mu) ** 2, axis=0, keepdims=True)
    xcn = (xc - mu) * lax.rsqrt(var + 1e-5)
    xcn = xcn * g_ref[...] + b_ref[...]
    for j in range(N_CONT):
        o_ref[j, :, :] = (xcn[j:j + 1, :] * wT_ref[:, j:j + 1]
                          + bT_ref[:, j:j + 1])


def _cont_call(xcT, ln_gamma, ln_beta, cont_wT, cont_bT):
    grid = (B // BLK,)
    return pl.pallas_call(
        _cont_tc_kernel,
        grid=grid,
        in_specs=[
            pl.BlockSpec((N_CONT, BLK), lambda i: (0, i)),
            pl.BlockSpec((N_CONT, 1), lambda i: (0, 0)),
            pl.BlockSpec((N_CONT, 1), lambda i: (0, 0)),
            pl.BlockSpec((D, N_CONT), lambda i: (0, 0)),
            pl.BlockSpec((D, N_CONT), lambda i: (0, 0)),
        ],
        out_specs=pl.BlockSpec((N_CONT, D, BLK), lambda i: (0, 0, i)),
        out_shape=jax.ShapeDtypeStruct((N_CONT, D, B), jnp.float32),
    )(xcT, ln_gamma.reshape(N_CONT, 1), ln_beta.reshape(N_CONT, 1),
      cont_wT, cont_bT)


def kernel(X, table, cat_bias, ln_gamma, ln_beta, cont_w, cont_b):
    XT = X.T
    idxT = XT[:N_CAT]
    xcT = XT[N_CAT:].astype(jnp.float32)
    idxp = (idxT.reshape(N_CAT, NW, 2, XPB // 2)
            .transpose(0, 1, 3, 2).reshape(N_CAT, B))
    cat_3d = _cat_call(idxp, table, cat_bias)
    cat_v = cat_3d.reshape(N_CAT, B * D // 128, 128)
    cat_T = _xpose_call(cat_v)
    cont_T = _cont_call(xcT, ln_gamma, ln_beta,
                        cont_w.T, cont_b.T)
    x_cat = jnp.transpose(cat_T, (2, 0, 1))
    x_cont = jnp.transpose(cont_T, (2, 0, 1))
    return x_cat, x_cont

# --- scband reference (transcript-rebuilt; emitter-appended) ---
"""Pipeline reference for scband-same-size-cat-and-cont-embeddings-64871186039103 (READ-ONLY COPY).

The authoritative reference and input builder live on the scoring server;
editing this copy changes nothing except your own understanding.
"""

import jax, jax.numpy as jnp
import numpy as np

B = 16384
N_CAT = 26
N_CONT = 13
D = 64
CARD = 38461
N_TOKENS = N_CAT * CARD  # 999986


def setup_inputs(seed: int = 0) -> dict:
    key = jax.random.key(seed)
    ks = jax.random.split(key, 6)
    # X holds categorical indices in cols 0..25 and 'continuous' values in cols 26..38
    X = jax.random.randint(ks[0], (B, N_CAT + N_CONT), 0, N_TOKENS, dtype=jnp.int32)
    # Parameters sized per init_kwargs
    table = jax.random.normal(ks[1], (N_TOKENS + 1, D), dtype=jnp.float32) * 0.05
    table = table.at[0].set(0.0)  # padding_idx=0
    cat_bias = jax.random.normal(ks[2], (N_CAT, D), dtype=jnp.float32) * 0.05
    ln_gamma = jnp.ones((N_CONT,), dtype=jnp.float32)
    ln_beta = jnp.zeros((N_CONT,), dtype=jnp.float32)
    cont_w = jax.random.normal(ks[3], (N_CONT, D), dtype=jnp.float32) * 0.05
    cont_b = jax.random.normal(ks[4], (N_CONT, D), dtype=jnp.float32) * 0.05
    return {"X": X, "table": table, "cat_bias": cat_bias, "ln_gamma": ln_gamma,
            "ln_beta": ln_beta, "cont_w": cont_w, "cont_b": cont_b}


def reference(X, table, cat_bias, ln_gamma, ln_beta, cont_w, cont_b):
    # --- SameSizeCatEmbeddings (shared_embed=False, eval mode: dropout is identity) ---
    cat_idx = X[:, :N_CAT]                                  # [B, 26]
    x_cat = jnp.take(table, cat_idx, axis=0)                # [B, 26, 64] gather
    x_cat = x_cat + cat_bias[None, :, :]
    # --- continuous branch: LayerNorm over the 13 cont cols ---
    xc = X[:, N_CAT:].astype(jnp.float32)                   # [B, 13]
    mu = jnp.mean(xc, axis=-1, keepdims=True)
    var = jnp.var(xc, axis=-1, keepdims=True)
    xcn = (xc - mu) / jnp.sqrt(var + 1e-5) * ln_gamma + ln_beta
    # --- ContEmbeddings: weight * x + bias (no activation, eval dropout = identity) ---
    x_cont = cont_w[None, :, :] * xcn[:, :, None] + cont_b[None, :, :]  # [B, 13, 64]
    return (x_cat, x_cont)

if __name__ == "__main__":
    import jax
    _d = setup_inputs()
    print(jax.jit(kernel)(*tuple(_d.values())))

</pallas_src>

<mosaic_0001>
#map = affine_map<(d0, d1) -> (0, 0)>
#map1 = affine_map<(d0, d1) -> (0, 0, 0)>
module attributes {stable_mosaic.version = 14 : i64} {
  func.func @_cat_sc_kernel(%arg0: i32, %arg1: i32, %arg2: memref<26x16384xi32, #tpu.memory_space<hbm>>, %arg3: memref<999987x64xf32, #tpu.memory_space<hbm>>, %arg4: memref<26x64xf32, #tpu.memory_space<hbm>>, %arg5: memref<26x16384x64xf32, #tpu.memory_space<hbm>>, %arg6: memref<26x512xi32, #tpu.memory_space<vmem>>, %arg7: memref<256x64xf32, #tpu.memory_space<vmem>>, %arg8: memref<256x64xf32, #tpu.memory_space<vmem>>, %arg9: memref<256x64xf32, #tpu.memory_space<vmem>>, %arg10: memref<256x64xf32, #tpu.memory_space<vmem>>, %arg11: memref<26x64xf32, #tpu.memory_space<vmem>>, %arg12: memref<!tpu.dma_semaphore, #tpu.memory_space<semaphore_mem>>, %arg13: memref<!tpu.dma_semaphore, #tpu.memory_space<semaphore_mem>>, %arg14: memref<!tpu.dma_semaphore, #tpu.memory_space<semaphore_mem>>, %arg15: memref<!tpu.dma_semaphore, #tpu.memory_space<semaphore_mem>>, %arg16: memref<!tpu.dma_semaphore, #tpu.memory_space<semaphore_mem>>, %arg17: memref<!tpu.dma_semaphore, #tpu.memory_space<semaphore_mem>>, %arg18: memref<!tpu.dma_semaphore, #tpu.memory_space<semaphore_mem>>, %arg19: memref<!tpu.dma_semaphore, #tpu.memory_space<semaphore_mem>>) attributes {dimension_semantics = [#tpu.dimension_semantics<core_parallel>, #tpu.dimension_semantics<subcore_parallel>], iteration_bounds = array<i64: 2, 16>, scalar_prefetch = 0 : i64, scratch_operands = 14 : i64, tpu.core_type = #tpu.core_type<sc_vector_subcore>, window_params = [{transform_indices = #map}, {transform_indices = #map}, {transform_indices = #map}, {transform_indices = #map1}]} {
    %mul3A = arith.constant 2 : i32
    %mul3A_0 = arith.muli %arg1, %mul3A : i32
    %add3A = arith.addi %mul3A_0, %arg0 : i32
    %mul3A_1 = arith.constant 512 : i32
    %mul3A_2 = arith.muli %add3A, %mul3A_1 : i32
    "tpu.region"() ({
      %run_scoped3A = tpu.sem_alloc : memref<!tpu.dma_semaphore, #tpu.memory_space<semaphore_mem>>
      %dma_start3A_38 = arith.constant 0 : i32
      %dma_start3A_39 = tpu.memref_slice %arg2[%dma_start3A_38, %mul3A_2] : memref<26x16384xi32, #tpu.memory_space<hbm>> -> memref<26x512xi32, #tpu.memory_space<hbm>>
      %dma_start3A_40 = arith.constant 0 : i32
      %dma_start3A_41 = tpu.memref_slice %arg2[%dma_start3A_40, %mul3A_2] : memref<26x16384xi32, #tpu.memory_space<hbm>> -> memref<26x512xi32, #tpu.memory_space<hbm>>
      tpu.enqueue_dma source(%dma_start3A_41 : memref<26x512xi32, #tpu.memory_space<hbm>>) target(%arg6 : memref<26x512xi32, #tpu.memory_space<vmem>>) target_semaphore(%run_scoped3A : memref<!tpu.dma_semaphore, #tpu.memory_space<semaphore_mem>>)
      %dma_wait3A_42 = arith.constant 0 : i32
      %dma_wait3A_43 = tpu.memref_slice %arg2[%dma_wait3A_42, %mul3A_2] : memref<26x16384xi32, #tpu.memory_space<hbm>> -> memref<26x512xi32, #tpu.memory_space<hbm>>
      %dma_wait3A_44 = arith.constant 0 : i32
      %dma_wait3A_45 = tpu.memref_slice %arg2[%dma_wait3A_44, %mul3A_2] : memref<26x16384xi32, #tpu.memory_space<hbm>> -> memref<26x512xi32, #tpu.memory_space<hbm>>
      tpu.wait_dma2 semaphore(%run_scoped3A : memref<!tpu.dma_semaphore, #tpu.memory_space<semaphore_mem>>) src(%dma_wait3A_45 : memref<26x512xi32, #tpu.memory_space<hbm>>) dst(%arg6 : memref<26x512xi32, #tpu.memory_space<vmem>>)
      tpu.yield
    }) : () -> ()
    "tpu.region"() ({
      %run_scoped3A = tpu.sem_alloc : memref<!tpu.dma_semaphore, #tpu.memory_space<semaphore_mem>>
      tpu.enqueue_dma source(%arg4 : memref<26x64xf32, #tpu.memory_space<hbm>>) target(%arg11 : memref<26x64xf32, #tpu.memory_space<vmem>>) target_semaphore(%run_scoped3A : memref<!tpu.dma_semaphore, #tpu.memory_space<semaphore_mem>>)
      tpu.wait_dma2 semaphore(%run_scoped3A : memref<!tpu.dma_semaphore, #tpu.memory_space<semaphore_mem>>) src(%arg4 : memref<26x64xf32, #tpu.memory_space<hbm>>) dst(%arg11 : memref<26x64xf32, #tpu.memory_space<vmem>>)
      tpu.yield
    }) : () -> ()
    %dma_start3A = arith.constant 0 : i32
    %dma_start3A_3 = arith.constant 0 : i32
    %dma_start3A_4 = tpu.memref_slice %arg6[%dma_start3A, %dma_start3A_3] : memref<26x512xi32, #tpu.memory_space<vmem>> -> memref<1x256xi32, #tpu.memory_space<vmem>>
    %dma_start3A_5 = tpu.memref_squeeze %dma_start3A_4 : memref<1x256xi32, #tpu.memory_space<vmem>> -> memref<256xi32, #tpu.memory_space<vmem>>
    %dma_start3A_6 = arith.constant 0 : i32
    %dma_start3A_7 = arith.constant 0 : i32
    %dma_start3A_8 = tpu.memref_slice %arg3[%dma_start3A_6, %dma_start3A_7] : memref<999987x64xf32, #tpu.memory_space<hbm>> -> memref<999987x64xf32, #tpu.memory_space<hbm>>
    tpu.enqueue_indirect_dma source(%dma_start3A_8 : memref<999987x64xf32, #tpu.memory_space<hbm>>) target(%arg7 : memref<256x64xf32, #tpu.memory_space<vmem>>) offsets(%dma_start3A_5 : memref<256xi32, #tpu.memory_space<vmem>>) semaphore(%arg12 : memref<!tpu.dma_semaphore, #tpu.memory_space<semaphore_mem>>)
    %dma_start3A_9 = arith.constant 0 : i32
    %dma_start3A_10 = arith.constant 256 : i32
    %dma_start3A_11 = tpu.memref_slice %arg6[%dma_start3A_9, %dma_start3A_10] : memref<26x512xi32, #tpu.memory_space<vmem>> -> memref<1x256xi32, #tpu.memory_space<vmem>>
    %dma_start3A_12 = tpu.memref_squeeze %dma_start3A_11 : memref<1x256xi32, #tpu.memory_space<vmem>> -> memref<256xi32, #tpu.memory_space<vmem>>
    %dma_start3A_13 = arith.constant 0 : i32
    %dma_start3A_14 = arith.constant 0 : i32
    %dma_start3A_15 = tpu.memref_slice %arg3[%dma_start3A_13, %dma_start3A_14] : memref<999987x64xf32, #tpu.memory_space<hbm>> -> memref<999987x64xf32, #tpu.memory_space<hbm>>
    tpu.enqueue_indirect_dma source(%dma_start3A_15 : memref<999987x64xf32, #tpu.memory_space<hbm>>) target(%arg8 : memref<256x64xf32, #tpu.memory_space<vmem>>) offsets(%dma_start3A_12 : memref<256xi32, #tpu.memory_space<vmem>>) semaphore(%arg13 : memref<!tpu.dma_semaphore, #tpu.memory_space<semaphore_mem>>)
    %scan3A = arith.constant 0 : i32
    %scan3A_16 = arith.constant 0 : i32
    %scan3A_17 = arith.constant 13 : i32
    %scan3A_18 = arith.addi %scan3A_16, %scan3A_17 : i32
    %scan3A_19 = arith.constant 1 : i32
    scf.for %scan3A_38 = %scan3A_16 to %scan3A_18 step %scan3A_19  : i32 {
      %mul3A_39 = arith.constant 4 : i32
      %mul3A_40 = arith.muli %mul3A_39, %scan3A_38 : i32
      %add3A_41 = arith.constant 0 : i32
      %add3A_42 = arith.addi %mul3A_40, %add3A_41 : i32
      %jit3A = arith.constant 2 : i32
      %div3A = arith.divsi %add3A_42, %jit3A : i32
      %sign3A = arith.constant 0 : i32
      %sign3A_43 = arith.cmpi sgt, %add3A_42, %sign3A : i32
      %sign3A_44 = arith.extui %sign3A_43 : i1 to i32
      %sign3A_45 = arith.constant 0 : i32
      %sign3A_46 = arith.cmpi slt, %add3A_42, %sign3A_45 : i32
      %sign3A_47 = arith.extui %sign3A_46 : i1 to i32
      %sign3A_48 = arith.subi %sign3A_44, %sign3A_47 : i32
      %sign3A_49 = arith.constant 0 : i32
      %sign3A_50 = arith.cmpi sgt, %jit3A, %sign3A_49 : i32
      %sign3A_51 = arith.extui %sign3A_50 : i1 to i32
      %sign3A_52 = arith.constant 0 : i32
      %sign3A_53 = arith.cmpi slt, %jit3A, %sign3A_52 : i32
      %sign3A_54 = arith.extui %sign3A_53 : i1 to i32
      %sign3A_55 = arith.subi %sign3A_51, %sign3A_54 : i32
      %ne3A = arith.cmpi ne, %sign3A_48, %sign3A_55 : i32
      %rem3A = arith.remsi %add3A_42, %jit3A : i32
      %ne3A_56 = arith.constant 0 : i32
      %ne3A_57 = arith.cmpi ne, %rem3A, %ne3A_56 : i32
      %and3A = arith.andi %ne3A, %ne3A_57 : i1
      %sub3A = arith.constant 1 : i32
      %sub3A_58 = arith.subi %div3A, %sub3A : i32
      %select_n3A = arith.select %and3A, %sub3A_58, %div3A : i32
      %jit3A_59 = arith.constant 2 : i32
      %eq3A = arith.constant 0 : i32
      %eq3A_60 = arith.cmpi eq, %jit3A_59, %eq3A : i32
      %jit3A_61 = arith.constant 1 : i32
      %select_n3A_62 = arith.select %eq3A_60, %jit3A_61, %jit3A_59 : i32
      %rem3A_63 = arith.remsi %add3A_42, %select_n3A_62 : i32
      %ne3A_64 = arith.constant 0 : i32
      %ne3A_65 = arith.cmpi ne, %rem3A_63, %ne3A_64 : i32
      %lt3A = arith.constant 0 : i32
      %lt3A_66 = arith.cmpi slt, %rem3A_63, %lt3A : i32
      %lt3A_67 = arith.constant 0 : i32
      %lt3A_68 = arith.cmpi slt, %select_n3A_62, %lt3A_67 : i32
      %ne3A_69 = arith.xori %lt3A_66, %lt3A_68 : i1
      %and3A_70 = arith.andi %ne3A_69, %ne3A_65 : i1
      %add3A_71 = arith.addi %rem3A_63, %select_n3A_62 : i32
      %select_n3A_72 = arith.select %and3A_70, %add3A_71, %rem3A_63 : i32
      %mul3A_73 = arith.constant 256 : i32
      %mul3A_74 = arith.muli %select_n3A_72, %mul3A_73 : i32
      %dma_wait3A_75 = tpu.memref_slice %arg6[%select_n3A, %mul3A_74] : memref<26x512xi32, #tpu.memory_space<vmem>> -> memref<1x256xi32, #tpu.memory_space<vmem>>
      %dma_wait3A_76 = tpu.memref_squeeze %dma_wait3A_75 : memref<1x256xi32, #tpu.memory_space<vmem>> -> memref<256xi32, #tpu.memory_space<vmem>>
      %dma_wait3A_77 = arith.constant 0 : i32
      %dma_wait3A_78 = arith.constant 0 : i32
      %dma_wait3A_79 = tpu.memref_slice %arg3[%dma_wait3A_77, %dma_wait3A_78] : memref<999987x64xf32, #tpu.memory_space<hbm>> -> memref<999987x64xf32, #tpu.memory_space<hbm>>
      tpu.wait_indirect_dma semaphore(%arg12 : memref<!tpu.dma_semaphore, #tpu.memory_space<semaphore_mem>>) src(%dma_wait3A_79 : memref<999987x64xf32, #tpu.memory_space<hbm>>) dst(%arg7 : memref<256x64xf32, #tpu.memory_space<vmem>>)
      %jit3A_80 = arith.constant 2 : i32
      %div3A_81 = arith.divsi %add3A_42, %jit3A_80 : i32
      %sign3A_82 = arith.constant 0 : i32
      %sign3A_83 = arith.cmpi sgt, %add3A_42, %sign3A_82 : i32
      %sign3A_84 = arith.extui %sign3A_83 : i1 to i32
      %sign3A_85 = arith.constant 0 : i32
      %sign3A_86 = arith.cmpi slt, %add3A_42, %sign3A_85 : i32
      %sign3A_87 = arith.extui %sign3A_86 : i1 to i32
      %sign3A_88 = arith.subi %sign3A_84, %sign3A_87 : i32
      %sign3A_89 = arith.constant 0 : i32
      %sign3A_90 = arith.cmpi sgt, %jit3A_80, %sign3A_89 : i32
      %sign3A_91 = arith.extui %sign3A_90 : i1 to i32
      %sign3A_92 = arith.constant 0 : i32
      %sign3A_93 = arith.cmpi slt, %jit3A_80, %sign3A_92 : i32
      %sign3A_94 = arith.extui %sign3A_93 : i1 to i32
      %sign3A_95 = arith.subi %sign3A_91, %sign3A_94 : i32
      %ne3A_96 = arith.cmpi ne, %sign3A_88, %sign3A_95 : i32
      %rem3A_97 = arith.remsi %add3A_42, %jit3A_80 : i32
      %ne3A_98 = arith.constant 0 : i32
      %ne3A_99 = arith.cmpi ne, %rem3A_97, %ne3A_98 : i32
      %and3A_100 = arith.andi %ne3A_96, %ne3A_99 : i1
      %sub3A_101 = arith.constant 1 : i32
      %sub3A_102 = arith.subi %div3A_81, %sub3A_101 : i32
      %select_n3A_103 = arith.select %and3A_100, %sub3A_102, %div3A_81 : i32
      %get3A = arith.index_cast %select_n3A_103 : i32 to index
      %get3A_104 = arith.constant 0 : index
      %get3A_105 = tpu.vector_load %arg11[%get3A, %get3A_104] {strides = array<i32>} : memref<26x64xf32, #tpu.memory_space<vmem>>, vector<16xf32>,
      %get3A_106 = arith.index_cast %select_n3A_103 : i32 to index
      %get3A_107 = arith.constant 16 : index
      %get3A_108 = tpu.vector_load %arg11[%get3A_106, %get3A_107] {strides = array<i32>} : memref<26x64xf32, #tpu.memory_space<vmem>>, vector<16xf32>,
      %get3A_109 = arith.index_cast %select_n3A_103 : i32 to index
      %get3A_110 = arith.constant 32 : index
      %get3A_111 = tpu.vector_load %arg11[%get3A_109, %get3A_110] {strides = array<i32>} : memref<26x64xf32, #tpu.memory_space<vmem>>, vector<16xf32>,
      %get3A_112 = arith.index_cast %select_n3A_103 : i32 to index
      %get3A_113 = arith.constant 48 : index
      %get3A_114 = tpu.vector_load %arg11[%get3A_112, %get3A_113] {strides = array<i32>} : memref<26x64xf32, #tpu.memory_space<vmem>>, vector<16xf32>,
      %parallel_loop3A = arith.constant 0 : i32
      %parallel_loop3A_115 = arith.constant 32 : i32
      %parallel_loop3A_116 = arith.constant 1 : i32
      scf.for %parallel_loop3A_622 = %parallel_loop3A to %parallel_loop3A_115 step %parallel_loop3A_116  : i32 {
        %parallel_loop3A_623 = arith.constant 8 : i32
        %parallel_loop3A_624 = arith.muli %parallel_loop3A_622, %parallel_loop3A_623 : i32
        %parallel_loop3A_625 = arith.constant 0 : i32
        %parallel_loop3A_626 = arith.addi %parallel_loop3A_624, %parallel_loop3A_625 : i32
        %parallel_loop3A_627 = arith.index_cast %parallel_loop3A_626 : i32 to index
        %parallel_loop3A_628 = arith.constant 0 : index
        %parallel_loop3A_629 = tpu.vector_load %arg7[%parallel_loop3A_627, %parallel_loop3A_628] {strides = array<i32>} : memref<256x64xf32, #tpu.memory_space<vmem>>, vector<16xf32>,
        %parallel_loop3A_630 = arith.addf %parallel_loop3A_629, %get3A_105 : vector<16xf32>
        %parallel_loop3A_631 = arith.index_cast %parallel_loop3A_626 : i32 to index
        %parallel_loop3A_632 = arith.constant 0 : index
        %parallel_loop3A_633 = tpu.vector_load %arg7[%parallel_loop3A_631, %parallel_loop3A_632] {strides = array<i32>} : memref<256x64xf32, #tpu.memory_space<vmem>>, vector<16xf32>,
        tpu.vector_store %arg7[%parallel_loop3A_631, %parallel_loop3A_632], %parallel_loop3A_630 {strides = array<i32>} : memref<256x64xf32, #tpu.memory_space<vmem>>, vector<16xf32>,
        %parallel_loop3A_634 = arith.index_cast %parallel_loop3A_626 : i32 to index
        %parallel_loop3A_635 = arith.constant 16 : index
        %parallel_loop3A_636 = tpu.vector_load %arg7[%parallel_loop3A_634, %parallel_loop3A_635] {strides = array<i32>} : memref<256x64xf32, #tpu.memory_space<vmem>>, vector<16xf32>,
        %parallel_loop3A_637 = arith.addf %parallel_loop3A_636, %get3A_108 : vector<16xf32>
        %parallel_loop3A_638 = arith.index_cast %parallel_loop3A_626 : i32 to index
        %parallel_loop3A_639 = arith.constant 16 : index
        %parallel_loop3A_640 = tpu.vector_load %arg7[%parallel_loop3A_638, %parallel_loop3A_639] {strides = array<i32>} : memref<256x64xf32, #tpu.memory_space<vmem>>, vector<16xf32>,
        tpu.vector_store %arg7[%parallel_loop3A_638, %parallel_loop3A_639], %parallel_loop3A_637 {strides = array<i32>} : memref<256x64xf32, #tpu.memory_space<vmem>>, vector<16xf32>,
        %parallel_loop3A_641 = arith.index_cast %parallel_loop3A_626 : i32 to index
        %parallel_loop3A_642 = arith.constant 32 : index
        %parallel_loop3A_643 = tpu.vector_load %arg7[%parallel_loop3A_641, %parallel_loop3A_642] {strides = array<i32>} : memref<256x64xf32, #tpu.memory_space<vmem>>, vector<16xf32>,
        %parallel_loop3A_644 = arith.addf %parallel_loop3A_643, %get3A_111 : vector<16xf32>
        %parallel_loop3A_645 = arith.index_cast %parallel_loop3A_626 : i32 to index
        %parallel_loop3A_646 = arith.constant 32 : index
        %parallel_loop3A_647 = tpu.vector_load %arg7[%parallel_loop3A_645, %parallel_loop3A_646] {strides = array<i32>} : memref<256x64xf32, #tpu.memory_space<vmem>>, vector<16xf32>,
        tpu.vector_store %arg7[%parallel_loop3A_645, %parallel_loop3A_646], %parallel_loop3A_644 {strides = array<i32>} : memref<256x64xf32, #tpu.memory_space<vmem>>, vector<16xf32>,
        %parallel_loop3A_648 = arith.index_cast %parallel_loop3A_626 : i32 to index
        %parallel_loop3A_649 = arith.constant 48 : index
        %parallel_loop3A_650 = tpu.vector_load %arg7[%parallel_loop3A_648, %parallel_loop3A_649] {strides = array<i32>} : memref<256x64xf32, #tpu.memory_space<vmem>>, vector<16xf32>,
        %parallel_loop3A_651 = arith.addf %parallel_loop3A_650, %get3A_114 : vector<16xf32>
        %parallel_loop3A_652 = arith.index_cast %parallel_loop3A_626 : i32 to index
        %parallel_loop3A_653 = arith.constant 48 : index
        %parallel_loop3A_654 = tpu.vector_load %arg7[%parallel_loop3A_652, %parallel_loop3A_653] {strides = array<i32>} : memref<256x64xf32, #tpu.memory_space<vmem>>, vector<16xf32>,
        tpu.vector_store %arg7[%parallel_loop3A_652, %parallel_loop3A_653], %parallel_loop3A_651 {strides = array<i32>} : memref<256x64xf32, #tpu.memory_space<vmem>>, vector<16xf32>,
        %parallel_loop3A_655 = arith.constant 8 : i32
        %parallel_loop3A_656 = arith.muli %parallel_loop3A_622, %parallel_loop3A_655 : i32
        %parallel_loop3A_657 = arith.constant 1 : i32
        %parallel_loop3A_658 = arith.addi %parallel_loop3A_656, %parallel_loop3A_657 : i32
        %parallel_loop3A_659 = arith.index_cast %parallel_loop3A_658 : i32 to index
        %parallel_loop3A_660 = arith.constant 0 : index
        %parallel_loop3A_661 = tpu.vector_load %arg7[%parallel_loop3A_659, %parallel_loop3A_660] {strides = array<i32>} : memref<256x64xf32, #tpu.memory_space<vmem>>, vector<16xf32>,
        %parallel_loop3A_662 = arith.addf %parallel_loop3A_661, %get3A_105 : vector<16xf32>
        %parallel_loop3A_663 = arith.index_cast %parallel_loop3A_658 : i32 to index
        %parallel_loop3A_664 = arith.constant 0 : index
        %parallel_loop3A_665 = tpu.vector_load %arg7[%parallel_loop3A_663, %parallel_loop3A_664] {strides = array<i32>} : memref<256x64xf32, #tpu.memory_space<vmem>>, vector<16xf32>,
        tpu.vector_store %arg7[%parallel_loop3A_663, %parallel_loop3A_664], %parallel_loop3A_662 {strides = array<i32>} : memref<256x64xf32, #tpu.memory_space<vmem>>, vector<16xf32>,
        %parallel_loop3A_666 = arith.index_cast %parallel_loop3A_658 : i32 to index
        %parallel_loop3A_667 = arith.constant 16 : index
        %parallel_loop3A_668 = tpu.vector_load %arg7[%parallel_loop3A_666, %parallel_loop3A_667] {strides = array<i32>} : memref<256x64xf32, #tpu.memory_space<vmem>>, vector<16xf32>,
        %parallel_loop3A_669 = arith.addf %parallel_loop3A_668, %get3A_108 : vector<16xf32>
        %parallel_loop3A_670 = arith.index_cast %parallel_loop3A_658 : i32 to index
        %parallel_loop3A_671 = arith.constant 16 : index
        %parallel_loop3A_672 = tpu.vector_load %arg7[%parallel_loop3A_670, %parallel_loop3A_671] {strides = array<i32>} : memref<256x64xf32, #tpu.memory_space<vmem>>, vector<16xf32>,
        tpu.vector_store %arg7[%parallel_loop3A_670, %parallel_loop3A_671], %parallel_loop3A_669 {strides = array<i32>} : memref<256x64xf32, #tpu.memory_space<vmem>>, vector<16xf32>,
        %parallel_loop3A_673 = arith.index_cast %parallel_loop3A_658 : i32 to index
        %parallel_loop3A_674 = arith.constant 32 : index
        %parallel_loop3A_675 = tpu.vector_load %arg7[%parallel_loop3A_673, %parallel_loop3A_674] {strides = array<i32>} : memref<256x64xf32, #tpu.memory_space<vmem>>, vector<16xf32>,
        %parallel_loop3A_676 = arith.addf %parallel_loop3A_675, %get3A_111 : vector<16xf32>
        %parallel_loop3A_677 = arith.index_cast %parallel_loop3A_658 : i32 to index
        %parallel_loop3A_678 = arith.constant 32 : index
        %parallel_loop3A_679 = tpu.vector_load %arg7[%parallel_loop3A_677, %parallel_loop3A_678] {strides = array<i32>} : memref<256x64xf32, #tpu.memory_space<vmem>>, vector<16xf32>,
        tpu.vector_store %arg7[%parallel_loop3A_677, %parallel_loop3A_678], %parallel_loop3A_676 {strides = array<i32>} : memref<256x64xf32, #tpu.memory_space<vmem>>, vector<16xf32>,
        %parallel_loop3A_680 = arith.index_cast %parallel_loop3A_658 : i32 to index
        %parallel_loop3A_681 = arith.constant 48 : index
        %parallel_loop3A_682 = tpu.vector_load %arg7[%parallel_loop3A_680, %parallel_loop3A_681] {strides = array<i32>} : memref<256x64xf32, #tpu.memory_space<vmem>>, vector<16xf32>,
        %parallel_loop3A_683 = arith.addf %parallel_loop3A_682, %get3A_114 : vector<16xf32>
        %parallel_loop3A_684 = arith.index_cast %parallel_loop3A_658 : i32 to index
        %parallel_loop3A_685 = arith.constant 48 : index
        %parallel_loop3A_686 = tpu.vector_load %arg7[%parallel_loop3A_684, %parallel_loop3A_685] {strides = array<i32>} : memref<256x64xf32, #tpu.memory_space<vmem>>, vector<16xf32>,
        tpu.vector_store %arg7[%parallel_loop3A_684, %parallel_loop3A_685], %parallel_loop3A_683 {strides = array<i32>} : memref<256x64xf32, #tpu.memory_space<vmem>>, vector<16xf32>,
        %parallel_loop3A_687 = arith.constant 8 : i32
        %parallel_loop3A_688 = arith.muli %parallel_loop3A_622, %parallel_loop3A_687 : i32
        %parallel_loop3A_689 = arith.constant 2 : i32
        %parallel_loop3A_690 = arith.addi %parallel_loop3A_688, %parallel_loop3A_689 : i32
        %parallel_loop3A_691 = arith.index_cast %parallel_loop3A_690 : i32 to index
        %parallel_loop3A_692 = arith.constant 0 : index
        %parallel_loop3A_693 = tpu.vector_load %arg7[%parallel_loop3A_691, %parallel_loop3A_692] {strides = array<i32>} : memref<256x64xf32, #tpu.memory_space<vmem>>, vector<16xf32>,
        %parallel_loop3A_694 = arith.addf %parallel_loop3A_693, %get3A_105 : vector<16xf32>
        %parallel_loop3A_695 = arith.index_cast %parallel_loop3A_690 : i32 to index
        %parallel_loop3A_696 = arith.constant 0 : index
        %parallel_loop3A_697 = tpu.vector_load %arg7[%parallel_loop3A_695, %parallel_loop3A_696] {strides = array<i32>} : memref<256x64xf32, #tpu.memory_space<vmem>>, vector<16xf32>,
        tpu.vector_store %arg7[%parallel_loop3A_695, %parallel_loop3A_696], %parallel_loop3A_694 {strides = array<i32>} : memref<256x64xf32, #tpu.memory_space<vmem>>, vector<16xf32>,
        %parallel_loop3A_698 = arith.index_cast %parallel_loop3A_690 : i32 to index
        %parallel_loop3A_699 = arith.constant 16 : index
        %parallel_loop3A_700 = tpu.vector_load %arg7[%parallel_loop3A_698, %parallel_loop3A_699] {strides = array<i32>} : memref<256x64xf32, #tpu.memory_space<vmem>>, vector<16xf32>,
        %parallel_loop3A_701 = arith.addf %parallel_loop3A_700, %get3A_108 : vector<16xf32>
        %parallel_loop3A_702 = arith.index_cast %parallel_loop3A_690 : i32 to index
        %parallel_loop3A_703 = arith.constant 16 : index
        %parallel_loop3A_704 = tpu.vector_load %arg7[%parallel_loop3A_702, %parallel_loop3A_703] {strides = array<i32>} : memref<256x64xf32, #tpu.memory_space<vmem>>, vector<16xf32>,
        tpu.vector_store %arg7[%parallel_loop3A_702, %parallel_loop3A_703], %parallel_loop3A_701 {strides = array<i32>} : memref<256x64xf32, #tpu.memory_space<vmem>>, vector<16xf32>,
        %parallel_loop3A_705 = arith.index_cast %parallel_loop3A_690 : i32 to index
        %parallel_loop3A_706 = arith.constant 32 : index
        %parallel_loop3A_707 = tpu.vector_load %arg7[%parallel_loop3A_705, %parallel_loop3A_706] {strides = array<i32>} : memref<256x64xf32, #tpu.memory_space<vmem>>, vector<16xf32>,
        %parallel_loop3A_708 = arith.addf %parallel_loop3A_707, %get3A_111 : vector<16xf32>
        %parallel_loop3A_709 = arith.index_cast %parallel_loop3A_690 : i32 to index
        %parallel_loop3A_710 = arith.constant 32 : index
        %parallel_loop3A_711 = tpu.vector_load %arg7[%parallel_loop3A_709, %parallel_loop3A_710] {strides = array<i32>} : memref<256x64xf32, #tpu.memory_space<vmem>>, vector<16xf32>,
        tpu.vector_store %arg7[%parallel_loop3A_709, %parallel_loop3A_710], %parallel_loop3A_708 {strides = array<i32>} : memref<256x64xf32, #tpu.memory_space<vmem>>, vector<16xf32>,
        %parallel_loop3A_712 = arith.index_cast %parallel_loop3A_690 : i32 to index
        %parallel_loop3A_713 = arith.constant 48 : index
        %parallel_loop3A_714 = tpu.vector_load %arg7[%parallel_loop3A_712, %parallel_loop3A_713] {strides = array<i32>} : memref<256x64xf32, #tpu.memory_space<vmem>>, vector<16xf32>,
        %parallel_loop3A_715 = arith.addf %parallel_loop3A_714, %get3A_114 : vector<16xf32>
        %parallel_loop3A_716 = arith.index_cast %parallel_loop3A_690 : i32 to index
        %parallel_loop3A_717 = arith.constant 48 : index
        %parallel_loop3A_718 = tpu.vector_load %arg7[%parallel_loop3A_716, %parallel_loop3A_717] {strides = array<i32>} : memref<256x64xf32, #tpu.memory_space<vmem>>, vector<16xf32>,
        tpu.vector_store %arg7[%parallel_loop3A_716, %parallel_loop3A_717], %parallel_loop3A_715 {strides = array<i32>} : memref<256x64xf32, #tpu.memory_space<vmem>>, vector<16xf32>,
        %parallel_loop3A_719 = arith.constant 8 : i32
        %parallel_loop3A_720 = arith.muli %parallel_loop3A_622, %parallel_loop3A_719 : i32
        %parallel_loop3A_721 = arith.constant 3 : i32
        %parallel_loop3A_722 = arith.addi %parallel_loop3A_720, %parallel_loop3A_721 : i32
        %parallel_loop3A_723 = arith.index_cast %parallel_loop3A_722 : i32 to index
        %parallel_loop3A_724 = arith.constant 0 : index
        %parallel_loop3A_725 = tpu.vector_load %arg7[%parallel_loop3A_723, %parallel_loop3A_724] {strides = array<i32>} : memref<256x64xf32, #tpu.memory_space<vmem>>, vector<16xf32>,
        %parallel_loop3A_726 = arith.addf %parallel_loop3A_725, %get3A_105 : vector<16xf32>
        %parallel_loop3A_727 = arith.index_cast %parallel_loop3A_722 : i32 to index
        %parallel_loop3A_728 = arith.constant 0 : index
        %parallel_loop3A_729 = tpu.vector_load %arg7[%parallel_loop3A_727, %parallel_loop3A_728] {strides = array<i32>} : memref<256x64xf32, #tpu.memory_space<vmem>>, vector<16xf32>,
        tpu.vector_store %arg7[%parallel_loop3A_727, %parallel_loop3A_728], %parallel_loop3A_726 {strides = array<i32>} : memref<256x64xf32, #tpu.memory_space<vmem>>, vector<16xf32>,
        %parallel_loop3A_730 = arith.index_cast %parallel_loop3A_722 : i32 to index
        %parallel_loop3A_731 = arith.constant 16 : index
        %parallel_loop3A_732 = tpu.vector_load %arg7[%parallel_loop3A_730, %parallel_loop3A_731] {strides = array<i32>} : memref<256x64xf32, #tpu.memory_space<vmem>>, vector<16xf32>,
        %parallel_loop3A_733 = arith.addf %parallel_loop3A_732, %get3A_108 : vector<16xf32>
        %parallel_loop3A_734 = arith.index_cast %parallel_loop3A_722 : i32 to index
        %parallel_loop3A_735 = arith.constant 16 : index
        %parallel_loop3A_736 = tpu.vector_load %arg7[%parallel_loop3A_734, %parallel_loop3A_735] {strides = array<i32>} : memref<256x64xf32, #tpu.memory_space<vmem>>, vector<16xf32>,
        tpu.vector_store %arg7[%parallel_loop3A_734, %parallel_loop3A_735], %parallel_loop3A_733 {strides = array<i32>} : memref<256x64xf32, #tpu.memory_space<vmem>>, vector<16xf32>,
        %parallel_loop3A_737 = arith.index_cast %parallel_loop3A_722 : i32 to index
        %parallel_loop3A_738 = arith.constant 32 : index
        %parallel_loop3A_739 = tpu.vector_load %arg7[%parallel_loop3A_737, %parallel_loop3A_738] {strides = array<i32>} : memref<256x64xf32, #tpu.memory_space<vmem>>, vector<16xf32>,
        %parallel_loop3A_740 = arith.addf %parallel_loop3A_739, %get3A_111 : vector<16xf32>
        %parallel_loop3A_741 = arith.index_cast %parallel_loop3A_722 : i32 to index
        %parallel_loop3A_742 = arith.constant 32 : index
        %parallel_loop3A_743 = tpu.vector_load %arg7[%parallel_loop3A_741, %parallel_loop3A_742] {strides = array<i32>} : memref<256x64xf32, #tpu.memory_space<vmem>>, vector<16xf32>,
        tpu.vector_store %arg7[%parallel_loop3A_741, %parallel_loop3A_742], %parallel_loop3A_740 {strides = array<i32>} : memref<256x64xf32, #tpu.memory_space<vmem>>, vector<16xf32>,
        %parallel_loop3A_744 = arith.index_cast %parallel_loop3A_722 : i32 to index
        %parallel_loop3A_745 = arith.constant 48 : index
        %parallel_loop3A_746 = tpu.vector_load %arg7[%parallel_loop3A_744, %parallel_loop3A_745] {strides = array<i32>} : memref<256x64xf32, #tpu.memory_space<vmem>>, vector<16xf32>,
        %parallel_loop3A_747 = arith.addf %parallel_loop3A_746, %get3A_114 : vector<16xf32>
        %parallel_loop3A_748 = arith.index_cast %parallel_loop3A_722 : i32 to index
        %parallel_loop3A_749 = arith.constant 48 : index
        %parallel_loop3A_750 = tpu.vector_load %arg7[%parallel_loop3A_748, %parallel_loop3A_749] {strides = array<i32>} : memref<256x64xf32, #tpu.memory_space<vmem>>, vector<16xf32>,
        tpu.vector_store %arg7[%parallel_loop3A_748, %parallel_loop3A_749], %parallel_loop3A_747 {strides = array<i32>} : memref<256x64xf32, #tpu.memory_space<vmem>>, vector<16xf32>,
        %parallel_loop3A_751 = arith.constant 8 : i32
        %parallel_loop3A_752 = arith.muli %parallel_loop3A_622, %parallel_loop3A_751 : i32
        %parallel_loop3A_753 = arith.constant 4 : i32
        %parallel_loop3A_754 = arith.addi %parallel_loop3A_752, %parallel_loop3A_753 : i32
        %parallel_loop3A_755 = arith.index_cast %parallel_loop3A_754 : i32 to index
        %parallel_loop3A_756 = arith.constant 0 : index
        %parallel_loop3A_757 = tpu.vector_load %arg7[%parallel_loop3A_755, %parallel_loop3A_756] {strides = array<i32>} : memref<256x64xf32, #tpu.memory_space<vmem>>, vector<16xf32>,
        %parallel_loop3A_758 = arith.addf %parallel_loop3A_757, %get3A_105 : vector<16xf32>
        %parallel_loop3A_759 = arith.index_cast %parallel_loop3A_754 : i32 to index
        %parallel_loop3A_760 = arith.constant 0 : index
        %parallel_loop3A_761 = tpu.vector_load %arg7[%parallel_loop3A_759, %parallel_loop3A_760] {strides = array<i32>} : memref<256x64xf32, #tpu.memory_space<vmem>>, vector<16xf32>,
        tpu.vector_store %arg7[%parallel_loop3A_759, %parallel_loop3A_760], %parallel_loop3A_758 {strides = array<i32>} : memref<256x64xf32, #tpu.memory_space<vmem>>, vector<16xf32>,
        %parallel_loop3A_762 = arith.index_cast %parallel_loop3A_754 : i32 to index
        %parallel_loop3A_763 = arith.constant 16 : index
        %parallel_loop3A_764 = tpu.vector_load %arg7[%parallel_loop3A_762, %parallel_loop3A_763] {strides = array<i32>} : memref<256x64xf32, #tpu.memory_space<vmem>>, vector<16xf32>,
        %parallel_loop3A_765 = arith.addf %parallel_loop3A_764, %get3A_108 : vector<16xf32>
        %parallel_loop3A_766 = arith.index_cast %parallel_loop3A_754 : i32 to index
        %parallel_loop3A_767 = arith.constant 16 : index
        %parallel_loop3A_768 = tpu.vector_load %arg7[%parallel_loop3A_766, %parallel_loop3A_767] {strides = array<i32>} : memref<256x64xf32, #tpu.memory_space<vmem>>, vector<16xf32>,
        tpu.vector_store %arg7[%parallel_loop3A_766, %parallel_loop3A_767], %parallel_loop3A_765 {strides = array<i32>} : memref<256x64xf32, #tpu.memory_space<vmem>>, vector<16xf32>,
        %parallel_loop3A_769 = arith.index_cast %parallel_loop3A_754 : i32 to index
        %parallel_loop3A_770 = arith.constant 32 : index
        %parallel_loop3A_771 = tpu.vector_load %arg7[%parallel_loop3A_769, %parallel_loop3A_770] {strides = array<i32>} : memref<256x64xf32, #tpu.memory_space<vmem>>, vector<16xf32>,
        %parallel_loop3A_772 = arith.addf %parallel_loop3A_771, %get3A_111 : vector<16xf32>
        %parallel_loop3A_773 = arith.index_cast %parallel_loop3A_754 : i32 to index
        %parallel_loop3A_774 = arith.constant 32 : index
        %parallel_loop3A_775 = tpu.vector_load %arg7[%parallel_loop3A_773, %parallel_loop3A_774] {strides = array<i32>} : memref<256x64xf32, #tpu.memory_space<vmem>>, vector<16xf32>,
        tpu.vector_store %arg7[%parallel_loop3A_773, %parallel_loop3A_774], %parallel_loop3A_772 {strides = array<i32>} : memref<256x64xf32, #tpu.memory_space<vmem>>, vector<16xf32>,
        %parallel_loop3A_776 = arith.index_cast %parallel_loop3A_754 : i32 to index
        %parallel_loop3A_777 = arith.constant 48 : index
        %parallel_loop3A_778 = tpu.vector_load %arg7[%parallel_loop3A_776, %parallel_loop3A_777] {strides = array<i32>} : memref<256x64xf32, #tpu.memory_space<vmem>>, vector<16xf32>,
        %parallel_loop3A_779 = arith.addf %parallel_loop3A_778, %get3A_114 : vector<16xf32>
        %parallel_loop3A_780 = arith.index_cast %parallel_loop3A_754 : i32 to index
        %parallel_loop3A_781 = arith.constant 48 : index
        %parallel_loop3A_782 = tpu.vector_load %arg7[%parallel_loop3A_780, %parallel_loop3A_781] {strides = array<i32>} : memref<256x64xf32, #tpu.memory_space<vmem>>, vector<16xf32>,
        tpu.vector_store %arg7[%parallel_loop3A_780, %parallel_loop3A_781], %parallel_loop3A_779 {strides = array<i32>} : memref<256x64xf32, #tpu.memory_space<vmem>>, vector<16xf32>,
        %parallel_loop3A_783 = arith.constant 8 : i32
        %parallel_loop3A_784 = arith.muli %parallel_loop3A_622, %parallel_loop3A_783 : i32
        %parallel_loop3A_785 = arith.constant 5 : i32
        %parallel_loop3A_786 = arith.addi %parallel_loop3A_784, %parallel_loop3A_785 : i32
        %parallel_loop3A_787 = arith.index_cast %parallel_loop3A_786 : i32 to index
        %parallel_loop3A_788 = arith.constant 0 : index
        %parallel_loop3A_789 = tpu.vector_load %arg7[%parallel_loop3A_787, %parallel_loop3A_788] {strides = array<i32>} : memref<256x64xf32, #tpu.memory_space<vmem>>, vector<16xf32>,
        %parallel_loop3A_790 = arith.addf %parallel_loop3A_789, %get3A_105 : vector<16xf32>
        %parallel_loop3A_791 = arith.index_cast %parallel_loop3A_786 : i32 to index
        %parallel_loop3A_792 = arith.constant 0 : index
        %parallel_loop3A_793 = tpu.vector_load %arg7[%parallel_loop3A_791, %parallel_loop3A_792] {strides = array<i32>} : memref<256x64xf32, #tpu.memory_space<vmem>>, vector<16xf32>,
        tpu.vector_store %arg7[%parallel_loop3A_791, %parallel_loop3A_792], %parallel_loop3A_790 {strides = array<i32>} : memref<256x64xf32, #tpu.memory_space<vmem>>, vector<16xf32>,
        %parallel_loop3A_794 = arith.index_cast %parallel_loop3A_786 : i32 to index
        %parallel_loop3A_795 = arith.constant 16 : index
        %parallel_loop3A_796 = tpu.vector_load %arg7[%parallel_loop3A_794, %parallel_loop3A_795] {strides = array<i32>} : memref<256x64xf32, #tpu.memory_space<vmem>>, vector<16xf32>,
        %parallel_loop3A_797 = arith.addf %parallel_loop3A_796, %get3A_108 : vector<16xf32>
        %parallel_loop3A_798 = arith.index_cast %parallel_loop3A_786 : i32 to index
        %parallel_loop3A_799 = arith.constant 16 : index
        %parallel_loop3A_800 = tpu.vector_load %arg7[%parallel_loop3A_798, %parallel_loop3A_799] {strides = array<i32>} : memref<256x64xf32, #tpu.memory_space<vmem>>, vector<16xf32>,
        tpu.vector_store %arg7[%parallel_loop3A_798, %parallel_loop3A_799], %parallel_loop3A_797 {strides = array<i32>} : memref<256x64xf32, #tpu.memory_space<vmem>>, vector<16xf32>,
        %parallel_loop3A_801 = arith.index_cast %parallel_loop3A_786 : i32 to index
        %parallel_loop3A_802 = arith.constant 32 : index
        %parallel_loop3A_803 = tpu.vector_load %arg7[%parallel_loop3A_801, %parallel_loop3A_802] {strides = array<i32>} : memref<256x64xf32, #tpu.memory_space<vmem>>, vector<16xf32>,
        %parallel_loop3A_804 = arith.addf %parallel_loop3A_803, %get3A_111 : vector<16xf32>
        %parallel_loop3A_805 = arith.index_cast %parallel_loop3A_786 : i32 to index
        %parallel_loop3A_806 = arith.constant 32 : index
        %parallel_loop3A_807 = tpu.vector_load %arg7[%parallel_loop3A_805, %parallel_loop3A_806] {strides = array<i32>} : memref<256x64xf32, #tpu.memory_space<vmem>>, vector<16xf32>,
        tpu.vector_store %arg7[%parallel_loop3A_805, %parallel_loop3A_806], %parallel_loop3A_804 {strides = array<i32>} : memref<256x64xf32, #tpu.memory_space<vmem>>, vector<16xf32>,
        %parallel_loop3A_808 = arith.index_cast %parallel_loop3A_786 : i32 to index
        %parallel_loop3A_809 = arith.constant 48 : index
        %parallel_loop3A_810 = tpu.vector_load %arg7[%parallel_loop3A_808, %parallel_loop3A_809] {strides = array<i32>} : memref<256x64xf32, #tpu.memory_space<vmem>>, vector<16xf32>,
        %parallel_loop3A_811 = arith.addf %parallel_loop3A_810, %get3A_114 : vector<16xf32>
        %parallel_loop3A_812 = arith.index_cast %parallel_loop3A_786 : i32 to index
        %parallel_loop3A_813 = arith.constant 48 : index
        %parallel_loop3A_814 = tpu.vector_load %arg7[%parallel_loop3A_812, %parallel_loop3A_813] {strides = array<i32>} : memref<256x64xf32, #tpu.memory_space<vmem>>, vector<16xf32>,
        tpu.vector_store %arg7[%parallel_loop3A_812, %parallel_loop3A_813], %parallel_loop3A_811 {strides = array<i32>} : memref<256x64xf32, #tpu.memory_space<vmem>>, vector<16xf32>,
        %parallel_loop3A_815 = arith.constant 8 : i32
        %parallel_loop3A_816 = arith.muli %parallel_loop3A_622, %parallel_loop3A_815 : i32
        %parallel_loop3A_817 = arith.constant 6 : i32
        %parallel_loop3A_818 = arith.addi %parallel_loop3A_816, %parallel_loop3A_817 : i32
        %parallel_loop3A_819 = arith.index_cast %parallel_loop3A_818 : i32 to index
        %parallel_loop3A_820 = arith.constant 0 : index
        %parallel_loop3A_821 = tpu.vector_load %arg7[%parallel_loop3A_819, %parallel_loop3A_820] {strides = array<i32>} : memref<256x64xf32, #tpu.memory_space<vmem>>, vector<16xf32>,
        %parallel_loop3A_822 = arith.addf %parallel_loop3A_821, %get3A_105 : vector<16xf32>
        %parallel_loop3A_823 = arith.index_cast %parallel_loop3A_818 : i32 to index
        %parallel_loop3A_824 = arith.constant 0 : index
        %parallel_loop3A_825 = tpu.vector_load %arg7[%parallel_loop3A_823, %parallel_loop3A_824] {strides = array<i32>} : memref<256x64xf32, #tpu.memory_space<vmem>>, vector<16xf32>,
        tpu.vector_store %arg7[%parallel_loop3A_823, %parallel_loop3A_824], %parallel_loop3A_822 {strides = array<i32>} : memref<256x64xf32, #tpu.memory_space<vmem>>, vector<16xf32>,
        %parallel_loop3A_826 = arith.index_cast %parallel_loop3A_818 : i32 to index
        %parallel_loop3A_827 = arith.constant 16 : index
        %parallel_loop3A_828 = tpu.vector_load %arg7[%parallel_loop3A_826, %parallel_loop3A_827] {strides = array<i32>} : memref<256x64xf32, #tpu.memory_space<vmem>>, vector<16xf32>,
        %parallel_loop3A_829 = arith.addf %parallel_loop3A_828, %get3A_108 : vector<16xf32>
        %parallel_loop3A_830 = arith.index_cast %parallel_loop3A_818 : i32 to index
        %parallel_loop3A_831 = arith.constant 16 : index
        %parallel_loop3A_832 = tpu.vector_load %arg7[%parallel_loop3A_830, %parallel_loop3A_831] {strides = array<i32>} : memref<256x64xf32, #tpu.memory_space<vmem>>, vector<16xf32>,
        tpu.vector_store %arg7[%parallel_loop3A_830, %parallel_loop3A_831], %parallel_loop3A_829 {strides = array<i32>} : memref<256x64xf32, #tpu.memory_space<vmem>>, vector<16xf32>,
        %parallel_loop3A_833 = arith.index_cast %parallel_loop3A_818 : i32 to index
        %parallel_loop3A_834 = arith.constant 32 : index
        %parallel_loop3A_835 = tpu.vector_load %arg7[%parallel_loop3A_833, %parallel_loop3A_834] {strides = array<i32>} : memref<256x64xf32, #tpu.memory_space<vmem>>, vector<16xf32>,
        %parallel_loop3A_836 = arith.addf %parallel_loop3A_835, %get3A_111 : vector<16xf32>
        %parallel_loop3A_837 = arith.index_cast %parallel_loop3A_818 : i32 to index
        %parallel_loop3A_838 = arith.constant 32 : index
        %parallel_loop3A_839 = tpu.vector_load %arg7[%parallel_loop3A_837, %parallel_loop3A_838] {strides = array<i32>} : memref<256x64xf32, #tpu.memory_space<vmem>>, vector<16xf32>,
        tpu.vector_store %arg7[%parallel_loop3A_837, %parallel_loop3A_838], %parallel_loop3A_836 {strides = array<i32>} : memref<256x64xf32, #tpu.memory_space<vmem>>, vector<16xf32>,
        %parallel_loop3A_840 = arith.index_cast %parallel_loop3A_818 : i32 to index
        %parallel_loop3A_841 = arith.constant 48 : index
        %parallel_loop3A_842 = tpu.vector_load %arg7[%parallel_loop3A_840, %parallel_loop3A_841] {strides = array<i32>} : memref<256x64xf32, #tpu.memory_space<vmem>>, vector<16xf32>,
        %parallel_loop3A_843 = arith.addf %parallel_loop3A_842, %get3A_114 : vector<16xf32>
        %parallel_loop3A_844 = arith.index_cast %parallel_loop3A_818 : i32 to index
        %parallel_loop3A_845 = arith.constant 48 : index
        %parallel_loop3A_846 = tpu.vector_load %arg7[%parallel_loop3A_844, %parallel_loop3A_845] {strides = array<i32>} : memref<256x64xf32, #tpu.memory_space<vmem>>, vector<16xf32>,
        tpu.vector_store %arg7[%parallel_loop3A_844, %parallel_loop3A_845], %parallel_loop3A_843 {strides = array<i32>} : memref<256x64xf32, #tpu.memory_space<vmem>>, vector<16xf32>,
        %parallel_loop3A_847 = arith.constant 8 : i32
        %parallel_loop3A_848 = arith.muli %parallel_loop3A_622, %parallel_loop3A_847 : i32
        %parallel_loop3A_849 = arith.constant 7 : i32
        %parallel_loop3A_850 = arith.addi %parallel_loop3A_848, %parallel_loop3A_849 : i32
        %parallel_loop3A_851 = arith.index_cast %parallel_loop3A_850 : i32 to index
        %parallel_loop3A_852 = arith.constant 0 : index
        %parallel_loop3A_853 = tpu.vector_load %arg7[%parallel_loop3A_851, %parallel_loop3A_852] {strides = array<i32>} : memref<256x64xf32, #tpu.memory_space<vmem>>, vector<16xf32>,
        %parallel_loop3A_854 = arith.addf %parallel_loop3A_853, %get3A_105 : vector<16xf32>
        %parallel_loop3A_855 = arith.index_cast %parallel_loop3A_850 : i32 to index
        %parallel_loop3A_856 = arith.constant 0 : index
        %parallel_loop3A_857 = tpu.vector_load %arg7[%parallel_loop3A_855, %parallel_loop3A_856] {strides = array<i32>} : memref<256x64xf32, #tpu.memory_space<vmem>>, vector<16xf32>,
        tpu.vector_store %arg7[%parallel_loop3A_855, %parallel_loop3A_856], %parallel_loop3A_854 {strides = array<i32>} : memref<256x64xf32, #tpu.memory_space<vmem>>, vector<16xf32>,
        %parallel_loop3A_858 = arith.index_cast %parallel_loop3A_850 : i32 to index
        %parallel_loop3A_859 = arith.constant 16 : index
        %parallel_loop3A_860 = tpu.vector_load %arg7[%parallel_loop3A_858, %parallel_loop3A_859] {strides = array<i32>} : memref<256x64xf32, #tpu.memory_space<vmem>>, vector<16xf32>,
        %parallel_loop3A_861 = arith.addf %parallel_loop3A_860, %get3A_108 : vector<16xf32>
        %parallel_loop3A_862 = arith.index_cast %parallel_loop3A_850 : i32 to index
        %parallel_loop3A_863 = arith.constant 16 : index
        %parallel_loop3A_864 = tpu.vector_load %arg7[%parallel_loop3A_862, %parallel_loop3A_863] {strides = array<i32>} : memref<256x64xf32, #tpu.memory_space<vmem>>, vector<16xf32>,
        tpu.vector_store %arg7[%parallel_loop3A_862, %parallel_loop3A_863], %parallel_loop3A_861 {strides = array<i32>} : memref<256x64xf32, #tpu.memory_space<vmem>>, vector<16xf32>,
        %parallel_loop3A_865 = arith.index_cast %parallel_loop3A_850 : i32 to index
        %parallel_loop3A_866 = arith.constant 32 : index
        %parallel_loop3A_867 = tpu.vector_load %arg7[%parallel_loop3A_865, %parallel_loop3A_866] {strides = array<i32>} : memref<256x64xf32, #tpu.memory_space<vmem>>, vector<16xf32>,
        %parallel_loop3A_868 = arith.addf %parallel_loop3A_867, %get3A_111 : vector<16xf32>
        %parallel_loop3A_869 = arith.index_cast %parallel_loop3A_850 : i32 to index
        %parallel_loop3A_870 = arith.constant 32 : index
        %parallel_loop3A_871 = tpu.vector_load %arg7[%parallel_loop3A_869, %parallel_loop3A_870] {strides = array<i32>} : memref<256x64xf32, #tpu.memory_space<vmem>>, vector<16xf32>,
        tpu.vector_store %arg7[%parallel_loop3A_869, %parallel_loop3A_870], %parallel_loop3A_868 {strides = array<i32>} : memref<256x64xf32, #tpu.memory_space<vmem>>, vector<16xf32>,
        %parallel_loop3A_872 = arith.index_cast %parallel_loop3A_850 : i32 to index
        %parallel_loop3A_873 = arith.constant 48 : index
        %parallel_loop3A_874 = tpu.vector_load %arg7[%parallel_loop3A_872, %parallel_loop3A_873] {strides = array<i32>} : memref<256x64xf32, #tpu.memory_space<vmem>>, vector<16xf32>,
        %parallel_loop3A_875 = arith.addf %parallel_loop3A_874, %get3A_114 : vector<16xf32>
        %parallel_loop3A_876 = arith.index_cast %parallel_loop3A_850 : i32 to index
        %parallel_loop3A_877 = arith.constant 48 : index
        %parallel_loop3A_878 = tpu.vector_load %arg7[%parallel_loop3A_876, %parallel_loop3A_877] {strides = array<i32>} : memref<256x64xf32, #tpu.memory_space<vmem>>, vector<16xf32>,
        tpu.vector_store %arg7[%parallel_loop3A_876, %parallel_loop3A_877], %parallel_loop3A_875 {strides = array<i32>} : memref<256x64xf32, #tpu.memory_space<vmem>>, vector<16xf32>,
      } {sc.loop_unroll_factor = 2 : i64, sc.parallel_access}
      %jit3A_117 = arith.constant 2 : i32
      %div3A_118 = arith.divsi %add3A_42, %jit3A_117 : i32
      %sign3A_119 = arith.constant 0 : i32
      %sign3A_120 = arith.cmpi sgt, %add3A_42, %sign3A_119 : i32
      %sign3A_121 = arith.extui %sign3A_120 : i1 to i32
      %sign3A_122 = arith.constant 0 : i32
      %sign3A_123 = arith.cmpi slt, %add3A_42, %sign3A_122 : i32
      %sign3A_124 = arith.extui %sign3A_123 : i1 to i32
      %sign3A_125 = arith.subi %sign3A_121, %sign3A_124 : i32
      %sign3A_126 = arith.constant 0 : i32
      %sign3A_127 = arith.cmpi sgt, %jit3A_117, %sign3A_126 : i32
      %sign3A_128 = arith.extui %sign3A_127 : i1 to i32
      %sign3A_129 = arith.constant 0 : i32
      %sign3A_130 = arith.cmpi slt, %jit3A_117, %sign3A_129 : i32
      %sign3A_131 = arith.extui %sign3A_130 : i1 to i32
      %sign3A_132 = arith.subi %sign3A_128, %sign3A_131 : i32
      %ne3A_133 = arith.cmpi ne, %sign3A_125, %sign3A_132 : i32
      %rem3A_134 = arith.remsi %add3A_42, %jit3A_117 : i32
      %ne3A_135 = arith.constant 0 : i32
      %ne3A_136 = arith.cmpi ne, %rem3A_134, %ne3A_135 : i32
      %and3A_137 = arith.andi %ne3A_133, %ne3A_136 : i1
      %sub3A_138 = arith.constant 1 : i32
      %sub3A_139 = arith.subi %div3A_118, %sub3A_138 : i32
      %select_n3A_140 = arith.select %and3A_137, %sub3A_139, %div3A_118 : i32
      %jit3A_141 = arith.constant 2 : i32
      %eq3A_142 = arith.constant 0 : i32
      %eq3A_143 = arith.cmpi eq, %jit3A_141, %eq3A_142 : i32
      %jit3A_144 = arith.constant 1 : i32
      %select_n3A_145 = arith.select %eq3A_143, %jit3A_144, %jit3A_141 : i32
      %rem3A_146 = arith.remsi %add3A_42, %select_n3A_145 : i32
      %ne3A_147 = arith.constant 0 : i32
      %ne3A_148 = arith.cmpi ne, %rem3A_146, %ne3A_147 : i32
      %lt3A_149 = arith.constant 0 : i32
      %lt3A_150 = arith.cmpi slt, %rem3A_146, %lt3A_149 : i32
      %lt3A_151 = arith.constant 0 : i32
      %lt3A_152 = arith.cmpi slt, %select_n3A_145, %lt3A_151 : i32
      %ne3A_153 = arith.xori %lt3A_150, %lt3A_152 : i1
      %and3A_154 = arith.andi %ne3A_153, %ne3A_148 : i1
      %add3A_155 = arith.addi %rem3A_146, %select_n3A_145 : i32
      %select_n3A_156 = arith.select %and3A_154, %add3A_155, %rem3A_146 : i32
      %mul3A_157 = arith.constant 256 : i32
      %mul3A_158 = arith.muli %select_n3A_156, %mul3A_157 : i32
      %add3A_159 = arith.addi %mul3A_2, %mul3A_158 : i32
      %dma_start3A_160 = arith.constant 0 : i32
      %dma_start3A_161 = tpu.memref_slice %arg5[%select_n3A_140, %add3A_159, %dma_start3A_160] : memref<26x16384x64xf32, #tpu.memory_space<hbm>> -> memref<1x256x64xf32, #tpu.memory_space<hbm>>
      %dma_start3A_162 = tpu.memref_squeeze %dma_start3A_161 : memref<1x256x64xf32, #tpu.memory_space<hbm>> -> memref<256x64xf32, #tpu.memory_space<hbm>>
      %dma_start3A_163 = arith.constant 0 : i32
      %dma_start3A_164 = tpu.memref_slice %arg5[%select_n3A_140, %add3A_159, %dma_start3A_163] : memref<26x16384x64xf32, #tpu.memory_space<hbm>> -> memref<1x256x64xf32, #tpu.memory_space<hbm>>
      %dma_start3A_165 = tpu.memref_squeeze %dma_start3A_164 : memref<1x256x64xf32, #tpu.memory_space<hbm>> -> memref<256x64xf32, #tpu.memory_space<hbm>>
      tpu.enqueue_dma source(%arg7 : memref<256x64xf32, #tpu.memory_space<vmem>>) target(%dma_start3A_165 : memref<256x64xf32, #tpu.memory_space<hbm>>) target_semaphore(%arg16 : memref<!tpu.dma_semaphore, #tpu.memory_space<semaphore_mem>>)
      %ge3A = arith.constant 2 : i32
      %ge3A_166 = arith.cmpi sge, %add3A_42, %ge3A : i32
      %convert_element_type3A = arith.extui %ge3A_166 : i1 to i32
      %cond3A = arith.constant 0 : i32
      %cond3A_167 = arith.cmpi ne, %convert_element_type3A, %cond3A : i32
      scf.if %cond3A_167 {
        %sub3A_622 = arith.constant 2 : i32
        %sub3A_623 = arith.subi %add3A_42, %sub3A_622 : i32
        %jit3A_624 = arith.constant 2 : i32
        %div3A_625 = arith.divsi %sub3A_623, %jit3A_624 : i32
        %sign3A_626 = arith.constant 0 : i32
        %sign3A_627 = arith.cmpi sgt, %sub3A_623, %sign3A_626 : i32
        %sign3A_628 = arith.extui %sign3A_627 : i1 to i32
        %sign3A_629 = arith.constant 0 : i32
        %sign3A_630 = arith.cmpi slt, %sub3A_623, %sign3A_629 : i32
        %sign3A_631 = arith.extui %sign3A_630 : i1 to i32
        %sign3A_632 = arith.subi %sign3A_628, %sign3A_631 : i32
        %sign3A_633 = arith.constant 0 : i32
        %sign3A_634 = arith.cmpi sgt, %jit3A_624, %sign3A_633 : i32
        %sign3A_635 = arith.extui %sign3A_634 : i1 to i32
        %sign3A_636 = arith.constant 0 : i32
        %sign3A_637 = arith.cmpi slt, %jit3A_624, %sign3A_636 : i32
        %sign3A_638 = arith.extui %sign3A_637 : i1 to i32
        %sign3A_639 = arith.subi %sign3A_635, %sign3A_638 : i32
        %ne3A_640 = arith.cmpi ne, %sign3A_632, %sign3A_639 : i32
        %rem3A_641 = arith.remsi %sub3A_623, %jit3A_624 : i32
        %ne3A_642 = arith.constant 0 : i32
        %ne3A_643 = arith.cmpi ne, %rem3A_641, %ne3A_642 : i32
        %and3A_644 = arith.andi %ne3A_640, %ne3A_643 : i1
        %sub3A_645 = arith.constant 1 : i32
        %sub3A_646 = arith.subi %div3A_625, %sub3A_645 : i32
        %select_n3A_647 = arith.select %and3A_644, %sub3A_646, %div3A_625 : i32
        %jit3A_648 = arith.constant 2 : i32
        %eq3A_649 = arith.constant 0 : i32
        %eq3A_650 = arith.cmpi eq, %jit3A_648, %eq3A_649 : i32
        %jit3A_651 = arith.constant 1 : i32
        %select_n3A_652 = arith.select %eq3A_650, %jit3A_651, %jit3A_648 : i32
        %rem3A_653 = arith.remsi %sub3A_623, %select_n3A_652 : i32
        %ne3A_654 = arith.constant 0 : i32
        %ne3A_655 = arith.cmpi ne, %rem3A_653, %ne3A_654 : i32
        %lt3A_656 = arith.constant 0 : i32
        %lt3A_657 = arith.cmpi slt, %rem3A_653, %lt3A_656 : i32
        %lt3A_658 = arith.constant 0 : i32
        %lt3A_659 = arith.cmpi slt, %select_n3A_652, %lt3A_658 : i32
        %ne3A_660 = arith.xori %lt3A_657, %lt3A_659 : i1
        %and3A_661 = arith.andi %ne3A_660, %ne3A_655 : i1
        %add3A_662 = arith.addi %rem3A_653, %select_n3A_652 : i32
        %select_n3A_663 = arith.select %and3A_661, %add3A_662, %rem3A_653 : i32
        %mul3A_664 = arith.constant 256 : i32
        %mul3A_665 = arith.muli %select_n3A_663, %mul3A_664 : i32
        %add3A_666 = arith.addi %mul3A_2, %mul3A_665 : i32
        %dma_wait3A_667 = arith.constant 0 : i32
        %dma_wait3A_668 = tpu.memref_slice %arg5[%select_n3A_647, %add3A_666, %dma_wait3A_667] : memref<26x16384x64xf32, #tpu.memory_space<hbm>> -> memref<1x256x64xf32, #tpu.memory_space<hbm>>
        %dma_wait3A_669 = tpu.memref_squeeze %dma_wait3A_668 : memref<1x256x64xf32, #tpu.memory_space<hbm>> -> memref<256x64xf32, #tpu.memory_space<hbm>>
        %dma_wait3A_670 = arith.constant 0 : i32
        %dma_wait3A_671 = tpu.memref_slice %arg5[%select_n3A_647, %add3A_666, %dma_wait3A_670] : memref<26x16384x64xf32, #tpu.memory_space<hbm>> -> memref<1x256x64xf32, #tpu.memory_space<hbm>>
        %dma_wait3A_672 = tpu.memref_squeeze %dma_wait3A_671 : memref<1x256x64xf32, #tpu.memory_space<hbm>> -> memref<256x64xf32, #tpu.memory_space<hbm>>
        tpu.wait_dma2 semaphore(%arg18 : memref<!tpu.dma_semaphore, #tpu.memory_space<semaphore_mem>>) src(%arg9 : memref<256x64xf32, #tpu.memory_space<vmem>>) dst(%dma_wait3A_672 : memref<256x64xf32, #tpu.memory_space<hbm>>)
      } else {
      }
      %add3A_168 = arith.constant 2 : i32
      %add3A_169 = arith.addi %add3A_42, %add3A_168 : i32
      %lt3A_170 = arith.constant 52 : i32
      %lt3A_171 = arith.cmpi slt, %add3A_169, %lt3A_170 : i32
      %convert_element_type3A_172 = arith.extui %lt3A_171 : i1 to i32
      %cond3A_173 = arith.constant 0 : i32
      %cond3A_174 = arith.cmpi ne, %convert_element_type3A_172, %cond3A_173 : i32
      scf.if %cond3A_174 {
        %add3A_622 = arith.constant 2 : i32
        %add3A_623 = arith.addi %add3A_42, %add3A_622 : i32
        %jit3A_624 = arith.constant 2 : i32
        %div3A_625 = arith.divsi %add3A_623, %jit3A_624 : i32
        %sign3A_626 = arith.constant 0 : i32
        %sign3A_627 = arith.cmpi sgt, %add3A_623, %sign3A_626 : i32
        %sign3A_628 = arith.extui %sign3A_627 : i1 to i32
        %sign3A_629 = arith.constant 0 : i32
        %sign3A_630 = arith.cmpi slt, %add3A_623, %sign3A_629 : i32
        %sign3A_631 = arith.extui %sign3A_630 : i1 to i32
        %sign3A_632 = arith.subi %sign3A_628, %sign3A_631 : i32
        %sign3A_633 = arith.constant 0 : i32
        %sign3A_634 = arith.cmpi sgt, %jit3A_624, %sign3A_633 : i32
        %sign3A_635 = arith.extui %sign3A_634 : i1 to i32
        %sign3A_636 = arith.constant 0 : i32
        %sign3A_637 = arith.cmpi slt, %jit3A_624, %sign3A_636 : i32
        %sign3A_638 = arith.extui %sign3A_637 : i1 to i32
        %sign3A_639 = arith.subi %sign3A_635, %sign3A_638 : i32
        %ne3A_640 = arith.cmpi ne, %sign3A_632, %sign3A_639 : i32
        %rem3A_641 = arith.remsi %add3A_623, %jit3A_624 : i32
        %ne3A_642 = arith.constant 0 : i32
        %ne3A_643 = arith.cmpi ne, %rem3A_641, %ne3A_642 : i32
        %and3A_644 = arith.andi %ne3A_640, %ne3A_643 : i1
        %sub3A_645 = arith.constant 1 : i32
        %sub3A_646 = arith.subi %div3A_625, %sub3A_645 : i32
        %select_n3A_647 = arith.select %and3A_644, %sub3A_646, %div3A_625 : i32
        %jit3A_648 = arith.constant 2 : i32
        %eq3A_649 = arith.constant 0 : i32
        %eq3A_650 = arith.cmpi eq, %jit3A_648, %eq3A_649 : i32
        %jit3A_651 = arith.constant 1 : i32
        %select_n3A_652 = arith.select %eq3A_650, %jit3A_651, %jit3A_648 : i32
        %rem3A_653 = arith.remsi %add3A_623, %select_n3A_652 : i32
        %ne3A_654 = arith.constant 0 : i32
        %ne3A_655 = arith.cmpi ne, %rem3A_653, %ne3A_654 : i32
        %lt3A_656 = arith.constant 0 : i32
        %lt3A_657 = arith.cmpi slt, %rem3A_653, %lt3A_656 : i32
        %lt3A_658 = arith.constant 0 : i32
        %lt3A_659 = arith.cmpi slt, %select_n3A_652, %lt3A_658 : i32
        %ne3A_660 = arith.xori %lt3A_657, %lt3A_659 : i1
        %and3A_661 = arith.andi %ne3A_660, %ne3A_655 : i1
        %add3A_662 = arith.addi %rem3A_653, %select_n3A_652 : i32
        %select_n3A_663 = arith.select %and3A_661, %add3A_662, %rem3A_653 : i32
        %mul3A_664 = arith.constant 256 : i32
        %mul3A_665 = arith.muli %select_n3A_663, %mul3A_664 : i32
        %dma_start3A_666 = tpu.memref_slice %arg6[%select_n3A_647, %mul3A_665] : memref<26x512xi32, #tpu.memory_space<vmem>> -> memref<1x256xi32, #tpu.memory_space<vmem>>
        %dma_start3A_667 = tpu.memref_squeeze %dma_start3A_666 : memref<1x256xi32, #tpu.memory_space<vmem>> -> memref<256xi32, #tpu.memory_space<vmem>>
        %dma_start3A_668 = arith.constant 0 : i32
        %dma_start3A_669 = arith.constant 0 : i32
        %dma_start3A_670 = tpu.memref_slice %arg3[%dma_start3A_668, %dma_start3A_669] : memref<999987x64xf32, #tpu.memory_space<hbm>> -> memref<999987x64xf32, #tpu.memory_space<hbm>>
        tpu.enqueue_indirect_dma source(%dma_start3A_670 : memref<999987x64xf32, #tpu.memory_space<hbm>>) target(%arg9 : memref<256x64xf32, #tpu.memory_space<vmem>>) offsets(%dma_start3A_667 : memref<256xi32, #tpu.memory_space<vmem>>) semaphore(%arg14 : memref<!tpu.dma_semaphore, #tpu.memory_space<semaphore_mem>>)
      } else {
      }
      %add3A_175 = arith.constant 1 : i32
      %add3A_176 = arith.addi %mul3A_40, %add3A_175 : i32
      %jit3A_177 = arith.constant 2 : i32
      %div3A_178 = arith.divsi %add3A_176, %jit3A_177 : i32
      %sign3A_179 = arith.constant 0 : i32
      %sign3A_180 = arith.cmpi sgt, %add3A_176, %sign3A_179 : i32
      %sign3A_181 = arith.extui %sign3A_180 : i1 to i32
      %sign3A_182 = arith.constant 0 : i32
      %sign3A_183 = arith.cmpi slt, %add3A_176, %sign3A_182 : i32
      %sign3A_184 = arith.extui %sign3A_183 : i1 to i32
      %sign3A_185 = arith.subi %sign3A_181, %sign3A_184 : i32
      %sign3A_186 = arith.constant 0 : i32
      %sign3A_187 = arith.cmpi sgt, %jit3A_177, %sign3A_186 : i32
      %sign3A_188 = arith.extui %sign3A_187 : i1 to i32
      %sign3A_189 = arith.constant 0 : i32
      %sign3A_190 = arith.cmpi slt, %jit3A_177, %sign3A_189 : i32
      %sign3A_191 = arith.extui %sign3A_190 : i1 to i32
      %sign3A_192 = arith.subi %sign3A_188, %sign3A_191 : i32
      %ne3A_193 = arith.cmpi ne, %sign3A_185, %sign3A_192 : i32
      %rem3A_194 = arith.remsi %add3A_176, %jit3A_177 : i32
      %ne3A_195 = arith.constant 0 : i32
      %ne3A_196 = arith.cmpi ne, %rem3A_194, %ne3A_195 : i32
      %and3A_197 = arith.andi %ne3A_193, %ne3A_196 : i1
      %sub3A_198 = arith.constant 1 : i32
      %sub3A_199 = arith.subi %div3A_178, %sub3A_198 : i32
      %select_n3A_200 = arith.select %and3A_197, %sub3A_199, %div3A_178 : i32
      %jit3A_201 = arith.constant 2 : i32
      %eq3A_202 = arith.constant 0 : i32
      %eq3A_203 = arith.cmpi eq, %jit3A_201, %eq3A_202 : i32
      %jit3A_204 = arith.constant 1 : i32
      %select_n3A_205 = arith.select %eq3A_203, %jit3A_204, %jit3A_201 : i32
      %rem3A_206 = arith.remsi %add3A_176, %select_n3A_205 : i32
      %ne3A_207 = arith.constant 0 : i32
      %ne3A_208 = arith.cmpi ne, %rem3A_206, %ne3A_207 : i32
      %lt3A_209 = arith.constant 0 : i32
      %lt3A_210 = arith.cmpi slt, %rem3A_206, %lt3A_209 : i32
      %lt3A_211 = arith.constant 0 : i32
      %lt3A_212 = arith.cmpi slt, %select_n3A_205, %lt3A_211 : i32
      %ne3A_213 = arith.xori %lt3A_210, %lt3A_212 : i1
      %and3A_214 = arith.andi %ne3A_213, %ne3A_208 : i1
      %add3A_215 = arith.addi %rem3A_206, %select_n3A_205 : i32
      %select_n3A_216 = arith.select %and3A_214, %add3A_215, %rem3A_206 : i32
      %mul3A_217 = arith.constant 256 : i32
      %mul3A_218 = arith.muli %select_n3A_216, %mul3A_217 : i32
      %dma_wait3A_219 = tpu.memref_slice %arg6[%select_n3A_200, %mul3A_218] : memref<26x512xi32, #tpu.memory_space<vmem>> -> memref<1x256xi32, #tpu.memory_space<vmem>>
      %dma_wait3A_220 = tpu.memref_squeeze %dma_wait3A_219 : memref<1x256xi32, #tpu.memory_space<vmem>> -> memref<256xi32, #tpu.memory_space<vmem>>
      %dma_wait3A_221 = arith.constant 0 : i32
      %dma_wait3A_222 = arith.constant 0 : i32
      %dma_wait3A_223 = tpu.memref_slice %arg3[%dma_wait3A_221, %dma_wait3A_222] : memref<999987x64xf32, #tpu.memory_space<hbm>> -> memref<999987x64xf32, #tpu.memory_space<hbm>>
      tpu.wait_indirect_dma semaphore(%arg13 : memref<!tpu.dma_semaphore, #tpu.memory_space<semaphore_mem>>) src(%dma_wait3A_223 : memref<999987x64xf32, #tpu.memory_space<hbm>>) dst(%arg8 : memref<256x64xf32, #tpu.memory_space<vmem>>)
      %jit3A_224 = arith.constant 2 : i32
      %div3A_225 = arith.divsi %add3A_176, %jit3A_224 : i32
      %sign3A_226 = arith.constant 0 : i32
      %sign3A_227 = arith.cmpi sgt, %add3A_176, %sign3A_226 : i32
      %sign3A_228 = arith.extui %sign3A_227 : i1 to i32
      %sign3A_229 = arith.constant 0 : i32
      %sign3A_230 = arith.cmpi slt, %add3A_176, %sign3A_229 : i32
      %sign3A_231 = arith.extui %sign3A_230 : i1 to i32
      %sign3A_232 = arith.subi %sign3A_228, %sign3A_231 : i32
      %sign3A_233 = arith.constant 0 : i32
      %sign3A_234 = arith.cmpi sgt, %jit3A_224, %sign3A_233 : i32
      %sign3A_235 = arith.extui %sign3A_234 : i1 to i32
      %sign3A_236 = arith.constant 0 : i32
      %sign3A_237 = arith.cmpi slt, %jit3A_224, %sign3A_236 : i32
      %sign3A_238 = arith.extui %sign3A_237 : i1 to i32
      %sign3A_239 = arith.subi %sign3A_235, %sign3A_238 : i32
      %ne3A_240 = arith.cmpi ne, %sign3A_232, %sign3A_239 : i32
      %rem3A_241 = arith.remsi %add3A_176, %jit3A_224 : i32
      %ne3A_242 = arith.constant 0 : i32
      %ne3A_243 = arith.cmpi ne, %rem3A_241, %ne3A_242 : i32
      %and3A_244 = arith.andi %ne3A_240, %ne3A_243 : i1
      %sub3A_245 = arith.constant 1 : i32
      %sub3A_246 = arith.subi %div3A_225, %sub3A_245 : i32
      %select_n3A_247 = arith.select %and3A_244, %sub3A_246, %div3A_225 : i32
      %get3A_248 = arith.index_cast %select_n3A_247 : i32 to index
      %get3A_249 = arith.constant 0 : index
      %get3A_250 = tpu.vector_load %arg11[%get3A_248, %get3A_249] {strides = array<i32>} : memref<26x64xf32, #tpu.memory_space<vmem>>, vector<16xf32>,
      %get3A_251 = arith.index_cast %select_n3A_247 : i32 to index
      %get3A_252 = arith.constant 16 : index
      %get3A_253 = tpu.vector_load %arg11[%get3A_251, %get3A_252] {strides = array<i32>} : memref<26x64xf32, #tpu.memory_space<vmem>>, vector<16xf32>,
      %get3A_254 = arith.index_cast %select_n3A_247 : i32 to index
      %get3A_255 = arith.constant 32 : index
      %get3A_256 = tpu.vector_load %arg11[%get3A_254, %get3A_255] {strides = array<i32>} : memref<26x64xf32, #tpu.memory_space<vmem>>, vector<16xf32>,
      %get3A_257 = arith.index_cast %select_n3A_247 : i32 to index
      %get3A_258 = arith.constant 48 : index
      %get3A_259 = tpu.vector_load %arg11[%get3A_257, %get3A_258] {strides = array<i32>} : memref<26x64xf32, #tpu.memory_space<vmem>>, vector<16xf32>,
      %parallel_loop3A_260 = arith.constant 0 : i32
      %parallel_loop3A_261 = arith.constant 32 : i32
      %parallel_loop3A_262 = arith.constant 1 : i32
      scf.for %parallel_loop3A_622 = %parallel_loop3A_260 to %parallel_loop3A_261 step %parallel_loop3A_262  : i32 {
        %parallel_loop3A_623 = arith.constant 8 : i32
        %parallel_loop3A_624 = arith.muli %parallel_loop3A_622, %parallel_loop3A_623 : i32
        %parallel_loop3A_625 = arith.constant 0 : i32
        %parallel_loop3A_626 = arith.addi %parallel_loop3A_624, %parallel_loop3A_625 : i32
        %parallel_loop3A_627 = arith.index_cast %parallel_loop3A_626 : i32 to index
        %parallel_loop3A_628 = arith.constant 0 : index
        %parallel_loop3A_629 = tpu.vector_load %arg8[%parallel_loop3A_627, %parallel_loop3A_628] {strides = array<i32>} : memref<256x64xf32, #tpu.memory_space<vmem>>, vector<16xf32>,
        %parallel_loop3A_630 = arith.addf %parallel_loop3A_629, %get3A_250 : vector<16xf32>
        %parallel_loop3A_631 = arith.index_cast %parallel_loop3A_626 : i32 to index
        %parallel_loop3A_632 = arith.constant 0 : index
        %parallel_loop3A_633 = tpu.vector_load %arg8[%parallel_loop3A_631, %parallel_loop3A_632] {strides = array<i32>} : memref<256x64xf32, #tpu.memory_space<vmem>>, vector<16xf32>,
        tpu.vector_store %arg8[%parallel_loop3A_631, %parallel_loop3A_632], %parallel_loop3A_630 {strides = array<i32>} : memref<256x64xf32, #tpu.memory_space<vmem>>, vector<16xf32>,
        %parallel_loop3A_634 = arith.index_cast %parallel_loop3A_626 : i32 to index
        %parallel_loop3A_635 = arith.constant 16 : index
        %parallel_loop3A_636 = tpu.vector_load %arg8[%parallel_loop3A_634, %parallel_loop3A_635] {strides = array<i32>} : memref<256x64xf32, #tpu.memory_space<vmem>>, vector<16xf32>,
        %parallel_loop3A_637 = arith.addf %parallel_loop3A_636, %get3A_253 : vector<16xf32>
        %parallel_loop3A_638 = arith.index_cast %parallel_loop3A_626 : i32 to index
        %parallel_loop3A_639 = arith.constant 16 : index
        %parallel_loop3A_640 = tpu.vector_load %arg8[%parallel_loop3A_638, %parallel_loop3A_639] {strides = array<i32>} : memref<256x64xf32, #tpu.memory_space<vmem>>, vector<16xf32>,
        tpu.vector_store %arg8[%parallel_loop3A_638, %parallel_loop3A_639], %parallel_loop3A_637 {strides = array<i32>} : memref<256x64xf32, #tpu.memory_space<vmem>>, vector<16xf32>,
        %parallel_loop3A_641 = arith.index_cast %parallel_loop3A_626 : i32 to index
        %parallel_loop3A_642 = arith.constant 32 : index
        %parallel_loop3A_643 = tpu.vector_load %arg8[%parallel_loop3A_641, %parallel_loop3A_642] {strides = array<i32>} : memref<256x64xf32, #tpu.memory_space<vmem>>, vector<16xf32>,
        %parallel_loop3A_644 = arith.addf %parallel_loop3A_643, %get3A_256 : vector<16xf32>
        %parallel_loop3A_645 = arith.index_cast %parallel_loop3A_626 : i32 to index
        %parallel_loop3A_646 = arith.constant 32 : index
        %parallel_loop3A_647 = tpu.vector_load %arg8[%parallel_loop3A_645, %parallel_loop3A_646] {strides = array<i32>} : memref<256x64xf32, #tpu.memory_space<vmem>>, vector<16xf32>,
        tpu.vector_store %arg8[%parallel_loop3A_645, %parallel_loop3A_646], %parallel_loop3A_644 {strides = array<i32>} : memref<256x64xf32, #tpu.memory_space<vmem>>, vector<16xf32>,
        %parallel_loop3A_648 = arith.index_cast %parallel_loop3A_626 : i32 to index
        %parallel_loop3A_649 = arith.constant 48 : index
        %parallel_loop3A_650 = tpu.vector_load %arg8[%parallel_loop3A_648, %parallel_loop3A_649] {strides = array<i32>} : memref<256x64xf32, #tpu.memory_space<vmem>>, vector<16xf32>,
        %parallel_loop3A_651 = arith.addf %parallel_loop3A_650, %get3A_259 : vector<16xf32>
        %parallel_loop3A_652 = arith.index_cast %parallel_loop3A_626 : i32 to index
        %parallel_loop3A_653 = arith.constant 48 : index
        %parallel_loop3A_654 = tpu.vector_load %arg8[%parallel_loop3A_652, %parallel_loop3A_653] {strides = array<i32>} : memref<256x64xf32, #tpu.memory_space<vmem>>, vector<16xf32>,
        tpu.vector_store %arg8[%parallel_loop3A_652, %parallel_loop3A_653], %parallel_loop3A_651 {strides = array<i32>} : memref<256x64xf32, #tpu.memory_space<vmem>>, vector<16xf32>,
        %parallel_loop3A_655 = arith.constant 8 : i32
        %parallel_loop3A_656 = arith.muli %parallel_loop3A_622, %parallel_loop3A_655 : i32
        %parallel_loop3A_657 = arith.constant 1 : i32
        %parallel_loop3A_658 = arith.addi %parallel_loop3A_656, %parallel_loop3A_657 : i32
        %parallel_loop3A_659 = arith.index_cast %parallel_loop3A_658 : i32 to index
        %parallel_loop3A_660 = arith.constant 0 : index
        %parallel_loop3A_661 = tpu.vector_load %arg8[%parallel_loop3A_659, %parallel_loop3A_660] {strides = array<i32>} : memref<256x64xf32, #tpu.memory_space<vmem>>, vector<16xf32>,
        %parallel_loop3A_662 = arith.addf %parallel_loop3A_661, %get3A_250 : vector<16xf32>
        %parallel_loop3A_663 = arith.index_cast %parallel_loop3A_658 : i32 to index
        %parallel_loop3A_664 = arith.constant 0 : index
        %parallel_loop3A_665 = tpu.vector_load %arg8[%parallel_loop3A_663, %parallel_loop3A_664] {strides = array<i32>} : memref<256x64xf32, #tpu.memory_space<vmem>>, vector<16xf32>,
        tpu.vector_store %arg8[%parallel_loop3A_663, %parallel_loop3A_664], %parallel_loop3A_662 {strides = array<i32>} : memref<256x64xf32, #tpu.memory_space<vmem>>, vector<16xf32>,
        %parallel_loop3A_666 = arith.index_cast %parallel_loop3A_658 : i32 to index
        %parallel_loop3A_667 = arith.constant 16 : index
        %parallel_loop3A_668 = tpu.vector_load %arg8[%parallel_loop3A_666, %parallel_loop3A_667] {strides = array<i32>} : memref<256x64xf32, #tpu.memory_space<vmem>>, vector<16xf32>,
        %parallel_loop3A_669 = arith.addf %parallel_loop3A_668, %get3A_253 : vector<16xf32>
        %parallel_loop3A_670 = arith.index_cast %parallel_loop3A_658 : i32 to index
        %parallel_loop3A_671 = arith.constant 16 : index
        %parallel_loop3A_672 = tpu.vector_load %arg8[%parallel_loop3A_670, %parallel_loop3A_671] {strides = array<i32>} : memref<256x64xf32, #tpu.memory_space<vmem>>, vector<16xf32>,
        tpu.vector_store %arg8[%parallel_loop3A_670, %parallel_loop3A_671], %parallel_loop3A_669 {strides = array<i32>} : memref<256x64xf32, #tpu.memory_space<vmem>>, vector<16xf32>,
        %parallel_loop3A_673 = arith.index_cast %parallel_loop3A_658 : i32 to index
        %parallel_loop3A_674 = arith.constant 32 : index
        %parallel_loop3A_675 = tpu.vector_load %arg8[%parallel_loop3A_673, %parallel_loop3A_674] {strides = array<i32>} : memref<256x64xf32, #tpu.memory_space<vmem>>, vector<16xf32>,
        %parallel_loop3A_676 = arith.addf %parallel_loop3A_675, %get3A_256 : vector<16xf32>
        %parallel_loop3A_677 = arith.index_cast %parallel_loop3A_658 : i32 to index
        %parallel_loop3A_678 = arith.constant 32 : index
        %parallel_loop3A_679 = tpu.vector_load %arg8[%parallel_loop3A_677, %parallel_loop3A_678] {strides = array<i32>} : memref<256x64xf32, #tpu.memory_space<vmem>>, vector<16xf32>,
        tpu.vector_store %arg8[%parallel_loop3A_677, %parallel_loop3A_678], %parallel_loop3A_676 {strides = array<i32>} : memref<256x64xf32, #tpu.memory_space<vmem>>, vector<16xf32>,
        %parallel_loop3A_680 = arith.index_cast %parallel_loop3A_658 : i32 to index
        %parallel_loop3A_681 = arith.constant 48 : index
        %parallel_loop3A_682 = tpu.vector_load %arg8[%parallel_loop3A_680, %parallel_loop3A_681] {strides = array<i32>} : memref<256x64xf32, #tpu.memory_space<vmem>>, vector<16xf32>,
        %parallel_loop3A_683 = arith.addf %parallel_loop3A_682, %get3A_259 : vector<16xf32>
        %parallel_loop3A_684 = arith.index_cast %parallel_loop3A_658 : i32 to index
        %parallel_loop3A_685 = arith.constant 48 : index
        %parallel_loop3A_686 = tpu.vector_load %arg8[%parallel_loop3A_684, %parallel_loop3A_685] {strides = array<i32>} : memref<256x64xf32, #tpu.memory_space<vmem>>, vector<16xf32>,
        tpu.vector_store %arg8[%parallel_loop3A_684, %parallel_loop3A_685], %parallel_loop3A_683 {strides = array<i32>} : memref<256x64xf32, #tpu.memory_space<vmem>>, vector<16xf32>,
        %parallel_loop3A_687 = arith.constant 8 : i32
        %parallel_loop3A_688 = arith.muli %parallel_loop3A_622, %parallel_loop3A_687 : i32
        %parallel_loop3A_689 = arith.constant 2 : i32
        %parallel_loop3A_690 = arith.addi %parallel_loop3A_688, %parallel_loop3A_689 : i32
        %parallel_loop3A_691 = arith.index_cast %parallel_loop3A_690 : i32 to index
        %parallel_loop3A_692 = arith.constant 0 : index
        %parallel_loop3A_693 = tpu.vector_load %arg8[%parallel_loop3A_691, %parallel_loop3A_692] {strides = array<i32>} : memref<256x64xf32, #tpu.memory_space<vmem>>, vector<16xf32>,
        %parallel_loop3A_694 = arith.addf %parallel_loop3A_693, %get3A_250 : vector<16xf32>
        %parallel_loop3A_695 = arith.index_cast %parallel_loop3A_690 : i32 to index
        %parallel_loop3A_696 = arith.constant 0 : index
        %parallel_loop3A_697 = tpu.vector_load %arg8[%parallel_loop3A_695, %parallel_loop3A_696] {strides = array<i32>} : memref<256x64xf32, #tpu.memory_space<vmem>>, vector<16xf32>,
        tpu.vector_store %arg8[%parallel_loop3A_695, %parallel_loop3A_696], %parallel_loop3A_694 {strides = array<i32>} : memref<256x64xf32, #tpu.memory_space<vmem>>, vector<16xf32>,
        %parallel_loop3A_698 = arith.index_cast %parallel_loop3A_690 : i32 to index
        %parallel_loop3A_699 = arith.constant 16 : index
        %parallel_loop3A_700 = tpu.vector_load %arg8[%parallel_loop3A_698, %parallel_loop3A_699] {strides = array<i32>} : memref<256x64xf32, #tpu.memory_space<vmem>>, vector<16xf32>,
        %parallel_loop3A_701 = arith.addf %parallel_loop3A_700, %get3A_253 : vector<16xf32>
        %parallel_loop3A_702 = arith.index_cast %parallel_loop3A_690 : i32 to index
        %parallel_loop3A_703 = arith.constant 16 : index
        %parallel_loop3A_704 = tpu.vector_load %arg8[%parallel_loop3A_702, %parallel_loop3A_703] {strides = array<i32>} : memref<256x64xf32, #tpu.memory_space<vmem>>, vector<16xf32>,
        tpu.vector_store %arg8[%parallel_loop3A_702, %parallel_loop3A_703], %parallel_loop3A_701 {strides = array<i32>} : memref<256x64xf32, #tpu.memory_space<vmem>>, vector<16xf32>,
        %parallel_loop3A_705 = arith.index_cast %parallel_loop3A_690 : i32 to index
        %parallel_loop3A_706 = arith.constant 32 : index
        %parallel_loop3A_707 = tpu.vector_load %arg8[%parallel_loop3A_705, %parallel_loop3A_706] {strides = array<i32>} : memref<256x64xf32, #tpu.memory_space<vmem>>, vector<16xf32>,
        %parallel_loop3A_708 = arith.addf %parallel_loop3A_707, %get3A_256 : vector<16xf32>
        %parallel_loop3A_709 = arith.index_cast %parallel_loop3A_690 : i32 to index
        %parallel_loop3A_710 = arith.constant 32 : index
        %parallel_loop3A_711 = tpu.vector_load %arg8[%parallel_loop3A_709, %parallel_loop3A_710] {strides = array<i32>} : memref<256x64xf32, #tpu.memory_space<vmem>>, vector<16xf32>,
        tpu.vector_store %arg8[%parallel_loop3A_709, %parallel_loop3A_710], %parallel_loop3A_708 {strides = array<i32>} : memref<256x64xf32, #tpu.memory_space<vmem>>, vector<16xf32>,
        %parallel_loop3A_712 = arith.index_cast %parallel_loop3A_690 : i32 to index
        %parallel_loop3A_713 = arith.constant 48 : index
        %parallel_loop3A_714 = tpu.vector_load %arg8[%parallel_loop3A_712, %parallel_loop3A_713] {strides = array<i32>} : memref<256x64xf32, #tpu.memory_space<vmem>>, vector<16xf32>,
        %parallel_loop3A_715 = arith.addf %parallel_loop3A_714, %get3A_259 : vector<16xf32>
        %parallel_loop3A_716 = arith.index_cast %parallel_loop3A_690 : i32 to index
        %parallel_loop3A_717 = arith.constant 48 : index
        %parallel_loop3A_718 = tpu.vector_load %arg8[%parallel_loop3A_716, %parallel_loop3A_717] {strides = array<i32>} : memref<256x64xf32, #tpu.memory_space<vmem>>, vector<16xf32>,
        tpu.vector_store %arg8[%parallel_loop3A_716, %parallel_loop3A_717], %parallel_loop3A_715 {strides = array<i32>} : memref<256x64xf32, #tpu.memory_space<vmem>>, vector<16xf32>,
        %parallel_loop3A_719 = arith.constant 8 : i32
        %parallel_loop3A_720 = arith.muli %parallel_loop3A_622, %parallel_loop3A_719 : i32
        %parallel_loop3A_721 = arith.constant 3 : i32
        %parallel_loop3A_722 = arith.addi %parallel_loop3A_720, %parallel_loop3A_721 : i32
        %parallel_loop3A_723 = arith.index_cast %parallel_loop3A_722 : i32 to index
        %parallel_loop3A_724 = arith.constant 0 : index
        %parallel_loop3A_725 = tpu.vector_load %arg8[%parallel_loop3A_723, %parallel_loop3A_724] {strides = array<i32>} : memref<256x64xf32, #tpu.memory_space<vmem>>, vector<16xf32>,
        %parallel_loop3A_726 = arith.addf %parallel_loop3A_725, %get3A_250 : vector<16xf32>
        %parallel_loop3A_727 = arith.index_cast %parallel_loop3A_722 : i32 to index
        %parallel_loop3A_728 = arith.constant 0 : index
        %parallel_loop3A_729 = tpu.vector_load %arg8[%parallel_loop3A_727, %parallel_loop3A_728] {strides = array<i32>} : memref<256x64xf32, #tpu.memory_space<vmem>>, vector<16xf32>,
        tpu.vector_store %arg8[%parallel_loop3A_727, %parallel_loop3A_728], %parallel_loop3A_726 {strides = array<i32>} : memref<256x64xf32, #tpu.memory_space<vmem>>, vector<16xf32>,
        %parallel_loop3A_730 = arith.index_cast %parallel_loop3A_722 : i32 to index
        %parallel_loop3A_731 = arith.constant 16 : index
        %parallel_loop3A_732 = tpu.vector_load %arg8[%parallel_loop3A_730, %parallel_loop3A_731] {strides = array<i32>} : memref<256x64xf32, #tpu.memory_space<vmem>>, vector<16xf32>,
        %parallel_loop3A_733 = arith.addf %parallel_loop3A_732, %get3A_253 : vector<16xf32>
        %parallel_loop3A_734 = arith.index_cast %parallel_loop3A_722 : i32 to index
        %parallel_loop3A_735 = arith.constant 16 : index
        %parallel_loop3A_736 = tpu.vector_load %arg8[%parallel_loop3A_734, %parallel_loop3A_735] {strides = array<i32>} : memref<256x64xf32, #tpu.memory_space<vmem>>, vector<16xf32>,
        tpu.vector_store %arg8[%parallel_loop3A_734, %parallel_loop3A_735], %parallel_loop3A_733 {strides = array<i32>} : memref<256x64xf32, #tpu.memory_space<vmem>>, vector<16xf32>,
        %parallel_loop3A_737 = arith.index_cast %parallel_loop3A_722 : i32 to index
        %parallel_loop3A_738 = arith.constant 32 : index
        %parallel_loop3A_739 = tpu.vector_load %arg8[%parallel_loop3A_737, %parallel_loop3A_738] {strides = array<i32>} : memref<256x64xf32, #tpu.memory_space<vmem>>, vector<16xf32>,
        %parallel_loop3A_740 = arith.addf %parallel_loop3A_739, %get3A_256 : vector<16xf32>
        %parallel_loop3A_741 = arith.index_cast %parallel_loop3A_722 : i32 to index
        %parallel_loop3A_742 = arith.constant 32 : index
        %parallel_loop3A_743 = tpu.vector_load %arg8[%parallel_loop3A_741, %parallel_loop3A_742] {strides = array<i32>} : memref<256x64xf32, #tpu.memory_space<vmem>>, vector<16xf32>,
        tpu.vector_store %arg8[%parallel_loop3A_741, %parallel_loop3A_742], %parallel_loop3A_740 {strides = array<i32>} : memref<256x64xf32, #tpu.memory_space<vmem>>, vector<16xf32>,
        %parallel_loop3A_744 = arith.index_cast %parallel_loop3A_722 : i32 to index
        %parallel_loop3A_745 = arith.constant 48 : index
        %parallel_loop3A_746 = tpu.vector_load %arg8[%parallel_loop3A_744, %parallel_loop3A_745] {strides = array<i32>} : memref<256x64xf32, #tpu.memory_space<vmem>>, vector<16xf32>,
        %parallel_loop3A_747 = arith.addf %parallel_loop3A_746, %get3A_259 : vector<16xf32>
        %parallel_loop3A_748 = arith.index_cast %parallel_loop3A_722 : i32 to index
        %parallel_loop3A_749 = arith.constant 48 : index
        %parallel_loop3A_750 = tpu.vector_load %arg8[%parallel_loop3A_748, %parallel_loop3A_749] {strides = array<i32>} : memref<256x64xf32, #tpu.memory_space<vmem>>, vector<16xf32>,
        tpu.vector_store %arg8[%parallel_loop3A_748, %parallel_loop3A_749], %parallel_loop3A_747 {strides = array<i32>} : memref<256x64xf32, #tpu.memory_space<vmem>>, vector<16xf32>,
        %parallel_loop3A_751 = arith.constant 8 : i32
        %parallel_loop3A_752 = arith.muli %parallel_loop3A_622, %parallel_loop3A_751 : i32
        %parallel_loop3A_753 = arith.constant 4 : i32
        %parallel_loop3A_754 = arith.addi %parallel_loop3A_752, %parallel_loop3A_753 : i32
        %parallel_loop3A_755 = arith.index_cast %parallel_loop3A_754 : i32 to index
        %parallel_loop3A_756 = arith.constant 0 : index
        %parallel_loop3A_757 = tpu.vector_load %arg8[%parallel_loop3A_755, %parallel_loop3A_756] {strides = array<i32>} : memref<256x64xf32, #tpu.memory_space<vmem>>, vector<16xf32>,
        %parallel_loop3A_758 = arith.addf %parallel_loop3A_757, %get3A_250 : vector<16xf32>
        %parallel_loop3A_759 = arith.index_cast %parallel_loop3A_754 : i32 to index
        %parallel_loop3A_760 = arith.constant 0 : index
        %parallel_loop3A_761 = tpu.vector_load %arg8[%parallel_loop3A_759, %parallel_loop3A_760] {strides = array<i32>} : memref<256x64xf32, #tpu.memory_space<vmem>>, vector<16xf32>,
        tpu.vector_store %arg8[%parallel_loop3A_759, %parallel_loop3A_760], %parallel_loop3A_758 {strides = array<i32>} : memref<256x64xf32, #tpu.memory_space<vmem>>, vector<16xf32>,
        %parallel_loop3A_762 = arith.index_cast %parallel_loop3A_754 : i32 to index
        %parallel_loop3A_763 = arith.constant 16 : index
        %parallel_loop3A_764 = tpu.vector_load %arg8[%parallel_loop3A_762, %parallel_loop3A_763] {strides = array<i32>} : memref<256x64xf32, #tpu.memory_space<vmem>>, vector<16xf32>,
        %parallel_loop3A_765 = arith.addf %parallel_loop3A_764, %get3A_253 : vector<16xf32>
        %parallel_loop3A_766 = arith.index_cast %parallel_loop3A_754 : i32 to index
        %parallel_loop3A_767 = arith.constant 16 : index
        %parallel_loop3A_768 = tpu.vector_load %arg8[%parallel_loop3A_766, %parallel_loop3A_767] {strides = array<i32>} : memref<256x64xf32, #tpu.memory_space<vmem>>, vector<16xf32>,
        tpu.vector_store %arg8[%parallel_loop3A_766, %parallel_loop3A_767], %parallel_loop3A_765 {strides = array<i32>} : memref<256x64xf32, #tpu.memory_space<vmem>>, vector<16xf32>,
        %parallel_loop3A_769 = arith.index_cast %parallel_loop3A_754 : i32 to index
        %parallel_loop3A_770 = arith.constant 32 : index
        %parallel_loop3A_771 = tpu.vector_load %arg8[%parallel_loop3A_769, %parallel_loop3A_770] {strides = array<i32>} : memref<256x64xf32, #tpu.memory_space<vmem>>, vector<16xf32>,
        %parallel_loop3A_772 = arith.addf %parallel_loop3A_771, %get3A_256 : vector<16xf32>
        %parallel_loop3A_773 = arith.index_cast %parallel_loop3A_754 : i32 to index
        %parallel_loop3A_774 = arith.constant 32 : index
        %parallel_loop3A_775 = tpu.vector_load %arg8[%parallel_loop3A_773, %parallel_loop3A_774] {strides = array<i32>} : memref<256x64xf32, #tpu.memory_space<vmem>>, vector<16xf32>,
        tpu.vector_store %arg8[%parallel_loop3A_773, %parallel_loop3A_774], %parallel_loop3A_772 {strides = array<i32>} : memref<256x64xf32, #tpu.memory_space<vmem>>, vector<16xf32>,
        %parallel_loop3A_776 = arith.index_cast %parallel_loop3A_754 : i32 to index
        %parallel_loop3A_777 = arith.constant 48 : index
        %parallel_loop3A_778 = tpu.vector_load %arg8[%parallel_loop3A_776, %parallel_loop3A_777] {strides = array<i32>} : memref<256x64xf32, #tpu.memory_space<vmem>>, vector<16xf32>,
        %parallel_loop3A_779 = arith.addf %parallel_loop3A_778, %get3A_259 : vector<16xf32>
        %parallel_loop3A_780 = arith.index_cast %parallel_loop3A_754 : i32 to index
        %parallel_loop3A_781 = arith.constant 48 : index
        %parallel_loop3A_782 = tpu.vector_load %arg8[%parallel_loop3A_780, %parallel_loop3A_781] {strides = array<i32>} : memref<256x64xf32, #tpu.memory_space<vmem>>, vector<16xf32>,
        tpu.vector_store %arg8[%parallel_loop3A_780, %parallel_loop3A_781], %parallel_loop3A_779 {strides = array<i32>} : memref<256x64xf32, #tpu.memory_space<vmem>>, vector<16xf32>,
        %parallel_loop3A_783 = arith.constant 8 : i32
        %parallel_loop3A_784 = arith.muli %parallel_loop3A_622, %parallel_loop3A_783 : i32
        %parallel_loop3A_785 = arith.constant 5 : i32
        %parallel_loop3A_786 = arith.addi %parallel_loop3A_784, %parallel_loop3A_785 : i32
        %parallel_loop3A_787 = arith.index_cast %parallel_loop3A_786 : i32 to index
        %parallel_loop3A_788 = arith.constant 0 : index
        %parallel_loop3A_789 = tpu.vector_load %arg8[%parallel_loop3A_787, %parallel_loop3A_788] {strides = array<i32>} : memref<256x64xf32, #tpu.memory_space<vmem>>, vector<16xf32>,
        %parallel_loop3A_790 = arith.addf %parallel_loop3A_789, %get3A_250 : vector<16xf32>
        %parallel_loop3A_791 = arith.index_cast %parallel_loop3A_786 : i32 to index
        %parallel_loop3A_792 = arith.constant 0 : index
        %parallel_loop3A_793 = tpu.vector_load %arg8[%parallel_loop3A_791, %parallel_loop3A_792] {strides = array<i32>} : memref<256x64xf32, #tpu.memory_space<vmem>>, vector<16xf32>,
        tpu.vector_store %arg8[%parallel_loop3A_791, %parallel_loop3A_792], %parallel_loop3A_790 {strides = array<i32>} : memref<256x64xf32, #tpu.memory_space<vmem>>, vector<16xf32>,
        %parallel_loop3A_794 = arith.index_cast %parallel_loop3A_786 : i32 to index
        %parallel_loop3A_795 = arith.constant 16 : index
        %parallel_loop3A_796 = tpu.vector_load %arg8[%parallel_loop3A_794, %parallel_loop3A_795] {strides = array<i32>} : memref<256x64xf32, #tpu.memory_space<vmem>>, vector<16xf32>,
        %parallel_loop3A_797 = arith.addf %parallel_loop3A_796, %get3A_253 : vector<16xf32>
        %parallel_loop3A_798 = arith.index_cast %parallel_loop3A_786 : i32 to index
        %parallel_loop3A_799 = arith.constant 16 : index
        %parallel_loop3A_800 = tpu.vector_load %arg8[%parallel_loop3A_798, %parallel_loop3A_799] {strides = array<i32>} : memref<256x64xf32, #tpu.memory_space<vmem>>, vector<16xf32>,
        tpu.vector_store %arg8[%parallel_loop3A_798, %parallel_loop3A_799], %parallel_loop3A_797 {strides = array<i32>} : memref<256x64xf32, #tpu.memory_space<vmem>>, vector<16xf32>,
        %parallel_loop3A_801 = arith.index_cast %parallel_loop3A_786 : i32 to index
        %parallel_loop3A_802 = arith.constant 32 : index
        %parallel_loop3A_803 = tpu.vector_load %arg8[%parallel_loop3A_801, %parallel_loop3A_802] {strides = array<i32>} : memref<256x64xf32, #tpu.memory_space<vmem>>, vector<16xf32>,
        %parallel_loop3A_804 = arith.addf %parallel_loop3A_803, %get3A_256 : vector<16xf32>
        %parallel_loop3A_805 = arith.index_cast %parallel_loop3A_786 : i32 to index
        %parallel_loop3A_806 = arith.constant 32 : index
        %parallel_loop3A_807 = tpu.vector_load %arg8[%parallel_loop3A_805, %parallel_loop3A_806] {strides = array<i32>} : memref<256x64xf32, #tpu.memory_space<vmem>>, vector<16xf32>,
        tpu.vector_store %arg8[%parallel_loop3A_805, %parallel_loop3A_806], %parallel_loop3A_804 {strides = array<i32>} : memref<256x64xf32, #tpu.memory_space<vmem>>, vector<16xf32>,
        %parallel_loop3A_808 = arith.index_cast %parallel_loop3A_786 : i32 to index
        %parallel_loop3A_809 = arith.constant 48 : index
        %parallel_loop3A_810 = tpu.vector_load %arg8[%parallel_loop3A_808, %parallel_loop3A_809] {strides = array<i32>} : memref<256x64xf32, #tpu.memory_space<vmem>>, vector<16xf32>,
        %parallel_loop3A_811 = arith.addf %parallel_loop3A_810, %get3A_259 : vector<16xf32>
        %parallel_loop3A_812 = arith.index_cast %parallel_loop3A_786 : i32 to index
        %parallel_loop3A_813 = arith.constant 48 : index
        %parallel_loop3A_814 = tpu.vector_load %arg8[%parallel_loop3A_812, %parallel_loop3A_813] {strides = array<i32>} : memref<256x64xf32, #tpu.memory_space<vmem>>, vector<16xf32>,
        tpu.vector_store %arg8[%parallel_loop3A_812, %parallel_loop3A_813], %parallel_loop3A_811 {strides = array<i32>} : memref<256x64xf32, #tpu.memory_space<vmem>>, vector<16xf32>,
        %parallel_loop3A_815 = arith.constant 8 : i32
        %parallel_loop3A_816 = arith.muli %parallel_loop3A_622, %parallel_loop3A_815 : i32
        %parallel_loop3A_817 = arith.constant 6 : i32
        %parallel_loop3A_818 = arith.addi %parallel_loop3A_816, %parallel_loop3A_817 : i32
        %parallel_loop3A_819 = arith.index_cast %parallel_loop3A_818 : i32 to index
        %parallel_loop3A_820 = arith.constant 0 : index
        %parallel_loop3A_821 = tpu.vector_load %arg8[%parallel_loop3A_819, %parallel_loop3A_820] {strides = array<i32>} : memref<256x64xf32, #tpu.memory_space<vmem>>, vector<16xf32>,
        %parallel_loop3A_822 = arith.addf %parallel_loop3A_821, %get3A_250 : vector<16xf32>
        %parallel_loop3A_823 = arith.index_cast %parallel_loop3A_818 : i32 to index
        %parallel_loop3A_824 = arith.constant 0 : index
        %parallel_loop3A_825 = tpu.vector_load %arg8[%parallel_loop3A_823, %parallel_loop3A_824] {strides = array<i32>} : memref<256x64xf32, #tpu.memory_space<vmem>>, vector<16xf32>,
        tpu.vector_store %arg8[%parallel_loop3A_823, %parallel_loop3A_824], %parallel_loop3A_822 {strides = array<i32>} : memref<256x64xf32, #tpu.memory_space<vmem>>, vector<16xf32>,
        %parallel_loop3A_826 = arith.index_cast %parallel_loop3A_818 : i32 to index
        %parallel_loop3A_827 = arith.constant 16 : index
        %parallel_loop3A_828 = tpu.vector_load %arg8[%parallel_loop3A_826, %parallel_loop3A_827] {strides = array<i32>} : memref<256x64xf32, #tpu.memory_space<vmem>>, vector<16xf32>,
        %parallel_loop3A_829 = arith.addf %parallel_loop3A_828, %get3A_253 : vector<16xf32>
        %parallel_loop3A_830 = arith.index_cast %parallel_loop3A_818 : i32 to index
        %parallel_loop3A_831 = arith.constant 16 : index
        %parallel_loop3A_832 = tpu.vector_load %arg8[%parallel_loop3A_830, %parallel_loop3A_831] {strides = array<i32>} : memref<256x64xf32, #tpu.memory_space<vmem>>, vector<16xf32>,
        tpu.vector_store %arg8[%parallel_loop3A_830, %parallel_loop3A_831], %parallel_loop3A_829 {strides = array<i32>} : memref<256x64xf32, #tpu.memory_space<vmem>>, vector<16xf32>,
        %parallel_loop3A_833 = arith.index_cast %parallel_loop3A_818 : i32 to index
        %parallel_loop3A_834 = arith.constant 32 : index
        %parallel_loop3A_835 = tpu.vector_load %arg8[%parallel_loop3A_833, %parallel_loop3A_834] {strides = array<i32>} : memref<256x64xf32, #tpu.memory_space<vmem>>, vector<16xf32>,
        %parallel_loop3A_836 = arith.addf %parallel_loop3A_835, %get3A_256 : vector<16xf32>
        %parallel_loop3A_837 = arith.index_cast %parallel_loop3A_818 : i32 to index
        %parallel_loop3A_838 = arith.constant 32 : index
        %parallel_loop3A_839 = tpu.vector_load %arg8[%parallel_loop3A_837, %parallel_loop3A_838] {strides = array<i32>} : memref<256x64xf32, #tpu.memory_space<vmem>>, vector<16xf32>,
        tpu.vector_store %arg8[%parallel_loop3A_837, %parallel_loop3A_838], %parallel_loop3A_836 {strides = array<i32>} : memref<256x64xf32, #tpu.memory_space<vmem>>, vector<16xf32>,
        %parallel_loop3A_840 = arith.index_cast %parallel_loop3A_818 : i32 to index
        %parallel_loop3A_841 = arith.constant 48 : index
        %parallel_loop3A_842 = tpu.vector_load %arg8[%parallel_loop3A_840, %parallel_loop3A_841] {strides = array<i32>} : memref<256x64xf32, #tpu.memory_space<vmem>>, vector<16xf32>,
        %parallel_loop3A_843 = arith.addf %parallel_loop3A_842, %get3A_259 : vector<16xf32>
        %parallel_loop3A_844 = arith.index_cast %parallel_loop3A_818 : i32 to index
        %parallel_loop3A_845 = arith.constant 48 : index
        %parallel_loop3A_846 = tpu.vector_load %arg8[%parallel_loop3A_844, %parallel_loop3A_845] {strides = array<i32>} : memref<256x64xf32, #tpu.memory_space<vmem>>, vector<16xf32>,
        tpu.vector_store %arg8[%parallel_loop3A_844, %parallel_loop3A_845], %parallel_loop3A_843 {strides = array<i32>} : memref<256x64xf32, #tpu.memory_space<vmem>>, vector<16xf32>,
        %parallel_loop3A_847 = arith.constant 8 : i32
        %parallel_loop3A_848 = arith.muli %parallel_loop3A_622, %parallel_loop3A_847 : i32
        %parallel_loop3A_849 = arith.constant 7 : i32
        %parallel_loop3A_850 = arith.addi %parallel_loop3A_848, %parallel_loop3A_849 : i32
        %parallel_loop3A_851 = arith.index_cast %parallel_loop3A_850 : i32 to index
        %parallel_loop3A_852 = arith.constant 0 : index
        %parallel_loop3A_853 = tpu.vector_load %arg8[%parallel_loop3A_851, %parallel_loop3A_852] {strides = array<i32>} : memref<256x64xf32, #tpu.memory_space<vmem>>, vector<16xf32>,
        %parallel_loop3A_854 = arith.addf %parallel_loop3A_853, %get3A_250 : vector<16xf32>
        %parallel_loop3A_855 = arith.index_cast %parallel_loop3A_850 : i32 to index
        %parallel_loop3A_856 = arith.constant 0 : index
        %parallel_loop3A_857 = tpu.vector_load %arg8[%parallel_loop3A_855, %parallel_loop3A_856] {strides = array<i32>} : memref<256x64xf32, #tpu.memory_space<vmem>>, vector<16xf32>,
        tpu.vector_store %arg8[%parallel_loop3A_855, %parallel_loop3A_856], %parallel_loop3A_854 {strides = array<i32>} : memref<256x64xf32, #tpu.memory_space<vmem>>, vector<16xf32>,
        %parallel_loop3A_858 = arith.index_cast %parallel_loop3A_850 : i32 to index
        %parallel_loop3A_859 = arith.constant 16 : index
        %parallel_loop3A_860 = tpu.vector_load %arg8[%parallel_loop3A_858, %parallel_loop3A_859] {strides = array<i32>} : memref<256x64xf32, #tpu.memory_space<vmem>>, vector<16xf32>,
        %parallel_loop3A_861 = arith.addf %parallel_loop3A_860, %get3A_253 : vector<16xf32>
        %parallel_loop3A_862 = arith.index_cast %parallel_loop3A_850 : i32 to index
        %parallel_loop3A_863 = arith.constant 16 : index
        %parallel_loop3A_864 = tpu.vector_load %arg8[%parallel_loop3A_862, %parallel_loop3A_863] {strides = array<i32>} : memref<256x64xf32, #tpu.memory_space<vmem>>, vector<16xf32>,
        tpu.vector_store %arg8[%parallel_loop3A_862, %parallel_loop3A_863], %parallel_loop3A_861 {strides = array<i32>} : memref<256x64xf32, #tpu.memory_space<vmem>>, vector<16xf32>,
        %parallel_loop3A_865 = arith.index_cast %parallel_loop3A_850 : i32 to index
        %parallel_loop3A_866 = arith.constant 32 : index
        %parallel_loop3A_867 = tpu.vector_load %arg8[%parallel_loop3A_865, %parallel_loop3A_866] {strides = array<i32>} : memref<256x64xf32, #tpu.memory_space<vmem>>, vector<16xf32>,
        %parallel_loop3A_868 = arith.addf %parallel_loop3A_867, %get3A_256 : vector<16xf32>
        %parallel_loop3A_869 = arith.index_cast %parallel_loop3A_850 : i32 to index
        %parallel_loop3A_870 = arith.constant 32 : index
        %parallel_loop3A_871 = tpu.vector_load %arg8[%parallel_loop3A_869, %parallel_loop3A_870] {strides = array<i32>} : memref<256x64xf32, #tpu.memory_space<vmem>>, vector<16xf32>,
        tpu.vector_store %arg8[%parallel_loop3A_869, %parallel_loop3A_870], %parallel_loop3A_868 {strides = array<i32>} : memref<256x64xf32, #tpu.memory_space<vmem>>, vector<16xf32>,
        %parallel_loop3A_872 = arith.index_cast %parallel_loop3A_850 : i32 to index
        %parallel_loop3A_873 = arith.constant 48 : index
        %parallel_loop3A_874 = tpu.vector_load %arg8[%parallel_loop3A_872, %parallel_loop3A_873] {strides = array<i32>} : memref<256x64xf32, #tpu.memory_space<vmem>>, vector<16xf32>,
        %parallel_loop3A_875 = arith.addf %parallel_loop3A_874, %get3A_259 : vector<16xf32>
        %parallel_loop3A_876 = arith.index_cast %parallel_loop3A_850 : i32 to index
        %parallel_loop3A_877 = arith.constant 48 : index
        %parallel_loop3A_878 = tpu.vector_load %arg8[%parallel_loop3A_876, %parallel_loop3A_877] {strides = array<i32>} : memref<256x64xf32, #tpu.memory_space<vmem>>, vector<16xf32>,
        tpu.vector_store %arg8[%parallel_loop3A_876, %parallel_loop3A_877], %parallel_loop3A_875 {strides = array<i32>} : memref<256x64xf32, #tpu.memory_space<vmem>>, vector<16xf32>,
      } {sc.loop_unroll_factor = 2 : i64, sc.parallel_access}
      %jit3A_263 = arith.constant 2 : i32
      %div3A_264 = arith.divsi %add3A_176, %jit3A_263 : i32
      %sign3A_265 = arith.constant 0 : i32
      %sign3A_266 = arith.cmpi sgt, %add3A_176, %sign3A_265 : i32
      %sign3A_267 = arith.extui %sign3A_266 : i1 to i32
      %sign3A_268 = arith.constant 0 : i32
      %sign3A_269 = arith.cmpi slt, %add3A_176, %sign3A_268 : i32
      %sign3A_270 = arith.extui %sign3A_269 : i1 to i32
      %sign3A_271 = arith.subi %sign3A_267, %sign3A_270 : i32
      %sign3A_272 = arith.constant 0 : i32
      %sign3A_273 = arith.cmpi sgt, %jit3A_263, %sign3A_272 : i32
      %sign3A_274 = arith.extui %sign3A_273 : i1 to i32
      %sign3A_275 = arith.constant 0 : i32
      %sign3A_276 = arith.cmpi slt, %jit3A_263, %sign3A_275 : i32
      %sign3A_277 = arith.extui %sign3A_276 : i1 to i32
      %sign3A_278 = arith.subi %sign3A_274, %sign3A_277 : i32
      %ne3A_279 = arith.cmpi ne, %sign3A_271, %sign3A_278 : i32
      %rem3A_280 = arith.remsi %add3A_176, %jit3A_263 : i32
      %ne3A_281 = arith.constant 0 : i32
      %ne3A_282 = arith.cmpi ne, %rem3A_280, %ne3A_281 : i32
      %and3A_283 = arith.andi %ne3A_279, %ne3A_282 : i1
      %sub3A_284 = arith.constant 1 : i32
      %sub3A_285 = arith.subi %div3A_264, %sub3A_284 : i32
      %select_n3A_286 = arith.select %and3A_283, %sub3A_285, %div3A_264 : i32
      %jit3A_287 = arith.constant 2 : i32
      %eq3A_288 = arith.constant 0 : i32
      %eq3A_289 = arith.cmpi eq, %jit3A_287, %eq3A_288 : i32
      %jit3A_290 = arith.constant 1 : i32
      %select_n3A_291 = arith.select %eq3A_289, %jit3A_290, %jit3A_287 : i32
      %rem3A_292 = arith.remsi %add3A_176, %select_n3A_291 : i32
      %ne3A_293 = arith.constant 0 : i32
      %ne3A_294 = arith.cmpi ne, %rem3A_292, %ne3A_293 : i32
      %lt3A_295 = arith.constant 0 : i32
      %lt3A_296 = arith.cmpi slt, %rem3A_292, %lt3A_295 : i32
      %lt3A_297 = arith.constant 0 : i32
      %lt3A_298 = arith.cmpi slt, %select_n3A_291, %lt3A_297 : i32
      %ne3A_299 = arith.xori %lt3A_296, %lt3A_298 : i1
      %and3A_300 = arith.andi %ne3A_299, %ne3A_294 : i1
      %add3A_301 = arith.addi %rem3A_292, %select_n3A_291 : i32
      %select_n3A_302 = arith.select %and3A_300, %add3A_301, %rem3A_292 : i32
      %mul3A_303 = arith.constant 256 : i32
      %mul3A_304 = arith.muli %select_n3A_302, %mul3A_303 : i32
      %add3A_305 = arith.addi %mul3A_2, %mul3A_304 : i32
      %dma_start3A_306 = arith.constant 0 : i32
      %dma_start3A_307 = tpu.memref_slice %arg5[%select_n3A_286, %add3A_305, %dma_start3A_306] : memref<26x16384x64xf32, #tpu.memory_space<hbm>> -> memref<1x256x64xf32, #tpu.memory_space<hbm>>
      %dma_start3A_308 = tpu.memref_squeeze %dma_start3A_307 : memref<1x256x64xf32, #tpu.memory_space<hbm>> -> memref<256x64xf32, #tpu.memory_space<hbm>>
      %dma_start3A_309 = arith.constant 0 : i32
      %dma_start3A_310 = tpu.memref_slice %arg5[%select_n3A_286, %add3A_305, %dma_start3A_309] : memref<26x16384x64xf32, #tpu.memory_space<hbm>> -> memref<1x256x64xf32, #tpu.memory_space<hbm>>
      %dma_start3A_311 = tpu.memref_squeeze %dma_start3A_310 : memref<1x256x64xf32, #tpu.memory_space<hbm>> -> memref<256x64xf32, #tpu.memory_space<hbm>>
      tpu.enqueue_dma source(%arg8 : memref<256x64xf32, #tpu.memory_space<vmem>>) target(%dma_start3A_311 : memref<256x64xf32, #tpu.memory_space<hbm>>) target_semaphore(%arg17 : memref<!tpu.dma_semaphore, #tpu.memory_space<semaphore_mem>>)
      %ge3A_312 = arith.constant 2 : i32
      %ge3A_313 = arith.cmpi sge, %add3A_176, %ge3A_312 : i32
      %convert_element_type3A_314 = arith.extui %ge3A_313 : i1 to i32
      %cond3A_315 = arith.constant 0 : i32
      %cond3A_316 = arith.cmpi ne, %convert_element_type3A_314, %cond3A_315 : i32
      scf.if %cond3A_316 {
        %sub3A_622 = arith.constant 2 : i32
        %sub3A_623 = arith.subi %add3A_176, %sub3A_622 : i32
        %jit3A_624 = arith.constant 2 : i32
        %div3A_625 = arith.divsi %sub3A_623, %jit3A_624 : i32
        %sign3A_626 = arith.constant 0 : i32
        %sign3A_627 = arith.cmpi sgt, %sub3A_623, %sign3A_626 : i32
        %sign3A_628 = arith.extui %sign3A_627 : i1 to i32
        %sign3A_629 = arith.constant 0 : i32
        %sign3A_630 = arith.cmpi slt, %sub3A_623, %sign3A_629 : i32
        %sign3A_631 = arith.extui %sign3A_630 : i1 to i32
        %sign3A_632 = arith.subi %sign3A_628, %sign3A_631 : i32
        %sign3A_633 = arith.constant 0 : i32
        %sign3A_634 = arith.cmpi sgt, %jit3A_624, %sign3A_633 : i32
        %sign3A_635 = arith.extui %sign3A_634 : i1 to i32
        %sign3A_636 = arith.constant 0 : i32
        %sign3A_637 = arith.cmpi slt, %jit3A_624, %sign3A_636 : i32
        %sign3A_638 = arith.extui %sign3A_637 : i1 to i32
        %sign3A_639 = arith.subi %sign3A_635, %sign3A_638 : i32
        %ne3A_640 = arith.cmpi ne, %sign3A_632, %sign3A_639 : i32
        %rem3A_641 = arith.remsi %sub3A_623, %jit3A_624 : i32
        %ne3A_642 = arith.constant 0 : i32
        %ne3A_643 = arith.cmpi ne, %rem3A_641, %ne3A_642 : i32
        %and3A_644 = arith.andi %ne3A_640, %ne3A_643 : i1
        %sub3A_645 = arith.constant 1 : i32
        %sub3A_646 = arith.subi %div3A_625, %sub3A_645 : i32
        %select_n3A_647 = arith.select %and3A_644, %sub3A_646, %div3A_625 : i32
        %jit3A_648 = arith.constant 2 : i32
        %eq3A_649 = arith.constant 0 : i32
        %eq3A_650 = arith.cmpi eq, %jit3A_648, %eq3A_649 : i32
        %jit3A_651 = arith.constant 1 : i32
        %select_n3A_652 = arith.select %eq3A_650, %jit3A_651, %jit3A_648 : i32
        %rem3A_653 = arith.remsi %sub3A_623, %select_n3A_652 : i32
        %ne3A_654 = arith.constant 0 : i32
        %ne3A_655 = arith.cmpi ne, %rem3A_653, %ne3A_654 : i32
        %lt3A_656 = arith.constant 0 : i32
        %lt3A_657 = arith.cmpi slt, %rem3A_653, %lt3A_656 : i32
        %lt3A_658 = arith.constant 0 : i32
        %lt3A_659 = arith.cmpi slt, %select_n3A_652, %lt3A_658 : i32
        %ne3A_660 = arith.xori %lt3A_657, %lt3A_659 : i1
        %and3A_661 = arith.andi %ne3A_660, %ne3A_655 : i1
        %add3A_662 = arith.addi %rem3A_653, %select_n3A_652 : i32
        %select_n3A_663 = arith.select %and3A_661, %add3A_662, %rem3A_653 : i32
        %mul3A_664 = arith.constant 256 : i32
        %mul3A_665 = arith.muli %select_n3A_663, %mul3A_664 : i32
        %add3A_666 = arith.addi %mul3A_2, %mul3A_665 : i32
        %dma_wait3A_667 = arith.constant 0 : i32
        %dma_wait3A_668 = tpu.memref_slice %arg5[%select_n3A_647, %add3A_666, %dma_wait3A_667] : memref<26x16384x64xf32, #tpu.memory_space<hbm>> -> memref<1x256x64xf32, #tpu.memory_space<hbm>>
        %dma_wait3A_669 = tpu.memref_squeeze %dma_wait3A_668 : memref<1x256x64xf32, #tpu.memory_space<hbm>> -> memref<256x64xf32, #tpu.memory_space<hbm>>
        %dma_wait3A_670 = arith.constant 0 : i32
        %dma_wait3A_671 = tpu.memref_slice %arg5[%select_n3A_647, %add3A_666, %dma_wait3A_670] : memref<26x16384x64xf32, #tpu.memory_space<hbm>> -> memref<1x256x64xf32, #tpu.memory_space<hbm>>
        %dma_wait3A_672 = tpu.memref_squeeze %dma_wait3A_671 : memref<1x256x64xf32, #tpu.memory_space<hbm>> -> memref<256x64xf32, #tpu.memory_space<hbm>>
        tpu.wait_dma2 semaphore(%arg19 : memref<!tpu.dma_semaphore, #tpu.memory_space<semaphore_mem>>) src(%arg10 : memref<256x64xf32, #tpu.memory_space<vmem>>) dst(%dma_wait3A_672 : memref<256x64xf32, #tpu.memory_space<hbm>>)
      } else {
      }
      %add3A_317 = arith.constant 2 : i32
      %add3A_318 = arith.addi %add3A_176, %add3A_317 : i32
      %lt3A_319 = arith.constant 52 : i32
      %lt3A_320 = arith.cmpi slt, %add3A_318, %lt3A_319 : i32
      %convert_element_type3A_321 = arith.extui %lt3A_320 : i1 to i32
      %cond3A_322 = arith.constant 0 : i32
      %cond3A_323 = arith.cmpi ne, %convert_element_type3A_321, %cond3A_322 : i32
      scf.if %cond3A_323 {
        %add3A_622 = arith.constant 2 : i32
        %add3A_623 = arith.addi %add3A_176, %add3A_622 : i32
        %jit3A_624 = arith.constant 2 : i32
        %div3A_625 = arith.divsi %add3A_623, %jit3A_624 : i32
        %sign3A_626 = arith.constant 0 : i32
        %sign3A_627 = arith.cmpi sgt, %add3A_623, %sign3A_626 : i32
        %sign3A_628 = arith.extui %sign3A_627 : i1 to i32
        %sign3A_629 = arith.constant 0 : i32
        %sign3A_630 = arith.cmpi slt, %add3A_623, %sign3A_629 : i32
        %sign3A_631 = arith.extui %sign3A_630 : i1 to i32
        %sign3A_632 = arith.subi %sign3A_628, %sign3A_631 : i32
        %sign3A_633 = arith.constant 0 : i32
        %sign3A_634 = arith.cmpi sgt, %jit3A_624, %sign3A_633 : i32
        %sign3A_635 = arith.extui %sign3A_634 : i1 to i32
        %sign3A_636 = arith.constant 0 : i32
        %sign3A_637 = arith.cmpi slt, %jit3A_624, %sign3A_636 : i32
        %sign3A_638 = arith.extui %sign3A_637 : i1 to i32
        %sign3A_639 = arith.subi %sign3A_635, %sign3A_638 : i32
        %ne3A_640 = arith.cmpi ne, %sign3A_632, %sign3A_639 : i32
        %rem3A_641 = arith.remsi %add3A_623, %jit3A_624 : i32
        %ne3A_642 = arith.constant 0 : i32
        %ne3A_643 = arith.cmpi ne, %rem3A_641, %ne3A_642 : i32
        %and3A_644 = arith.andi %ne3A_640, %ne3A_643 : i1
        %sub3A_645 = arith.constant 1 : i32
        %sub3A_646 = arith.subi %div3A_625, %sub3A_645 : i32
        %select_n3A_647 = arith.select %and3A_644, %sub3A_646, %div3A_625 : i32
        %jit3A_648 = arith.constant 2 : i32
        %eq3A_649 = arith.constant 0 : i32
        %eq3A_650 = arith.cmpi eq, %jit3A_648, %eq3A_649 : i32
        %jit3A_651 = arith.constant 1 : i32
        %select_n3A_652 = arith.select %eq3A_650, %jit3A_651, %jit3A_648 : i32
        %rem3A_653 = arith.remsi %add3A_623, %select_n3A_652 : i32
        %ne3A_654 = arith.constant 0 : i32
        %ne3A_655 = arith.cmpi ne, %rem3A_653, %ne3A_654 : i32
        %lt3A_656 = arith.constant 0 : i32
        %lt3A_657 = arith.cmpi slt, %rem3A_653, %lt3A_656 : i32
        %lt3A_658 = arith.constant 0 : i32
        %lt3A_659 = arith.cmpi slt, %select_n3A_652, %lt3A_658 : i32
        %ne3A_660 = arith.xori %lt3A_657, %lt3A_659 : i1
        %and3A_661 = arith.andi %ne3A_660, %ne3A_655 : i1
        %add3A_662 = arith.addi %rem3A_653, %select_n3A_652 : i32
        %select_n3A_663 = arith.select %and3A_661, %add3A_662, %rem3A_653 : i32
        %mul3A_664 = arith.constant 256 : i32
        %mul3A_665 = arith.muli %select_n3A_663, %mul3A_664 : i32
        %dma_start3A_666 = tpu.memref_slice %arg6[%select_n3A_647, %mul3A_665] : memref<26x512xi32, #tpu.memory_space<vmem>> -> memref<1x256xi32, #tpu.memory_space<vmem>>
        %dma_start3A_667 = tpu.memref_squeeze %dma_start3A_666 : memref<1x256xi32, #tpu.memory_space<vmem>> -> memref<256xi32, #tpu.memory_space<vmem>>
        %dma_start3A_668 = arith.constant 0 : i32
        %dma_start3A_669 = arith.constant 0 : i32
        %dma_start3A_670 = tpu.memref_slice %arg3[%dma_start3A_668, %dma_start3A_669] : memref<999987x64xf32, #tpu.memory_space<hbm>> -> memref<999987x64xf32, #tpu.memory_space<hbm>>
        tpu.enqueue_indirect_dma source(%dma_start3A_670 : memref<999987x64xf32, #tpu.memory_space<hbm>>) target(%arg10 : memref<256x64xf32, #tpu.memory_space<vmem>>) offsets(%dma_start3A_667 : memref<256xi32, #tpu.memory_space<vmem>>) semaphore(%arg15 : memref<!tpu.dma_semaphore, #tpu.memory_space<semaphore_mem>>)
      } else {
      }
      %add3A_324 = arith.constant 2 : i32
      %add3A_325 = arith.addi %mul3A_40, %add3A_324 : i32
      %jit3A_326 = arith.constant 2 : i32
      %div3A_327 = arith.divsi %add3A_325, %jit3A_326 : i32
      %sign3A_328 = arith.constant 0 : i32
      %sign3A_329 = arith.cmpi sgt, %add3A_325, %sign3A_328 : i32
      %sign3A_330 = arith.extui %sign3A_329 : i1 to i32
      %sign3A_331 = arith.constant 0 : i32
      %sign3A_332 = arith.cmpi slt, %add3A_325, %sign3A_331 : i32
      %sign3A_333 = arith.extui %sign3A_332 : i1 to i32
      %sign3A_334 = arith.subi %sign3A_330, %sign3A_333 : i32
      %sign3A_335 = arith.constant 0 : i32
      %sign3A_336 = arith.cmpi sgt, %jit3A_326, %sign3A_335 : i32
      %sign3A_337 = arith.extui %sign3A_336 : i1 to i32
      %sign3A_338 = arith.constant 0 : i32
      %sign3A_339 = arith.cmpi slt, %jit3A_326, %sign3A_338 : i32
      %sign3A_340 = arith.extui %sign3A_339 : i1 to i32
      %sign3A_341 = arith.subi %sign3A_337, %sign3A_340 : i32
      %ne3A_342 = arith.cmpi ne, %sign3A_334, %sign3A_341 : i32
      %rem3A_343 = arith.remsi %add3A_325, %jit3A_326 : i32
      %ne3A_344 = arith.constant 0 : i32
      %ne3A_345 = arith.cmpi ne, %rem3A_343, %ne3A_344 : i32
      %and3A_346 = arith.andi %ne3A_342, %ne3A_345 : i1
      %sub3A_347 = arith.constant 1 : i32
      %sub3A_348 = arith.subi %div3A_327, %sub3A_347 : i32
      %select_n3A_349 = arith.select %and3A_346, %sub3A_348, %div3A_327 : i32
      %jit3A_350 = arith.constant 2 : i32
      %eq3A_351 = arith.constant 0 : i32
      %eq3A_352 = arith.cmpi eq, %jit3A_350, %eq3A_351 : i32
      %jit3A_353 = arith.constant 1 : i32
      %select_n3A_354 = arith.select %eq3A_352, %jit3A_353, %jit3A_350 : i32
      %rem3A_355 = arith.remsi %add3A_325, %select_n3A_354 : i32
      %ne3A_356 = arith.constant 0 : i32
      %ne3A_357 = arith.cmpi ne, %rem3A_355, %ne3A_356 : i32
      %lt3A_358 = arith.constant 0 : i32
      %lt3A_359 = arith.cmpi slt, %rem3A_355, %lt3A_358 : i32
      %lt3A_360 = arith.constant 0 : i32
      %lt3A_361 = arith.cmpi slt, %select_n3A_354, %lt3A_360 : i32
      %ne3A_362 = arith.xori %lt3A_359, %lt3A_361 : i1
      %and3A_363 = arith.andi %ne3A_362, %ne3A_357 : i1
      %add3A_364 = arith.addi %rem3A_355, %select_n3A_354 : i32
      %select_n3A_365 = arith.select %and3A_363, %add3A_364, %rem3A_355 : i32
      %mul3A_366 = arith.constant 256 : i32
      %mul3A_367 = arith.muli %select_n3A_365, %mul3A_366 : i32
      %dma_wait3A_368 = tpu.memref_slice %arg6[%select_n3A_349, %mul3A_367] : memref<26x512xi32, #tpu.memory_space<vmem>> -> memref<1x256xi32, #tpu.memory_space<vmem>>
      %dma_wait3A_369 = tpu.memref_squeeze %dma_wait3A_368 : memref<1x256xi32, #tpu.memory_space<vmem>> -> memref<256xi32, #tpu.memory_space<vmem>>
      %dma_wait3A_370 = arith.constant 0 : i32
      %dma_wait3A_371 = arith.constant 0 : i32
      %dma_wait3A_372 = tpu.memref_slice %arg3[%dma_wait3A_370, %dma_wait3A_371] : memref<999987x64xf32, #tpu.memory_space<hbm>> -> memref<999987x64xf32, #tpu.memory_space<hbm>>
      tpu.wait_indirect_dma semaphore(%arg14 : memref<!tpu.dma_semaphore, #tpu.memory_space<semaphore_mem>>) src(%dma_wait3A_372 : memref<999987x64xf32, #tpu.memory_space<hbm>>) dst(%arg9 : memref<256x64xf32, #tpu.memory_space<vmem>>)
      %jit3A_373 = arith.constant 2 : i32
      %div3A_374 = arith.divsi %add3A_325, %jit3A_373 : i32
      %sign3A_375 = arith.constant 0 : i32
      %sign3A_376 = arith.cmpi sgt, %add3A_325, %sign3A_375 : i32
      %sign3A_377 = arith.extui %sign3A_376 : i1 to i32
      %sign3A_378 = arith.constant 0 : i32
      %sign3A_379 = arith.cmpi slt, %add3A_325, %sign3A_378 : i32
      %sign3A_380 = arith.extui %sign3A_379 : i1 to i32
      %sign3A_381 = arith.subi %sign3A_377, %sign3A_380 : i32
      %sign3A_382 = arith.constant 0 : i32
      %sign3A_383 = arith.cmpi sgt, %jit3A_373, %sign3A_382 : i32
      %sign3A_384 = arith.extui %sign3A_383 : i1 to i32
      %sign3A_385 = arith.constant 0 : i32
      %sign3A_386 = arith.cmpi slt, %jit3A_373, %sign3A_385 : i32
      %sign3A_387 = arith.extui %sign3A_386 : i1 to i32
      %sign3A_388 = arith.subi %sign3A_384, %sign3A_387 : i32
      %ne3A_389 = arith.cmpi ne, %sign3A_381, %sign3A_388 : i32
      %rem3A_390 = arith.remsi %add3A_325, %jit3A_373 : i32
      %ne3A_391 = arith.constant 0 : i32
      %ne3A_392 = arith.cmpi ne, %rem3A_390, %ne3A_391 : i32
      %and3A_393 = arith.andi %ne3A_389, %ne3A_392 : i1
      %sub3A_394 = arith.constant 1 : i32
      %sub3A_395 = arith.subi %div3A_374, %sub3A_394 : i32
      %select_n3A_396 = arith.select %and3A_393, %sub3A_395, %div3A_374 : i32
      %get3A_397 = arith.index_cast %select_n3A_396 : i32 to index
      %get3A_398 = arith.constant 0 : index
      %get3A_399 = tpu.vector_load %arg11[%get3A_397, %get3A_398] {strides = array<i32>} : memref<26x64xf32, #tpu.memory_space<vmem>>, vector<16xf32>,
      %get3A_400 = arith.index_cast %select_n3A_396 : i32 to index
      %get3A_401 = arith.constant 16 : index
      %get3A_402 = tpu.vector_load %arg11[%get3A_400, %get3A_401] {strides = array<i32>} : memref<26x64xf32, #tpu.memory_space<vmem>>, vector<16xf32>,
      %get3A_403 = arith.index_cast %select_n3A_396 : i32 to index
      %get3A_404 = arith.constant 32 : index
      %get3A_405 = tpu.vector_load %arg11[%get3A_403, %get3A_404] {strides = array<i32>} : memref<26x64xf32, #tpu.memory_space<vmem>>, vector<16xf32>,
      %get3A_406 = arith.index_cast %select_n3A_396 : i32 to index
      %get3A_407 = arith.constant 48 : index
      %get3A_408 = tpu.vector_load %arg11[%get3A_406, %get3A_407] {strides = array<i32>} : memref<26x64xf32, #tpu.memory_space<vmem>>, vector<16xf32>,
      %parallel_loop3A_409 = arith.constant 0 : i32
      %parallel_loop3A_410 = arith.constant 32 : i32
      %parallel_loop3A_411 = arith.constant 1 : i32
      scf.for %parallel_loop3A_622 = %parallel_loop3A_409 to %parallel_loop3A_410 step %parallel_loop3A_411  : i32 {
        %parallel_loop3A_623 = arith.constant 8 : i32
        %parallel_loop3A_624 = arith.muli %parallel_loop3A_622, %parallel_loop3A_623 : i32
        %parallel_loop3A_625 = arith.constant 0 : i32
        %parallel_loop3A_626 = arith.addi %parallel_loop3A_624, %parallel_loop3A_625 : i32
        %parallel_loop3A_627 = arith.index_cast %parallel_loop3A_626 : i32 to index
        %parallel_loop3A_628 = arith.constant 0 : index
        %parallel_loop3A_629 = tpu.vector_load %arg9[%parallel_loop3A_627, %parallel_loop3A_628] {strides = array<i32>} : memref<256x64xf32, #tpu.memory_space<vmem>>, vector<16xf32>,
        %parallel_loop3A_630 = arith.addf %parallel_loop3A_629, %get3A_399 : vector<16xf32>
        %parallel_loop3A_631 = arith.index_cast %parallel_loop3A_626 : i32 to index
        %parallel_loop3A_632 = arith.constant 0 : index
        %parallel_loop3A_633 = tpu.vector_load %arg9[%parallel_loop3A_631, %parallel_loop3A_632] {strides = array<i32>} : memref<256x64xf32, #tpu.memory_space<vmem>>, vector<16xf32>,
        tpu.vector_store %arg9[%parallel_loop3A_631, %parallel_loop3A_632], %parallel_loop3A_630 {strides = array<i32>} : memref<256x64xf32, #tpu.memory_space<vmem>>, vector<16xf32>,
        %parallel_loop3A_634 = arith.index_cast %parallel_loop3A_626 : i32 to index
        %parallel_loop3A_635 = arith.constant 16 : index
        %parallel_loop3A_636 = tpu.vector_load %arg9[%parallel_loop3A_634, %parallel_loop3A_635] {strides = array<i32>} : memref<256x64xf32, #tpu.memory_space<vmem>>, vector<16xf32>,
        %parallel_loop3A_637 = arith.addf %parallel_loop3A_636, %get3A_402 : vector<16xf32>
        %parallel_loop3A_638 = arith.index_cast %parallel_loop3A_626 : i32 to index
        %parallel_loop3A_639 = arith.constant 16 : index
        %parallel_loop3A_640 = tpu.vector_load %arg9[%parallel_loop3A_638, %parallel_loop3A_639] {strides = array<i32>} : memref<256x64xf32, #tpu.memory_space<vmem>>, vector<16xf32>,
        tpu.vector_store %arg9[%parallel_loop3A_638, %parallel_loop3A_639], %parallel_loop3A_637 {strides = array<i32>} : memref<256x64xf32, #tpu.memory_space<vmem>>, vector<16xf32>,
        %parallel_loop3A_641 = arith.index_cast %parallel_loop3A_626 : i32 to index
        %parallel_loop3A_642 = arith.constant 32 : index
        %parallel_loop3A_643 = tpu.vector_load %arg9[%parallel_loop3A_641, %parallel_loop3A_642] {strides = array<i32>} : memref<256x64xf32, #tpu.memory_space<vmem>>, vector<16xf32>,
        %parallel_loop3A_644 = arith.addf %parallel_loop3A_643, %get3A_405 : vector<16xf32>
        %parallel_loop3A_645 = arith.index_cast %parallel_loop3A_626 : i32 to index
        %parallel_loop3A_646 = arith.constant 32 : index
        %parallel_loop3A_647 = tpu.vector_load %arg9[%parallel_loop3A_645, %parallel_loop3A_646] {strides = array<i32>} : memref<256x64xf32, #tpu.memory_space<vmem>>, vector<16xf32>,
        tpu.vector_store %arg9[%parallel_loop3A_645, %parallel_loop3A_646], %parallel_loop3A_644 {strides = array<i32>} : memref<256x64xf32, #tpu.memory_space<vmem>>, vector<16xf32>,
        %parallel_loop3A_648 = arith.index_cast %parallel_loop3A_626 : i32 to index
        %parallel_loop3A_649 = arith.constant 48 : index
        %parallel_loop3A_650 = tpu.vector_load %arg9[%parallel_loop3A_648, %parallel_loop3A_649] {strides = array<i32>} : memref<256x64xf32, #tpu.memory_space<vmem>>, vector<16xf32>,
        %parallel_loop3A_651 = arith.addf %parallel_loop3A_650, %get3A_408 : vector<16xf32>
        %parallel_loop3A_652 = arith.index_cast %parallel_loop3A_626 : i32 to index
        %parallel_loop3A_653 = arith.constant 48 : index
        %parallel_loop3A_654 = tpu.vector_load %arg9[%parallel_loop3A_652, %parallel_loop3A_653] {strides = array<i32>} : memref<256x64xf32, #tpu.memory_space<vmem>>, vector<16xf32>,
        tpu.vector_store %arg9[%parallel_loop3A_652, %parallel_loop3A_653], %parallel_loop3A_651 {strides = array<i32>} : memref<256x64xf32, #tpu.memory_space<vmem>>, vector<16xf32>,
        %parallel_loop3A_655 = arith.constant 8 : i32
        %parallel_loop3A_656 = arith.muli %parallel_loop3A_622, %parallel_loop3A_655 : i32
        %parallel_loop3A_657 = arith.constant 1 : i32
        %parallel_loop3A_658 = arith.addi %parallel_loop3A_656, %parallel_loop3A_657 : i32
        %parallel_loop3A_659 = arith.index_cast %parallel_loop3A_658 : i32 to index
        %parallel_loop3A_660 = arith.constant 0 : index
        %parallel_loop3A_661 = tpu.vector_load %arg9[%parallel_loop3A_659, %parallel_loop3A_660] {strides = array<i32>} : memref<256x64xf32, #tpu.memory_space<vmem>>, vector<16xf32>,
        %parallel_loop3A_662 = arith.addf %parallel_loop3A_661, %get3A_399 : vector<16xf32>
        %parallel_loop3A_663 = arith.index_cast %parallel_loop3A_658 : i32 to index
        %parallel_loop3A_664 = arith.constant 0 : index
        %parallel_loop3A_665 = tpu.vector_load %arg9[%parallel_loop3A_663, %parallel_loop3A_664] {strides = array<i32>} : memref<256x64xf32, #tpu.memory_space<vmem>>, vector<16xf32>,
        tpu.vector_store %arg9[%parallel_loop3A_663, %parallel_loop3A_664], %parallel_loop3A_662 {strides = array<i32>} : memref<256x64xf32, #tpu.memory_space<vmem>>, vector<16xf32>,
        %parallel_loop3A_666 = arith.index_cast %parallel_loop3A_658 : i32 to index
        %parallel_loop3A_667 = arith.constant 16 : index
        %parallel_loop3A_668 = tpu.vector_load %arg9[%parallel_loop3A_666, %parallel_loop3A_667] {strides = array<i32>} : memref<256x64xf32, #tpu.memory_space<vmem>>, vector<16xf32>,
        %parallel_loop3A_669 = arith.addf %parallel_loop3A_668, %get3A_402 : vector<16xf32>
        %parallel_loop3A_670 = arith.index_cast %parallel_loop3A_658 : i32 to index
        %parallel_loop3A_671 = arith.constant 16 : index
        %parallel_loop3A_672 = tpu.vector_load %arg9[%parallel_loop3A_670, %parallel_loop3A_671] {strides = array<i32>} : memref<256x64xf32, #tpu.memory_space<vmem>>, vector<16xf32>,
        tpu.vector_store %arg9[%parallel_loop3A_670, %parallel_loop3A_671], %parallel_loop3A_669 {strides = array<i32>} : memref<256x64xf32, #tpu.memory_space<vmem>>, vector<16xf32>,
        %parallel_loop3A_673 = arith.index_cast %parallel_loop3A_658 : i32 to index
        %parallel_loop3A_674 = arith.constant 32 : index
        %parallel_loop3A_675 = tpu.vector_load %arg9[%parallel_loop3A_673, %parallel_loop3A_674] {strides = array<i32>} : memref<256x64xf32, #tpu.memory_space<vmem>>, vector<16xf32>,
        %parallel_loop3A_676 = arith.addf %parallel_loop3A_675, %get3A_405 : vector<16xf32>
        %parallel_loop3A_677 = arith.index_cast %parallel_loop3A_658 : i32 to index
        %parallel_loop3A_678 = arith.constant 32 : index
        %parallel_loop3A_679 = tpu.vector_load %arg9[%parallel_loop3A_677, %parallel_loop3A_678] {strides = array<i32>} : memref<256x64xf32, #tpu.memory_space<vmem>>, vector<16xf32>,
        tpu.vector_store %arg9[%parallel_loop3A_677, %parallel_loop3A_678], %parallel_loop3A_676 {strides = array<i32>} : memref<256x64xf32, #tpu.memory_space<vmem>>, vector<16xf32>,
        %parallel_loop3A_680 = arith.index_cast %parallel_loop3A_658 : i32 to index
        %parallel_loop3A_681 = arith.constant 48 : index
        %parallel_loop3A_682 = tpu.vector_load %arg9[%parallel_loop3A_680, %parallel_loop3A_681] {strides = array<i32>} : memref<256x64xf32, #tpu.memory_space<vmem>>, vector<16xf32>,
        %parallel_loop3A_683 = arith.addf %parallel_loop3A_682, %get3A_408 : vector<16xf32>
        %parallel_loop3A_684 = arith.index_cast %parallel_loop3A_658 : i32 to index
        %parallel_loop3A_685 = arith.constant 48 : index
        %parallel_loop3A_686 = tpu.vector_load %arg9[%parallel_loop3A_684, %parallel_loop3A_685] {strides = array<i32>} : memref<256x64xf32, #tpu.memory_space<vmem>>, vector<16xf32>,
        tpu.vector_store %arg9[%parallel_loop3A_684, %parallel_loop3A_685], %parallel_loop3A_683 {strides = array<i32>} : memref<256x64xf32, #tpu.memory_space<vmem>>, vector<16xf32>,
        %parallel_loop3A_687 = arith.constant 8 : i32
        %parallel_loop3A_688 = arith.muli %parallel_loop3A_622, %parallel_loop3A_687 : i32
        %parallel_loop3A_689 = arith.constant 2 : i32
        %parallel_loop3A_690 = arith.addi %parallel_loop3A_688, %parallel_loop3A_689 : i32
        %parallel_loop3A_691 = arith.index_cast %parallel_loop3A_690 : i32 to index
        %parallel_loop3A_692 = arith.constant 0 : index
        %parallel_loop3A_693 = tpu.vector_load %arg9[%parallel_loop3A_691, %parallel_loop3A_692] {strides = array<i32>} : memref<256x64xf32, #tpu.memory_space<vmem>>, vector<16xf32>,
        %parallel_loop3A_694 = arith.addf %parallel_loop3A_693, %get3A_399 : vector<16xf32>
        %parallel_loop3A_695 = arith.index_cast %parallel_loop3A_690 : i32 to index
        %parallel_loop3A_696 = arith.constant 0 : index
        %parallel_loop3A_697 = tpu.vector_load %arg9[%parallel_loop3A_695, %parallel_loop3A_696] {strides = array<i32>} : memref<256x64xf32, #tpu.memory_space<vmem>>, vector<16xf32>,
        tpu.vector_store %arg9[%parallel_loop3A_695, %parallel_loop3A_696], %parallel_loop3A_694 {strides = array<i32>} : memref<256x64xf32, #tpu.memory_space<vmem>>, vector<16xf32>,
        %parallel_loop3A_698 = arith.index_cast %parallel_loop3A_690 : i32 to index
        %parallel_loop3A_699 = arith.constant 16 : index
        %parallel_loop3A_700 = tpu.vector_load %arg9[%parallel_loop3A_698, %parallel_loop3A_699] {strides = array<i32>} : memref<256x64xf32, #tpu.memory_space<vmem>>, vector<16xf32>,
        %parallel_loop3A_701 = arith.addf %parallel_loop3A_700, %get3A_402 : vector<16xf32>
        %parallel_loop3A_702 = arith.index_cast %parallel_loop3A_690 : i32 to index
        %parallel_loop3A_703 = arith.constant 16 : index
        %parallel_loop3A_704 = tpu.vector_load %arg9[%parallel_loop3A_702, %parallel_loop3A_703] {strides = array<i32>} : memref<256x64xf32, #tpu.memory_space<vmem>>, vector<16xf32>,
        tpu.vector_store %arg9[%parallel_loop3A_702, %parallel_loop3A_703], %parallel_loop3A_701 {strides = array<i32>} : memref<256x64xf32, #tpu.memory_space<vmem>>, vector<16xf32>,
        %parallel_loop3A_705 = arith.index_cast %parallel_loop3A_690 : i32 to index
        %parallel_loop3A_706 = arith.constant 32 : index
        %parallel_loop3A_707 = tpu.vector_load %arg9[%parallel_loop3A_705, %parallel_loop3A_706] {strides = array<i32>} : memref<256x64xf32, #tpu.memory_space<vmem>>, vector<16xf32>,
        %parallel_loop3A_708 = arith.addf %parallel_loop3A_707, %get3A_405 : vector<16xf32>
        %parallel_loop3A_709 = arith.index_cast %parallel_loop3A_690 : i32 to index
        %parallel_loop3A_710 = arith.constant 32 : index
        %parallel_loop3A_711 = tpu.vector_load %arg9[%parallel_loop3A_709, %parallel_loop3A_710] {strides = array<i32>} : memref<256x64xf32, #tpu.memory_space<vmem>>, vector<16xf32>,
        tpu.vector_store %arg9[%parallel_loop3A_709, %parallel_loop3A_710], %parallel_loop3A_708 {strides = array<i32>} : memref<256x64xf32, #tpu.memory_space<vmem>>, vector<16xf32>,
        %parallel_loop3A_712 = arith.index_cast %parallel_loop3A_690 : i32 to index
        %parallel_loop3A_713 = arith.constant 48 : index
        %parallel_loop3A_714 = tpu.vector_load %arg9[%parallel_loop3A_712, %parallel_loop3A_713] {strides = array<i32>} : memref<256x64xf32, #tpu.memory_space<vmem>>, vector<16xf32>,
        %parallel_loop3A_715 = arith.addf %parallel_loop3A_714, %get3A_408 : vector<16xf32>
        %parallel_loop3A_716 = arith.index_cast %parallel_loop3A_690 : i32 to index
        %parallel_loop3A_717 = arith.constant 48 : index
        %parallel_loop3A_718 = tpu.vector_load %arg9[%parallel_loop3A_716, %parallel_loop3A_717] {strides = array<i32>} : memref<256x64xf32, #tpu.memory_space<vmem>>, vector<16xf32>,
        tpu.vector_store %arg9[%parallel_loop3A_716, %parallel_loop3A_717], %parallel_loop3A_715 {strides = array<i32>} : memref<256x64xf32, #tpu.memory_space<vmem>>, vector<16xf32>,
        %parallel_loop3A_719 = arith.constant 8 : i32
        %parallel_loop3A_720 = arith.muli %parallel_loop3A_622, %parallel_loop3A_719 : i32
        %parallel_loop3A_721 = arith.constant 3 : i32
        %parallel_loop3A_722 = arith.addi %parallel_loop3A_720, %parallel_loop3A_721 : i32
        %parallel_loop3A_723 = arith.index_cast %parallel_loop3A_722 : i32 to index
        %parallel_loop3A_724 = arith.constant 0 : index
        %parallel_loop3A_725 = tpu.vector_load %arg9[%parallel_loop3A_723, %parallel_loop3A_724] {strides = array<i32>} : memref<256x64xf32, #tpu.memory_space<vmem>>, vector<16xf32>,
        %parallel_loop3A_726 = arith.addf %parallel_loop3A_725, %get3A_399 : vector<16xf32>
        %parallel_loop3A_727 = arith.index_cast %parallel_loop3A_722 : i32 to index
        %parallel_loop3A_728 = arith.constant 0 : index
        %parallel_loop3A_729 = tpu.vector_load %arg9[%parallel_loop3A_727, %parallel_loop3A_728] {strides = array<i32>} : memref<256x64xf32, #tpu.memory_space<vmem>>, vector<16xf32>,
        tpu.vector_store %arg9[%parallel_loop3A_727, %parallel_loop3A_728], %parallel_loop3A_726 {strides = array<i32>} : memref<256x64xf32, #tpu.memory_space<vmem>>, vector<16xf32>,
        %parallel_loop3A_730 = arith.index_cast %parallel_loop3A_722 : i32 to index
        %parallel_loop3A_731 = arith.constant 16 : index
        %parallel_loop3A_732 = tpu.vector_load %arg9[%parallel_loop3A_730, %parallel_loop3A_731] {strides = array<i32>} : memref<256x64xf32, #tpu.memory_space<vmem>>, vector<16xf32>,
        %parallel_loop3A_733 = arith.addf %parallel_loop3A_732, %get3A_402 : vector<16xf32>
        %parallel_loop3A_734 = arith.index_cast %parallel_loop3A_722 : i32 to index
        %parallel_loop3A_735 = arith.constant 16 : index
        %parallel_loop3A_736 = tpu.vector_load %arg9[%parallel_loop3A_734, %parallel_loop3A_735] {strides = array<i32>} : memref<256x64xf32, #tpu.memory_space<vmem>>, vector<16xf32>,
        tpu.vector_store %arg9[%parallel_loop3A_734, %parallel_loop3A_735], %parallel_loop3A_733 {strides = array<i32>} : memref<256x64xf32, #tpu.memory_space<vmem>>, vector<16xf32>,
        %parallel_loop3A_737 = arith.index_cast %parallel_loop3A_722 : i32 to index
        %parallel_loop3A_738 = arith.constant 32 : index
        %parallel_loop3A_739 = tpu.vector_load %arg9[%parallel_loop3A_737, %parallel_loop3A_738] {strides = array<i32>} : memref<256x64xf32, #tpu.memory_space<vmem>>, vector<16xf32>,
        %parallel_loop3A_740 = arith.addf %parallel_loop3A_739, %get3A_405 : vector<16xf32>
        %parallel_loop3A_741 = arith.index_cast %parallel_loop3A_722 : i32 to index
        %parallel_loop3A_742 = arith.constant 32 : index
        %parallel_loop3A_743 = tpu.vector_load %arg9[%parallel_loop3A_741, %parallel_loop3A_742] {strides = array<i32>} : memref<256x64xf32, #tpu.memory_space<vmem>>, vector<16xf32>,
        tpu.vector_store %arg9[%parallel_loop3A_741, %parallel_loop3A_742], %parallel_loop3A_740 {strides = array<i32>} : memref<256x64xf32, #tpu.memory_space<vmem>>, vector<16xf32>,
        %parallel_loop3A_744 = arith.index_cast %parallel_loop3A_722 : i32 to index
        %parallel_loop3A_745 = arith.constant 48 : index
        %parallel_loop3A_746 = tpu.vector_load %arg9[%parallel_loop3A_744, %parallel_loop3A_745] {strides = array<i32>} : memref<256x64xf32, #tpu.memory_space<vmem>>, vector<16xf32>,
        %parallel_loop3A_747 = arith.addf %parallel_loop3A_746, %get3A_408 : vector<16xf32>
        %parallel_loop3A_748 = arith.index_cast %parallel_loop3A_722 : i32 to index
        %parallel_loop3A_749 = arith.constant 48 : index
        %parallel_loop3A_750 = tpu.vector_load %arg9[%parallel_loop3A_748, %parallel_loop3A_749] {strides = array<i32>} : memref<256x64xf32, #tpu.memory_space<vmem>>, vector<16xf32>,
        tpu.vector_store %arg9[%parallel_loop3A_748, %parallel_loop3A_749], %parallel_loop3A_747 {strides = array<i32>} : memref<256x64xf32, #tpu.memory_space<vmem>>, vector<16xf32>,
        %parallel_loop3A_751 = arith.constant 8 : i32
        %parallel_loop3A_752 = arith.muli %parallel_loop3A_622, %parallel_loop3A_751 : i32
        %parallel_loop3A_753 = arith.constant 4 : i32
        %parallel_loop3A_754 = arith.addi %parallel_loop3A_752, %parallel_loop3A_753 : i32
        %parallel_loop3A_755 = arith.index_cast %parallel_loop3A_754 : i32 to index
        %parallel_loop3A_756 = arith.constant 0 : index
        %parallel_loop3A_757 = tpu.vector_load %arg9[%parallel_loop3A_755, %parallel_loop3A_756] {strides = array<i32>} : memref<256x64xf32, #tpu.memory_space<vmem>>, vector<16xf32>,
        %parallel_loop3A_758 = arith.addf %parallel_loop3A_757, %get3A_399 : vector<16xf32>
        %parallel_loop3A_759 = arith.index_cast %parallel_loop3A_754 : i32 to index
        %parallel_loop3A_760 = arith.constant 0 : index
        %parallel_loop3A_761 = tpu.vector_load %arg9[%parallel_loop3A_759, %parallel_loop3A_760] {strides = array<i32>} : memref<256x64xf32, #tpu.memory_space<vmem>>, vector<16xf32>,
        tpu.vector_store %arg9[%parallel_loop3A_759, %parallel_loop3A_760], %parallel_loop3A_758 {strides = array<i32>} : memref<256x64xf32, #tpu.memory_space<vmem>>, vector<16xf32>,
        %parallel_loop3A_762 = arith.index_cast %parallel_loop3A_754 : i32 to index
        %parallel_loop3A_763 = arith.constant 16 : index
        %parallel_loop3A_764 = tpu.vector_load %arg9[%parallel_loop3A_762, %parallel_loop3A_763] {strides = array<i32>} : memref<256x64xf32, #tpu.memory_space<vmem>>, vector<16xf32>,
        %parallel_loop3A_765 = arith.addf %parallel_loop3A_764, %get3A_402 : vector<16xf32>
        %parallel_loop3A_766 = arith.index_cast %parallel_loop3A_754 : i32 to index
        %parallel_loop3A_767 = arith.constant 16 : index
        %parallel_loop3A_768 = tpu.vector_load %arg9[%parallel_loop3A_766, %parallel_loop3A_767] {strides = array<i32>} : memref<256x64xf32, #tpu.memory_space<vmem>>, vector<16xf32>,
        tpu.vector_store %arg9[%parallel_loop3A_766, %parallel_loop3A_767], %parallel_loop3A_765 {strides = array<i32>} : memref<256x64xf32, #tpu.memory_space<vmem>>, vector<16xf32>,
        %parallel_loop3A_769 = arith.index_cast %parallel_loop3A_754 : i32 to index
        %parallel_loop3A_770 = arith.constant 32 : index
        %parallel_loop3A_771 = tpu.vector_load %arg9[%parallel_loop3A_769, %parallel_loop3A_770] {strides = array<i32>} : memref<256x64xf32, #tpu.memory_space<vmem>>, vector<16xf32>,
        %parallel_loop3A_772 = arith.addf %parallel_loop3A_771, %get3A_405 : vector<16xf32>
        %parallel_loop3A_773 = arith.index_cast %parallel_loop3A_754 : i32 to index
        %parallel_loop3A_774 = arith.constant 32 : index
        %parallel_loop3A_775 = tpu.vector_load %arg9[%parallel_loop3A_773, %parallel_loop3A_774] {strides = array<i32>} : memref<256x64xf32, #tpu.memory_space<vmem>>, vector<16xf32>,
        tpu.vector_store %arg9[%parallel_loop3A_773, %parallel_loop3A_774], %parallel_loop3A_772 {strides = array<i32>} : memref<256x64xf32, #tpu.memory_space<vmem>>, vector<16xf32>,
        %parallel_loop3A_776 = arith.index_cast %parallel_loop3A_754 : i32 to index
        %parallel_loop3A_777 = arith.constant 48 : index
        %parallel_loop3A_778 = tpu.vector_load %arg9[%parallel_loop3A_776, %parallel_loop3A_777] {strides = array<i32>} : memref<256x64xf32, #tpu.memory_space<vmem>>, vector<16xf32>,
        %parallel_loop3A_779 = arith.addf %parallel_loop3A_778, %get3A_408 : vector<16xf32>
        %parallel_loop3A_780 = arith.index_cast %parallel_loop3A_754 : i32 to index
        %parallel_loop3A_781 = arith.constant 48 : index
        %parallel_loop3A_782 = tpu.vector_load %arg9[%parallel_loop3A_780, %parallel_loop3A_781] {strides = array<i32>} : memref<256x64xf32, #tpu.memory_space<vmem>>, vector<16xf32>,
        tpu.vector_store %arg9[%parallel_loop3A_780, %parallel_loop3A_781], %parallel_loop3A_779 {strides = array<i32>} : memref<256x64xf32, #tpu.memory_space<vmem>>, vector<16xf32>,
        %parallel_loop3A_783 = arith.constant 8 : i32
        %parallel_loop3A_784 = arith.muli %parallel_loop3A_622, %parallel_loop3A_783 : i32
        %parallel_loop3A_785 = arith.constant 5 : i32
        %parallel_loop3A_786 = arith.addi %parallel_loop3A_784, %parallel_loop3A_785 : i32
        %parallel_loop3A_787 = arith.index_cast %parallel_loop3A_786 : i32 to index
        %parallel_loop3A_788 = arith.constant 0 : index
        %parallel_loop3A_789 = tpu.vector_load %arg9[%parallel_loop3A_787, %parallel_loop3A_788] {strides = array<i32>} : memref<256x64xf32, #tpu.memory_space<vmem>>, vector<16xf32>,
        %parallel_loop3A_790 = arith.addf %parallel_loop3A_789, %get3A_399 : vector<16xf32>
        %parallel_loop3A_791 = arith.index_cast %parallel_loop3A_786 : i32 to index
        %parallel_loop3A_792 = arith.constant 0 : index
        %parallel_loop3A_793 = tpu.vector_load %arg9[%parallel_loop3A_791, %parallel_loop3A_792] {strides = array<i32>} : memref<256x64xf32, #tpu.memory_space<vmem>>, vector<16xf32>,
        tpu.vector_store %arg9[%parallel_loop3A_791, %parallel_loop3A_792], %parallel_loop3A_790 {strides = array<i32>} : memref<256x64xf32, #tpu.memory_space<vmem>>, vector<16xf32>,
        %parallel_loop3A_794 = arith.index_cast %parallel_loop3A_786 : i32 to index
        %parallel_loop3A_795 = arith.constant 16 : index
        %parallel_loop3A_796 = tpu.vector_load %arg9[%parallel_loop3A_794, %parallel_loop3A_795] {strides = array<i32>} : memref<256x64xf32, #tpu.memory_space<vmem>>, vector<16xf32>,
        %parallel_loop3A_797 = arith.addf %parallel_loop3A_796, %get3A_402 : vector<16xf32>
        %parallel_loop3A_798 = arith.index_cast %parallel_loop3A_786 : i32 to index
        %parallel_loop3A_799 = arith.constant 16 : index
        %parallel_loop3A_800 = tpu.vector_load %arg9[%parallel_loop3A_798, %parallel_loop3A_799] {strides = array<i32>} : memref<256x64xf32, #tpu.memory_space<vmem>>, vector<16xf32>,
        tpu.vector_store %arg9[%parallel_loop3A_798, %parallel_loop3A_799], %parallel_loop3A_797 {strides = array<i32>} : memref<256x64xf32, #tpu.memory_space<vmem>>, vector<16xf32>,
        %parallel_loop3A_801 = arith.index_cast %parallel_loop3A_786 : i32 to index
        %parallel_loop3A_802 = arith.constant 32 : index
        %parallel_loop3A_803 = tpu.vector_load %arg9[%parallel_loop3A_801, %parallel_loop3A_802] {strides = array<i32>} : memref<256x64xf32, #tpu.memory_space<vmem>>, vector<16xf32>,
        %parallel_loop3A_804 = arith.addf %parallel_loop3A_803, %get3A_405 : vector<16xf32>
        %parallel_loop3A_805 = arith.index_cast %parallel_loop3A_786 : i32 to index
        %parallel_loop3A_806 = arith.constant 32 : index
        %parallel_loop3A_807 = tpu.vector_load %arg9[%parallel_loop3A_805, %parallel_loop3A_806] {strides = array<i32>} : memref<256x64xf32, #tpu.memory_space<vmem>>, vector<16xf32>,
        tpu.vector_store %arg9[%parallel_loop3A_805, %parallel_loop3A_806], %parallel_loop3A_804 {strides = array<i32>} : memref<256x64xf32, #tpu.memory_space<vmem>>, vector<16xf32>,
        %parallel_loop3A_808 = arith.index_cast %parallel_loop3A_786 : i32 to index
        %parallel_loop3A_809 = arith.constant 48 : index
        %parallel_loop3A_810 = tpu.vector_load %arg9[%parallel_loop3A_808, %parallel_loop3A_809] {strides = array<i32>} : memref<256x64xf32, #tpu.memory_space<vmem>>, vector<16xf32>,
        %parallel_loop3A_811 = arith.addf %parallel_loop3A_810, %get3A_408 : vector<16xf32>
        %parallel_loop3A_812 = arith.index_cast %parallel_loop3A_786 : i32 to index
        %parallel_loop3A_813 = arith.constant 48 : index
        %parallel_loop3A_814 = tpu.vector_load %arg9[%parallel_loop3A_812, %parallel_loop3A_813] {strides = array<i32>} : memref<256x64xf32, #tpu.memory_space<vmem>>, vector<16xf32>,
        tpu.vector_store %arg9[%parallel_loop3A_812, %parallel_loop3A_813], %parallel_loop3A_811 {strides = array<i32>} : memref<256x64xf32, #tpu.memory_space<vmem>>, vector<16xf32>,
        %parallel_loop3A_815 = arith.constant 8 : i32
        %parallel_loop3A_816 = arith.muli %parallel_loop3A_622, %parallel_loop3A_815 : i32
        %parallel_loop3A_817 = arith.constant 6 : i32
        %parallel_loop3A_818 = arith.addi %parallel_loop3A_816, %parallel_loop3A_817 : i32
        %parallel_loop3A_819 = arith.index_cast %parallel_loop3A_818 : i32 to index
        %parallel_loop3A_820 = arith.constant 0 : index
        %parallel_loop3A_821 = tpu.vector_load %arg9[%parallel_loop3A_819, %parallel_loop3A_820] {strides = array<i32>} : memref<256x64xf32, #tpu.memory_space<vmem>>, vector<16xf32>,
        %parallel_loop3A_822 = arith.addf %parallel_loop3A_821, %get3A_399 : vector<16xf32>
        %parallel_loop3A_823 = arith.index_cast %parallel_loop3A_818 : i32 to index
        %parallel_loop3A_824 = arith.constant 0 : index
        %parallel_loop3A_825 = tpu.vector_load %arg9[%parallel_loop3A_823, %parallel_loop3A_824] {strides = array<i32>} : memref<256x64xf32, #tpu.memory_space<vmem>>, vector<16xf32>,
        tpu.vector_store %arg9[%parallel_loop3A_823, %parallel_loop3A_824], %parallel_loop3A_822 {strides = array<i32>} : memref<256x64xf32, #tpu.memory_space<vmem>>, vector<16xf32>,
        %parallel_loop3A_826 = arith.index_cast %parallel_loop3A_818 : i32 to index
        %parallel_loop3A_827 = arith.constant 16 : index
        %parallel_loop3A_828 = tpu.vector_load %arg9[%parallel_loop3A_826, %parallel_loop3A_827] {strides = array<i32>} : memref<256x64xf32, #tpu.memory_space<vmem>>, vector<16xf32>,
        %parallel_loop3A_829 = arith.addf %parallel_loop3A_828, %get3A_402 : vector<16xf32>
        %parallel_loop3A_830 = arith.index_cast %parallel_loop3A_818 : i32 to index
        %parallel_loop3A_831 = arith.constant 16 : index
        %parallel_loop3A_832 = tpu.vector_load %arg9[%parallel_loop3A_830, %parallel_loop3A_831] {strides = array<i32>} : memref<256x64xf32, #tpu.memory_space<vmem>>, vector<16xf32>,
        tpu.vector_store %arg9[%parallel_loop3A_830, %parallel_loop3A_831], %parallel_loop3A_829 {strides = array<i32>} : memref<256x64xf32, #tpu.memory_space<vmem>>, vector<16xf32>,
        %parallel_loop3A_833 = arith.index_cast %parallel_loop3A_818 : i32 to index
        %parallel_loop3A_834 = arith.constant 32 : index
        %parallel_loop3A_835 = tpu.vector_load %arg9[%parallel_loop3A_833, %parallel_loop3A_834] {strides = array<i32>} : memref<256x64xf32, #tpu.memory_space<vmem>>, vector<16xf32>,
        %parallel_loop3A_836 = arith.addf %parallel_loop3A_835, %get3A_405 : vector<16xf32>
        %parallel_loop3A_837 = arith.index_cast %parallel_loop3A_818 : i32 to index
        %parallel_loop3A_838 = arith.constant 32 : index
        %parallel_loop3A_839 = tpu.vector_load %arg9[%parallel_loop3A_837, %parallel_loop3A_838] {strides = array<i32>} : memref<256x64xf32, #tpu.memory_space<vmem>>, vector<16xf32>,
        tpu.vector_store %arg9[%parallel_loop3A_837, %parallel_loop3A_838], %parallel_loop3A_836 {strides = array<i32>} : memref<256x64xf32, #tpu.memory_space<vmem>>, vector<16xf32>,
        %parallel_loop3A_840 = arith.index_cast %parallel_loop3A_818 : i32 to index
        %parallel_loop3A_841 = arith.constant 48 : index
        %parallel_loop3A_842 = tpu.vector_load %arg9[%parallel_loop3A_840, %parallel_loop3A_841] {strides = array<i32>} : memref<256x64xf32, #tpu.memory_space<vmem>>, vector<16xf32>,
        %parallel_loop3A_843 = arith.addf %parallel_loop3A_842, %get3A_408 : vector<16xf32>
        %parallel_loop3A_844 = arith.index_cast %parallel_loop3A_818 : i32 to index
        %parallel_loop3A_845 = arith.constant 48 : index
        %parallel_loop3A_846 = tpu.vector_load %arg9[%parallel_loop3A_844, %parallel_loop3A_845] {strides = array<i32>} : memref<256x64xf32, #tpu.memory_space<vmem>>, vector<16xf32>,
        tpu.vector_store %arg9[%parallel_loop3A_844, %parallel_loop3A_845], %parallel_loop3A_843 {strides = array<i32>} : memref<256x64xf32, #tpu.memory_space<vmem>>, vector<16xf32>,
        %parallel_loop3A_847 = arith.constant 8 : i32
        %parallel_loop3A_848 = arith.muli %parallel_loop3A_622, %parallel_loop3A_847 : i32
        %parallel_loop3A_849 = arith.constant 7 : i32
        %parallel_loop3A_850 = arith.addi %parallel_loop3A_848, %parallel_loop3A_849 : i32
        %parallel_loop3A_851 = arith.index_cast %parallel_loop3A_850 : i32 to index
        %parallel_loop3A_852 = arith.constant 0 : index
        %parallel_loop3A_853 = tpu.vector_load %arg9[%parallel_loop3A_851, %parallel_loop3A_852] {strides = array<i32>} : memref<256x64xf32, #tpu.memory_space<vmem>>, vector<16xf32>,
        %parallel_loop3A_854 = arith.addf %parallel_loop3A_853, %get3A_399 : vector<16xf32>
        %parallel_loop3A_855 = arith.index_cast %parallel_loop3A_850 : i32 to index
        %parallel_loop3A_856 = arith.constant 0 : index
        %parallel_loop3A_857 = tpu.vector_load %arg9[%parallel_loop3A_855, %parallel_loop3A_856] {strides = array<i32>} : memref<256x64xf32, #tpu.memory_space<vmem>>, vector<16xf32>,
        tpu.vector_store %arg9[%parallel_loop3A_855, %parallel_loop3A_856], %parallel_loop3A_854 {strides = array<i32>} : memref<256x64xf32, #tpu.memory_space<vmem>>, vector<16xf32>,
        %parallel_loop3A_858 = arith.index_cast %parallel_loop3A_850 : i32 to index
        %parallel_loop3A_859 = arith.constant 16 : index
        %parallel_loop3A_860 = tpu.vector_load %arg9[%parallel_loop3A_858, %parallel_loop3A_859] {strides = array<i32>} : memref<256x64xf32, #tpu.memory_space<vmem>>, vector<16xf32>,
        %parallel_loop3A_861 = arith.addf %parallel_loop3A_860, %get3A_402 : vector<16xf32>
        %parallel_loop3A_862 = arith.index_cast %parallel_loop3A_850 : i32 to index
        %parallel_loop3A_863 = arith.constant 16 : index
        %parallel_loop3A_864 = tpu.vector_load %arg9[%parallel_loop3A_862, %parallel_loop3A_863] {strides = array<i32>} : memref<256x64xf32, #tpu.memory_space<vmem>>, vector<16xf32>,
        tpu.vector_store %arg9[%parallel_loop3A_862, %parallel_loop3A_863], %parallel_loop3A_861 {strides = array<i32>} : memref<256x64xf32, #tpu.memory_space<vmem>>, vector<16xf32>,
        %parallel_loop3A_865 = arith.index_cast %parallel_loop3A_850 : i32 to index
        %parallel_loop3A_866 = arith.constant 32 : index
        %parallel_loop3A_867 = tpu.vector_load %arg9[%parallel_loop3A_865, %parallel_loop3A_866] {strides = array<i32>} : memref<256x64xf32, #tpu.memory_space<vmem>>, vector<16xf32>,
        %parallel_loop3A_868 = arith.addf %parallel_loop3A_867, %get3A_405 : vector<16xf32>
        %parallel_loop3A_869 = arith.index_cast %parallel_loop3A_850 : i32 to index
        %parallel_loop3A_870 = arith.constant 32 : index
        %parallel_loop3A_871 = tpu.vector_load %arg9[%parallel_loop3A_869, %parallel_loop3A_870] {strides = array<i32>} : memref<256x64xf32, #tpu.memory_space<vmem>>, vector<16xf32>,
        tpu.vector_store %arg9[%parallel_loop3A_869, %parallel_loop3A_870], %parallel_loop3A_868 {strides = array<i32>} : memref<256x64xf32, #tpu.memory_space<vmem>>, vector<16xf32>,
        %parallel_loop3A_872 = arith.index_cast %parallel_loop3A_850 : i32 to index
        %parallel_loop3A_873 = arith.constant 48 : index
        %parallel_loop3A_874 = tpu.vector_load %arg9[%parallel_loop3A_872, %parallel_loop3A_873] {strides = array<i32>} : memref<256x64xf32, #tpu.memory_space<vmem>>, vector<16xf32>,
        %parallel_loop3A_875 = arith.addf %parallel_loop3A_874, %get3A_408 : vector<16xf32>
        %parallel_loop3A_876 = arith.index_cast %parallel_loop3A_850 : i32 to index
        %parallel_loop3A_877 = arith.constant 48 : index
        %parallel_loop3A_878 = tpu.vector_load %arg9[%parallel_loop3A_876, %parallel_loop3A_877] {strides = array<i32>} : memref<256x64xf32, #tpu.memory_space<vmem>>, vector<16xf32>,
        tpu.vector_store %arg9[%parallel_loop3A_876, %parallel_loop3A_877], %parallel_loop3A_875 {strides = array<i32>} : memref<256x64xf32, #tpu.memory_space<vmem>>, vector<16xf32>,
      } {sc.loop_unroll_factor = 2 : i64, sc.parallel_access}
      %jit3A_412 = arith.constant 2 : i32
      %div3A_413 = arith.divsi %add3A_325, %jit3A_412 : i32
      %sign3A_414 = arith.constant 0 : i32
      %sign3A_415 = arith.cmpi sgt, %add3A_325, %sign3A_414 : i32
      %sign3A_416 = arith.extui %sign3A_415 : i1 to i32
      %sign3A_417 = arith.constant 0 : i32
      %sign3A_418 = arith.cmpi slt, %add3A_325, %sign3A_417 : i32
      %sign3A_419 = arith.extui %sign3A_418 : i1 to i32
      %sign3A_420 = arith.subi %sign3A_416, %sign3A_419 : i32
      %sign3A_421 = arith.constant 0 : i32
      %sign3A_422 = arith.cmpi sgt, %jit3A_412, %sign3A_421 : i32
      %sign3A_423 = arith.extui %sign3A_422 : i1 to i32
      %sign3A_424 = arith.constant 0 : i32
      %sign3A_425 = arith.cmpi slt, %jit3A_412, %sign3A_424 : i32
      %sign3A_426 = arith.extui %sign3A_425 : i1 to i32
      %sign3A_427 = arith.subi %sign3A_423, %sign3A_426 : i32
      %ne3A_428 = arith.cmpi ne, %sign3A_420, %sign3A_427 : i32
      %rem3A_429 = arith.remsi %add3A_325, %jit3A_412 : i32
      %ne3A_430 = arith.constant 0 : i32
      %ne3A_431 = arith.cmpi ne, %rem3A_429, %ne3A_430 : i32
      %and3A_432 = arith.andi %ne3A_428, %ne3A_431 : i1
      %sub3A_433 = arith.constant 1 : i32
      %sub3A_434 = arith.subi %div3A_413, %sub3A_433 : i32
      %select_n3A_435 = arith.select %and3A_432, %sub3A_434, %div3A_413 : i32
      %jit3A_436 = arith.constant 2 : i32
      %eq3A_437 = arith.constant 0 : i32
      %eq3A_438 = arith.cmpi eq, %jit3A_436, %eq3A_437 : i32
      %jit3A_439 = arith.constant 1 : i32
      %select_n3A_440 = arith.select %eq3A_438, %jit3A_439, %jit3A_436 : i32
      %rem3A_441 = arith.remsi %add3A_325, %select_n3A_440 : i32
      %ne3A_442 = arith.constant 0 : i32
      %ne3A_443 = arith.cmpi ne, %rem3A_441, %ne3A_442 : i32
      %lt3A_444 = arith.constant 0 : i32
      %lt3A_445 = arith.cmpi slt, %rem3A_441, %lt3A_444 : i32
      %lt3A_446 = arith.constant 0 : i32
      %lt3A_447 = arith.cmpi slt, %select_n3A_440, %lt3A_446 : i32
      %ne3A_448 = arith.xori %lt3A_445, %lt3A_447 : i1
      %and3A_449 = arith.andi %ne3A_448, %ne3A_443 : i1
      %add3A_450 = arith.addi %rem3A_441, %select_n3A_440 : i32
      %select_n3A_451 = arith.select %and3A_449, %add3A_450, %rem3A_441 : i32
      %mul3A_452 = arith.constant 256 : i32
      %mul3A_453 = arith.muli %select_n3A_451, %mul3A_452 : i32
      %add3A_454 = arith.addi %mul3A_2, %mul3A_453 : i32
      %dma_start3A_455 = arith.constant 0 : i32
      %dma_start3A_456 = tpu.memref_slice %arg5[%select_n3A_435, %add3A_454, %dma_start3A_455] : memref<26x16384x64xf32, #tpu.memory_space<hbm>> -> memref<1x256x64xf32, #tpu.memory_space<hbm>>
      %dma_start3A_457 = tpu.memref_squeeze %dma_start3A_456 : memref<1x256x64xf32, #tpu.memory_space<hbm>> -> memref<256x64xf32, #tpu.memory_space<hbm>>
      %dma_start3A_458 = arith.constant 0 : i32
      %dma_start3A_459 = tpu.memref_slice %arg5[%select_n3A_435, %add3A_454, %dma_start3A_458] : memref<26x16384x64xf32, #tpu.memory_space<hbm>> -> memref<1x256x64xf32, #tpu.memory_space<hbm>>
      %dma_start3A_460 = tpu.memref_squeeze %dma_start3A_459 : memref<1x256x64xf32, #tpu.memory_space<hbm>> -> memref<256x64xf32, #tpu.memory_space<hbm>>
      tpu.enqueue_dma source(%arg9 : memref<256x64xf32, #tpu.memory_space<vmem>>) target(%dma_start3A_460 : memref<256x64xf32, #tpu.memory_space<hbm>>) target_semaphore(%arg18 : memref<!tpu.dma_semaphore, #tpu.memory_space<semaphore_mem>>)
      %ge3A_461 = arith.constant 2 : i32
      %ge3A_462 = arith.cmpi sge, %add3A_325, %ge3A_461 : i32
      %convert_element_type3A_463 = arith.extui %ge3A_462 : i1 to i32
      %cond3A_464 = arith.constant 0 : i32
      %cond3A_465 = arith.cmpi ne, %convert_element_type3A_463, %cond3A_464 : i32
      scf.if %cond3A_465 {
        %sub3A_622 = arith.constant 2 : i32
        %sub3A_623 = arith.subi %add3A_325, %sub3A_622 : i32
        %jit3A_624 = arith.constant 2 : i32
        %div3A_625 = arith.divsi %sub3A_623, %jit3A_624 : i32
        %sign3A_626 = arith.constant 0 : i32
        %sign3A_627 = arith.cmpi sgt, %sub3A_623, %sign3A_626 : i32
        %sign3A_628 = arith.extui %sign3A_627 : i1 to i32
        %sign3A_629 = arith.constant 0 : i32
        %sign3A_630 = arith.cmpi slt, %sub3A_623, %sign3A_629 : i32
        %sign3A_631 = arith.extui %sign3A_630 : i1 to i32
        %sign3A_632 = arith.subi %sign3A_628, %sign3A_631 : i32
        %sign3A_633 = arith.constant 0 : i32
        %sign3A_634 = arith.cmpi sgt, %jit3A_624, %sign3A_633 : i32
        %sign3A_635 = arith.extui %sign3A_634 : i1 to i32
        %sign3A_636 = arith.constant 0 : i32
        %sign3A_637 = arith.cmpi slt, %jit3A_624, %sign3A_636 : i32
        %sign3A_638 = arith.extui %sign3A_637 : i1 to i32
        %sign3A_639 = arith.subi %sign3A_635, %sign3A_638 : i32
        %ne3A_640 = arith.cmpi ne, %sign3A_632, %sign3A_639 : i32
        %rem3A_641 = arith.remsi %sub3A_623, %jit3A_624 : i32
        %ne3A_642 = arith.constant 0 : i32
        %ne3A_643 = arith.cmpi ne, %rem3A_641, %ne3A_642 : i32
        %and3A_644 = arith.andi %ne3A_640, %ne3A_643 : i1
        %sub3A_645 = arith.constant 1 : i32
        %sub3A_646 = arith.subi %div3A_625, %sub3A_645 : i32
        %select_n3A_647 = arith.select %and3A_644, %sub3A_646, %div3A_625 : i32
        %jit3A_648 = arith.constant 2 : i32
        %eq3A_649 = arith.constant 0 : i32
        %eq3A_650 = arith.cmpi eq, %jit3A_648, %eq3A_649 : i32
        %jit3A_651 = arith.constant 1 : i32
        %select_n3A_652 = arith.select %eq3A_650, %jit3A_651, %jit3A_648 : i32
        %rem3A_653 = arith.remsi %sub3A_623, %select_n3A_652 : i32
        %ne3A_654 = arith.constant 0 : i32
        %ne3A_655 = arith.cmpi ne, %rem3A_653, %ne3A_654 : i32
        %lt3A_656 = arith.constant 0 : i32
        %lt3A_657 = arith.cmpi slt, %rem3A_653, %lt3A_656 : i32
        %lt3A_658 = arith.constant 0 : i32
        %lt3A_659 = arith.cmpi slt, %select_n3A_652, %lt3A_658 : i32
        %ne3A_660 = arith.xori %lt3A_657, %lt3A_659 : i1
        %and3A_661 = arith.andi %ne3A_660, %ne3A_655 : i1
        %add3A_662 = arith.addi %rem3A_653, %select_n3A_652 : i32
        %select_n3A_663 = arith.select %and3A_661, %add3A_662, %rem3A_653 : i32
        %mul3A_664 = arith.constant 256 : i32
        %mul3A_665 = arith.muli %select_n3A_663, %mul3A_664 : i32
        %add3A_666 = arith.addi %mul3A_2, %mul3A_665 : i32
        %dma_wait3A_667 = arith.constant 0 : i32
        %dma_wait3A_668 = tpu.memref_slice %arg5[%select_n3A_647, %add3A_666, %dma_wait3A_667] : memref<26x16384x64xf32, #tpu.memory_space<hbm>> -> memref<1x256x64xf32, #tpu.memory_space<hbm>>
        %dma_wait3A_669 = tpu.memref_squeeze %dma_wait3A_668 : memref<1x256x64xf32, #tpu.memory_space<hbm>> -> memref<256x64xf32, #tpu.memory_space<hbm>>
        %dma_wait3A_670 = arith.constant 0 : i32
        %dma_wait3A_671 = tpu.memref_slice %arg5[%select_n3A_647, %add3A_666, %dma_wait3A_670] : memref<26x16384x64xf32, #tpu.memory_space<hbm>> -> memref<1x256x64xf32, #tpu.memory_space<hbm>>
        %dma_wait3A_672 = tpu.memref_squeeze %dma_wait3A_671 : memref<1x256x64xf32, #tpu.memory_space<hbm>> -> memref<256x64xf32, #tpu.memory_space<hbm>>
        tpu.wait_dma2 semaphore(%arg16 : memref<!tpu.dma_semaphore, #tpu.memory_space<semaphore_mem>>) src(%arg7 : memref<256x64xf32, #tpu.memory_space<vmem>>) dst(%dma_wait3A_672 : memref<256x64xf32, #tpu.memory_space<hbm>>)
      } else {
      }
      %add3A_466 = arith.constant 2 : i32
      %add3A_467 = arith.addi %add3A_325, %add3A_466 : i32
      %lt3A_468 = arith.constant 52 : i32
      %lt3A_469 = arith.cmpi slt, %add3A_467, %lt3A_468 : i32
      %convert_element_type3A_470 = arith.extui %lt3A_469 : i1 to i32
      %cond3A_471 = arith.constant 0 : i32
      %cond3A_472 = arith.cmpi ne, %convert_element_type3A_470, %cond3A_471 : i32
      scf.if %cond3A_472 {
        %add3A_622 = arith.constant 2 : i32
        %add3A_623 = arith.addi %add3A_325, %add3A_622 : i32
        %jit3A_624 = arith.constant 2 : i32
        %div3A_625 = arith.divsi %add3A_623, %jit3A_624 : i32
        %sign3A_626 = arith.constant 0 : i32
        %sign3A_627 = arith.cmpi sgt, %add3A_623, %sign3A_626 : i32
        %sign3A_628 = arith.extui %sign3A_627 : i1 to i32
        %sign3A_629 = arith.constant 0 : i32
        %sign3A_630 = arith.cmpi slt, %add3A_623, %sign3A_629 : i32
        %sign3A_631 = arith.extui %sign3A_630 : i1 to i32
        %sign3A_632 = arith.subi %sign3A_628, %sign3A_631 : i32
        %sign3A_633 = arith.constant 0 : i32
        %sign3A_634 = arith.cmpi sgt, %jit3A_624, %sign3A_633 : i32
        %sign3A_635 = arith.extui %sign3A_634 : i1 to i32
        %sign3A_636 = arith.constant 0 : i32
        %sign3A_637 = arith.cmpi slt, %jit3A_624, %sign3A_636 : i32
        %sign3A_638 = arith.extui %sign3A_637 : i1 to i32
        %sign3A_639 = arith.subi %sign3A_635, %sign3A_638 : i32
        %ne3A_640 = arith.cmpi ne, %sign3A_632, %sign3A_639 : i32
        %rem3A_641 = arith.remsi %add3A_623, %jit3A_624 : i32
        %ne3A_642 = arith.constant 0 : i32
        %ne3A_643 = arith.cmpi ne, %rem3A_641, %ne3A_642 : i32
        %and3A_644 = arith.andi %ne3A_640, %ne3A_643 : i1
        %sub3A_645 = arith.constant 1 : i32
        %sub3A_646 = arith.subi %div3A_625, %sub3A_645 : i32
        %select_n3A_647 = arith.select %and3A_644, %sub3A_646, %div3A_625 : i32
        %jit3A_648 = arith.constant 2 : i32
        %eq3A_649 = arith.constant 0 : i32
        %eq3A_650 = arith.cmpi eq, %jit3A_648, %eq3A_649 : i32
        %jit3A_651 = arith.constant 1 : i32
        %select_n3A_652 = arith.select %eq3A_650, %jit3A_651, %jit3A_648 : i32
        %rem3A_653 = arith.remsi %add3A_623, %select_n3A_652 : i32
        %ne3A_654 = arith.constant 0 : i32
        %ne3A_655 = arith.cmpi ne, %rem3A_653, %ne3A_654 : i32
        %lt3A_656 = arith.constant 0 : i32
        %lt3A_657 = arith.cmpi slt, %rem3A_653, %lt3A_656 : i32
        %lt3A_658 = arith.constant 0 : i32
        %lt3A_659 = arith.cmpi slt, %select_n3A_652, %lt3A_658 : i32
        %ne3A_660 = arith.xori %lt3A_657, %lt3A_659 : i1
        %and3A_661 = arith.andi %ne3A_660, %ne3A_655 : i1
        %add3A_662 = arith.addi %rem3A_653, %select_n3A_652 : i32
        %select_n3A_663 = arith.select %and3A_661, %add3A_662, %rem3A_653 : i32
        %mul3A_664 = arith.constant 256 : i32
        %mul3A_665 = arith.muli %select_n3A_663, %mul3A_664 : i32
        %dma_start3A_666 = tpu.memref_slice %arg6[%select_n3A_647, %mul3A_665] : memref<26x512xi32, #tpu.memory_space<vmem>> -> memref<1x256xi32, #tpu.memory_space<vmem>>
        %dma_start3A_667 = tpu.memref_squeeze %dma_start3A_666 : memref<1x256xi32, #tpu.memory_space<vmem>> -> memref<256xi32, #tpu.memory_space<vmem>>
        %dma_start3A_668 = arith.constant 0 : i32
        %dma_start3A_669 = arith.constant 0 : i32
        %dma_start3A_670 = tpu.memref_slice %arg3[%dma_start3A_668, %dma_start3A_669] : memref<999987x64xf32, #tpu.memory_space<hbm>> -> memref<999987x64xf32, #tpu.memory_space<hbm>>
        tpu.enqueue_indirect_dma source(%dma_start3A_670 : memref<999987x64xf32, #tpu.memory_space<hbm>>) target(%arg7 : memref<256x64xf32, #tpu.memory_space<vmem>>) offsets(%dma_start3A_667 : memref<256xi32, #tpu.memory_space<vmem>>) semaphore(%arg12 : memref<!tpu.dma_semaphore, #tpu.memory_space<semaphore_mem>>)
      } else {
      }
      %add3A_473 = arith.constant 3 : i32
      %add3A_474 = arith.addi %mul3A_40, %add3A_473 : i32
      %jit3A_475 = arith.constant 2 : i32
      %div3A_476 = arith.divsi %add3A_474, %jit3A_475 : i32
      %sign3A_477 = arith.constant 0 : i32
      %sign3A_478 = arith.cmpi sgt, %add3A_474, %sign3A_477 : i32
      %sign3A_479 = arith.extui %sign3A_478 : i1 to i32
      %sign3A_480 = arith.constant 0 : i32
      %sign3A_481 = arith.cmpi slt, %add3A_474, %sign3A_480 : i32
      %sign3A_482 = arith.extui %sign3A_481 : i1 to i32
      %sign3A_483 = arith.subi %sign3A_479, %sign3A_482 : i32
      %sign3A_484 = arith.constant 0 : i32
      %sign3A_485 = arith.cmpi sgt, %jit3A_475, %sign3A_484 : i32
      %sign3A_486 = arith.extui %sign3A_485 : i1 to i32
      %sign3A_487 = arith.constant 0 : i32
      %sign3A_488 = arith.cmpi slt, %jit3A_475, %sign3A_487 : i32
      %sign3A_489 = arith.extui %sign3A_488 : i1 to i32
      %sign3A_490 = arith.subi %sign3A_486, %sign3A_489 : i32
      %ne3A_491 = arith.cmpi ne, %sign3A_483, %sign3A_490 : i32
      %rem3A_492 = arith.remsi %add3A_474, %jit3A_475 : i32
      %ne3A_493 = arith.constant 0 : i32
      %ne3A_494 = arith.cmpi ne, %rem3A_492, %ne3A_493 : i32
      %and3A_495 = arith.andi %ne3A_491, %ne3A_494 : i1
      %sub3A_496 = arith.constant 1 : i32
      %sub3A_497 = arith.subi %div3A_476, %sub3A_496 : i32
      %select_n3A_498 = arith.select %and3A_495, %sub3A_497, %div3A_476 : i32
      %jit3A_499 = arith.constant 2 : i32
      %eq3A_500 = arith.constant 0 : i32
      %eq3A_501 = arith.cmpi eq, %jit3A_499, %eq3A_500 : i32
      %jit3A_502 = arith.constant 1 : i32
      %select_n3A_503 = arith.select %eq3A_501, %jit3A_502, %jit3A_499 : i32
      %rem3A_504 = arith.remsi %add3A_474, %select_n3A_503 : i32
      %ne3A_505 = arith.constant 0 : i32
      %ne3A_506 = arith.cmpi ne, %rem3A_504, %ne3A_505 : i32
      %lt3A_507 = arith.constant 0 : i32
      %lt3A_508 = arith.cmpi slt, %rem3A_504, %lt3A_507 : i32
      %lt3A_509 = arith.constant 0 : i32
      %lt3A_510 = arith.cmpi slt, %select_n3A_503, %lt3A_509 : i32
      %ne3A_511 = arith.xori %lt3A_508, %lt3A_510 : i1
      %and3A_512 = arith.andi %ne3A_511, %ne3A_506 : i1
      %add3A_513 = arith.addi %rem3A_504, %select_n3A_503 : i32
      %select_n3A_514 = arith.select %and3A_512, %add3A_513, %rem3A_504 : i32
      %mul3A_515 = arith.constant 256 : i32
      %mul3A_516 = arith.muli %select_n3A_514, %mul3A_515 : i32
      %dma_wait3A_517 = tpu.memref_slice %arg6[%select_n3A_498, %mul3A_516] : memref<26x512xi32, #tpu.memory_space<vmem>> -> memref<1x256xi32, #tpu.memory_space<vmem>>
      %dma_wait3A_518 = tpu.memref_squeeze %dma_wait3A_517 : memref<1x256xi32, #tpu.memory_space<vmem>> -> memref<256xi32, #tpu.memory_space<vmem>>
      %dma_wait3A_519 = arith.constant 0 : i32
      %dma_wait3A_520 = arith.constant 0 : i32
      %dma_wait3A_521 = tpu.memref_slice %arg3[%dma_wait3A_519, %dma_wait3A_520] : memref<999987x64xf32, #tpu.memory_space<hbm>> -> memref<999987x64xf32, #tpu.memory_space<hbm>>
      tpu.wait_indirect_dma semaphore(%arg15 : memref<!tpu.dma_semaphore, #tpu.memory_space<semaphore_mem>>) src(%dma_wait3A_521 : memref<999987x64xf32, #tpu.memory_space<hbm>>) dst(%arg10 : memref<256x64xf32, #tpu.memory_space<vmem>>)
      %jit3A_522 = arith.constant 2 : i32
      %div3A_523 = arith.divsi %add3A_474, %jit3A_522 : i32
      %sign3A_524 = arith.constant 0 : i32
      %sign3A_525 = arith.cmpi sgt, %add3A_474, %sign3A_524 : i32
      %sign3A_526 = arith.extui %sign3A_525 : i1 to i32
      %sign3A_527 = arith.constant 0 : i32
      %sign3A_528 = arith.cmpi slt, %add3A_474, %sign3A_527 : i32
      %sign3A_529 = arith.extui %sign3A_528 : i1 to i32
      %sign3A_530 = arith.subi %sign3A_526, %sign3A_529 : i32
      %sign3A_531 = arith.constant 0 : i32
      %sign3A_532 = arith.cmpi sgt, %jit3A_522, %sign3A_531 : i32
      %sign3A_533 = arith.extui %sign3A_532 : i1 to i32
      %sign3A_534 = arith.constant 0 : i32
      %sign3A_535 = arith.cmpi slt, %jit3A_522, %sign3A_534 : i32
      %sign3A_536 = arith.extui %sign3A_535 : i1 to i32
      %sign3A_537 = arith.subi %sign3A_533, %sign3A_536 : i32
      %ne3A_538 = arith.cmpi ne, %sign3A_530, %sign3A_537 : i32
      %rem3A_539 = arith.remsi %add3A_474, %jit3A_522 : i32
      %ne3A_540 = arith.constant 0 : i32
      %ne3A_541 = arith.cmpi ne, %rem3A_539, %ne3A_540 : i32
      %and3A_542 = arith.andi %ne3A_538, %ne3A_541 : i1
      %sub3A_543 = arith.constant 1 : i32
      %sub3A_544 = arith.subi %div3A_523, %sub3A_543 : i32
      %select_n3A_545 = arith.select %and3A_542, %sub3A_544, %div3A_523 : i32
      %get3A_546 = arith.index_cast %select_n3A_545 : i32 to index
      %get3A_547 = arith.constant 0 : index
      %get3A_548 = tpu.vector_load %arg11[%get3A_546, %get3A_547] {strides = array<i32>} : memref<26x64xf32, #tpu.memory_space<vmem>>, vector<16xf32>,
      %get3A_549 = arith.index_cast %select_n3A_545 : i32 to index
      %get3A_550 = arith.constant 16 : index
      %get3A_551 = tpu.vector_load %arg11[%get3A_549, %get3A_550] {strides = array<i32>} : memref<26x64xf32, #tpu.memory_space<vmem>>, vector<16xf32>,
      %get3A_552 = arith.index_cast %select_n3A_545 : i32 to index
      %get3A_553 = arith.constant 32 : index
      %get3A_554 = tpu.vector_load %arg11[%get3A_552, %get3A_553] {strides = array<i32>} : memref<26x64xf32, #tpu.memory_space<vmem>>, vector<16xf32>,
      %get3A_555 = arith.index_cast %select_n3A_545 : i32 to index
      %get3A_556 = arith.constant 48 : index
      %get3A_557 = tpu.vector_load %arg11[%get3A_555, %get3A_556] {strides = array<i32>} : memref<26x64xf32, #tpu.memory_space<vmem>>, vector<16xf32>,
      %parallel_loop3A_558 = arith.constant 0 : i32
      %parallel_loop3A_559 = arith.constant 32 : i32
      %parallel_loop3A_560 = arith.constant 1 : i32
      scf.for %parallel_loop3A_622 = %parallel_loop3A_558 to %parallel_loop3A_559 step %parallel_loop3A_560  : i32 {
        %parallel_loop3A_623 = arith.constant 8 : i32
        %parallel_loop3A_624 = arith.muli %parallel_loop3A_622, %parallel_loop3A_623 : i32
        %parallel_loop3A_625 = arith.constant 0 : i32
        %parallel_loop3A_626 = arith.addi %parallel_loop3A_624, %parallel_loop3A_625 : i32
        %parallel_loop3A_627 = arith.index_cast %parallel_loop3A_626 : i32 to index
        %parallel_loop3A_628 = arith.constant 0 : index
        %parallel_loop3A_629 = tpu.vector_load %arg10[%parallel_loop3A_627, %parallel_loop3A_628] {strides = array<i32>} : memref<256x64xf32, #tpu.memory_space<vmem>>, vector<16xf32>,
        %parallel_loop3A_630 = arith.addf %parallel_loop3A_629, %get3A_548 : vector<16xf32>
        %parallel_loop3A_631 = arith.index_cast %parallel_loop3A_626 : i32 to index
        %parallel_loop3A_632 = arith.constant 0 : index
        %parallel_loop3A_633 = tpu.vector_load %arg10[%parallel_loop3A_631, %parallel_loop3A_632] {strides = array<i32>} : memref<256x64xf32, #tpu.memory_space<vmem>>, vector<16xf32>,
        tpu.vector_store %arg10[%parallel_loop3A_631, %parallel_loop3A_632], %parallel_loop3A_630 {strides = array<i32>} : memref<256x64xf32, #tpu.memory_space<vmem>>, vector<16xf32>,
        %parallel_loop3A_634 = arith.index_cast %parallel_loop3A_626 : i32 to index
        %parallel_loop3A_635 = arith.constant 16 : index
        %parallel_loop3A_636 = tpu.vector_load %arg10[%parallel_loop3A_634, %parallel_loop3A_635] {strides = array<i32>} : memref<256x64xf32, #tpu.memory_space<vmem>>, vector<16xf32>,
        %parallel_loop3A_637 = arith.addf %parallel_loop3A_636, %get3A_551 : vector<16xf32>
        %parallel_loop3A_638 = arith.index_cast %parallel_loop3A_626 : i32 to index
        %parallel_loop3A_639 = arith.constant 16 : index
        %parallel_loop3A_640 = tpu.vector_load %arg10[%parallel_loop3A_638, %parallel_loop3A_639] {strides = array<i32>} : memref<256x64xf32, #tpu.memory_space<vmem>>, vector<16xf32>,
        tpu.vector_store %arg10[%parallel_loop3A_638, %parallel_loop3A_639], %parallel_loop3A_637 {strides = array<i32>} : memref<256x64xf32, #tpu.memory_space<vmem>>, vector<16xf32>,
        %parallel_loop3A_641 = arith.index_cast %parallel_loop3A_626 : i32 to index
        %parallel_loop3A_642 = arith.constant 32 : index
        %parallel_loop3A_643 = tpu.vector_load %arg10[%parallel_loop3A_641, %parallel_loop3A_642] {strides = array<i32>} : memref<256x64xf32, #tpu.memory_space<vmem>>, vector<16xf32>,
        %parallel_loop3A_644 = arith.addf %parallel_loop3A_643, %get3A_554 : vector<16xf32>
        %parallel_loop3A_645 = arith.index_cast %parallel_loop3A_626 : i32 to index
        %parallel_loop3A_646 = arith.constant 32 : index
        %parallel_loop3A_647 = tpu.vector_load %arg10[%parallel_loop3A_645, %parallel_loop3A_646] {strides = array<i32>} : memref<256x64xf32, #tpu.memory_space<vmem>>, vector<16xf32>,
        tpu.vector_store %arg10[%parallel_loop3A_645, %parallel_loop3A_646], %parallel_loop3A_644 {strides = array<i32>} : memref<256x64xf32, #tpu.memory_space<vmem>>, vector<16xf32>,
        %parallel_loop3A_648 = arith.index_cast %parallel_loop3A_626 : i32 to index
        %parallel_loop3A_649 = arith.constant 48 : index
        %parallel_loop3A_650 = tpu.vector_load %arg10[%parallel_loop3A_648, %parallel_loop3A_649] {strides = array<i32>} : memref<256x64xf32, #tpu.memory_space<vmem>>, vector<16xf32>,
        %parallel_loop3A_651 = arith.addf %parallel_loop3A_650, %get3A_557 : vector<16xf32>
        %parallel_loop3A_652 = arith.index_cast %parallel_loop3A_626 : i32 to index
        %parallel_loop3A_653 = arith.constant 48 : index
        %parallel_loop3A_654 = tpu.vector_load %arg10[%parallel_loop3A_652, %parallel_loop3A_653] {strides = array<i32>} : memref<256x64xf32, #tpu.memory_space<vmem>>, vector<16xf32>,
        tpu.vector_store %arg10[%parallel_loop3A_652, %parallel_loop3A_653], %parallel_loop3A_651 {strides = array<i32>} : memref<256x64xf32, #tpu.memory_space<vmem>>, vector<16xf32>,
        %parallel_loop3A_655 = arith.constant 8 : i32
        %parallel_loop3A_656 = arith.muli %parallel_loop3A_622, %parallel_loop3A_655 : i32
        %parallel_loop3A_657 = arith.constant 1 : i32
        %parallel_loop3A_658 = arith.addi %parallel_loop3A_656, %parallel_loop3A_657 : i32
        %parallel_loop3A_659 = arith.index_cast %parallel_loop3A_658 : i32 to index
        %parallel_loop3A_660 = arith.constant 0 : index
        %parallel_loop3A_661 = tpu.vector_load %arg10[%parallel_loop3A_659, %parallel_loop3A_660] {strides = array<i32>} : memref<256x64xf32, #tpu.memory_space<vmem>>, vector<16xf32>,
        %parallel_loop3A_662 = arith.addf %parallel_loop3A_661, %get3A_548 : vector<16xf32>
        %parallel_loop3A_663 = arith.index_cast %parallel_loop3A_658 : i32 to index
        %parallel_loop3A_664 = arith.constant 0 : index
        %parallel_loop3A_665 = tpu.vector_load %arg10[%parallel_loop3A_663, %parallel_loop3A_664] {strides = array<i32>} : memref<256x64xf32, #tpu.memory_space<vmem>>, vector<16xf32>,
        tpu.vector_store %arg10[%parallel_loop3A_663, %parallel_loop3A_664], %parallel_loop3A_662 {strides = array<i32>} : memref<256x64xf32, #tpu.memory_space<vmem>>, vector<16xf32>,
        %parallel_loop3A_666 = arith.index_cast %parallel_loop3A_658 : i32 to index
        %parallel_loop3A_667 = arith.constant 16 : index
        %parallel_loop3A_668 = tpu.vector_load %arg10[%parallel_loop3A_666, %parallel_loop3A_667] {strides = array<i32>} : memref<256x64xf32, #tpu.memory_space<vmem>>, vector<16xf32>,
        %parallel_loop3A_669 = arith.addf %parallel_loop3A_668, %get3A_551 : vector<16xf32>
        %parallel_loop3A_670 = arith.index_cast %parallel_loop3A_658 : i32 to index
        %parallel_loop3A_671 = arith.constant 16 : index
        %parallel_loop3A_672 = tpu.vector_load %arg10[%parallel_loop3A_670, %parallel_loop3A_671] {strides = array<i32>} : memref<256x64xf32, #tpu.memory_space<vmem>>, vector<16xf32>,
        tpu.vector_store %arg10[%parallel_loop3A_670, %parallel_loop3A_671], %parallel_loop3A_669 {strides = array<i32>} : memref<256x64xf32, #tpu.memory_space<vmem>>, vector<16xf32>,
        %parallel_loop3A_673 = arith.index_cast %parallel_loop3A_658 : i32 to index
        %parallel_loop3A_674 = arith.constant 32 : index
        %parallel_loop3A_675 = tpu.vector_load %arg10[%parallel_loop3A_673, %parallel_loop3A_674] {strides = array<i32>} : memref<256x64xf32, #tpu.memory_space<vmem>>, vector<16xf32>,
        %parallel_loop3A_676 = arith.addf %parallel_loop3A_675, %get3A_554 : vector<16xf32>
        %parallel_loop3A_677 = arith.index_cast %parallel_loop3A_658 : i32 to index
        %parallel_loop3A_678 = arith.constant 32 : index
        %parallel_loop3A_679 = tpu.vector_load %arg10[%parallel_loop3A_677, %parallel_loop3A_678] {strides = array<i32>} : memref<256x64xf32, #tpu.memory_space<vmem>>, vector<16xf32>,
        tpu.vector_store %arg10[%parallel_loop3A_677, %parallel_loop3A_678], %parallel_loop3A_676 {strides = array<i32>} : memref<256x64xf32, #tpu.memory_space<vmem>>, vector<16xf32>,
        %parallel_loop3A_680 = arith.index_cast %parallel_loop3A_658 : i32 to index
        %parallel_loop3A_681 = arith.constant 48 : index
        %parallel_loop3A_682 = tpu.vector_load %arg10[%parallel_loop3A_680, %parallel_loop3A_681] {strides = array<i32>} : memref<256x64xf32, #tpu.memory_space<vmem>>, vector<16xf32>,
        %parallel_loop3A_683 = arith.addf %parallel_loop3A_682, %get3A_557 : vector<16xf32>
        %parallel_loop3A_684 = arith.index_cast %parallel_loop3A_658 : i32 to index
        %parallel_loop3A_685 = arith.constant 48 : index
        %parallel_loop3A_686 = tpu.vector_load %arg10[%parallel_loop3A_684, %parallel_loop3A_685] {strides = array<i32>} : memref<256x64xf32, #tpu.memory_space<vmem>>, vector<16xf32>,
        tpu.vector_store %arg10[%parallel_loop3A_684, %parallel_loop3A_685], %parallel_loop3A_683 {strides = array<i32>} : memref<256x64xf32, #tpu.memory_space<vmem>>, vector<16xf32>,
        %parallel_loop3A_687 = arith.constant 8 : i32
        %parallel_loop3A_688 = arith.muli %parallel_loop3A_622, %parallel_loop3A_687 : i32
        %parallel_loop3A_689 = arith.constant 2 : i32
        %parallel_loop3A_690 = arith.addi %parallel_loop3A_688, %parallel_loop3A_689 : i32
        %parallel_loop3A_691 = arith.index_cast %parallel_loop3A_690 : i32 to index
        %parallel_loop3A_692 = arith.constant 0 : index
        %parallel_loop3A_693 = tpu.vector_load %arg10[%parallel_loop3A_691, %parallel_loop3A_692] {strides = array<i32>} : memref<256x64xf32, #tpu.memory_space<vmem>>, vector<16xf32>,
        %parallel_loop3A_694 = arith.addf %parallel_loop3A_693, %get3A_548 : vector<16xf32>
        %parallel_loop3A_695 = arith.index_cast %parallel_loop3A_690 : i32 to index
        %parallel_loop3A_696 = arith.constant 0 : index
        %parallel_loop3A_697 = tpu.vector_load %arg10[%parallel_loop3A_695, %parallel_loop3A_696] {strides = array<i32>} : memref<256x64xf32, #tpu.memory_space<vmem>>, vector<16xf32>,
        tpu.vector_store %arg10[%parallel_loop3A_695, %parallel_loop3A_696], %parallel_loop3A_694 {strides = array<i32>} : memref<256x64xf32, #tpu.memory_space<vmem>>, vector<16xf32>,
        %parallel_loop3A_698 = arith.index_cast %parallel_loop3A_690 : i32 to index
        %parallel_loop3A_699 = arith.constant 16 : index
        %parallel_loop3A_700 = tpu.vector_load %arg10[%parallel_loop3A_698, %parallel_loop3A_699] {strides = array<i32>} : memref<256x64xf32, #tpu.memory_space<vmem>>, vector<16xf32>,
        %parallel_loop3A_701 = arith.addf %parallel_loop3A_700, %get3A_551 : vector<16xf32>
        %parallel_loop3A_702 = arith.index_cast %parallel_loop3A_690 : i32 to index
        %parallel_loop3A_703 = arith.constant 16 : index
        %parallel_loop3A_704 = tpu.vector_load %arg10[%parallel_loop3A_702, %parallel_loop3A_703] {strides = array<i32>} : memref<256x64xf32, #tpu.memory_space<vmem>>, vector<16xf32>,
        tpu.vector_store %arg10[%parallel_loop3A_702, %parallel_loop3A_703], %parallel_loop3A_701 {strides = array<i32>} : memref<256x64xf32, #tpu.memory_space<vmem>>, vector<16xf32>,
        %parallel_loop3A_705 = arith.index_cast %parallel_loop3A_690 : i32 to index
        %parallel_loop3A_706 = arith.constant 32 : index
        %parallel_loop3A_707 = tpu.vector_load %arg10[%parallel_loop3A_705, %parallel_loop3A_706] {strides = array<i32>} : memref<256x64xf32, #tpu.memory_space<vmem>>, vector<16xf32>,
        %parallel_loop3A_708 = arith.addf %parallel_loop3A_707, %get3A_554 : vector<16xf32>
        %parallel_loop3A_709 = arith.index_cast %parallel_loop3A_690 : i32 to index
        %parallel_loop3A_710 = arith.constant 32 : index
        %parallel_loop3A_711 = tpu.vector_load %arg10[%parallel_loop3A_709, %parallel_loop3A_710] {strides = array<i32>} : memref<256x64xf32, #tpu.memory_space<vmem>>, vector<16xf32>,
        tpu.vector_store %arg10[%parallel_loop3A_709, %parallel_loop3A_710], %parallel_loop3A_708 {strides = array<i32>} : memref<256x64xf32, #tpu.memory_space<vmem>>, vector<16xf32>,
        %parallel_loop3A_712 = arith.index_cast %parallel_loop3A_690 : i32 to index
        %parallel_loop3A_713 = arith.constant 48 : index
        %parallel_loop3A_714 = tpu.vector_load %arg10[%parallel_loop3A_712, %parallel_loop3A_713] {strides = array<i32>} : memref<256x64xf32, #tpu.memory_space<vmem>>, vector<16xf32>,
        %parallel_loop3A_715 = arith.addf %parallel_loop3A_714, %get3A_557 : vector<16xf32>
        %parallel_loop3A_716 = arith.index_cast %parallel_loop3A_690 : i32 to index
        %parallel_loop3A_717 = arith.constant 48 : index
        %parallel_loop3A_718 = tpu.vector_load %arg10[%parallel_loop3A_716, %parallel_loop3A_717] {strides = array<i32>} : memref<256x64xf32, #tpu.memory_space<vmem>>, vector<16xf32>,
        tpu.vector_store %arg10[%parallel_loop3A_716, %parallel_loop3A_717], %parallel_loop3A_715 {strides = array<i32>} : memref<256x64xf32, #tpu.memory_space<vmem>>, vector<16xf32>,
        %parallel_loop3A_719 = arith.constant 8 : i32
        %parallel_loop3A_720 = arith.muli %parallel_loop3A_622, %parallel_loop3A_719 : i32
        %parallel_loop3A_721 = arith.constant 3 : i32
        %parallel_loop3A_722 = arith.addi %parallel_loop3A_720, %parallel_loop3A_721 : i32
        %parallel_loop3A_723 = arith.index_cast %parallel_loop3A_722 : i32 to index
        %parallel_loop3A_724 = arith.constant 0 : index
        %parallel_loop3A_725 = tpu.vector_load %arg10[%parallel_loop3A_723, %parallel_loop3A_724] {strides = array<i32>} : memref<256x64xf32, #tpu.memory_space<vmem>>, vector<16xf32>,
        %parallel_loop3A_726 = arith.addf %parallel_loop3A_725, %get3A_548 : vector<16xf32>
        %parallel_loop3A_727 = arith.index_cast %parallel_loop3A_722 : i32 to index
        %parallel_loop3A_728 = arith.constant 0 : index
        %parallel_loop3A_729 = tpu.vector_load %arg10[%parallel_loop3A_727, %parallel_loop3A_728] {strides = array<i32>} : memref<256x64xf32, #tpu.memory_space<vmem>>, vector<16xf32>,
        tpu.vector_store %arg10[%parallel_loop3A_727, %parallel_loop3A_728], %parallel_loop3A_726 {strides = array<i32>} : memref<256x64xf32, #tpu.memory_space<vmem>>, vector<16xf32>,
        %parallel_loop3A_730 = arith.index_cast %parallel_loop3A_722 : i32 to index
        %parallel_loop3A_731 = arith.constant 16 : index
        %parallel_loop3A_732 = tpu.vector_load %arg10[%parallel_loop3A_730, %parallel_loop3A_731] {strides = array<i32>} : memref<256x64xf32, #tpu.memory_space<vmem>>, vector<16xf32>,
        %parallel_loop3A_733 = arith.addf %parallel_loop3A_732, %get3A_551 : vector<16xf32>
        %parallel_loop3A_734 = arith.index_cast %parallel_loop3A_722 : i32 to index
        %parallel_loop3A_735 = arith.constant 16 : index
        %parallel_loop3A_736 = tpu.vector_load %arg10[%parallel_loop3A_734, %parallel_loop3A_735] {strides = array<i32>} : memref<256x64xf32, #tpu.memory_space<vmem>>, vector<16xf32>,
        tpu.vector_store %arg10[%parallel_loop3A_734, %parallel_loop3A_735], %parallel_loop3A_733 {strides = array<i32>} : memref<256x64xf32, #tpu.memory_space<vmem>>, vector<16xf32>,
        %parallel_loop3A_737 = arith.index_cast %parallel_loop3A_722 : i32 to index
        %parallel_loop3A_738 = arith.constant 32 : index
        %parallel_loop3A_739 = tpu.vector_load %arg10[%parallel_loop3A_737, %parallel_loop3A_738] {strides = array<i32>} : memref<256x64xf32, #tpu.memory_space<vmem>>, vector<16xf32>,
        %parallel_loop3A_740 = arith.addf %parallel_loop3A_739, %get3A_554 : vector<16xf32>
        %parallel_loop3A_741 = arith.index_cast %parallel_loop3A_722 : i32 to index
        %parallel_loop3A_742 = arith.constant 32 : index
        %parallel_loop3A_743 = tpu.vector_load %arg10[%parallel_loop3A_741, %parallel_loop3A_742] {strides = array<i32>} : memref<256x64xf32, #tpu.memory_space<vmem>>, vector<16xf32>,
        tpu.vector_store %arg10[%parallel_loop3A_741, %parallel_loop3A_742], %parallel_loop3A_740 {strides = array<i32>} : memref<256x64xf32, #tpu.memory_space<vmem>>, vector<16xf32>,
        %parallel_loop3A_744 = arith.index_cast %parallel_loop3A_722 : i32 to index
        %parallel_loop3A_745 = arith.constant 48 : index
        %parallel_loop3A_746 = tpu.vector_load %arg10[%parallel_loop3A_744, %parallel_loop3A_745] {strides = array<i32>} : memref<256x64xf32, #tpu.memory_space<vmem>>, vector<16xf32>,
        %parallel_loop3A_747 = arith.addf %parallel_loop3A_746, %get3A_557 : vector<16xf32>
        %parallel_loop3A_748 = arith.index_cast %parallel_loop3A_722 : i32 to index
        %parallel_loop3A_749 = arith.constant 48 : index
        %parallel_loop3A_750 = tpu.vector_load %arg10[%parallel_loop3A_748, %parallel_loop3A_749] {strides = array<i32>} : memref<256x64xf32, #tpu.memory_space<vmem>>, vector<16xf32>,
        tpu.vector_store %arg10[%parallel_loop3A_748, %parallel_loop3A_749], %parallel_loop3A_747 {strides = array<i32>} : memref<256x64xf32, #tpu.memory_space<vmem>>, vector<16xf32>,
        %parallel_loop3A_751 = arith.constant 8 : i32
        %parallel_loop3A_752 = arith.muli %parallel_loop3A_622, %parallel_loop3A_751 : i32
        %parallel_loop3A_753 = arith.constant 4 : i32
        %parallel_loop3A_754 = arith.addi %parallel_loop3A_752, %parallel_loop3A_753 : i32
        %parallel_loop3A_755 = arith.index_cast %parallel_loop3A_754 : i32 to index
        %parallel_loop3A_756 = arith.constant 0 : index
        %parallel_loop3A_757 = tpu.vector_load %arg10[%parallel_loop3A_755, %parallel_loop3A_756] {strides = array<i32>} : memref<256x64xf32, #tpu.memory_space<vmem>>, vector<16xf32>,
        %parallel_loop3A_758 = arith.addf %parallel_loop3A_757, %get3A_548 : vector<16xf32>
        %parallel_loop3A_759 = arith.index_cast %parallel_loop3A_754 : i32 to index
        %parallel_loop3A_760 = arith.constant 0 : index
        %parallel_loop3A_761 = tpu.vector_load %arg10[%parallel_loop3A_759, %parallel_loop3A_760] {strides = array<i32>} : memref<256x64xf32, #tpu.memory_space<vmem>>, vector<16xf32>,
        tpu.vector_store %arg10[%parallel_loop3A_759, %parallel_loop3A_760], %parallel_loop3A_758 {strides = array<i32>} : memref<256x64xf32, #tpu.memory_space<vmem>>, vector<16xf32>,
        %parallel_loop3A_762 = arith.index_cast %parallel_loop3A_754 : i32 to index
        %parallel_loop3A_763 = arith.constant 16 : index
        %parallel_loop3A_764 = tpu.vector_load %arg10[%parallel_loop3A_762, %parallel_loop3A_763] {strides = array<i32>} : memref<256x64xf32, #tpu.memory_space<vmem>>, vector<16xf32>,
        %parallel_loop3A_765 = arith.addf %parallel_loop3A_764, %get3A_551 : vector<16xf32>
        %parallel_loop3A_766 = arith.index_cast %parallel_loop3A_754 : i32 to index
        %parallel_loop3A_767 = arith.constant 16 : index
        %parallel_loop3A_768 = tpu.vector_load %arg10[%parallel_loop3A_766, %parallel_loop3A_767] {strides = array<i32>} : memref<256x64xf32, #tpu.memory_space<vmem>>, vector<16xf32>,
        tpu.vector_store %arg10[%parallel_loop3A_766, %parallel_loop3A_767], %parallel_loop3A_765 {strides = array<i32>} : memref<256x64xf32, #tpu.memory_space<vmem>>, vector<16xf32>,
        %parallel_loop3A_769 = arith.index_cast %parallel_loop3A_754 : i32 to index
        %parallel_loop3A_770 = arith.constant 32 : index
        %parallel_loop3A_771 = tpu.vector_load %arg10[%parallel_loop3A_769, %parallel_loop3A_770] {strides = array<i32>} : memref<256x64xf32, #tpu.memory_space<vmem>>, vector<16xf32>,
        %parallel_loop3A_772 = arith.addf %parallel_loop3A_771, %get3A_554 : vector<16xf32>
        %parallel_loop3A_773 = arith.index_cast %parallel_loop3A_754 : i32 to index
        %parallel_loop3A_774 = arith.constant 32 : index
        %parallel_loop3A_775 = tpu.vector_load %arg10[%parallel_loop3A_773, %parallel_loop3A_774] {strides = array<i32>} : memref<256x64xf32, #tpu.memory_space<vmem>>, vector<16xf32>,
        tpu.vector_store %arg10[%parallel_loop3A_773, %parallel_loop3A_774], %parallel_loop3A_772 {strides = array<i32>} : memref<256x64xf32, #tpu.memory_space<vmem>>, vector<16xf32>,
        %parallel_loop3A_776 = arith.index_cast %parallel_loop3A_754 : i32 to index
        %parallel_loop3A_777 = arith.constant 48 : index
        %parallel_loop3A_778 = tpu.vector_load %arg10[%parallel_loop3A_776, %parallel_loop3A_777] {strides = array<i32>} : memref<256x64xf32, #tpu.memory_space<vmem>>, vector<16xf32>,
        %parallel_loop3A_779 = arith.addf %parallel_loop3A_778, %get3A_557 : vector<16xf32>
        %parallel_loop3A_780 = arith.index_cast %parallel_loop3A_754 : i32 to index
        %parallel_loop3A_781 = arith.constant 48 : index
        %parallel_loop3A_782 = tpu.vector_load %arg10[%parallel_loop3A_780, %parallel_loop3A_781] {strides = array<i32>} : memref<256x64xf32, #tpu.memory_space<vmem>>, vector<16xf32>,
        tpu.vector_store %arg10[%parallel_loop3A_780, %parallel_loop3A_781], %parallel_loop3A_779 {strides = array<i32>} : memref<256x64xf32, #tpu.memory_space<vmem>>, vector<16xf32>,
        %parallel_loop3A_783 = arith.constant 8 : i32
        %parallel_loop3A_784 = arith.muli %parallel_loop3A_622, %parallel_loop3A_783 : i32
        %parallel_loop3A_785 = arith.constant 5 : i32
        %parallel_loop3A_786 = arith.addi %parallel_loop3A_784, %parallel_loop3A_785 : i32
        %parallel_loop3A_787 = arith.index_cast %parallel_loop3A_786 : i32 to index
        %parallel_loop3A_788 = arith.constant 0 : index
        %parallel_loop3A_789 = tpu.vector_load %arg10[%parallel_loop3A_787, %parallel_loop3A_788] {strides = array<i32>} : memref<256x64xf32, #tpu.memory_space<vmem>>, vector<16xf32>,
        %parallel_loop3A_790 = arith.addf %parallel_loop3A_789, %get3A_548 : vector<16xf32>
        %parallel_loop3A_791 = arith.index_cast %parallel_loop3A_786 : i32 to index
        %parallel_loop3A_792 = arith.constant 0 : index
        %parallel_loop3A_793 = tpu.vector_load %arg10[%parallel_loop3A_791, %parallel_loop3A_792] {strides = array<i32>} : memref<256x64xf32, #tpu.memory_space<vmem>>, vector<16xf32>,
        tpu.vector_store %arg10[%parallel_loop3A_791, %parallel_loop3A_792], %parallel_loop3A_790 {strides = array<i32>} : memref<256x64xf32, #tpu.memory_space<vmem>>, vector<16xf32>,
        %parallel_loop3A_794 = arith.index_cast %parallel_loop3A_786 : i32 to index
        %parallel_loop3A_795 = arith.constant 16 : index
        %parallel_loop3A_796 = tpu.vector_load %arg10[%parallel_loop3A_794, %parallel_loop3A_795] {strides = array<i32>} : memref<256x64xf32, #tpu.memory_space<vmem>>, vector<16xf32>,
        %parallel_loop3A_797 = arith.addf %parallel_loop3A_796, %get3A_551 : vector<16xf32>
        %parallel_loop3A_798 = arith.index_cast %parallel_loop3A_786 : i32 to index
        %parallel_loop3A_799 = arith.constant 16 : index
        %parallel_loop3A_800 = tpu.vector_load %arg10[%parallel_loop3A_798, %parallel_loop3A_799] {strides = array<i32>} : memref<256x64xf32, #tpu.memory_space<vmem>>, vector<16xf32>,
        tpu.vector_store %arg10[%parallel_loop3A_798, %parallel_loop3A_799], %parallel_loop3A_797 {strides = array<i32>} : memref<256x64xf32, #tpu.memory_space<vmem>>, vector<16xf32>,
        %parallel_loop3A_801 = arith.index_cast %parallel_loop3A_786 : i32 to index
        %parallel_loop3A_802 = arith.constant 32 : index
        %parallel_loop3A_803 = tpu.vector_load %arg10[%parallel_loop3A_801, %parallel_loop3A_802] {strides = array<i32>} : memref<256x64xf32, #tpu.memory_space<vmem>>, vector<16xf32>,
        %parallel_loop3A_804 = arith.addf %parallel_loop3A_803, %get3A_554 : vector<16xf32>
        %parallel_loop3A_805 = arith.index_cast %parallel_loop3A_786 : i32 to index
        %parallel_loop3A_806 = arith.constant 32 : index
        %parallel_loop3A_807 = tpu.vector_load %arg10[%parallel_loop3A_805, %parallel_loop3A_806] {strides = array<i32>} : memref<256x64xf32, #tpu.memory_space<vmem>>, vector<16xf32>,
        tpu.vector_store %arg10[%parallel_loop3A_805, %parallel_loop3A_806], %parallel_loop3A_804 {strides = array<i32>} : memref<256x64xf32, #tpu.memory_space<vmem>>, vector<16xf32>,
        %parallel_loop3A_808 = arith.index_cast %parallel_loop3A_786 : i32 to index
        %parallel_loop3A_809 = arith.constant 48 : index
        %parallel_loop3A_810 = tpu.vector_load %arg10[%parallel_loop3A_808, %parallel_loop3A_809] {strides = array<i32>} : memref<256x64xf32, #tpu.memory_space<vmem>>, vector<16xf32>,
        %parallel_loop3A_811 = arith.addf %parallel_loop3A_810, %get3A_557 : vector<16xf32>
        %parallel_loop3A_812 = arith.index_cast %parallel_loop3A_786 : i32 to index
        %parallel_loop3A_813 = arith.constant 48 : index
        %parallel_loop3A_814 = tpu.vector_load %arg10[%parallel_loop3A_812, %parallel_loop3A_813] {strides = array<i32>} : memref<256x64xf32, #tpu.memory_space<vmem>>, vector<16xf32>,
        tpu.vector_store %arg10[%parallel_loop3A_812, %parallel_loop3A_813], %parallel_loop3A_811 {strides = array<i32>} : memref<256x64xf32, #tpu.memory_space<vmem>>, vector<16xf32>,
        %parallel_loop3A_815 = arith.constant 8 : i32
        %parallel_loop3A_816 = arith.muli %parallel_loop3A_622, %parallel_loop3A_815 : i32
        %parallel_loop3A_817 = arith.constant 6 : i32
        %parallel_loop3A_818 = arith.addi %parallel_loop3A_816, %parallel_loop3A_817 : i32
        %parallel_loop3A_819 = arith.index_cast %parallel_loop3A_818 : i32 to index
        %parallel_loop3A_820 = arith.constant 0 : index
        %parallel_loop3A_821 = tpu.vector_load %arg10[%parallel_loop3A_819, %parallel_loop3A_820] {strides = array<i32>} : memref<256x64xf32, #tpu.memory_space<vmem>>, vector<16xf32>,
        %parallel_loop3A_822 = arith.addf %parallel_loop3A_821, %get3A_548 : vector<16xf32>
        %parallel_loop3A_823 = arith.index_cast %parallel_loop3A_818 : i32 to index
        %parallel_loop3A_824 = arith.constant 0 : index
        %parallel_loop3A_825 = tpu.vector_load %arg10[%parallel_loop3A_823, %parallel_loop3A_824] {strides = array<i32>} : memref<256x64xf32, #tpu.memory_space<vmem>>, vector<16xf32>,
        tpu.vector_store %arg10[%parallel_loop3A_823, %parallel_loop3A_824], %parallel_loop3A_822 {strides = array<i32>} : memref<256x64xf32, #tpu.memory_space<vmem>>, vector<16xf32>,
        %parallel_loop3A_826 = arith.index_cast %parallel_loop3A_818 : i32 to index
        %parallel_loop3A_827 = arith.constant 16 : index
        %parallel_loop3A_828 = tpu.vector_load %arg10[%parallel_loop3A_826, %parallel_loop3A_827] {strides = array<i32>} : memref<256x64xf32, #tpu.memory_space<vmem>>, vector<16xf32>,
        %parallel_loop3A_829 = arith.addf %parallel_loop3A_828, %get3A_551 : vector<16xf32>
        %parallel_loop3A_830 = arith.index_cast %parallel_loop3A_818 : i32 to index
        %parallel_loop3A_831 = arith.constant 16 : index
        %parallel_loop3A_832 = tpu.vector_load %arg10[%parallel_loop3A_830, %parallel_loop3A_831] {strides = array<i32>} : memref<256x64xf32, #tpu.memory_space<vmem>>, vector<16xf32>,
        tpu.vector_store %arg10[%parallel_loop3A_830, %parallel_loop3A_831], %parallel_loop3A_829 {strides = array<i32>} : memref<256x64xf32, #tpu.memory_space<vmem>>, vector<16xf32>,
        %parallel_loop3A_833 = arith.index_cast %parallel_loop3A_818 : i32 to index
        %parallel_loop3A_834 = arith.constant 32 : index
        %parallel_loop3A_835 = tpu.vector_load %arg10[%parallel_loop3A_833, %parallel_loop3A_834] {strides = array<i32>} : memref<256x64xf32, #tpu.memory_space<vmem>>, vector<16xf32>,
        %parallel_loop3A_836 = arith.addf %parallel_loop3A_835, %get3A_554 : vector<16xf32>
        %parallel_loop3A_837 = arith.index_cast %parallel_loop3A_818 : i32 to index
        %parallel_loop3A_838 = arith.constant 32 : index
        %parallel_loop3A_839 = tpu.vector_load %arg10[%parallel_loop3A_837, %parallel_loop3A_838] {strides = array<i32>} : memref<256x64xf32, #tpu.memory_space<vmem>>, vector<16xf32>,
        tpu.vector_store %arg10[%parallel_loop3A_837, %parallel_loop3A_838], %parallel_loop3A_836 {strides = array<i32>} : memref<256x64xf32, #tpu.memory_space<vmem>>, vector<16xf32>,
        %parallel_loop3A_840 = arith.index_cast %parallel_loop3A_818 : i32 to index
        %parallel_loop3A_841 = arith.constant 48 : index
        %parallel_loop3A_842 = tpu.vector_load %arg10[%parallel_loop3A_840, %parallel_loop3A_841] {strides = array<i32>} : memref<256x64xf32, #tpu.memory_space<vmem>>, vector<16xf32>,
        %parallel_loop3A_843 = arith.addf %parallel_loop3A_842, %get3A_557 : vector<16xf32>
        %parallel_loop3A_844 = arith.index_cast %parallel_loop3A_818 : i32 to index
        %parallel_loop3A_845 = arith.constant 48 : index
        %parallel_loop3A_846 = tpu.vector_load %arg10[%parallel_loop3A_844, %parallel_loop3A_845] {strides = array<i32>} : memref<256x64xf32, #tpu.memory_space<vmem>>, vector<16xf32>,
        tpu.vector_store %arg10[%parallel_loop3A_844, %parallel_loop3A_845], %parallel_loop3A_843 {strides = array<i32>} : memref<256x64xf32, #tpu.memory_space<vmem>>, vector<16xf32>,
        %parallel_loop3A_847 = arith.constant 8 : i32
        %parallel_loop3A_848 = arith.muli %parallel_loop3A_622, %parallel_loop3A_847 : i32
        %parallel_loop3A_849 = arith.constant 7 : i32
        %parallel_loop3A_850 = arith.addi %parallel_loop3A_848, %parallel_loop3A_849 : i32
        %parallel_loop3A_851 = arith.index_cast %parallel_loop3A_850 : i32 to index
        %parallel_loop3A_852 = arith.constant 0 : index
        %parallel_loop3A_853 = tpu.vector_load %arg10[%parallel_loop3A_851, %parallel_loop3A_852] {strides = array<i32>} : memref<256x64xf32, #tpu.memory_space<vmem>>, vector<16xf32>,
        %parallel_loop3A_854 = arith.addf %parallel_loop3A_853, %get3A_548 : vector<16xf32>
        %parallel_loop3A_855 = arith.index_cast %parallel_loop3A_850 : i32 to index
        %parallel_loop3A_856 = arith.constant 0 : index
        %parallel_loop3A_857 = tpu.vector_load %arg10[%parallel_loop3A_855, %parallel_loop3A_856] {strides = array<i32>} : memref<256x64xf32, #tpu.memory_space<vmem>>, vector<16xf32>,
        tpu.vector_store %arg10[%parallel_loop3A_855, %parallel_loop3A_856], %parallel_loop3A_854 {strides = array<i32>} : memref<256x64xf32, #tpu.memory_space<vmem>>, vector<16xf32>,
        %parallel_loop3A_858 = arith.index_cast %parallel_loop3A_850 : i32 to index
        %parallel_loop3A_859 = arith.constant 16 : index
        %parallel_loop3A_860 = tpu.vector_load %arg10[%parallel_loop3A_858, %parallel_loop3A_859] {strides = array<i32>} : memref<256x64xf32, #tpu.memory_space<vmem>>, vector<16xf32>,
        %parallel_loop3A_861 = arith.addf %parallel_loop3A_860, %get3A_551 : vector<16xf32>
        %parallel_loop3A_862 = arith.index_cast %parallel_loop3A_850 : i32 to index
        %parallel_loop3A_863 = arith.constant 16 : index
        %parallel_loop3A_864 = tpu.vector_load %arg10[%parallel_loop3A_862, %parallel_loop3A_863] {strides = array<i32>} : memref<256x64xf32, #tpu.memory_space<vmem>>, vector<16xf32>,
        tpu.vector_store %arg10[%parallel_loop3A_862, %parallel_loop3A_863], %parallel_loop3A_861 {strides = array<i32>} : memref<256x64xf32, #tpu.memory_space<vmem>>, vector<16xf32>,
        %parallel_loop3A_865 = arith.index_cast %parallel_loop3A_850 : i32 to index
        %parallel_loop3A_866 = arith.constant 32 : index
        %parallel_loop3A_867 = tpu.vector_load %arg10[%parallel_loop3A_865, %parallel_loop3A_866] {strides = array<i32>} : memref<256x64xf32, #tpu.memory_space<vmem>>, vector<16xf32>,
        %parallel_loop3A_868 = arith.addf %parallel_loop3A_867, %get3A_554 : vector<16xf32>
        %parallel_loop3A_869 = arith.index_cast %parallel_loop3A_850 : i32 to index
        %parallel_loop3A_870 = arith.constant 32 : index
        %parallel_loop3A_871 = tpu.vector_load %arg10[%parallel_loop3A_869, %parallel_loop3A_870] {strides = array<i32>} : memref<256x64xf32, #tpu.memory_space<vmem>>, vector<16xf32>,
        tpu.vector_store %arg10[%parallel_loop3A_869, %parallel_loop3A_870], %parallel_loop3A_868 {strides = array<i32>} : memref<256x64xf32, #tpu.memory_space<vmem>>, vector<16xf32>,
        %parallel_loop3A_872 = arith.index_cast %parallel_loop3A_850 : i32 to index
        %parallel_loop3A_873 = arith.constant 48 : index
        %parallel_loop3A_874 = tpu.vector_load %arg10[%parallel_loop3A_872, %parallel_loop3A_873] {strides = array<i32>} : memref<256x64xf32, #tpu.memory_space<vmem>>, vector<16xf32>,
        %parallel_loop3A_875 = arith.addf %parallel_loop3A_874, %get3A_557 : vector<16xf32>
        %parallel_loop3A_876 = arith.index_cast %parallel_loop3A_850 : i32 to index
        %parallel_loop3A_877 = arith.constant 48 : index
        %parallel_loop3A_878 = tpu.vector_load %arg10[%parallel_loop3A_876, %parallel_loop3A_877] {strides = array<i32>} : memref<256x64xf32, #tpu.memory_space<vmem>>, vector<16xf32>,
        tpu.vector_store %arg10[%parallel_loop3A_876, %parallel_loop3A_877], %parallel_loop3A_875 {strides = array<i32>} : memref<256x64xf32, #tpu.memory_space<vmem>>, vector<16xf32>,
      } {sc.loop_unroll_factor = 2 : i64, sc.parallel_access}
      %jit3A_561 = arith.constant 2 : i32
      %div3A_562 = arith.divsi %add3A_474, %jit3A_561 : i32
      %sign3A_563 = arith.constant 0 : i32
      %sign3A_564 = arith.cmpi sgt, %add3A_474, %sign3A_563 : i32
      %sign3A_565 = arith.extui %sign3A_564 : i1 to i32
      %sign3A_566 = arith.constant 0 : i32
      %sign3A_567 = arith.cmpi slt, %add3A_474, %sign3A_566 : i32
      %sign3A_568 = arith.extui %sign3A_567 : i1 to i32
      %sign3A_569 = arith.subi %sign3A_565, %sign3A_568 : i32
      %sign3A_570 = arith.constant 0 : i32
      %sign3A_571 = arith.cmpi sgt, %jit3A_561, %sign3A_570 : i32
      %sign3A_572 = arith.extui %sign3A_571 : i1 to i32
      %sign3A_573 = arith.constant 0 : i32
      %sign3A_574 = arith.cmpi slt, %jit3A_561, %sign3A_573 : i32
      %sign3A_575 = arith.extui %sign3A_574 : i1 to i32
      %sign3A_576 = arith.subi %sign3A_572, %sign3A_575 : i32
      %ne3A_577 = arith.cmpi ne, %sign3A_569, %sign3A_576 : i32
      %rem3A_578 = arith.remsi %add3A_474, %jit3A_561 : i32
      %ne3A_579 = arith.constant 0 : i32
      %ne3A_580 = arith.cmpi ne, %rem3A_578, %ne3A_579 : i32
      %and3A_581 = arith.andi %ne3A_577, %ne3A_580 : i1
      %sub3A_582 = arith.constant 1 : i32
      %sub3A_583 = arith.subi %div3A_562, %sub3A_582 : i32
      %select_n3A_584 = arith.select %and3A_581, %sub3A_583, %div3A_562 : i32
      %jit3A_585 = arith.constant 2 : i32
      %eq3A_586 = arith.constant 0 : i32
      %eq3A_587 = arith.cmpi eq, %jit3A_585, %eq3A_586 : i32
      %jit3A_588 = arith.constant 1 : i32
      %select_n3A_589 = arith.select %eq3A_587, %jit3A_588, %jit3A_585 : i32
      %rem3A_590 = arith.remsi %add3A_474, %select_n3A_589 : i32
      %ne3A_591 = arith.constant 0 : i32
      %ne3A_592 = arith.cmpi ne, %rem3A_590, %ne3A_591 : i32
      %lt3A_593 = arith.constant 0 : i32
      %lt3A_594 = arith.cmpi slt, %rem3A_590, %lt3A_593 : i32
      %lt3A_595 = arith.constant 0 : i32
      %lt3A_596 = arith.cmpi slt, %select_n3A_589, %lt3A_595 : i32
      %ne3A_597 = arith.xori %lt3A_594, %lt3A_596 : i1
      %and3A_598 = arith.andi %ne3A_597, %ne3A_592 : i1
      %add3A_599 = arith.addi %rem3A_590, %select_n3A_589 : i32
      %select_n3A_600 = arith.select %and3A_598, %add3A_599, %rem3A_590 : i32
      %mul3A_601 = arith.constant 256 : i32
      %mul3A_602 = arith.muli %select_n3A_600, %mul3A_601 : i32
      %add3A_603 = arith.addi %mul3A_2, %mul3A_602 : i32
      %dma_start3A_604 = arith.constant 0 : i32
      %dma_start3A_605 = tpu.memref_slice %arg5[%select_n3A_584, %add3A_603, %dma_start3A_604] : memref<26x16384x64xf32, #tpu.memory_space<hbm>> -> memref<1x256x64xf32, #tpu.memory_space<hbm>>
      %dma_start3A_606 = tpu.memref_squeeze %dma_start3A_605 : memref<1x256x64xf32, #tpu.memory_space<hbm>> -> memref<256x64xf32, #tpu.memory_space<hbm>>
      %dma_start3A_607 = arith.constant 0 : i32
      %dma_start3A_608 = tpu.memref_slice %arg5[%select_n3A_584, %add3A_603, %dma_start3A_607] : memref<26x16384x64xf32, #tpu.memory_space<hbm>> -> memref<1x256x64xf32, #tpu.memory_space<hbm>>
      %dma_start3A_609 = tpu.memref_squeeze %dma_start3A_608 : memref<1x256x64xf32, #tpu.memory_space<hbm>> -> memref<256x64xf32, #tpu.memory_space<hbm>>
      tpu.enqueue_dma source(%arg10 : memref<256x64xf32, #tpu.memory_space<vmem>>) target(%dma_start3A_609 : memref<256x64xf32, #tpu.memory_space<hbm>>) target_semaphore(%arg19 : memref<!tpu.dma_semaphore, #tpu.memory_space<semaphore_mem>>)
      %ge3A_610 = arith.constant 2 : i32
      %ge3A_611 = arith.cmpi sge, %add3A_474, %ge3A_610 : i32
      %convert_element_type3A_612 = arith.extui %ge3A_611 : i1 to i32
      %cond3A_613 = arith.constant 0 : i32
      %cond3A_614 = arith.cmpi ne, %convert_element_type3A_612, %cond3A_613 : i32
      scf.if %cond3A_614 {
        %sub3A_622 = arith.constant 2 : i32
        %sub3A_623 = arith.subi %add3A_474, %sub3A_622 : i32
        %jit3A_624 = arith.constant 2 : i32
        %div3A_625 = arith.divsi %sub3A_623, %jit3A_624 : i32
        %sign3A_626 = arith.constant 0 : i32
        %sign3A_627 = arith.cmpi sgt, %sub3A_623, %sign3A_626 : i32
        %sign3A_628 = arith.extui %sign3A_627 : i1 to i32
        %sign3A_629 = arith.constant 0 : i32
        %sign3A_630 = arith.cmpi slt, %sub3A_623, %sign3A_629 : i32
        %sign3A_631 = arith.extui %sign3A_630 : i1 to i32
        %sign3A_632 = arith.subi %sign3A_628, %sign3A_631 : i32
        %sign3A_633 = arith.constant 0 : i32
        %sign3A_634 = arith.cmpi sgt, %jit3A_624, %sign3A_633 : i32
        %sign3A_635 = arith.extui %sign3A_634 : i1 to i32
        %sign3A_636 = arith.constant 0 : i32
        %sign3A_637 = arith.cmpi slt, %jit3A_624, %sign3A_636 : i32
        %sign3A_638 = arith.extui %sign3A_637 : i1 to i32
        %sign3A_639 = arith.subi %sign3A_635, %sign3A_638 : i32
        %ne3A_640 = arith.cmpi ne, %sign3A_632, %sign3A_639 : i32
        %rem3A_641 = arith.remsi %sub3A_623, %jit3A_624 : i32
        %ne3A_642 = arith.constant 0 : i32
        %ne3A_643 = arith.cmpi ne, %rem3A_641, %ne3A_642 : i32
        %and3A_644 = arith.andi %ne3A_640, %ne3A_643 : i1
        %sub3A_645 = arith.constant 1 : i32
        %sub3A_646 = arith.subi %div3A_625, %sub3A_645 : i32
        %select_n3A_647 = arith.select %and3A_644, %sub3A_646, %div3A_625 : i32
        %jit3A_648 = arith.constant 2 : i32
        %eq3A_649 = arith.constant 0 : i32
        %eq3A_650 = arith.cmpi eq, %jit3A_648, %eq3A_649 : i32
        %jit3A_651 = arith.constant 1 : i32
        %select_n3A_652 = arith.select %eq3A_650, %jit3A_651, %jit3A_648 : i32
        %rem3A_653 = arith.remsi %sub3A_623, %select_n3A_652 : i32
        %ne3A_654 = arith.constant 0 : i32
        %ne3A_655 = arith.cmpi ne, %rem3A_653, %ne3A_654 : i32
        %lt3A_656 = arith.constant 0 : i32
        %lt3A_657 = arith.cmpi slt, %rem3A_653, %lt3A_656 : i32
        %lt3A_658 = arith.constant 0 : i32
        %lt3A_659 = arith.cmpi slt, %select_n3A_652, %lt3A_658 : i32
        %ne3A_660 = arith.xori %lt3A_657, %lt3A_659 : i1
        %and3A_661 = arith.andi %ne3A_660, %ne3A_655 : i1
        %add3A_662 = arith.addi %rem3A_653, %select_n3A_652 : i32
        %select_n3A_663 = arith.select %and3A_661, %add3A_662, %rem3A_653 : i32
        %mul3A_664 = arith.constant 256 : i32
        %mul3A_665 = arith.muli %select_n3A_663, %mul3A_664 : i32
        %add3A_666 = arith.addi %mul3A_2, %mul3A_665 : i32
        %dma_wait3A_667 = arith.constant 0 : i32
        %dma_wait3A_668 = tpu.memref_slice %arg5[%select_n3A_647, %add3A_666, %dma_wait3A_667] : memref<26x16384x64xf32, #tpu.memory_space<hbm>> -> memref<1x256x64xf32, #tpu.memory_space<hbm>>
        %dma_wait3A_669 = tpu.memref_squeeze %dma_wait3A_668 : memref<1x256x64xf32, #tpu.memory_space<hbm>> -> memref<256x64xf32, #tpu.memory_space<hbm>>
        %dma_wait3A_670 = arith.constant 0 : i32
        %dma_wait3A_671 = tpu.memref_slice %arg5[%select_n3A_647, %add3A_666, %dma_wait3A_670] : memref<26x16384x64xf32, #tpu.memory_space<hbm>> -> memref<1x256x64xf32, #tpu.memory_space<hbm>>
        %dma_wait3A_672 = tpu.memref_squeeze %dma_wait3A_671 : memref<1x256x64xf32, #tpu.memory_space<hbm>> -> memref<256x64xf32, #tpu.memory_space<hbm>>
        tpu.wait_dma2 semaphore(%arg17 : memref<!tpu.dma_semaphore, #tpu.memory_space<semaphore_mem>>) src(%arg8 : memref<256x64xf32, #tpu.memory_space<vmem>>) dst(%dma_wait3A_672 : memref<256x64xf32, #tpu.memory_space<hbm>>)
      } else {
      }
      %add3A_615 = arith.constant 2 : i32
      %add3A_616 = arith.addi %add3A_474, %add3A_615 : i32
      %lt3A_617 = arith.constant 52 : i32
      %lt3A_618 = arith.cmpi slt, %add3A_616, %lt3A_617 : i32
      %convert_element_type3A_619 = arith.extui %lt3A_618 : i1 to i32
      %cond3A_620 = arith.constant 0 : i32
      %cond3A_621 = arith.cmpi ne, %convert_element_type3A_619, %cond3A_620 : i32
      scf.if %cond3A_621 {
        %add3A_622 = arith.constant 2 : i32
        %add3A_623 = arith.addi %add3A_474, %add3A_622 : i32
        %jit3A_624 = arith.constant 2 : i32
        %div3A_625 = arith.divsi %add3A_623, %jit3A_624 : i32
        %sign3A_626 = arith.constant 0 : i32
        %sign3A_627 = arith.cmpi sgt, %add3A_623, %sign3A_626 : i32
        %sign3A_628 = arith.extui %sign3A_627 : i1 to i32
        %sign3A_629 = arith.constant 0 : i32
        %sign3A_630 = arith.cmpi slt, %add3A_623, %sign3A_629 : i32
        %sign3A_631 = arith.extui %sign3A_630 : i1 to i32
        %sign3A_632 = arith.subi %sign3A_628, %sign3A_631 : i32
        %sign3A_633 = arith.constant 0 : i32
        %sign3A_634 = arith.cmpi sgt, %jit3A_624, %sign3A_633 : i32
        %sign3A_635 = arith.extui %sign3A_634 : i1 to i32
        %sign3A_636 = arith.constant 0 : i32
        %sign3A_637 = arith.cmpi slt, %jit3A_624, %sign3A_636 : i32
        %sign3A_638 = arith.extui %sign3A_637 : i1 to i32
        %sign3A_639 = arith.subi %sign3A_635, %sign3A_638 : i32
        %ne3A_640 = arith.cmpi ne, %sign3A_632, %sign3A_639 : i32
        %rem3A_641 = arith.remsi %add3A_623, %jit3A_624 : i32
        %ne3A_642 = arith.constant 0 : i32
        %ne3A_643 = arith.cmpi ne, %rem3A_641, %ne3A_642 : i32
        %and3A_644 = arith.andi %ne3A_640, %ne3A_643 : i1
        %sub3A_645 = arith.constant 1 : i32
        %sub3A_646 = arith.subi %div3A_625, %sub3A_645 : i32
        %select_n3A_647 = arith.select %and3A_644, %sub3A_646, %div3A_625 : i32
        %jit3A_648 = arith.constant 2 : i32
        %eq3A_649 = arith.constant 0 : i32
        %eq3A_650 = arith.cmpi eq, %jit3A_648, %eq3A_649 : i32
        %jit3A_651 = arith.constant 1 : i32
        %select_n3A_652 = arith.select %eq3A_650, %jit3A_651, %jit3A_648 : i32
        %rem3A_653 = arith.remsi %add3A_623, %select_n3A_652 : i32
        %ne3A_654 = arith.constant 0 : i32
        %ne3A_655 = arith.cmpi ne, %rem3A_653, %ne3A_654 : i32
        %lt3A_656 = arith.constant 0 : i32
        %lt3A_657 = arith.cmpi slt, %rem3A_653, %lt3A_656 : i32
        %lt3A_658 = arith.constant 0 : i32
        %lt3A_659 = arith.cmpi slt, %select_n3A_652, %lt3A_658 : i32
        %ne3A_660 = arith.xori %lt3A_657, %lt3A_659 : i1
        %and3A_661 = arith.andi %ne3A_660, %ne3A_655 : i1
        %add3A_662 = arith.addi %rem3A_653, %select_n3A_652 : i32
        %select_n3A_663 = arith.select %and3A_661, %add3A_662, %rem3A_653 : i32
        %mul3A_664 = arith.constant 256 : i32
        %mul3A_665 = arith.muli %select_n3A_663, %mul3A_664 : i32
        %dma_start3A_666 = tpu.memref_slice %arg6[%select_n3A_647, %mul3A_665] : memref<26x512xi32, #tpu.memory_space<vmem>> -> memref<1x256xi32, #tpu.memory_space<vmem>>
        %dma_start3A_667 = tpu.memref_squeeze %dma_start3A_666 : memref<1x256xi32, #tpu.memory_space<vmem>> -> memref<256xi32, #tpu.memory_space<vmem>>
        %dma_start3A_668 = arith.constant 0 : i32
        %dma_start3A_669 = arith.constant 0 : i32
        %dma_start3A_670 = tpu.memref_slice %arg3[%dma_start3A_668, %dma_start3A_669] : memref<999987x64xf32, #tpu.memory_space<hbm>> -> memref<999987x64xf32, #tpu.memory_space<hbm>>
        tpu.enqueue_indirect_dma source(%dma_start3A_670 : memref<999987x64xf32, #tpu.memory_space<hbm>>) target(%arg8 : memref<256x64xf32, #tpu.memory_space<vmem>>) offsets(%dma_start3A_667 : memref<256xi32, #tpu.memory_space<vmem>>) semaphore(%arg13 : memref<!tpu.dma_semaphore, #tpu.memory_space<semaphore_mem>>)
      } else {
      }
    }
    %scan3A_20 = arith.constant 13 : i32
    %add3A_21 = arith.constant 0 : i32
    %add3A_22 = arith.addi %mul3A_2, %add3A_21 : i32
    %dma_wait3A = arith.constant 25 : i32
    %dma_wait3A_23 = arith.constant 0 : i32
    %dma_wait3A_24 = tpu.memref_slice %arg5[%dma_wait3A, %add3A_22, %dma_wait3A_23] : memref<26x16384x64xf32, #tpu.memory_space<hbm>> -> memref<1x256x64xf32, #tpu.memory_space<hbm>>
    %dma_wait3A_25 = tpu.memref_squeeze %dma_wait3A_24 : memref<1x256x64xf32, #tpu.memory_space<hbm>> -> memref<256x64xf32, #tpu.memory_space<hbm>>
    %dma_wait3A_26 = arith.constant 0 : i32
    %dma_wait3A_27 = tpu.memref_slice %arg5[%dma_wait3A, %add3A_22, %dma_wait3A_26] : memref<26x16384x64xf32, #tpu.memory_space<hbm>> -> memref<1x256x64xf32, #tpu.memory_space<hbm>>
    %dma_wait3A_28 = tpu.memref_squeeze %dma_wait3A_27 : memref<1x256x64xf32, #tpu.memory_space<hbm>> -> memref<256x64xf32, #tpu.memory_space<hbm>>
    tpu.wait_dma2 semaphore(%arg18 : memref<!tpu.dma_semaphore, #tpu.memory_space<semaphore_mem>>) src(%arg9 : memref<256x64xf32, #tpu.memory_space<vmem>>) dst(%dma_wait3A_28 : memref<256x64xf32, #tpu.memory_space<hbm>>)
    %add3A_29 = arith.constant 256 : i32
    %add3A_30 = arith.addi %mul3A_2, %add3A_29 : i32
    %dma_wait3A_31 = arith.constant 25 : i32
    %dma_wait3A_32 = arith.constant 0 : i32
    %dma_wait3A_33 = tpu.memref_slice %arg5[%dma_wait3A_31, %add3A_30, %dma_wait3A_32] : memref<26x16384x64xf32, #tpu.memory_space<hbm>> -> memref<1x256x64xf32, #tpu.memory_space<hbm>>
    %dma_wait3A_34 = tpu.memref_squeeze %dma_wait3A_33 : memref<1x256x64xf32, #tpu.memory_space<hbm>> -> memref<256x64xf32, #tpu.memory_space<hbm>>
    %dma_wait3A_35 = arith.constant 0 : i32
    %dma_wait3A_36 = tpu.memref_slice %arg5[%dma_wait3A_31, %add3A_30, %dma_wait3A_35] : memref<26x16384x64xf32, #tpu.memory_space<hbm>> -> memref<1x256x64xf32, #tpu.memory_space<hbm>>
    %dma_wait3A_37 = tpu.memref_squeeze %dma_wait3A_36 : memref<1x256x64xf32, #tpu.memory_space<hbm>> -> memref<256x64xf32, #tpu.memory_space<hbm>>
    tpu.wait_dma2 semaphore(%arg19 : memref<!tpu.dma_semaphore, #tpu.memory_space<semaphore_mem>>) src(%arg10 : memref<256x64xf32, #tpu.memory_space<vmem>>) dst(%dma_wait3A_37 : memref<256x64xf32, #tpu.memory_space<hbm>>)
    return
  }
}

module attributes {stable_mosaic.version = 14 : i64} {
  func.func @_xpose_tc_kernel(%arg0: i32, %arg1: memref<1x8192x128xf32, #tpu.memory_space<vmem>>, %arg2: memref<1x64x16384xf32, #tpu.memory_space<vmem>>) attributes {dimension_semantics = [#tpu.dimension_semantics<arbitrary>], iteration_bounds = array<i64: 26>, scalar_prefetch = 0 : i64, scratch_operands = 0 : i64, tpu.core_type = #tpu.core_type<tc>, window_params = [{transform_indices = @transform_0, window_bounds = array<i64: 1, 8192, 128>}, {transform_indices = @transform_1, window_bounds = array<i64: 1, 64, 16384>}]} {
    %iota3A = tpu.iota {dimensions = array<i32: 0>} : vector<256x256xi32>
    %iota3A_0 = tpu.iota {dimensions = array<i32: 1>} : vector<256x256xi32>
    %eq3A = arith.cmpi eq, %iota3A, %iota3A_0 : vector<256x256xi32>
    %convert_element_type3A = arith.extui %eq3A : vector<256x256xi1> to vector<256x256xi32>
    %convert_element_type3A_1 = arith.sitofp %convert_element_type3A : vector<256x256xi32> to vector<256x256xf32>
    %get3A = arith.constant 0 : index
    %get3A_2 = arith.constant 0 : index
    %get3A_3 = arith.constant 0 : index
    %get3A_4 = vector.load %arg1[%get3A, %get3A_2, %get3A_3] : memref<1x8192x128xf32, #tpu.memory_space<vmem>>, vector<1x256x128xf32>
    %get3A_5 = vector.shape_cast %get3A_4 : vector<1x256x128xf32> to vector<256x128xf32>
    %dot_general3A = arith.constant dense<0.000000e+00> : vector<128x256xf32>
    %dot_general3A_6 = tpu.matmul %get3A_5, %convert_element_type3A_1, %dot_general3A {dimension_numbers = #tpu.dot_dimension_numbers<[0], [0], [1], [1], [0, 1, 1, 1], [], []>, precision = #tpu.contract_precision<fp32>, transpose_lhs_hint = false} : vector<256x128xf32>, vector<256x256xf32>, vector<128x256xf32> -> vector<128x256xf32>
    %slice3A = vector.extract_strided_slice %dot_general3A_6 {offsets = [0, 0], sizes = [64, 256], strides = [1, 1]} : vector<128x256xf32> to vector<64x256xf32>
    %swap3A = arith.constant 0 : index
    %swap3A_7 = arith.constant 0 : index
    %swap3A_8 = arith.constant 0 : index
    %swap3A_9 = vector.load %arg2[%swap3A, %swap3A_7, %swap3A_8] : memref<1x64x16384xf32, #tpu.memory_space<vmem>>, vector<1x64x256xf32>
    %swap3A_10 = vector.shape_cast %swap3A_9 : vector<1x64x256xf32> to vector<64x256xf32>
    %swap3A_11 = vector.shape_cast %slice3A : vector<64x256xf32> to vector<1x64x256xf32>
    tpu.vector_store %arg2[%swap3A, %swap3A_7, %swap3A_8], %swap3A_11 {strides = array<i32>} : memref<1x64x16384xf32, #tpu.memory_space<vmem>>, vector<1x64x256xf32>,
    %slice3A_12 = vector.extract_strided_slice %dot_general3A_6 {offsets = [64, 0], sizes = [64, 256], strides = [1, 1]} : vector<128x256xf32> to vector<64x256xf32>
    %swap3A_13 = arith.constant 0 : index
    %swap3A_14 = arith.constant 0 : index
    %swap3A_15 = arith.constant 256 : index
    %swap3A_16 = vector.load %arg2[%swap3A_13, %swap3A_14, %swap3A_15] : memref<1x64x16384xf32, #tpu.memory_space<vmem>>, vector<1x64x256xf32>
    %swap3A_17 = vector.shape_cast %swap3A_16 : vector<1x64x256xf32> to vector<64x256xf32>
    %swap3A_18 = vector.shape_cast %slice3A_12 : vector<64x256xf32> to vector<1x64x256xf32>
    tpu.vector_store %arg2[%swap3A_13, %swap3A_14, %swap3A_15], %swap3A_18 {strides = array<i32>} : memref<1x64x16384xf32, #tpu.memory_space<vmem>>, vector<1x64x256xf32>,
    %get3A_19 = arith.constant 0 : index
    %get3A_20 = arith.constant 256 : index
    %get3A_21 = arith.constant 0 : index
    %get3A_22 = vector.load %arg1[%get3A_19, %get3A_20, %get3A_21] : memref<1x8192x128xf32, #tpu.memory_space<vmem>>, vector<1x256x128xf32>
    %get3A_23 = vector.shape_cast %get3A_22 : vector<1x256x128xf32> to vector<256x128xf32>
    %dot_general3A_24 = arith.constant dense<0.000000e+00> : vector<128x256xf32>
    %dot_general3A_25 = tpu.matmul %get3A_23, %convert_element_type3A_1, %dot_general3A_24 {dimension_numbers = #tpu.dot_dimension_numbers<[0], [0], [1], [1], [0, 1, 1, 1], [], []>, precision = #tpu.contract_precision<fp32>, transpose_lhs_hint = false} : vector<256x128xf32>, vector<256x256xf32>, vector<128x256xf32> -> vector<128x256xf32>
    %slice3A_26 = vector.extract_strided_slice %dot_general3A_25 {offsets = [0, 0], sizes = [64, 256], strides = [1, 1]} : vector<128x256xf32> to vector<64x256xf32>
    %swap3A_27 = arith.constant 0 : index
    %swap3A_28 = arith.constant 0 : index
    %swap3A_29 = arith.constant 512 : index
    %swap3A_30 = vector.load %arg2[%swap3A_27, %swap3A_28, %swap3A_29] : memref<1x64x16384xf32, #tpu.memory_space<vmem>>, vector<1x64x256xf32>
    %swap3A_31 = vector.shape_cast %swap3A_30 : vector<1x64x256xf32> to vector<64x256xf32>
    %swap3A_32 = vector.shape_cast %slice3A_26 : vector<64x256xf32> to vector<1x64x256xf32>
    tpu.vector_store %arg2[%swap3A_27, %swap3A_28, %swap3A_29], %swap3A_32 {strides = array<i32>} : memref<1x64x16384xf32, #tpu.memory_space<vmem>>, vector<1x64x256xf32>,
    %slice3A_33 = vector.extract_strided_slice %dot_general3A_25 {offsets = [64, 0], sizes = [64, 256], strides = [1, 1]} : vector<128x256xf32> to vector<64x256xf32>
    %swap3A_34 = arith.constant 0 : index
    %swap3A_35 = arith.constant 0 : index
    %swap3A_36 = arith.constant 768 : index
    %swap3A_37 = vector.load %arg2[%swap3A_34, %swap3A_35, %swap3A_36] : memref<1x64x16384xf32, #tpu.memory_space<vmem>>, vector<1x64x256xf32>
    %swap3A_38 = vector.shape_cast %swap3A_37 : vector<1x64x256xf32> to vector<64x256xf32>
    %swap3A_39 = vector.shape_cast %slice3A_33 : vector<64x256xf32> to vector<1x64x256xf32>
    tpu.vector_store %arg2[%swap3A_34, %swap3A_35, %swap3A_36], %swap3A_39 {strides = array<i32>} : memref<1x64x16384xf32, #tpu.memory_space<vmem>>, vector<1x64x256xf32>,
    %get3A_40 = arith.constant 0 : index
    %get3A_41 = arith.constant 512 : index
    %get3A_42 = arith.constant 0 : index
    %get3A_43 = vector.load %arg1[%get3A_40, %get3A_41, %get3A_42] : memref<1x8192x128xf32, #tpu.memory_space<vmem>>, vector<1x256x128xf32>
    %get3A_44 = vector.shape_cast %get3A_43 : vector<1x256x128xf32> to vector<256x128xf32>
    %dot_general3A_45 = arith.constant dense<0.000000e+00> : vector<128x256xf32>
    %dot_general3A_46 = tpu.matmul %get3A_44, %convert_element_type3A_1, %dot_general3A_45 {dimension_numbers = #tpu.dot_dimension_numbers<[0], [0], [1], [1], [0, 1, 1, 1], [], []>, precision = #tpu.contract_precision<fp32>, transpose_lhs_hint = false} : vector<256x128xf32>, vector<256x256xf32>, vector<128x256xf32> -> vector<128x256xf32>
    %slice3A_47 = vector.extract_strided_slice %dot_general3A_46 {offsets = [0, 0], sizes = [64, 256], strides = [1, 1]} : vector<128x256xf32> to vector<64x256xf32>
    %swap3A_48 = arith.constant 0 : index
    %swap3A_49 = arith.constant 0 : index
    %swap3A_50 = arith.constant 1024 : index
    %swap3A_51 = vector.load %arg2[%swap3A_48, %swap3A_49, %swap3A_50] : memref<1x64x16384xf32, #tpu.memory_space<vmem>>, vector<1x64x256xf32>
    %swap3A_52 = vector.shape_cast %swap3A_51 : vector<1x64x256xf32> to vector<64x256xf32>
    %swap3A_53 = vector.shape_cast %slice3A_47 : vector<64x256xf32> to vector<1x64x256xf32>
    tpu.vector_store %arg2[%swap3A_48, %swap3A_49, %swap3A_50], %swap3A_53 {strides = array<i32>} : memref<1x64x16384xf32, #tpu.memory_space<vmem>>, vector<1x64x256xf32>,
    %slice3A_54 = vector.extract_strided_slice %dot_general3A_46 {offsets = [64, 0], sizes = [64, 256], strides = [1, 1]} : vector<128x256xf32> to vector<64x256xf32>
    %swap3A_55 = arith.constant 0 : index
    %swap3A_56 = arith.constant 0 : index
    %swap3A_57 = arith.constant 1280 : index
    %swap3A_58 = vector.load %arg2[%swap3A_55, %swap3A_56, %swap3A_57] : memref<1x64x16384xf32, #tpu.memory_space<vmem>>, vector<1x64x256xf32>
    %swap3A_59 = vector.shape_cast %swap3A_58 : vector<1x64x256xf32> to vector<64x256xf32>
    %swap3A_60 = vector.shape_cast %slice3A_54 : vector<64x256xf32> to vector<1x64x256xf32>
    tpu.vector_store %arg2[%swap3A_55, %swap3A_56, %swap3A_57], %swap3A_60 {strides = array<i32>} : memref<1x64x16384xf32, #tpu.memory_space<vmem>>, vector<1x64x256xf32>,
    %get3A_61 = arith.constant 0 : index
    %get3A_62 = arith.constant 768 : index
    %get3A_63 = arith.constant 0 : index
    %get3A_64 = vector.load %arg1[%get3A_61, %get3A_62, %get3A_63] : memref<1x8192x128xf32, #tpu.memory_space<vmem>>, vector<1x256x128xf32>
    %get3A_65 = vector.shape_cast %get3A_64 : vector<1x256x128xf32> to vector<256x128xf32>
    %dot_general3A_66 = arith.constant dense<0.000000e+00> : vector<128x256xf32>
    %dot_general3A_67 = tpu.matmul %get3A_65, %convert_element_type3A_1, %dot_general3A_66 {dimension_numbers = #tpu.dot_dimension_numbers<[0], [0], [1], [1], [0, 1, 1, 1], [], []>, precision = #tpu.contract_precision<fp32>, transpose_lhs_hint = false} : vector<256x128xf32>, vector<256x256xf32>, vector<128x256xf32> -> vector<128x256xf32>
    %slice3A_68 = vector.extract_strided_slice %dot_general3A_67 {offsets = [0, 0], sizes = [64, 256], strides = [1, 1]} : vector<128x256xf32> to vector<64x256xf32>
    %swap3A_69 = arith.constant 0 : index
    %swap3A_70 = arith.constant 0 : index
    %swap3A_71 = arith.constant 1536 : index
    %swap3A_72 = vector.load %arg2[%swap3A_69, %swap3A_70, %swap3A_71] : memref<1x64x16384xf32, #tpu.memory_space<vmem>>, vector<1x64x256xf32>
    %swap3A_73 = vector.shape_cast %swap3A_72 : vector<1x64x256xf32> to vector<64x256xf32>
    %swap3A_74 = vector.shape_cast %slice3A_68 : vector<64x256xf32> to vector<1x64x256xf32>
    tpu.vector_store %arg2[%swap3A_69, %swap3A_70, %swap3A_71], %swap3A_74 {strides = array<i32>} : memref<1x64x16384xf32, #tpu.memory_space<vmem>>, vector<1x64x256xf32>,
    %slice3A_75 = vector.extract_strided_slice %dot_general3A_67 {offsets = [64, 0], sizes = [64, 256], strides = [1, 1]} : vector<128x256xf32> to vector<64x256xf32>
    %swap3A_76 = arith.constant 0 : index
    %swap3A_77 = arith.constant 0 : index
    %swap3A_78 = arith.constant 1792 : index
    %swap3A_79 = vector.load %arg2[%swap3A_76, %swap3A_77, %swap3A_78] : memref<1x64x16384xf32, #tpu.memory_space<vmem>>, vector<1x64x256xf32>
    %swap3A_80 = vector.shape_cast %swap3A_79 : vector<1x64x256xf32> to vector<64x256xf32>
    %swap3A_81 = vector.shape_cast %slice3A_75 : vector<64x256xf32> to vector<1x64x256xf32>
    tpu.vector_store %arg2[%swap3A_76, %swap3A_77, %swap3A_78], %swap3A_81 {strides = array<i32>} : memref<1x64x16384xf32, #tpu.memory_space<vmem>>, vector<1x64x256xf32>,
    %get3A_82 = arith.constant 0 : index
    %get3A_83 = arith.constant 1024 : index
    %get3A_84 = arith.constant 0 : index
    %get3A_85 = vector.load %arg1[%get3A_82, %get3A_83, %get3A_84] : memref<1x8192x128xf32, #tpu.memory_space<vmem>>, vector<1x256x128xf32>
    %get3A_86 = vector.shape_cast %get3A_85 : vector<1x256x128xf32> to vector<256x128xf32>
    %dot_general3A_87 = arith.constant dense<0.000000e+00> : vector<128x256xf32>
    %dot_general3A_88 = tpu.matmul %get3A_86, %convert_element_type3A_1, %dot_general3A_87 {dimension_numbers = #tpu.dot_dimension_numbers<[0], [0], [1], [1], [0, 1, 1, 1], [], []>, precision = #tpu.contract_precision<fp32>, transpose_lhs_hint = false} : vector<256x128xf32>, vector<256x256xf32>, vector<128x256xf32> -> vector<128x256xf32>
    %slice3A_89 = vector.extract_strided_slice %dot_general3A_88 {offsets = [0, 0], sizes = [64, 256], strides = [1, 1]} : vector<128x256xf32> to vector<64x256xf32>
    %swap3A_90 = arith.constant 0 : index
    %swap3A_91 = arith.constant 0 : index
    %swap3A_92 = arith.constant 2048 : index
    %swap3A_93 = vector.load %arg2[%swap3A_90, %swap3A_91, %swap3A_92] : memref<1x64x16384xf32, #tpu.memory_space<vmem>>, vector<1x64x256xf32>
    %swap3A_94 = vector.shape_cast %swap3A_93 : vector<1x64x256xf32> to vector<64x256xf32>
    %swap3A_95 = vector.shape_cast %slice3A_89 : vector<64x256xf32> to vector<1x64x256xf32>
    tpu.vector_store %arg2[%swap3A_90, %swap3A_91, %swap3A_92], %swap3A_95 {strides = array<i32>} : memref<1x64x16384xf32, #tpu.memory_space<vmem>>, vector<1x64x256xf32>,
    %slice3A_96 = vector.extract_strided_slice %dot_general3A_88 {offsets = [64, 0], sizes = [64, 256], strides = [1, 1]} : vector<128x256xf32> to vector<64x256xf32>
    %swap3A_97 = arith.constant 0 : index
    %swap3A_98 = arith.constant 0 : index
    %swap3A_99 = arith.constant 2304 : index
    %swap3A_100 = vector.load %arg2[%swap3A_97, %swap3A_98, %swap3A_99] : memref<1x64x16384xf32, #tpu.memory_space<vmem>>, vector<1x64x256xf32>
    %swap3A_101 = vector.shape_cast %swap3A_100 : vector<1x64x256xf32> to vector<64x256xf32>
    %swap3A_102 = vector.shape_cast %slice3A_96 : vector<64x256xf32> to vector<1x64x256xf32>
    tpu.vector_store %arg2[%swap3A_97, %swap3A_98, %swap3A_99], %swap3A_102 {strides = array<i32>} : memref<1x64x16384xf32, #tpu.memory_space<vmem>>, vector<1x64x256xf32>,
    %get3A_103 = arith.constant 0 : index
    %get3A_104 = arith.constant 1280 : index
    %get3A_105 = arith.constant 0 : index
    %get3A_106 = vector.load %arg1[%get3A_103, %get3A_104, %get3A_105] : memref<1x8192x128xf32, #tpu.memory_space<vmem>>, vector<1x256x128xf32>
    %get3A_107 = vector.shape_cast %get3A_106 : vector<1x256x128xf32> to vector<256x128xf32>
    %dot_general3A_108 = arith.constant dense<0.000000e+00> : vector<128x256xf32>
    %dot_general3A_109 = tpu.matmul %get3A_107, %convert_element_type3A_1, %dot_general3A_108 {dimension_numbers = #tpu.dot_dimension_numbers<[0], [0], [1], [1], [0, 1, 1, 1], [], []>, precision = #tpu.contract_precision<fp32>, transpose_lhs_hint = false} : vector<256x128xf32>, vector<256x256xf32>, vector<128x256xf32> -> vector<128x256xf32>
    %slice3A_110 = vector.extract_strided_slice %dot_general3A_109 {offsets = [0, 0], sizes = [64, 256], strides = [1, 1]} : vector<128x256xf32> to vector<64x256xf32>
    %swap3A_111 = arith.constant 0 : index
    %swap3A_112 = arith.constant 0 : index
    %swap3A_113 = arith.constant 2560 : index
    %swap3A_114 = vector.load %arg2[%swap3A_111, %swap3A_112, %swap3A_113] : memref<1x64x16384xf32, #tpu.memory_space<vmem>>, vector<1x64x256xf32>
    %swap3A_115 = vector.shape_cast %swap3A_114 : vector<1x64x256xf32> to vector<64x256xf32>
    %swap3A_116 = vector.shape_cast %slice3A_110 : vector<64x256xf32> to vector<1x64x256xf32>
    tpu.vector_store %arg2[%swap3A_111, %swap3A_112, %swap3A_113], %swap3A_116 {strides = array<i32>} : memref<1x64x16384xf32, #tpu.memory_space<vmem>>, vector<1x64x256xf32>,
    %slice3A_117 = vector.extract_strided_slice %dot_general3A_109 {offsets = [64, 0], sizes = [64, 256], strides = [1, 1]} : vector<128x256xf32> to vector<64x256xf32>
    %swap3A_118 = arith.constant 0 : index
    %swap3A_119 = arith.constant 0 : index
    %swap3A_120 = arith.constant 2816 : index
    %swap3A_121 = vector.load %arg2[%swap3A_118, %swap3A_119, %swap3A_120] : memref<1x64x16384xf32, #tpu.memory_space<vmem>>, vector<1x64x256xf32>
    %swap3A_122 = vector.shape_cast %swap3A_121 : vector<1x64x256xf32> to vector<64x256xf32>
    %swap3A_123 = vector.shape_cast %slice3A_117 : vector<64x256xf32> to vector<1x64x256xf32>
    tpu.vector_store %arg2[%swap3A_118, %swap3A_119, %swap3A_120], %swap3A_123 {strides = array<i32>} : memref<1x64x16384xf32, #tpu.memory_space<vmem>>, vector<1x64x256xf32>,
    %get3A_124 = arith.constant 0 : index
    %get3A_125 = arith.constant 1536 : index
    %get3A_126 = arith.constant 0 : index
    %get3A_127 = vector.load %arg1[%get3A_124, %get3A_125, %get3A_126] : memref<1x8192x128xf32, #tpu.memory_space<vmem>>, vector<1x256x128xf32>
    %get3A_128 = vector.shape_cast %get3A_127 : vector<1x256x128xf32> to vector<256x128xf32>
    %dot_general3A_129 = arith.constant dense<0.000000e+00> : vector<128x256xf32>
    %dot_general3A_130 = tpu.matmul %get3A_128, %convert_element_type3A_1, %dot_general3A_129 {dimension_numbers = #tpu.dot_dimension_numbers<[0], [0], [1], [1], [0, 1, 1, 1], [], []>, precision = #tpu.contract_precision<fp32>, transpose_lhs_hint = false} : vector<256x128xf32>, vector<256x256xf32>, vector<128x256xf32> -> vector<128x256xf32>
    %slice3A_131 = vector.extract_strided_slice %dot_general3A_130 {offsets = [0, 0], sizes = [64, 256], strides = [1, 1]} : vector<128x256xf32> to vector<64x256xf32>
    %swap3A_132 = arith.constant 0 : index
    %swap3A_133 = arith.constant 0 : index
    %swap3A_134 = arith.constant 3072 : index
    %swap3A_135 = vector.load %arg2[%swap3A_132, %swap3A_133, %swap3A_134] : memref<1x64x16384xf32, #tpu.memory_space<vmem>>, vector<1x64x256xf32>
    %swap3A_136 = vector.shape_cast %swap3A_135 : vector<1x64x256xf32> to vector<64x256xf32>
    %swap3A_137 = vector.shape_cast %slice3A_131 : vector<64x256xf32> to vector<1x64x256xf32>
    tpu.vector_store %arg2[%swap3A_132, %swap3A_133, %swap3A_134], %swap3A_137 {strides = array<i32>} : memref<1x64x16384xf32, #tpu.memory_space<vmem>>, vector<1x64x256xf32>,
    %slice3A_138 = vector.extract_strided_slice %dot_general3A_130 {offsets = [64, 0], sizes = [64, 256], strides = [1, 1]} : vector<128x256xf32> to vector<64x256xf32>
    %swap3A_139 = arith.constant 0 : index
    %swap3A_140 = arith.constant 0 : index
    %swap3A_141 = arith.constant 3328 : index
    %swap3A_142 = vector.load %arg2[%swap3A_139, %swap3A_140, %swap3A_141] : memref<1x64x16384xf32, #tpu.memory_space<vmem>>, vector<1x64x256xf32>
    %swap3A_143 = vector.shape_cast %swap3A_142 : vector<1x64x256xf32> to vector<64x256xf32>
    %swap3A_144 = vector.shape_cast %slice3A_138 : vector<64x256xf32> to vector<1x64x256xf32>
    tpu.vector_store %arg2[%swap3A_139, %swap3A_140, %swap3A_141], %swap3A_144 {strides = array<i32>} : memref<1x64x16384xf32, #tpu.memory_space<vmem>>, vector<1x64x256xf32>,
    %get3A_145 = arith.constant 0 : index
    %get3A_146 = arith.constant 1792 : index
    %get3A_147 = arith.constant 0 : index
    %get3A_148 = vector.load %arg1[%get3A_145, %get3A_146, %get3A_147] : memref<1x8192x128xf32, #tpu.memory_space<vmem>>, vector<1x256x128xf32>
    %get3A_149 = vector.shape_cast %get3A_148 : vector<1x256x128xf32> to vector<256x128xf32>
    %dot_general3A_150 = arith.constant dense<0.000000e+00> : vector<128x256xf32>
    %dot_general3A_151 = tpu.matmul %get3A_149, %convert_element_type3A_1, %dot_general3A_150 {dimension_numbers = #tpu.dot_dimension_numbers<[0], [0], [1], [1], [0, 1, 1, 1], [], []>, precision = #tpu.contract_precision<fp32>, transpose_lhs_hint = false} : vector<256x128xf32>, vector<256x256xf32>, vector<128x256xf32> -> vector<128x256xf32>
    %slice3A_152 = vector.extract_strided_slice %dot_general3A_151 {offsets = [0, 0], sizes = [64, 256], strides = [1, 1]} : vector<128x256xf32> to vector<64x256xf32>
    %swap3A_153 = arith.constant 0 : index
    %swap3A_154 = arith.constant 0 : index
    %swap3A_155 = arith.constant 3584 : index
    %swap3A_156 = vector.load %arg2[%swap3A_153, %swap3A_154, %swap3A_155] : memref<1x64x16384xf32, #tpu.memory_space<vmem>>, vector<1x64x256xf32>
    %swap3A_157 = vector.shape_cast %swap3A_156 : vector<1x64x256xf32> to vector<64x256xf32>
    %swap3A_158 = vector.shape_cast %slice3A_152 : vector<64x256xf32> to vector<1x64x256xf32>
    tpu.vector_store %arg2[%swap3A_153, %swap3A_154, %swap3A_155], %swap3A_158 {strides = array<i32>} : memref<1x64x16384xf32, #tpu.memory_space<vmem>>, vector<1x64x256xf32>,
    %slice3A_159 = vector.extract_strided_slice %dot_general3A_151 {offsets = [64, 0], sizes = [64, 256], strides = [1, 1]} : vector<128x256xf32> to vector<64x256xf32>
    %swap3A_160 = arith.constant 0 : index
    %swap3A_161 = arith.constant 0 : index
    %swap3A_162 = arith.constant 3840 : index
    %swap3A_163 = vector.load %arg2[%swap3A_160, %swap3A_161, %swap3A_162] : memref<1x64x16384xf32, #tpu.memory_space<vmem>>, vector<1x64x256xf32>
    %swap3A_164 = vector.shape_cast %swap3A_163 : vector<1x64x256xf32> to vector<64x256xf32>
    %swap3A_165 = vector.shape_cast %slice3A_159 : vector<64x256xf32> to vector<1x64x256xf32>
    tpu.vector_store %arg2[%swap3A_160, %swap3A_161, %swap3A_162], %swap3A_165 {strides = array<i32>} : memref<1x64x16384xf32, #tpu.memory_space<vmem>>, vector<1x64x256xf32>,
    %get3A_166 = arith.constant 0 : index
    %get3A_167 = arith.constant 2048 : index
    %get3A_168 = arith.constant 0 : index
    %get3A_169 = vector.load %arg1[%get3A_166, %get3A_167, %get3A_168] : memref<1x8192x128xf32, #tpu.memory_space<vmem>>, vector<1x256x128xf32>
    %get3A_170 = vector.shape_cast %get3A_169 : vector<1x256x128xf32> to vector<256x128xf32>
    %dot_general3A_171 = arith.constant dense<0.000000e+00> : vector<128x256xf32>
    %dot_general3A_172 = tpu.matmul %get3A_170, %convert_element_type3A_1, %dot_general3A_171 {dimension_numbers = #tpu.dot_dimension_numbers<[0], [0], [1], [1], [0, 1, 1, 1], [], []>, precision = #tpu.contract_precision<fp32>, transpose_lhs_hint = false} : vector<256x128xf32>, vector<256x256xf32>, vector<128x256xf32> -> vector<128x256xf32>
    %slice3A_173 = vector.extract_strided_slice %dot_general3A_172 {offsets = [0, 0], sizes = [64, 256], strides = [1, 1]} : vector<128x256xf32> to vector<64x256xf32>
    %swap3A_174 = arith.constant 0 : index
    %swap3A_175 = arith.constant 0 : index
    %swap3A_176 = arith.constant 4096 : index
    %swap3A_177 = vector.load %arg2[%swap3A_174, %swap3A_175, %swap3A_176] : memref<1x64x16384xf32, #tpu.memory_space<vmem>>, vector<1x64x256xf32>
    %swap3A_178 = vector.shape_cast %swap3A_177 : vector<1x64x256xf32> to vector<64x256xf32>
    %swap3A_179 = vector.shape_cast %slice3A_173 : vector<64x256xf32> to vector<1x64x256xf32>
    tpu.vector_store %arg2[%swap3A_174, %swap3A_175, %swap3A_176], %swap3A_179 {strides = array<i32>} : memref<1x64x16384xf32, #tpu.memory_space<vmem>>, vector<1x64x256xf32>,
    %slice3A_180 = vector.extract_strided_slice %dot_general3A_172 {offsets = [64, 0], sizes = [64, 256], strides = [1, 1]} : vector<128x256xf32> to vector<64x256xf32>
    %swap3A_181 = arith.constant 0 : index
    %swap3A_182 = arith.constant 0 : index
    %swap3A_183 = arith.constant 4352 : index
    %swap3A_184 = vector.load %arg2[%swap3A_181, %swap3A_182, %swap3A_183] : memref<1x64x16384xf32, #tpu.memory_space<vmem>>, vector<1x64x256xf32>
    %swap3A_185 = vector.shape_cast %swap3A_184 : vector<1x64x256xf32> to vector<64x256xf32>
    %swap3A_186 = vector.shape_cast %slice3A_180 : vector<64x256xf32> to vector<1x64x256xf32>
    tpu.vector_store %arg2[%swap3A_181, %swap3A_182, %swap3A_183], %swap3A_186 {strides = array<i32>} : memref<1x64x16384xf32, #tpu.memory_space<vmem>>, vector<1x64x256xf32>,
    %get3A_187 = arith.constant 0 : index
    %get3A_188 = arith.constant 2304 : index
    %get3A_189 = arith.constant 0 : index
    %get3A_190 = vector.load %arg1[%get3A_187, %get3A_188, %get3A_189] : memref<1x8192x128xf32, #tpu.memory_space<vmem>>, vector<1x256x128xf32>
    %get3A_191 = vector.shape_cast %get3A_190 : vector<1x256x128xf32> to vector<256x128xf32>
    %dot_general3A_192 = arith.constant dense<0.000000e+00> : vector<128x256xf32>
    %dot_general3A_193 = tpu.matmul %get3A_191, %convert_element_type3A_1, %dot_general3A_192 {dimension_numbers = #tpu.dot_dimension_numbers<[0], [0], [1], [1], [0, 1, 1, 1], [], []>, precision = #tpu.contract_precision<fp32>, transpose_lhs_hint = false} : vector<256x128xf32>, vector<256x256xf32>, vector<128x256xf32> -> vector<128x256xf32>
    %slice3A_194 = vector.extract_strided_slice %dot_general3A_193 {offsets = [0, 0], sizes = [64, 256], strides = [1, 1]} : vector<128x256xf32> to vector<64x256xf32>
    %swap3A_195 = arith.constant 0 : index
    %swap3A_196 = arith.constant 0 : index
    %swap3A_197 = arith.constant 4608 : index
    %swap3A_198 = vector.load %arg2[%swap3A_195, %swap3A_196, %swap3A_197] : memref<1x64x16384xf32, #tpu.memory_space<vmem>>, vector<1x64x256xf32>
    %swap3A_199 = vector.shape_cast %swap3A_198 : vector<1x64x256xf32> to vector<64x256xf32>
    %swap3A_200 = vector.shape_cast %slice3A_194 : vector<64x256xf32> to vector<1x64x256xf32>
    tpu.vector_store %arg2[%swap3A_195, %swap3A_196, %swap3A_197], %swap3A_200 {strides = array<i32>} : memref<1x64x16384xf32, #tpu.memory_space<vmem>>, vector<1x64x256xf32>,
    %slice3A_201 = vector.extract_strided_slice %dot_general3A_193 {offsets = [64, 0], sizes = [64, 256], strides = [1, 1]} : vector<128x256xf32> to vector<64x256xf32>
    %swap3A_202 = arith.constant 0 : index
    %swap3A_203 = arith.constant 0 : index
    %swap3A_204 = arith.constant 4864 : index
    %swap3A_205 = vector.load %arg2[%swap3A_202, %swap3A_203, %swap3A_204] : memref<1x64x16384xf32, #tpu.memory_space<vmem>>, vector<1x64x256xf32>
    %swap3A_206 = vector.shape_cast %swap3A_205 : vector<1x64x256xf32> to vector<64x256xf32>
    %swap3A_207 = vector.shape_cast %slice3A_201 : vector<64x256xf32> to vector<1x64x256xf32>
    tpu.vector_store %arg2[%swap3A_202, %swap3A_203, %swap3A_204], %swap3A_207 {strides = array<i32>} : memref<1x64x16384xf32, #tpu.memory_space<vmem>>, vector<1x64x256xf32>,
    %get3A_208 = arith.constant 0 : index
    %get3A_209 = arith.constant 2560 : index
    %get3A_210 = arith.constant 0 : index
    %get3A_211 = vector.load %arg1[%get3A_208, %get3A_209, %get3A_210] : memref<1x8192x128xf32, #tpu.memory_space<vmem>>, vector<1x256x128xf32>
    %get3A_212 = vector.shape_cast %get3A_211 : vector<1x256x128xf32> to vector<256x128xf32>
    %dot_general3A_213 = arith.constant dense<0.000000e+00> : vector<128x256xf32>
    %dot_general3A_214 = tpu.matmul %get3A_212, %convert_element_type3A_1, %dot_general3A_213 {dimension_numbers = #tpu.dot_dimension_numbers<[0], [0], [1], [1], [0, 1, 1, 1], [], []>, precision = #tpu.contract_precision<fp32>, transpose_lhs_hint = false} : vector<256x128xf32>, vector<256x256xf32>, vector<128x256xf32> -> vector<128x256xf32>
    %slice3A_215 = vector.extract_strided_slice %dot_general3A_214 {offsets = [0, 0], sizes = [64, 256], strides = [1, 1]} : vector<128x256xf32> to vector<64x256xf32>
    %swap3A_216 = arith.constant 0 : index
    %swap3A_217 = arith.constant 0 : index
    %swap3A_218 = arith.constant 5120 : index
    %swap3A_219 = vector.load %arg2[%swap3A_216, %swap3A_217, %swap3A_218] : memref<1x64x16384xf32, #tpu.memory_space<vmem>>, vector<1x64x256xf32>
    %swap3A_220 = vector.shape_cast %swap3A_219 : vector<1x64x256xf32> to vector<64x256xf32>
    %swap3A_221 = vector.shape_cast %slice3A_215 : vector<64x256xf32> to vector<1x64x256xf32>
    tpu.vector_store %arg2[%swap3A_216, %swap3A_217, %swap3A_218], %swap3A_221 {strides = array<i32>} : memref<1x64x16384xf32, #tpu.memory_space<vmem>>, vector<1x64x256xf32>,
    %slice3A_222 = vector.extract_strided_slice %dot_general3A_214 {offsets = [64, 0], sizes = [64, 256], strides = [1, 1]} : vector<128x256xf32> to vector<64x256xf32>
    %swap3A_223 = arith.constant 0 : index
    %swap3A_224 = arith.constant 0 : index
    %swap3A_225 = arith.constant 5376 : index
    %swap3A_226 = vector.load %arg2[%swap3A_223, %swap3A_224, %swap3A_225] : memref<1x64x16384xf32, #tpu.memory_space<vmem>>, vector<1x64x256xf32>
    %swap3A_227 = vector.shape_cast %swap3A_226 : vector<1x64x256xf32> to vector<64x256xf32>
    %swap3A_228 = vector.shape_cast %slice3A_222 : vector<64x256xf32> to vector<1x64x256xf32>
    tpu.vector_store %arg2[%swap3A_223, %swap3A_224, %swap3A_225], %swap3A_228 {strides = array<i32>} : memref<1x64x16384xf32, #tpu.memory_space<vmem>>, vector<1x64x256xf32>,
    %get3A_229 = arith.constant 0 : index
    %get3A_230 = arith.constant 2816 : index
    %get3A_231 = arith.constant 0 : index
    %get3A_232 = vector.load %arg1[%get3A_229, %get3A_230, %get3A_231] : memref<1x8192x128xf32, #tpu.memory_space<vmem>>, vector<1x256x128xf32>
    %get3A_233 = vector.shape_cast %get3A_232 : vector<1x256x128xf32> to vector<256x128xf32>
    %dot_general3A_234 = arith.constant dense<0.000000e+00> : vector<128x256xf32>
    %dot_general3A_235 = tpu.matmul %get3A_233, %convert_element_type3A_1, %dot_general3A_234 {dimension_numbers = #tpu.dot_dimension_numbers<[0], [0], [1], [1], [0, 1, 1, 1], [], []>, precision = #tpu.contract_precision<fp32>, transpose_lhs_hint = false} : vector<256x128xf32>, vector<256x256xf32>, vector<128x256xf32> -> vector<128x256xf32>
    %slice3A_236 = vector.extract_strided_slice %dot_general3A_235 {offsets = [0, 0], sizes = [64, 256], strides = [1, 1]} : vector<128x256xf32> to vector<64x256xf32>
    %swap3A_237 = arith.constant 0 : index
    %swap3A_238 = arith.constant 0 : index
    %swap3A_239 = arith.constant 5632 : index
    %swap3A_240 = vector.load %arg2[%swap3A_237, %swap3A_238, %swap3A_239] : memref<1x64x16384xf32, #tpu.memory_space<vmem>>, vector<1x64x256xf32>
    %swap3A_241 = vector.shape_cast %swap3A_240 : vector<1x64x256xf32> to vector<64x256xf32>
    %swap3A_242 = vector.shape_cast %slice3A_236 : vector<64x256xf32> to vector<1x64x256xf32>
    tpu.vector_store %arg2[%swap3A_237, %swap3A_238, %swap3A_239], %swap3A_242 {strides = array<i32>} : memref<1x64x16384xf32, #tpu.memory_space<vmem>>, vector<1x64x256xf32>,
    %slice3A_243 = vector.extract_strided_slice %dot_general3A_235 {offsets = [64, 0], sizes = [64, 256], strides = [1, 1]} : vector<128x256xf32> to vector<64x256xf32>
    %swap3A_244 = arith.constant 0 : index
    %swap3A_245 = arith.constant 0 : index
    %swap3A_246 = arith.constant 5888 : index
    %swap3A_247 = vector.load %arg2[%swap3A_244, %swap3A_245, %swap3A_246] : memref<1x64x16384xf32, #tpu.memory_space<vmem>>, vector<1x64x256xf32>
    %swap3A_248 = vector.shape_cast %swap3A_247 : vector<1x64x256xf32> to vector<64x256xf32>
    %swap3A_249 = vector.shape_cast %slice3A_243 : vector<64x256xf32> to vector<1x64x256xf32>
    tpu.vector_store %arg2[%swap3A_244, %swap3A_245, %swap3A_246], %swap3A_249 {strides = array<i32>} : memref<1x64x16384xf32, #tpu.memory_space<vmem>>, vector<1x64x256xf32>,
    %get3A_250 = arith.constant 0 : index
    %get3A_251 = arith.constant 3072 : index
    %get3A_252 = arith.constant 0 : index
    %get3A_253 = vector.load %arg1[%get3A_250, %get3A_251, %get3A_252] : memref<1x8192x128xf32, #tpu.memory_space<vmem>>, vector<1x256x128xf32>
    %get3A_254 = vector.shape_cast %get3A_253 : vector<1x256x128xf32> to vector<256x128xf32>
    %dot_general3A_255 = arith.constant dense<0.000000e+00> : vector<128x256xf32>
    %dot_general3A_256 = tpu.matmul %get3A_254, %convert_element_type3A_1, %dot_general3A_255 {dimension_numbers = #tpu.dot_dimension_numbers<[0], [0], [1], [1], [0, 1, 1, 1], [], []>, precision = #tpu.contract_precision<fp32>, transpose_lhs_hint = false} : vector<256x128xf32>, vector<256x256xf32>, vector<128x256xf32> -> vector<128x256xf32>
    %slice3A_257 = vector.extract_strided_slice %dot_general3A_256 {offsets = [0, 0], sizes = [64, 256], strides = [1, 1]} : vector<128x256xf32> to vector<64x256xf32>
    %swap3A_258 = arith.constant 0 : index
    %swap3A_259 = arith.constant 0 : index
    %swap3A_260 = arith.constant 6144 : index
    %swap3A_261 = vector.load %arg2[%swap3A_258, %swap3A_259, %swap3A_260] : memref<1x64x16384xf32, #tpu.memory_space<vmem>>, vector<1x64x256xf32>
    %swap3A_262 = vector.shape_cast %swap3A_261 : vector<1x64x256xf32> to vector<64x256xf32>
    %swap3A_263 = vector.shape_cast %slice3A_257 : vector<64x256xf32> to vector<1x64x256xf32>
    tpu.vector_store %arg2[%swap3A_258, %swap3A_259, %swap3A_260], %swap3A_263 {strides = array<i32>} : memref<1x64x16384xf32, #tpu.memory_space<vmem>>, vector<1x64x256xf32>,
    %slice3A_264 = vector.extract_strided_slice %dot_general3A_256 {offsets = [64, 0], sizes = [64, 256], strides = [1, 1]} : vector<128x256xf32> to vector<64x256xf32>
    %swap3A_265 = arith.constant 0 : index
    %swap3A_266 = arith.constant 0 : index
    %swap3A_267 = arith.constant 6400 : index
    %swap3A_268 = vector.load %arg2[%swap3A_265, %swap3A_266, %swap3A_267] : memref<1x64x16384xf32, #tpu.memory_space<vmem>>, vector<1x64x256xf32>
    %swap3A_269 = vector.shape_cast %swap3A_268 : vector<1x64x256xf32> to vector<64x256xf32>
    %swap3A_270 = vector.shape_cast %slice3A_264 : vector<64x256xf32> to vector<1x64x256xf32>
    tpu.vector_store %arg2[%swap3A_265, %swap3A_266, %swap3A_267], %swap3A_270 {strides = array<i32>} : memref<1x64x16384xf32, #tpu.memory_space<vmem>>, vector<1x64x256xf32>,
    %get3A_271 = arith.constant 0 : index
    %get3A_272 = arith.constant 3328 : index
    %get3A_273 = arith.constant 0 : index
    %get3A_274 = vector.load %arg1[%get3A_271, %get3A_272, %get3A_273] : memref<1x8192x128xf32, #tpu.memory_space<vmem>>, vector<1x256x128xf32>
    %get3A_275 = vector.shape_cast %get3A_274 : vector<1x256x128xf32> to vector<256x128xf32>
    %dot_general3A_276 = arith.constant dense<0.000000e+00> : vector<128x256xf32>
    %dot_general3A_277 = tpu.matmul %get3A_275, %convert_element_type3A_1, %dot_general3A_276 {dimension_numbers = #tpu.dot_dimension_numbers<[0], [0], [1], [1], [0, 1, 1, 1], [], []>, precision = #tpu.contract_precision<fp32>, transpose_lhs_hint = false} : vector<256x128xf32>, vector<256x256xf32>, vector<128x256xf32> -> vector<128x256xf32>
    %slice3A_278 = vector.extract_strided_slice %dot_general3A_277 {offsets = [0, 0], sizes = [64, 256], strides = [1, 1]} : vector<128x256xf32> to vector<64x256xf32>
    %swap3A_279 = arith.constant 0 : index
    %swap3A_280 = arith.constant 0 : index
    %swap3A_281 = arith.constant 6656 : index
    %swap3A_282 = vector.load %arg2[%swap3A_279, %swap3A_280, %swap3A_281] : memref<1x64x16384xf32, #tpu.memory_space<vmem>>, vector<1x64x256xf32>
    %swap3A_283 = vector.shape_cast %swap3A_282 : vector<1x64x256xf32> to vector<64x256xf32>
    %swap3A_284 = vector.shape_cast %slice3A_278 : vector<64x256xf32> to vector<1x64x256xf32>
    tpu.vector_store %arg2[%swap3A_279, %swap3A_280, %swap3A_281], %swap3A_284 {strides = array<i32>} : memref<1x64x16384xf32, #tpu.memory_space<vmem>>, vector<1x64x256xf32>,
    %slice3A_285 = vector.extract_strided_slice %dot_general3A_277 {offsets = [64, 0], sizes = [64, 256], strides = [1, 1]} : vector<128x256xf32> to vector<64x256xf32>
    %swap3A_286 = arith.constant 0 : index
    %swap3A_287 = arith.constant 0 : index
    %swap3A_288 = arith.constant 6912 : index
    %swap3A_289 = vector.load %arg2[%swap3A_286, %swap3A_287, %swap3A_288] : memref<1x64x16384xf32, #tpu.memory_space<vmem>>, vector<1x64x256xf32>
    %swap3A_290 = vector.shape_cast %swap3A_289 : vector<1x64x256xf32> to vector<64x256xf32>
    %swap3A_291 = vector.shape_cast %slice3A_285 : vector<64x256xf32> to vector<1x64x256xf32>
    tpu.vector_store %arg2[%swap3A_286, %swap3A_287, %swap3A_288], %swap3A_291 {strides = array<i32>} : memref<1x64x16384xf32, #tpu.memory_space<vmem>>, vector<1x64x256xf32>,
    %get3A_292 = arith.constant 0 : index
    %get3A_293 = arith.constant 3584 : index
    %get3A_294 = arith.constant 0 : index
    %get3A_295 = vector.load %arg1[%get3A_292, %get3A_293, %get3A_294] : memref<1x8192x128xf32, #tpu.memory_space<vmem>>, vector<1x256x128xf32>
    %get3A_296 = vector.shape_cast %get3A_295 : vector<1x256x128xf32> to vector<256x128xf32>
    %dot_general3A_297 = arith.constant dense<0.000000e+00> : vector<128x256xf32>
    %dot_general3A_298 = tpu.matmul %get3A_296, %convert_element_type3A_1, %dot_general3A_297 {dimension_numbers = #tpu.dot_dimension_numbers<[0], [0], [1], [1], [0, 1, 1, 1], [], []>, precision = #tpu.contract_precision<fp32>, transpose_lhs_hint = false} : vector<256x128xf32>, vector<256x256xf32>, vector<128x256xf32> -> vector<128x256xf32>
    %slice3A_299 = vector.extract_strided_slice %dot_general3A_298 {offsets = [0, 0], sizes = [64, 256], strides = [1, 1]} : vector<128x256xf32> to vector<64x256xf32>
    %swap3A_300 = arith.constant 0 : index
    %swap3A_301 = arith.constant 0 : index
    %swap3A_302 = arith.constant 7168 : index
    %swap3A_303 = vector.load %arg2[%swap3A_300, %swap3A_301, %swap3A_302] : memref<1x64x16384xf32, #tpu.memory_space<vmem>>, vector<1x64x256xf32>
    %swap3A_304 = vector.shape_cast %swap3A_303 : vector<1x64x256xf32> to vector<64x256xf32>
    %swap3A_305 = vector.shape_cast %slice3A_299 : vector<64x256xf32> to vector<1x64x256xf32>
    tpu.vector_store %arg2[%swap3A_300, %swap3A_301, %swap3A_302], %swap3A_305 {strides = array<i32>} : memref<1x64x16384xf32, #tpu.memory_space<vmem>>, vector<1x64x256xf32>,
    %slice3A_306 = vector.extract_strided_slice %dot_general3A_298 {offsets = [64, 0], sizes = [64, 256], strides = [1, 1]} : vector<128x256xf32> to vector<64x256xf32>
    %swap3A_307 = arith.constant 0 : index
    %swap3A_308 = arith.constant 0 : index
    %swap3A_309 = arith.constant 7424 : index
    %swap3A_310 = vector.load %arg2[%swap3A_307, %swap3A_308, %swap3A_309] : memref<1x64x16384xf32, #tpu.memory_space<vmem>>, vector<1x64x256xf32>
    %swap3A_311 = vector.shape_cast %swap3A_310 : vector<1x64x256xf32> to vector<64x256xf32>
    %swap3A_312 = vector.shape_cast %slice3A_306 : vector<64x256xf32> to vector<1x64x256xf32>
    tpu.vector_store %arg2[%swap3A_307, %swap3A_308, %swap3A_309], %swap3A_312 {strides = array<i32>} : memref<1x64x16384xf32, #tpu.memory_space<vmem>>, vector<1x64x256xf32>,
    %get3A_313 = arith.constant 0 : index
    %get3A_314 = arith.constant 3840 : index
    %get3A_315 = arith.constant 0 : index
    %get3A_316 = vector.load %arg1[%get3A_313, %get3A_314, %get3A_315] : memref<1x8192x128xf32, #tpu.memory_space<vmem>>, vector<1x256x128xf32>
    %get3A_317 = vector.shape_cast %get3A_316 : vector<1x256x128xf32> to vector<256x128xf32>
    %dot_general3A_318 = arith.constant dense<0.000000e+00> : vector<128x256xf32>
    %dot_general3A_319 = tpu.matmul %get3A_317, %convert_element_type3A_1, %dot_general3A_318 {dimension_numbers = #tpu.dot_dimension_numbers<[0], [0], [1], [1], [0, 1, 1, 1], [], []>, precision = #tpu.contract_precision<fp32>, transpose_lhs_hint = false} : vector<256x128xf32>, vector<256x256xf32>, vector<128x256xf32> -> vector<128x256xf32>
    %slice3A_320 = vector.extract_strided_slice %dot_general3A_319 {offsets = [0, 0], sizes = [64, 256], strides = [1, 1]} : vector<128x256xf32> to vector<64x256xf32>
    %swap3A_321 = arith.constant 0 : index
    %swap3A_322 = arith.constant 0 : index
    %swap3A_323 = arith.constant 7680 : index
    %swap3A_324 = vector.load %arg2[%swap3A_321, %swap3A_322, %swap3A_323] : memref<1x64x16384xf32, #tpu.memory_space<vmem>>, vector<1x64x256xf32>
    %swap3A_325 = vector.shape_cast %swap3A_324 : vector<1x64x256xf32> to vector<64x256xf32>
    %swap3A_326 = vector.shape_cast %slice3A_320 : vector<64x256xf32> to vector<1x64x256xf32>
    tpu.vector_store %arg2[%swap3A_321, %swap3A_322, %swap3A_323], %swap3A_326 {strides = array<i32>} : memref<1x64x16384xf32, #tpu.memory_space<vmem>>, vector<1x64x256xf32>,
    %slice3A_327 = vector.extract_strided_slice %dot_general3A_319 {offsets = [64, 0], sizes = [64, 256], strides = [1, 1]} : vector<128x256xf32> to vector<64x256xf32>
    %swap3A_328 = arith.constant 0 : index
    %swap3A_329 = arith.constant 0 : index
    %swap3A_330 = arith.constant 7936 : index
    %swap3A_331 = vector.load %arg2[%swap3A_328, %swap3A_329, %swap3A_330] : memref<1x64x16384xf32, #tpu.memory_space<vmem>>, vector<1x64x256xf32>
    %swap3A_332 = vector.shape_cast %swap3A_331 : vector<1x64x256xf32> to vector<64x256xf32>
    %swap3A_333 = vector.shape_cast %slice3A_327 : vector<64x256xf32> to vector<1x64x256xf32>
    tpu.vector_store %arg2[%swap3A_328, %swap3A_329, %swap3A_330], %swap3A_333 {strides = array<i32>} : memref<1x64x16384xf32, #tpu.memory_space<vmem>>, vector<1x64x256xf32>,
    %get3A_334 = arith.constant 0 : index
    %get3A_335 = arith.constant 4096 : index
    %get3A_336 = arith.constant 0 : index
    %get3A_337 = vector.load %arg1[%get3A_334, %get3A_335, %get3A_336] : memref<1x8192x128xf32, #tpu.memory_space<vmem>>, vector<1x256x128xf32>
    %get3A_338 = vector.shape_cast %get3A_337 : vector<1x256x128xf32> to vector<256x128xf32>
    %dot_general3A_339 = arith.constant dense<0.000000e+00> : vector<128x256xf32>
    %dot_general3A_340 = tpu.matmul %get3A_338, %convert_element_type3A_1, %dot_general3A_339 {dimension_numbers = #tpu.dot_dimension_numbers<[0], [0], [1], [1], [0, 1, 1, 1], [], []>, precision = #tpu.contract_precision<fp32>, transpose_lhs_hint = false} : vector<256x128xf32>, vector<256x256xf32>, vector<128x256xf32> -> vector<128x256xf32>
    %slice3A_341 = vector.extract_strided_slice %dot_general3A_340 {offsets = [0, 0], sizes = [64, 256], strides = [1, 1]} : vector<128x256xf32> to vector<64x256xf32>
    %swap3A_342 = arith.constant 0 : index
    %swap3A_343 = arith.constant 0 : index
    %swap3A_344 = arith.constant 8192 : index
    %swap3A_345 = vector.load %arg2[%swap3A_342, %swap3A_343, %swap3A_344] : memref<1x64x16384xf32, #tpu.memory_space<vmem>>, vector<1x64x256xf32>
    %swap3A_346 = vector.shape_cast %swap3A_345 : vector<1x64x256xf32> to vector<64x256xf32>
    %swap3A_347 = vector.shape_cast %slice3A_341 : vector<64x256xf32> to vector<1x64x256xf32>
    tpu.vector_store %arg2[%swap3A_342, %swap3A_343, %swap3A_344], %swap3A_347 {strides = array<i32>} : memref<1x64x16384xf32, #tpu.memory_space<vmem>>, vector<1x64x256xf32>,
    %slice3A_348 = vector.extract_strided_slice %dot_general3A_340 {offsets = [64, 0], sizes = [64, 256], strides = [1, 1]} : vector<128x256xf32> to vector<64x256xf32>
    %swap3A_349 = arith.constant 0 : index
    %swap3A_350 = arith.constant 0 : index
    %swap3A_351 = arith.constant 8448 : index
    %swap3A_352 = vector.load %arg2[%swap3A_349, %swap3A_350, %swap3A_351] : memref<1x64x16384xf32, #tpu.memory_space<vmem>>, vector<1x64x256xf32>
    %swap3A_353 = vector.shape_cast %swap3A_352 : vector<1x64x256xf32> to vector<64x256xf32>
    %swap3A_354 = vector.shape_cast %slice3A_348 : vector<64x256xf32> to vector<1x64x256xf32>
    tpu.vector_store %arg2[%swap3A_349, %swap3A_350, %swap3A_351], %swap3A_354 {strides = array<i32>} : memref<1x64x16384xf32, #tpu.memory_space<vmem>>, vector<1x64x256xf32>,
    %get3A_355 = arith.constant 0 : index
    %get3A_356 = arith.constant 4352 : index
    %get3A_357 = arith.constant 0 : index
    %get3A_358 = vector.load %arg1[%get3A_355, %get3A_356, %get3A_357] : memref<1x8192x128xf32, #tpu.memory_space<vmem>>, vector<1x256x128xf32>
    %get3A_359 = vector.shape_cast %get3A_358 : vector<1x256x128xf32> to vector<256x128xf32>
    %dot_general3A_360 = arith.constant dense<0.000000e+00> : vector<128x256xf32>
    %dot_general3A_361 = tpu.matmul %get3A_359, %convert_element_type3A_1, %dot_general3A_360 {dimension_numbers = #tpu.dot_dimension_numbers<[0], [0], [1], [1], [0, 1, 1, 1], [], []>, precision = #tpu.contract_precision<fp32>, transpose_lhs_hint = false} : vector<256x128xf32>, vector<256x256xf32>, vector<128x256xf32> -> vector<128x256xf32>
    %slice3A_362 = vector.extract_strided_slice %dot_general3A_361 {offsets = [0, 0], sizes = [64, 256], strides = [1, 1]} : vector<128x256xf32> to vector<64x256xf32>
    %swap3A_363 = arith.constant 0 : index
    %swap3A_364 = arith.constant 0 : index
    %swap3A_365 = arith.constant 8704 : index
    %swap3A_366 = vector.load %arg2[%swap3A_363, %swap3A_364, %swap3A_365] : memref<1x64x16384xf32, #tpu.memory_space<vmem>>, vector<1x64x256xf32>
    %swap3A_367 = vector.shape_cast %swap3A_366 : vector<1x64x256xf32> to vector<64x256xf32>
    %swap3A_368 = vector.shape_cast %slice3A_362 : vector<64x256xf32> to vector<1x64x256xf32>
    tpu.vector_store %arg2[%swap3A_363, %swap3A_364, %swap3A_365], %swap3A_368 {strides = array<i32>} : memref<1x64x16384xf32, #tpu.memory_space<vmem>>, vector<1x64x256xf32>,
    %slice3A_369 = vector.extract_strided_slice %dot_general3A_361 {offsets = [64, 0], sizes = [64, 256], strides = [1, 1]} : vector<128x256xf32> to vector<64x256xf32>
    %swap3A_370 = arith.constant 0 : index
    %swap3A_371 = arith.constant 0 : index
    %swap3A_372 = arith.constant 8960 : index
    %swap3A_373 = vector.load %arg2[%swap3A_370, %swap3A_371, %swap3A_372] : memref<1x64x16384xf32, #tpu.memory_space<vmem>>, vector<1x64x256xf32>
    %swap3A_374 = vector.shape_cast %swap3A_373 : vector<1x64x256xf32> to vector<64x256xf32>
    %swap3A_375 = vector.shape_cast %slice3A_369 : vector<64x256xf32> to vector<1x64x256xf32>
    tpu.vector_store %arg2[%swap3A_370, %swap3A_371, %swap3A_372], %swap3A_375 {strides = array<i32>} : memref<1x64x16384xf32, #tpu.memory_space<vmem>>, vector<1x64x256xf32>,
    %get3A_376 = arith.constant 0 : index
    %get3A_377 = arith.constant 4608 : index
    %get3A_378 = arith.constant 0 : index
    %get3A_379 = vector.load %arg1[%get3A_376, %get3A_377, %get3A_378] : memref<1x8192x128xf32, #tpu.memory_space<vmem>>, vector<1x256x128xf32>
    %get3A_380 = vector.shape_cast %get3A_379 : vector<1x256x128xf32> to vector<256x128xf32>
    %dot_general3A_381 = arith.constant dense<0.000000e+00> : vector<128x256xf32>
    %dot_general3A_382 = tpu.matmul %get3A_380, %convert_element_type3A_1, %dot_general3A_381 {dimension_numbers = #tpu.dot_dimension_numbers<[0], [0], [1], [1], [0, 1, 1, 1], [], []>, precision = #tpu.contract_precision<fp32>, transpose_lhs_hint = false} : vector<256x128xf32>, vector<256x256xf32>, vector<128x256xf32> -> vector<128x256xf32>
    %slice3A_383 = vector.extract_strided_slice %dot_general3A_382 {offsets = [0, 0], sizes = [64, 256], strides = [1, 1]} : vector<128x256xf32> to vector<64x256xf32>
    %swap3A_384 = arith.constant 0 : index
    %swap3A_385 = arith.constant 0 : index
    %swap3A_386 = arith.constant 9216 : index
    %swap3A_387 = vector.load %arg2[%swap3A_384, %swap3A_385, %swap3A_386] : memref<1x64x16384xf32, #tpu.memory_space<vmem>>, vector<1x64x256xf32>
    %swap3A_388 = vector.shape_cast %swap3A_387 : vector<1x64x256xf32> to vector<64x256xf32>
    %swap3A_389 = vector.shape_cast %slice3A_383 : vector<64x256xf32> to vector<1x64x256xf32>
    tpu.vector_store %arg2[%swap3A_384, %swap3A_385, %swap3A_386], %swap3A_389 {strides = array<i32>} : memref<1x64x16384xf32, #tpu.memory_space<vmem>>, vector<1x64x256xf32>,
    %slice3A_390 = vector.extract_strided_slice %dot_general3A_382 {offsets = [64, 0], sizes = [64, 256], strides = [1, 1]} : vector<128x256xf32> to vector<64x256xf32>
    %swap3A_391 = arith.constant 0 : index
    %swap3A_392 = arith.constant 0 : index
    %swap3A_393 = arith.constant 9472 : index
    %swap3A_394 = vector.load %arg2[%swap3A_391, %swap3A_392, %swap3A_393] : memref<1x64x16384xf32, #tpu.memory_space<vmem>>, vector<1x64x256xf32>
    %swap3A_395 = vector.shape_cast %swap3A_394 : vector<1x64x256xf32> to vector<64x256xf32>
    %swap3A_396 = vector.shape_cast %slice3A_390 : vector<64x256xf32> to vector<1x64x256xf32>
    tpu.vector_store %arg2[%swap3A_391, %swap3A_392, %swap3A_393], %swap3A_396 {strides = array<i32>} : memref<1x64x16384xf32, #tpu.memory_space<vmem>>, vector<1x64x256xf32>,
    %get3A_397 = arith.constant 0 : index
    %get3A_398 = arith.constant 4864 : index
    %get3A_399 = arith.constant 0 : index
    %get3A_400 = vector.load %arg1[%get3A_397, %get3A_398, %get3A_399] : memref<1x8192x128xf32, #tpu.memory_space<vmem>>, vector<1x256x128xf32>
    %get3A_401 = vector.shape_cast %get3A_400 : vector<1x256x128xf32> to vector<256x128xf32>
    %dot_general3A_402 = arith.constant dense<0.000000e+00> : vector<128x256xf32>
    %dot_general3A_403 = tpu.matmul %get3A_401, %convert_element_type3A_1, %dot_general3A_402 {dimension_numbers = #tpu.dot_dimension_numbers<[0], [0], [1], [1], [0, 1, 1, 1], [], []>, precision = #tpu.contract_precision<fp32>, transpose_lhs_hint = false} : vector<256x128xf32>, vector<256x256xf32>, vector<128x256xf32> -> vector<128x256xf32>
    %slice3A_404 = vector.extract_strided_slice %dot_general3A_403 {offsets = [0, 0], sizes = [64, 256], strides = [1, 1]} : vector<128x256xf32> to vector<64x256xf32>
    %swap3A_405 = arith.constant 0 : index
    %swap3A_406 = arith.constant 0 : index
    %swap3A_407 = arith.constant 9728 : index
    %swap3A_408 = vector.load %arg2[%swap3A_405, %swap3A_406, %swap3A_407] : memref<1x64x16384xf32, #tpu.memory_space<vmem>>, vector<1x64x256xf32>
    %swap3A_409 = vector.shape_cast %swap3A_408 : vector<1x64x256xf32> to vector<64x256xf32>
    %swap3A_410 = vector.shape_cast %slice3A_404 : vector<64x256xf32> to vector<1x64x256xf32>
    tpu.vector_store %arg2[%swap3A_405, %swap3A_406, %swap3A_407], %swap3A_410 {strides = array<i32>} : memref<1x64x16384xf32, #tpu.memory_space<vmem>>, vector<1x64x256xf32>,
    %slice3A_411 = vector.extract_strided_slice %dot_general3A_403 {offsets = [64, 0], sizes = [64, 256], strides = [1, 1]} : vector<128x256xf32> to vector<64x256xf32>
    %swap3A_412 = arith.constant 0 : index
    %swap3A_413 = arith.constant 0 : index
    %swap3A_414 = arith.constant 9984 : index
    %swap3A_415 = vector.load %arg2[%swap3A_412, %swap3A_413, %swap3A_414] : memref<1x64x16384xf32, #tpu.memory_space<vmem>>, vector<1x64x256xf32>
    %swap3A_416 = vector.shape_cast %swap3A_415 : vector<1x64x256xf32> to vector<64x256xf32>
    %swap3A_417 = vector.shape_cast %slice3A_411 : vector<64x256xf32> to vector<1x64x256xf32>
    tpu.vector_store %arg2[%swap3A_412, %swap3A_413, %swap3A_414], %swap3A_417 {strides = array<i32>} : memref<1x64x16384xf32, #tpu.memory_space<vmem>>, vector<1x64x256xf32>,
    %get3A_418 = arith.constant 0 : index
    %get3A_419 = arith.constant 5120 : index
    %get3A_420 = arith.constant 0 : index
    %get3A_421 = vector.load %arg1[%get3A_418, %get3A_419, %get3A_420] : memref<1x8192x128xf32, #tpu.memory_space<vmem>>, vector<1x256x128xf32>
    %get3A_422 = vector.shape_cast %get3A_421 : vector<1x256x128xf32> to vector<256x128xf32>
    %dot_general3A_423 = arith.constant dense<0.000000e+00> : vector<128x256xf32>
    %dot_general3A_424 = tpu.matmul %get3A_422, %convert_element_type3A_1, %dot_general3A_423 {dimension_numbers = #tpu.dot_dimension_numbers<[0], [0], [1], [1], [0, 1, 1, 1], [], []>, precision = #tpu.contract_precision<fp32>, transpose_lhs_hint = false} : vector<256x128xf32>, vector<256x256xf32>, vector<128x256xf32> -> vector<128x256xf32>
    %slice3A_425 = vector.extract_strided_slice %dot_general3A_424 {offsets = [0, 0], sizes = [64, 256], strides = [1, 1]} : vector<128x256xf32> to vector<64x256xf32>
    %swap3A_426 = arith.constant 0 : index
    %swap3A_427 = arith.constant 0 : index
    %swap3A_428 = arith.constant 10240 : index
    %swap3A_429 = vector.load %arg2[%swap3A_426, %swap3A_427, %swap3A_428] : memref<1x64x16384xf32, #tpu.memory_space<vmem>>, vector<1x64x256xf32>
    %swap3A_430 = vector.shape_cast %swap3A_429 : vector<1x64x256xf32> to vector<64x256xf32>
    %swap3A_431 = vector.shape_cast %slice3A_425 : vector<64x256xf32> to vector<1x64x256xf32>
    tpu.vector_store %arg2[%swap3A_426, %swap3A_427, %swap3A_428], %swap3A_431 {strides = array<i32>} : memref<1x64x16384xf32, #tpu.memory_space<vmem>>, vector<1x64x256xf32>,
    %slice3A_432 = vector.extract_strided_slice %dot_general3A_424 {offsets = [64, 0], sizes = [64, 256], strides = [1, 1]} : vector<128x256xf32> to vector<64x256xf32>
    %swap3A_433 = arith.constant 0 : index
    %swap3A_434 = arith.constant 0 : index
    %swap3A_435 = arith.constant 10496 : index
    %swap3A_436 = vector.load %arg2[%swap3A_433, %swap3A_434, %swap3A_435] : memref<1x64x16384xf32, #tpu.memory_space<vmem>>, vector<1x64x256xf32>
    %swap3A_437 = vector.shape_cast %swap3A_436 : vector<1x64x256xf32> to vector<64x256xf32>
    %swap3A_438 = vector.shape_cast %slice3A_432 : vector<64x256xf32> to vector<1x64x256xf32>
    tpu.vector_store %arg2[%swap3A_433, %swap3A_434, %swap3A_435], %swap3A_438 {strides = array<i32>} : memref<1x64x16384xf32, #tpu.memory_space<vmem>>, vector<1x64x256xf32>,
    %get3A_439 = arith.constant 0 : index
    %get3A_440 = arith.constant 5376 : index
    %get3A_441 = arith.constant 0 : index
    %get3A_442 = vector.load %arg1[%get3A_439, %get3A_440, %get3A_441] : memref<1x8192x128xf32, #tpu.memory_space<vmem>>, vector<1x256x128xf32>
    %get3A_443 = vector.shape_cast %get3A_442 : vector<1x256x128xf32> to vector<256x128xf32>
    %dot_general3A_444 = arith.constant dense<0.000000e+00> : vector<128x256xf32>
    %dot_general3A_445 = tpu.matmul %get3A_443, %convert_element_type3A_1, %dot_general3A_444 {dimension_numbers = #tpu.dot_dimension_numbers<[0], [0], [1], [1], [0, 1, 1, 1], [], []>, precision = #tpu.contract_precision<fp32>, transpose_lhs_hint = false} : vector<256x128xf32>, vector<256x256xf32>, vector<128x256xf32> -> vector<128x256xf32>
    %slice3A_446 = vector.extract_strided_slice %dot_general3A_445 {offsets = [0, 0], sizes = [64, 256], strides = [1, 1]} : vector<128x256xf32> to vector<64x256xf32>
    %swap3A_447 = arith.constant 0 : index
    %swap3A_448 = arith.constant 0 : index
    %swap3A_449 = arith.constant 10752 : index
    %swap3A_450 = vector.load %arg2[%swap3A_447, %swap3A_448, %swap3A_449] : memref<1x64x16384xf32, #tpu.memory_space<vmem>>, vector<1x64x256xf32>
    %swap3A_451 = vector.shape_cast %swap3A_450 : vector<1x64x256xf32> to vector<64x256xf32>
    %swap3A_452 = vector.shape_cast %slice3A_446 : vector<64x256xf32> to vector<1x64x256xf32>
    tpu.vector_store %arg2[%swap3A_447, %swap3A_448, %swap3A_449], %swap3A_452 {strides = array<i32>} : memref<1x64x16384xf32, #tpu.memory_space<vmem>>, vector<1x64x256xf32>,
    %slice3A_453 = vector.extract_strided_slice %dot_general3A_445 {offsets = [64, 0], sizes = [64, 256], strides = [1, 1]} : vector<128x256xf32> to vector<64x256xf32>
    %swap3A_454 = arith.constant 0 : index
    %swap3A_455 = arith.constant 0 : index
    %swap3A_456 = arith.constant 11008 : index
    %swap3A_457 = vector.load %arg2[%swap3A_454, %swap3A_455, %swap3A_456] : memref<1x64x16384xf32, #tpu.memory_space<vmem>>, vector<1x64x256xf32>
    %swap3A_458 = vector.shape_cast %swap3A_457 : vector<1x64x256xf32> to vector<64x256xf32>
    %swap3A_459 = vector.shape_cast %slice3A_453 : vector<64x256xf32> to vector<1x64x256xf32>
    tpu.vector_store %arg2[%swap3A_454, %swap3A_455, %swap3A_456], %swap3A_459 {strides = array<i32>} : memref<1x64x16384xf32, #tpu.memory_space<vmem>>, vector<1x64x256xf32>,
    %get3A_460 = arith.constant 0 : index
    %get3A_461 = arith.constant 5632 : index
    %get3A_462 = arith.constant 0 : index
    %get3A_463 = vector.load %arg1[%get3A_460, %get3A_461, %get3A_462] : memref<1x8192x128xf32, #tpu.memory_space<vmem>>, vector<1x256x128xf32>
    %get3A_464 = vector.shape_cast %get3A_463 : vector<1x256x128xf32> to vector<256x128xf32>
    %dot_general3A_465 = arith.constant dense<0.000000e+00> : vector<128x256xf32>
    %dot_general3A_466 = tpu.matmul %get3A_464, %convert_element_type3A_1, %dot_general3A_465 {dimension_numbers = #tpu.dot_dimension_numbers<[0], [0], [1], [1], [0, 1, 1, 1], [], []>, precision = #tpu.contract_precision<fp32>, transpose_lhs_hint = false} : vector<256x128xf32>, vector<256x256xf32>, vector<128x256xf32> -> vector<128x256xf32>
    %slice3A_467 = vector.extract_strided_slice %dot_general3A_466 {offsets = [0, 0], sizes = [64, 256], strides = [1, 1]} : vector<128x256xf32> to vector<64x256xf32>
    %swap3A_468 = arith.constant 0 : index
    %swap3A_469 = arith.constant 0 : index
    %swap3A_470 = arith.constant 11264 : index
    %swap3A_471 = vector.load %arg2[%swap3A_468, %swap3A_469, %swap3A_470] : memref<1x64x16384xf32, #tpu.memory_space<vmem>>, vector<1x64x256xf32>
    %swap3A_472 = vector.shape_cast %swap3A_471 : vector<1x64x256xf32> to vector<64x256xf32>
    %swap3A_473 = vector.shape_cast %slice3A_467 : vector<64x256xf32> to vector<1x64x256xf32>
    tpu.vector_store %arg2[%swap3A_468, %swap3A_469, %swap3A_470], %swap3A_473 {strides = array<i32>} : memref<1x64x16384xf32, #tpu.memory_space<vmem>>, vector<1x64x256xf32>,
    %slice3A_474 = vector.extract_strided_slice %dot_general3A_466 {offsets = [64, 0], sizes = [64, 256], strides = [1, 1]} : vector<128x256xf32> to vector<64x256xf32>
    %swap3A_475 = arith.constant 0 : index
    %swap3A_476 = arith.constant 0 : index
    %swap3A_477 = arith.constant 11520 : index
    %swap3A_478 = vector.load %arg2[%swap3A_475, %swap3A_476, %swap3A_477] : memref<1x64x16384xf32, #tpu.memory_space<vmem>>, vector<1x64x256xf32>
    %swap3A_479 = vector.shape_cast %swap3A_478 : vector<1x64x256xf32> to vector<64x256xf32>
    %swap3A_480 = vector.shape_cast %slice3A_474 : vector<64x256xf32> to vector<1x64x256xf32>
    tpu.vector_store %arg2[%swap3A_475, %swap3A_476, %swap3A_477], %swap3A_480 {strides = array<i32>} : memref<1x64x16384xf32, #tpu.memory_space<vmem>>, vector<1x64x256xf32>,
    %get3A_481 = arith.constant 0 : index
    %get3A_482 = arith.constant 5888 : index
    %get3A_483 = arith.constant 0 : index
    %get3A_484 = vector.load %arg1[%get3A_481, %get3A_482, %get3A_483] : memref<1x8192x128xf32, #tpu.memory_space<vmem>>, vector<1x256x128xf32>
    %get3A_485 = vector.shape_cast %get3A_484 : vector<1x256x128xf32> to vector<256x128xf32>
    %dot_general3A_486 = arith.constant dense<0.000000e+00> : vector<128x256xf32>
    %dot_general3A_487 = tpu.matmul %get3A_485, %convert_element_type3A_1, %dot_general3A_486 {dimension_numbers = #tpu.dot_dimension_numbers<[0], [0], [1], [1], [0, 1, 1, 1], [], []>, precision = #tpu.contract_precision<fp32>, transpose_lhs_hint = false} : vector<256x128xf32>, vector<256x256xf32>, vector<128x256xf32> -> vector<128x256xf32>
    %slice3A_488 = vector.extract_strided_slice %dot_general3A_487 {offsets = [0, 0], sizes = [64, 256], strides = [1, 1]} : vector<128x256xf32> to vector<64x256xf32>
    %swap3A_489 = arith.constant 0 : index
    %swap3A_490 = arith.constant 0 : index
    %swap3A_491 = arith.constant 11776 : index
    %swap3A_492 = vector.load %arg2[%swap3A_489, %swap3A_490, %swap3A_491] : memref<1x64x16384xf32, #tpu.memory_space<vmem>>, vector<1x64x256xf32>
    %swap3A_493 = vector.shape_cast %swap3A_492 : vector<1x64x256xf32> to vector<64x256xf32>
    %swap3A_494 = vector.shape_cast %slice3A_488 : vector<64x256xf32> to vector<1x64x256xf32>
    tpu.vector_store %arg2[%swap3A_489, %swap3A_490, %swap3A_491], %swap3A_494 {strides = array<i32>} : memref<1x64x16384xf32, #tpu.memory_space<vmem>>, vector<1x64x256xf32>,
    %slice3A_495 = vector.extract_strided_slice %dot_general3A_487 {offsets = [64, 0], sizes = [64, 256], strides = [1, 1]} : vector<128x256xf32> to vector<64x256xf32>
    %swap3A_496 = arith.constant 0 : index
    %swap3A_497 = arith.constant 0 : index
    %swap3A_498 = arith.constant 12032 : index
    %swap3A_499 = vector.load %arg2[%swap3A_496, %swap3A_497, %swap3A_498] : memref<1x64x16384xf32, #tpu.memory_space<vmem>>, vector<1x64x256xf32>
    %swap3A_500 = vector.shape_cast %swap3A_499 : vector<1x64x256xf32> to vector<64x256xf32>
    %swap3A_501 = vector.shape_cast %slice3A_495 : vector<64x256xf32> to vector<1x64x256xf32>
    tpu.vector_store %arg2[%swap3A_496, %swap3A_497, %swap3A_498], %swap3A_501 {strides = array<i32>} : memref<1x64x16384xf32, #tpu.memory_space<vmem>>, vector<1x64x256xf32>,
    %get3A_502 = arith.constant 0 : index
    %get3A_503 = arith.constant 6144 : index
    %get3A_504 = arith.constant 0 : index
    %get3A_505 = vector.load %arg1[%get3A_502, %get3A_503, %get3A_504] : memref<1x8192x128xf32, #tpu.memory_space<vmem>>, vector<1x256x128xf32>
    %get3A_506 = vector.shape_cast %get3A_505 : vector<1x256x128xf32> to vector<256x128xf32>
    %dot_general3A_507 = arith.constant dense<0.000000e+00> : vector<128x256xf32>
    %dot_general3A_508 = tpu.matmul %get3A_506, %convert_element_type3A_1, %dot_general3A_507 {dimension_numbers = #tpu.dot_dimension_numbers<[0], [0], [1], [1], [0, 1, 1, 1], [], []>, precision = #tpu.contract_precision<fp32>, transpose_lhs_hint = false} : vector<256x128xf32>, vector<256x256xf32>, vector<128x256xf32> -> vector<128x256xf32>
    %slice3A_509 = vector.extract_strided_slice %dot_general3A_508 {offsets = [0, 0], sizes = [64, 256], strides = [1, 1]} : vector<128x256xf32> to vector<64x256xf32>
    %swap3A_510 = arith.constant 0 : index
    %swap3A_511 = arith.constant 0 : index
    %swap3A_512 = arith.constant 12288 : index
    %swap3A_513 = vector.load %arg2[%swap3A_510, %swap3A_511, %swap3A_512] : memref<1x64x16384xf32, #tpu.memory_space<vmem>>, vector<1x64x256xf32>
    %swap3A_514 = vector.shape_cast %swap3A_513 : vector<1x64x256xf32> to vector<64x256xf32>
    %swap3A_515 = vector.shape_cast %slice3A_509 : vector<64x256xf32> to vector<1x64x256xf32>
    tpu.vector_store %arg2[%swap3A_510, %swap3A_511, %swap3A_512], %swap3A_515 {strides = array<i32>} : memref<1x64x16384xf32, #tpu.memory_space<vmem>>, vector<1x64x256xf32>,
    %slice3A_516 = vector.extract_strided_slice %dot_general3A_508 {offsets = [64, 0], sizes = [64, 256], strides = [1, 1]} : vector<128x256xf32> to vector<64x256xf32>
    %swap3A_517 = arith.constant 0 : index
    %swap3A_518 = arith.constant 0 : index
    %swap3A_519 = arith.constant 12544 : index
    %swap3A_520 = vector.load %arg2[%swap3A_517, %swap3A_518, %swap3A_519] : memref<1x64x16384xf32, #tpu.memory_space<vmem>>, vector<1x64x256xf32>
    %swap3A_521 = vector.shape_cast %swap3A_520 : vector<1x64x256xf32> to vector<64x256xf32>
    %swap3A_522 = vector.shape_cast %slice3A_516 : vector<64x256xf32> to vector<1x64x256xf32>
    tpu.vector_store %arg2[%swap3A_517, %swap3A_518, %swap3A_519], %swap3A_522 {strides = array<i32>} : memref<1x64x16384xf32, #tpu.memory_space<vmem>>, vector<1x64x256xf32>,
    %get3A_523 = arith.constant 0 : index
    %get3A_524 = arith.constant 6400 : index
    %get3A_525 = arith.constant 0 : index
    %get3A_526 = vector.load %arg1[%get3A_523, %get3A_524, %get3A_525] : memref<1x8192x128xf32, #tpu.memory_space<vmem>>, vector<1x256x128xf32>
    %get3A_527 = vector.shape_cast %get3A_526 : vector<1x256x128xf32> to vector<256x128xf32>
    %dot_general3A_528 = arith.constant dense<0.000000e+00> : vector<128x256xf32>
    %dot_general3A_529 = tpu.matmul %get3A_527, %convert_element_type3A_1, %dot_general3A_528 {dimension_numbers = #tpu.dot_dimension_numbers<[0], [0], [1], [1], [0, 1, 1, 1], [], []>, precision = #tpu.contract_precision<fp32>, transpose_lhs_hint = false} : vector<256x128xf32>, vector<256x256xf32>, vector<128x256xf32> -> vector<128x256xf32>
    %slice3A_530 = vector.extract_strided_slice %dot_general3A_529 {offsets = [0, 0], sizes = [64, 256], strides = [1, 1]} : vector<128x256xf32> to vector<64x256xf32>
    %swap3A_531 = arith.constant 0 : index
    %swap3A_532 = arith.constant 0 : index
    %swap3A_533 = arith.constant 12800 : index
    %swap3A_534 = vector.load %arg2[%swap3A_531, %swap3A_532, %swap3A_533] : memref<1x64x16384xf32, #tpu.memory_space<vmem>>, vector<1x64x256xf32>
    %swap3A_535 = vector.shape_cast %swap3A_534 : vector<1x64x256xf32> to vector<64x256xf32>
    %swap3A_536 = vector.shape_cast %slice3A_530 : vector<64x256xf32> to vector<1x64x256xf32>
    tpu.vector_store %arg2[%swap3A_531, %swap3A_532, %swap3A_533], %swap3A_536 {strides = array<i32>} : memref<1x64x16384xf32, #tpu.memory_space<vmem>>, vector<1x64x256xf32>,
    %slice3A_537 = vector.extract_strided_slice %dot_general3A_529 {offsets = [64, 0], sizes = [64, 256], strides = [1, 1]} : vector<128x256xf32> to vector<64x256xf32>
    %swap3A_538 = arith.constant 0 : index
    %swap3A_539 = arith.constant 0 : index
    %swap3A_540 = arith.constant 13056 : index
    %swap3A_541 = vector.load %arg2[%swap3A_538, %swap3A_539, %swap3A_540] : memref<1x64x16384xf32, #tpu.memory_space<vmem>>, vector<1x64x256xf32>
    %swap3A_542 = vector.shape_cast %swap3A_541 : vector<1x64x256xf32> to vector<64x256xf32>
    %swap3A_543 = vector.shape_cast %slice3A_537 : vector<64x256xf32> to vector<1x64x256xf32>
    tpu.vector_store %arg2[%swap3A_538, %swap3A_539, %swap3A_540], %swap3A_543 {strides = array<i32>} : memref<1x64x16384xf32, #tpu.memory_space<vmem>>, vector<1x64x256xf32>,
    %get3A_544 = arith.constant 0 : index
    %get3A_545 = arith.constant 6656 : index
    %get3A_546 = arith.constant 0 : index
    %get3A_547 = vector.load %arg1[%get3A_544, %get3A_545, %get3A_546] : memref<1x8192x128xf32, #tpu.memory_space<vmem>>, vector<1x256x128xf32>
    %get3A_548 = vector.shape_cast %get3A_547 : vector<1x256x128xf32> to vector<256x128xf32>
    %dot_general3A_549 = arith.constant dense<0.000000e+00> : vector<128x256xf32>
    %dot_general3A_550 = tpu.matmul %get3A_548, %convert_element_type3A_1, %dot_general3A_549 {dimension_numbers = #tpu.dot_dimension_numbers<[0], [0], [1], [1], [0, 1, 1, 1], [], []>, precision = #tpu.contract_precision<fp32>, transpose_lhs_hint = false} : vector<256x128xf32>, vector<256x256xf32>, vector<128x256xf32> -> vector<128x256xf32>
    %slice3A_551 = vector.extract_strided_slice %dot_general3A_550 {offsets = [0, 0], sizes = [64, 256], strides = [1, 1]} : vector<128x256xf32> to vector<64x256xf32>
    %swap3A_552 = arith.constant 0 : index
    %swap3A_553 = arith.constant 0 : index
    %swap3A_554 = arith.constant 13312 : index
    %swap3A_555 = vector.load %arg2[%swap3A_552, %swap3A_553, %swap3A_554] : memref<1x64x16384xf32, #tpu.memory_space<vmem>>, vector<1x64x256xf32>
    %swap3A_556 = vector.shape_cast %swap3A_555 : vector<1x64x256xf32> to vector<64x256xf32>
    %swap3A_557 = vector.shape_cast %slice3A_551 : vector<64x256xf32> to vector<1x64x256xf32>
    tpu.vector_store %arg2[%swap3A_552, %swap3A_553, %swap3A_554], %swap3A_557 {strides = array<i32>} : memref<1x64x16384xf32, #tpu.memory_space<vmem>>, vector<1x64x256xf32>,
    %slice3A_558 = vector.extract_strided_slice %dot_general3A_550 {offsets = [64, 0], sizes = [64, 256], strides = [1, 1]} : vector<128x256xf32> to vector<64x256xf32>
    %swap3A_559 = arith.constant 0 : index
    %swap3A_560 = arith.constant 0 : index
    %swap3A_561 = arith.constant 13568 : index
    %swap3A_562 = vector.load %arg2[%swap3A_559, %swap3A_560, %swap3A_561] : memref<1x64x16384xf32, #tpu.memory_space<vmem>>, vector<1x64x256xf32>
    %swap3A_563 = vector.shape_cast %swap3A_562 : vector<1x64x256xf32> to vector<64x256xf32>
    %swap3A_564 = vector.shape_cast %slice3A_558 : vector<64x256xf32> to vector<1x64x256xf32>
    tpu.vector_store %arg2[%swap3A_559, %swap3A_560, %swap3A_561], %swap3A_564 {strides = array<i32>} : memref<1x64x16384xf32, #tpu.memory_space<vmem>>, vector<1x64x256xf32>,
    %get3A_565 = arith.constant 0 : index
    %get3A_566 = arith.constant 6912 : index
    %get3A_567 = arith.constant 0 : index
    %get3A_568 = vector.load %arg1[%get3A_565, %get3A_566, %get3A_567] : memref<1x8192x128xf32, #tpu.memory_space<vmem>>, vector<1x256x128xf32>
    %get3A_569 = vector.shape_cast %get3A_568 : vector<1x256x128xf32> to vector<256x128xf32>
    %dot_general3A_570 = arith.constant dense<0.000000e+00> : vector<128x256xf32>
    %dot_general3A_571 = tpu.matmul %get3A_569, %convert_element_type3A_1, %dot_general3A_570 {dimension_numbers = #tpu.dot_dimension_numbers<[0], [0], [1], [1], [0, 1, 1, 1], [], []>, precision = #tpu.contract_precision<fp32>, transpose_lhs_hint = false} : vector<256x128xf32>, vector<256x256xf32>, vector<128x256xf32> -> vector<128x256xf32>
    %slice3A_572 = vector.extract_strided_slice %dot_general3A_571 {offsets = [0, 0], sizes = [64, 256], strides = [1, 1]} : vector<128x256xf32> to vector<64x256xf32>
    %swap3A_573 = arith.constant 0 : index
    %swap3A_574 = arith.constant 0 : index
    %swap3A_575 = arith.constant 13824 : index
    %swap3A_576 = vector.load %arg2[%swap3A_573, %swap3A_574, %swap3A_575] : memref<1x64x16384xf32, #tpu.memory_space<vmem>>, vector<1x64x256xf32>
    %swap3A_577 = vector.shape_cast %swap3A_576 : vector<1x64x256xf32> to vector<64x256xf32>
    %swap3A_578 = vector.shape_cast %slice3A_572 : vector<64x256xf32> to vector<1x64x256xf32>
    tpu.vector_store %arg2[%swap3A_573, %swap3A_574, %swap3A_575], %swap3A_578 {strides = array<i32>} : memref<1x64x16384xf32, #tpu.memory_space<vmem>>, vector<1x64x256xf32>,
    %slice3A_579 = vector.extract_strided_slice %dot_general3A_571 {offsets = [64, 0], sizes = [64, 256], strides = [1, 1]} : vector<128x256xf32> to vector<64x256xf32>
    %swap3A_580 = arith.constant 0 : index
    %swap3A_581 = arith.constant 0 : index
    %swap3A_582 = arith.constant 14080 : index
    %swap3A_583 = vector.load %arg2[%swap3A_580, %swap3A_581, %swap3A_582] : memref<1x64x16384xf32, #tpu.memory_space<vmem>>, vector<1x64x256xf32>
    %swap3A_584 = vector.shape_cast %swap3A_583 : vector<1x64x256xf32> to vector<64x256xf32>
    %swap3A_585 = vector.shape_cast %slice3A_579 : vector<64x256xf32> to vector<1x64x256xf32>
    tpu.vector_store %arg2[%swap3A_580, %swap3A_581, %swap3A_582], %swap3A_585 {strides = array<i32>} : memref<1x64x16384xf32, #tpu.memory_space<vmem>>, vector<1x64x256xf32>,
    %get3A_586 = arith.constant 0 : index
    %get3A_587 = arith.constant 7168 : index
    %get3A_588 = arith.constant 0 : index
    %get3A_589 = vector.load %arg1[%get3A_586, %get3A_587, %get3A_588] : memref<1x8192x128xf32, #tpu.memory_space<vmem>>, vector<1x256x128xf32>
    %get3A_590 = vector.shape_cast %get3A_589 : vector<1x256x128xf32> to vector<256x128xf32>
    %dot_general3A_591 = arith.constant dense<0.000000e+00> : vector<128x256xf32>
    %dot_general3A_592 = tpu.matmul %get3A_590, %convert_element_type3A_1, %dot_general3A_591 {dimension_numbers = #tpu.dot_dimension_numbers<[0], [0], [1], [1], [0, 1, 1, 1], [], []>, precision = #tpu.contract_precision<fp32>, transpose_lhs_hint = false} : vector<256x128xf32>, vector<256x256xf32>, vector<128x256xf32> -> vector<128x256xf32>
    %slice3A_593 = vector.extract_strided_slice %dot_general3A_592 {offsets = [0, 0], sizes = [64, 256], strides = [1, 1]} : vector<128x256xf32> to vector<64x256xf32>
    %swap3A_594 = arith.constant 0 : index
    %swap3A_595 = arith.constant 0 : index
    %swap3A_596 = arith.constant 14336 : index
    %swap3A_597 = vector.load %arg2[%swap3A_594, %swap3A_595, %swap3A_596] : memref<1x64x16384xf32, #tpu.memory_space<vmem>>, vector<1x64x256xf32>
    %swap3A_598 = vector.shape_cast %swap3A_597 : vector<1x64x256xf32> to vector<64x256xf32>
    %swap3A_599 = vector.shape_cast %slice3A_593 : vector<64x256xf32> to vector<1x64x256xf32>
    tpu.vector_store %arg2[%swap3A_594, %swap3A_595, %swap3A_596], %swap3A_599 {strides = array<i32>} : memref<1x64x16384xf32, #tpu.memory_space<vmem>>, vector<1x64x256xf32>,
    %slice3A_600 = vector.extract_strided_slice %dot_general3A_592 {offsets = [64, 0], sizes = [64, 256], strides = [1, 1]} : vector<128x256xf32> to vector<64x256xf32>
    %swap3A_601 = arith.constant 0 : index
    %swap3A_602 = arith.constant 0 : index
    %swap3A_603 = arith.constant 14592 : index
    %swap3A_604 = vector.load %arg2[%swap3A_601, %swap3A_602, %swap3A_603] : memref<1x64x16384xf32, #tpu.memory_space<vmem>>, vector<1x64x256xf32>
    %swap3A_605 = vector.shape_cast %swap3A_604 : vector<1x64x256xf32> to vector<64x256xf32>
    %swap3A_606 = vector.shape_cast %slice3A_600 : vector<64x256xf32> to vector<1x64x256xf32>
    tpu.vector_store %arg2[%swap3A_601, %swap3A_602, %swap3A_603], %swap3A_606 {strides = array<i32>} : memref<1x64x16384xf32, #tpu.memory_space<vmem>>, vector<1x64x256xf32>,
    %get3A_607 = arith.constant 0 : index
    %get3A_608 = arith.constant 7424 : index
    %get3A_609 = arith.constant 0 : index
    %get3A_610 = vector.load %arg1[%get3A_607, %get3A_608, %get3A_609] : memref<1x8192x128xf32, #tpu.memory_space<vmem>>, vector<1x256x128xf32>
    %get3A_611 = vector.shape_cast %get3A_610 : vector<1x256x128xf32> to vector<256x128xf32>
    %dot_general3A_612 = arith.constant dense<0.000000e+00> : vector<128x256xf32>
    %dot_general3A_613 = tpu.matmul %get3A_611, %convert_element_type3A_1, %dot_general3A_612 {dimension_numbers = #tpu.dot_dimension_numbers<[0], [0], [1], [1], [0, 1, 1, 1], [], []>, precision = #tpu.contract_precision<fp32>, transpose_lhs_hint = false} : vector<256x128xf32>, vector<256x256xf32>, vector<128x256xf32> -> vector<128x256xf32>
    %slice3A_614 = vector.extract_strided_slice %dot_general3A_613 {offsets = [0, 0], sizes = [64, 256], strides = [1, 1]} : vector<128x256xf32> to vector<64x256xf32>
    %swap3A_615 = arith.constant 0 : index
    %swap3A_616 = arith.constant 0 : index
    %swap3A_617 = arith.constant 14848 : index
    %swap3A_618 = vector.load %arg2[%swap3A_615, %swap3A_616, %swap3A_617] : memref<1x64x16384xf32, #tpu.memory_space<vmem>>, vector<1x64x256xf32>
    %swap3A_619 = vector.shape_cast %swap3A_618 : vector<1x64x256xf32> to vector<64x256xf32>
    %swap3A_620 = vector.shape_cast %slice3A_614 : vector<64x256xf32> to vector<1x64x256xf32>
    tpu.vector_store %arg2[%swap3A_615, %swap3A_616, %swap3A_617], %swap3A_620 {strides = array<i32>} : memref<1x64x16384xf32, #tpu.memory_space<vmem>>, vector<1x64x256xf32>,
    %slice3A_621 = vector.extract_strided_slice %dot_general3A_613 {offsets = [64, 0], sizes = [64, 256], strides = [1, 1]} : vector<128x256xf32> to vector<64x256xf32>
    %swap3A_622 = arith.constant 0 : index
    %swap3A_623 = arith.constant 0 : index
    %swap3A_624 = arith.constant 15104 : index
    %swap3A_625 = vector.load %arg2[%swap3A_622, %swap3A_623, %swap3A_624] : memref<1x64x16384xf32, #tpu.memory_space<vmem>>, vector<1x64x256xf32>
    %swap3A_626 = vector.shape_cast %swap3A_625 : vector<1x64x256xf32> to vector<64x256xf32>
    %swap3A_627 = vector.shape_cast %slice3A_621 : vector<64x256xf32> to vector<1x64x256xf32>
    tpu.vector_store %arg2[%swap3A_622, %swap3A_623, %swap3A_624], %swap3A_627 {strides = array<i32>} : memref<1x64x16384xf32, #tpu.memory_space<vmem>>, vector<1x64x256xf32>,
    %get3A_628 = arith.constant 0 : index
    %get3A_629 = arith.constant 7680 : index
    %get3A_630 = arith.constant 0 : index
    %get3A_631 = vector.load %arg1[%get3A_628, %get3A_629, %get3A_630] : memref<1x8192x128xf32, #tpu.memory_space<vmem>>, vector<1x256x128xf32>
    %get3A_632 = vector.shape_cast %get3A_631 : vector<1x256x128xf32> to vector<256x128xf32>
    %dot_general3A_633 = arith.constant dense<0.000000e+00> : vector<128x256xf32>
    %dot_general3A_634 = tpu.matmul %get3A_632, %convert_element_type3A_1, %dot_general3A_633 {dimension_numbers = #tpu.dot_dimension_numbers<[0], [0], [1], [1], [0, 1, 1, 1], [], []>, precision = #tpu.contract_precision<fp32>, transpose_lhs_hint = false} : vector<256x128xf32>, vector<256x256xf32>, vector<128x256xf32> -> vector<128x256xf32>
    %slice3A_635 = vector.extract_strided_slice %dot_general3A_634 {offsets = [0, 0], sizes = [64, 256], strides = [1, 1]} : vector<128x256xf32> to vector<64x256xf32>
    %swap3A_636 = arith.constant 0 : index
    %swap3A_637 = arith.constant 0 : index
    %swap3A_638 = arith.constant 15360 : index
    %swap3A_639 = vector.load %arg2[%swap3A_636, %swap3A_637, %swap3A_638] : memref<1x64x16384xf32, #tpu.memory_space<vmem>>, vector<1x64x256xf32>
    %swap3A_640 = vector.shape_cast %swap3A_639 : vector<1x64x256xf32> to vector<64x256xf32>
    %swap3A_641 = vector.shape_cast %slice3A_635 : vector<64x256xf32> to vector<1x64x256xf32>
    tpu.vector_store %arg2[%swap3A_636, %swap3A_637, %swap3A_638], %swap3A_641 {strides = array<i32>} : memref<1x64x16384xf32, #tpu.memory_space<vmem>>, vector<1x64x256xf32>,
    %slice3A_642 = vector.extract_strided_slice %dot_general3A_634 {offsets = [64, 0], sizes = [64, 256], strides = [1, 1]} : vector<128x256xf32> to vector<64x256xf32>
    %swap3A_643 = arith.constant 0 : index
    %swap3A_644 = arith.constant 0 : index
    %swap3A_645 = arith.constant 15616 : index
    %swap3A_646 = vector.load %arg2[%swap3A_643, %swap3A_644, %swap3A_645] : memref<1x64x16384xf32, #tpu.memory_space<vmem>>, vector<1x64x256xf32>
    %swap3A_647 = vector.shape_cast %swap3A_646 : vector<1x64x256xf32> to vector<64x256xf32>
    %swap3A_648 = vector.shape_cast %slice3A_642 : vector<64x256xf32> to vector<1x64x256xf32>
    tpu.vector_store %arg2[%swap3A_643, %swap3A_644, %swap3A_645], %swap3A_648 {strides = array<i32>} : memref<1x64x16384xf32, #tpu.memory_space<vmem>>, vector<1x64x256xf32>,
    %get3A_649 = arith.constant 0 : index
    %get3A_650 = arith.constant 7936 : index
    %get3A_651 = arith.constant 0 : index
    %get3A_652 = vector.load %arg1[%get3A_649, %get3A_650, %get3A_651] : memref<1x8192x128xf32, #tpu.memory_space<vmem>>, vector<1x256x128xf32>
    %get3A_653 = vector.shape_cast %get3A_652 : vector<1x256x128xf32> to vector<256x128xf32>
    %dot_general3A_654 = arith.constant dense<0.000000e+00> : vector<128x256xf32>
    %dot_general3A_655 = tpu.matmul %get3A_653, %convert_element_type3A_1, %dot_general3A_654 {dimension_numbers = #tpu.dot_dimension_numbers<[0], [0], [1], [1], [0, 1, 1, 1], [], []>, precision = #tpu.contract_precision<fp32>, transpose_lhs_hint = false} : vector<256x128xf32>, vector<256x256xf32>, vector<128x256xf32> -> vector<128x256xf32>
    %slice3A_656 = vector.extract_strided_slice %dot_general3A_655 {offsets = [0, 0], sizes = [64, 256], strides = [1, 1]} : vector<128x256xf32> to vector<64x256xf32>
    %swap3A_657 = arith.constant 0 : index
    %swap3A_658 = arith.constant 0 : index
    %swap3A_659 = arith.constant 15872 : index
    %swap3A_660 = vector.load %arg2[%swap3A_657, %swap3A_658, %swap3A_659] : memref<1x64x16384xf32, #tpu.memory_space<vmem>>, vector<1x64x256xf32>
    %swap3A_661 = vector.shape_cast %swap3A_660 : vector<1x64x256xf32> to vector<64x256xf32>
    %swap3A_662 = vector.shape_cast %slice3A_656 : vector<64x256xf32> to vector<1x64x256xf32>
    tpu.vector_store %arg2[%swap3A_657, %swap3A_658, %swap3A_659], %swap3A_662 {strides = array<i32>} : memref<1x64x16384xf32, #tpu.memory_space<vmem>>, vector<1x64x256xf32>,
    %slice3A_663 = vector.extract_strided_slice %dot_general3A_655 {offsets = [64, 0], sizes = [64, 256], strides = [1, 1]} : vector<128x256xf32> to vector<64x256xf32>
    %swap3A_664 = arith.constant 0 : index
    %swap3A_665 = arith.constant 0 : index
    %swap3A_666 = arith.constant 16128 : index
    %swap3A_667 = vector.load %arg2[%swap3A_664, %swap3A_665, %swap3A_666] : memref<1x64x16384xf32, #tpu.memory_space<vmem>>, vector<1x64x256xf32>
    %swap3A_668 = vector.shape_cast %swap3A_667 : vector<1x64x256xf32> to vector<64x256xf32>
    %swap3A_669 = vector.shape_cast %slice3A_663 : vector<64x256xf32> to vector<1x64x256xf32>
    tpu.vector_store %arg2[%swap3A_664, %swap3A_665, %swap3A_666], %swap3A_669 {strides = array<i32>} : memref<1x64x16384xf32, #tpu.memory_space<vmem>>, vector<1x64x256xf32>,
    return
  }
  func.func @transform_0(%arg0: i32) -> (i32, i32, i32) {
    %c0_i32 = arith.constant 0 : i32
    %c0_i32_0 = arith.constant 0 : i32
    %c0_i32_1 = arith.constant 0 : i32
    return %arg0, %c0_i32, %c0_i32_0 : i32, i32, i32
  }
  func.func @transform_1(%arg0: i32) -> (i32, i32, i32) {
    %c0_i32 = arith.constant 0 : i32
    %c0_i32_0 = arith.constant 0 : i32
    %c0_i32_1 = arith.constant 0 : i32
    return %arg0, %c0_i32, %c0_i32_0 : i32, i32, i32
  }
}

module attributes {stable_mosaic.version = 14 : i64} {
  func.func @_cont_tc_kernel(%arg0: i32, %arg1: memref<13x2048xf32, #tpu.memory_space<vmem>>, %arg2: memref<13x1xf32, #tpu.memory_space<vmem>>, %arg3: memref<13x1xf32, #tpu.memory_space<vmem>>, %arg4: memref<64x13xf32, #tpu.memory_space<vmem>>, %arg5: memref<64x13xf32, #tpu.memory_space<vmem>>, %arg6: memref<13x64x2048xf32, #tpu.memory_space<vmem>>) attributes {dimension_semantics = [#tpu.dimension_semantics<arbitrary>], iteration_bounds = array<i64: 8>, scalar_prefetch = 0 : i64, scratch_operands = 0 : i64, tpu.core_type = #tpu.core_type<tc>, window_params = [{transform_indices = @transform_0, window_bounds = array<i64: 13, 2048>}, {pipeline_mode = #tpu.pipeline_mode<synchronous>, transform_indices = @transform_1, window_bounds = array<i64: 13, 1>}, {pipeline_mode = #tpu.pipeline_mode<synchronous>, transform_indices = @transform_2, window_bounds = array<i64: 13, 1>}, {pipeline_mode = #tpu.pipeline_mode<synchronous>, transform_indices = @transform_3, window_bounds = array<i64: 64, 13>}, {pipeline_mode = #tpu.pipeline_mode<synchronous>, transform_indices = @transform_4, window_bounds = array<i64: 64, 13>}, {transform_indices = @transform_5, window_bounds = array<i64: 13, 64, 2048>}]} {
    %get3A = arith.constant 0 : index
    %get3A_0 = arith.constant 0 : index
    %get3A_1 = vector.load %arg1[%get3A, %get3A_0] : memref<13x2048xf32, #tpu.memory_space<vmem>>, vector<13x2048xf32>
    %reduce_sum3A = arith.constant dense<0.000000e+00> : vector<2048xf32>
    %reduce_sum3A_2 = vector.multi_reduction <add>, %get3A_1, %reduce_sum3A [0] : vector<13x2048xf32> to vector<2048xf32>
    %broadcast_in_dim3A = vector.shape_cast %reduce_sum3A_2 : vector<2048xf32> to vector<1x2048xf32>
    %div3A = arith.constant 1.300000e+01 : f32
    %div3A_3 = vector.broadcast %div3A : f32 to vector<1x2048xf32>
    %div3A_4 = arith.divf %broadcast_in_dim3A, %div3A_3 : vector<1x2048xf32>
    %sub3A = vector.broadcast %div3A_4 : vector<1x2048xf32> to vector<13x2048xf32>
    %sub3A_5 = arith.subf %get3A_1, %sub3A : vector<13x2048xf32>
    %integer_pow3A = arith.mulf %sub3A_5, %sub3A_5 : vector<13x2048xf32>
    %reduce_sum3A_6 = arith.constant dense<0.000000e+00> : vector<2048xf32>
    %reduce_sum3A_7 = vector.multi_reduction <add>, %integer_pow3A, %reduce_sum3A_6 [0] : vector<13x2048xf32> to vector<2048xf32>
    %broadcast_in_dim3A_8 = vector.shape_cast %reduce_sum3A_7 : vector<2048xf32> to vector<1x2048xf32>
    %div3A_9 = arith.constant 1.300000e+01 : f32
    %div3A_10 = vector.broadcast %div3A_9 : f32 to vector<1x2048xf32>
    %div3A_11 = arith.divf %broadcast_in_dim3A_8, %div3A_10 : vector<1x2048xf32>
    %sub3A_12 = vector.broadcast %div3A_4 : vector<1x2048xf32> to vector<13x2048xf32>
    %sub3A_13 = arith.subf %get3A_1, %sub3A_12 : vector<13x2048xf32>
    %add3A = arith.constant 9.99999974E-6 : f32
    %add3A_14 = vector.broadcast %add3A : f32 to vector<1x2048xf32>
    %add3A_15 = arith.addf %div3A_11, %add3A_14 : vector<1x2048xf32>
    %rsqrt3A = math.rsqrt %add3A_15 : vector<1x2048xf32>
    %mul3A = vector.broadcast %rsqrt3A : vector<1x2048xf32> to vector<13x2048xf32>
    %mul3A_16 = arith.mulf %sub3A_13, %mul3A : vector<13x2048xf32>
    %get3A_17 = arith.constant 0 : index
    %get3A_18 = arith.constant 0 : index
    %get3A_19 = vector.load %arg2[%get3A_17, %get3A_18] : memref<13x1xf32, #tpu.memory_space<vmem>>, vector<13x1xf32>
    %mul3A_20 = vector.broadcast %get3A_19 : vector<13x1xf32> to vector<13x2048xf32>
    %mul3A_21 = arith.mulf %mul3A_16, %mul3A_20 : vector<13x2048xf32>
    %get3A_22 = arith.constant 0 : index
    %get3A_23 = arith.constant 0 : index
    %get3A_24 = vector.load %arg3[%get3A_22, %get3A_23] : memref<13x1xf32, #tpu.memory_space<vmem>>, vector<13x1xf32>
    %add3A_25 = vector.broadcast %get3A_24 : vector<13x1xf32> to vector<13x2048xf32>
    %add3A_26 = arith.addf %mul3A_21, %add3A_25 : vector<13x2048xf32>
    %slice3A = vector.extract_strided_slice %add3A_26 {offsets = [0, 0], sizes = [1, 2048], strides = [1, 1]} : vector<13x2048xf32> to vector<1x2048xf32>
    %get3A_27 = arith.constant 0 : index
    %get3A_28 = arith.constant 0 : index
    %get3A_29 = vector.load %arg4[%get3A_27, %get3A_28] : memref<64x13xf32, #tpu.memory_space<vmem>>, vector<64x1xf32>
    %mul3A_30 = vector.broadcast %slice3A : vector<1x2048xf32> to vector<64x2048xf32>
    %mul3A_31 = vector.broadcast %get3A_29 : vector<64x1xf32> to vector<64x2048xf32>
    %mul3A_32 = arith.mulf %mul3A_30, %mul3A_31 : vector<64x2048xf32>
    %get3A_33 = arith.constant 0 : index
    %get3A_34 = arith.constant 0 : index
    %get3A_35 = vector.load %arg5[%get3A_33, %get3A_34] : memref<64x13xf32, #tpu.memory_space<vmem>>, vector<64x1xf32>
    %add3A_36 = vector.broadcast %get3A_35 : vector<64x1xf32> to vector<64x2048xf32>
    %add3A_37 = arith.addf %mul3A_32, %add3A_36 : vector<64x2048xf32>
    %swap3A = arith.constant 0 : index
    %swap3A_38 = arith.constant 0 : index
    %swap3A_39 = arith.constant 0 : index
    %swap3A_40 = vector.load %arg6[%swap3A, %swap3A_38, %swap3A_39] : memref<13x64x2048xf32, #tpu.memory_space<vmem>>, vector<1x64x2048xf32>
    %swap3A_41 = vector.shape_cast %swap3A_40 : vector<1x64x2048xf32> to vector<64x2048xf32>
    %swap3A_42 = vector.shape_cast %add3A_37 : vector<64x2048xf32> to vector<1x64x2048xf32>
    tpu.vector_store %arg6[%swap3A, %swap3A_38, %swap3A_39], %swap3A_42 {strides = array<i32>} : memref<13x64x2048xf32, #tpu.memory_space<vmem>>, vector<1x64x2048xf32>,
    %slice3A_43 = vector.extract_strided_slice %add3A_26 {offsets = [1, 0], sizes = [1, 2048], strides = [1, 1]} : vector<13x2048xf32> to vector<1x2048xf32>
    %get3A_44 = arith.constant 0 : index
    %get3A_45 = arith.constant 1 : index
    %get3A_46 = vector.load %arg4[%get3A_44, %get3A_45] : memref<64x13xf32, #tpu.memory_space<vmem>>, vector<64x1xf32>
    %mul3A_47 = vector.broadcast %slice3A_43 : vector<1x2048xf32> to vector<64x2048xf32>
    %mul3A_48 = vector.broadcast %get3A_46 : vector<64x1xf32> to vector<64x2048xf32>
    %mul3A_49 = arith.mulf %mul3A_47, %mul3A_48 : vector<64x2048xf32>
    %get3A_50 = arith.constant 0 : index
    %get3A_51 = arith.constant 1 : index
    %get3A_52 = vector.load %arg5[%get3A_50, %get3A_51] : memref<64x13xf32, #tpu.memory_space<vmem>>, vector<64x1xf32>
    %add3A_53 = vector.broadcast %get3A_52 : vector<64x1xf32> to vector<64x2048xf32>
    %add3A_54 = arith.addf %mul3A_49, %add3A_53 : vector<64x2048xf32>
    %swap3A_55 = arith.constant 1 : index
    %swap3A_56 = arith.constant 0 : index
    %swap3A_57 = arith.constant 0 : index
    %swap3A_58 = vector.load %arg6[%swap3A_55, %swap3A_56, %swap3A_57] : memref<13x64x2048xf32, #tpu.memory_space<vmem>>, vector<1x64x2048xf32>
    %swap3A_59 = vector.shape_cast %swap3A_58 : vector<1x64x2048xf32> to vector<64x2048xf32>
    %swap3A_60 = vector.shape_cast %add3A_54 : vector<64x2048xf32> to vector<1x64x2048xf32>
    tpu.vector_store %arg6[%swap3A_55, %swap3A_56, %swap3A_57], %swap3A_60 {strides = array<i32>} : memref<13x64x2048xf32, #tpu.memory_space<vmem>>, vector<1x64x2048xf32>,
    %slice3A_61 = vector.extract_strided_slice %add3A_26 {offsets = [2, 0], sizes = [1, 2048], strides = [1, 1]} : vector<13x2048xf32> to vector<1x2048xf32>
    %get3A_62 = arith.constant 0 : index
    %get3A_63 = arith.constant 2 : index
    %get3A_64 = vector.load %arg4[%get3A_62, %get3A_63] : memref<64x13xf32, #tpu.memory_space<vmem>>, vector<64x1xf32>
    %mul3A_65 = vector.broadcast %slice3A_61 : vector<1x2048xf32> to vector<64x2048xf32>
    %mul3A_66 = vector.broadcast %get3A_64 : vector<64x1xf32> to vector<64x2048xf32>
    %mul3A_67 = arith.mulf %mul3A_65, %mul3A_66 : vector<64x2048xf32>
    %get3A_68 = arith.constant 0 : index
    %get3A_69 = arith.constant 2 : index
    %get3A_70 = vector.load %arg5[%get3A_68, %get3A_69] : memref<64x13xf32, #tpu.memory_space<vmem>>, vector<64x1xf32>
    %add3A_71 = vector.broadcast %get3A_70 : vector<64x1xf32> to vector<64x2048xf32>
    %add3A_72 = arith.addf %mul3A_67, %add3A_71 : vector<64x2048xf32>
    %swap3A_73 = arith.constant 2 : index
    %swap3A_74 = arith.constant 0 : index
    %swap3A_75 = arith.constant 0 : index
    %swap3A_76 = vector.load %arg6[%swap3A_73, %swap3A_74, %swap3A_75] : memref<13x64x2048xf32, #tpu.memory_space<vmem>>, vector<1x64x2048xf32>
    %swap3A_77 = vector.shape_cast %swap3A_76 : vector<1x64x2048xf32> to vector<64x2048xf32>
    %swap3A_78 = vector.shape_cast %add3A_72 : vector<64x2048xf32> to vector<1x64x2048xf32>
    tpu.vector_store %arg6[%swap3A_73, %swap3A_74, %swap3A_75], %swap3A_78 {strides = array<i32>} : memref<13x64x2048xf32, #tpu.memory_space<vmem>>, vector<1x64x2048xf32>,
    %slice3A_79 = vector.extract_strided_slice %add3A_26 {offsets = [3, 0], sizes = [1, 2048], strides = [1, 1]} : vector<13x2048xf32> to vector<1x2048xf32>
    %get3A_80 = arith.constant 0 : index
    %get3A_81 = arith.constant 3 : index
    %get3A_82 = vector.load %arg4[%get3A_80, %get3A_81] : memref<64x13xf32, #tpu.memory_space<vmem>>, vector<64x1xf32>
    %mul3A_83 = vector.broadcast %slice3A_79 : vector<1x2048xf32> to vector<64x2048xf32>
    %mul3A_84 = vector.broadcast %get3A_82 : vector<64x1xf32> to vector<64x2048xf32>
    %mul3A_85 = arith.mulf %mul3A_83, %mul3A_84 : vector<64x2048xf32>
    %get3A_86 = arith.constant 0 : index
    %get3A_87 = arith.constant 3 : index
    %get3A_88 = vector.load %arg5[%get3A_86, %get3A_87] : memref<64x13xf32, #tpu.memory_space<vmem>>, vector<64x1xf32>
    %add3A_89 = vector.broadcast %get3A_88 : vector<64x1xf32> to vector<64x2048xf32>
    %add3A_90 = arith.addf %mul3A_85, %add3A_89 : vector<64x2048xf32>
    %swap3A_91 = arith.constant 3 : index
    %swap3A_92 = arith.constant 0 : index
    %swap3A_93 = arith.constant 0 : index
    %swap3A_94 = vector.load %arg6[%swap3A_91, %swap3A_92, %swap3A_93] : memref<13x64x2048xf32, #tpu.memory_space<vmem>>, vector<1x64x2048xf32>
    %swap3A_95 = vector.shape_cast %swap3A_94 : vector<1x64x2048xf32> to vector<64x2048xf32>
    %swap3A_96 = vector.shape_cast %add3A_90 : vector<64x2048xf32> to vector<1x64x2048xf32>
    tpu.vector_store %arg6[%swap3A_91, %swap3A_92, %swap3A_93], %swap3A_96 {strides = array<i32>} : memref<13x64x2048xf32, #tpu.memory_space<vmem>>, vector<1x64x2048xf32>,
    %slice3A_97 = vector.extract_strided_slice %add3A_26 {offsets = [4, 0], sizes = [1, 2048], strides = [1, 1]} : vector<13x2048xf32> to vector<1x2048xf32>
    %get3A_98 = arith.constant 0 : index
    %get3A_99 = arith.constant 4 : index
    %get3A_100 = vector.load %arg4[%get3A_98, %get3A_99] : memref<64x13xf32, #tpu.memory_space<vmem>>, vector<64x1xf32>
    %mul3A_101 = vector.broadcast %slice3A_97 : vector<1x2048xf32> to vector<64x2048xf32>
    %mul3A_102 = vector.broadcast %get3A_100 : vector<64x1xf32> to vector<64x2048xf32>
    %mul3A_103 = arith.mulf %mul3A_101, %mul3A_102 : vector<64x2048xf32>
    %get3A_104 = arith.constant 0 : index
    %get3A_105 = arith.constant 4 : index
    %get3A_106 = vector.load %arg5[%get3A_104, %get3A_105] : memref<64x13xf32, #tpu.memory_space<vmem>>, vector<64x1xf32>
    %add3A_107 = vector.broadcast %get3A_106 : vector<64x1xf32> to vector<64x2048xf32>
    %add3A_108 = arith.addf %mul3A_103, %add3A_107 : vector<64x2048xf32>
    %swap3A_109 = arith.constant 4 : index
    %swap3A_110 = arith.constant 0 : index
    %swap3A_111 = arith.constant 0 : index
    %swap3A_112 = vector.load %arg6[%swap3A_109, %swap3A_110, %swap3A_111] : memref<13x64x2048xf32, #tpu.memory_space<vmem>>, vector<1x64x2048xf32>
    %swap3A_113 = vector.shape_cast %swap3A_112 : vector<1x64x2048xf32> to vector<64x2048xf32>
    %swap3A_114 = vector.shape_cast %add3A_108 : vector<64x2048xf32> to vector<1x64x2048xf32>
    tpu.vector_store %arg6[%swap3A_109, %swap3A_110, %swap3A_111], %swap3A_114 {strides = array<i32>} : memref<13x64x2048xf32, #tpu.memory_space<vmem>>, vector<1x64x2048xf32>,
    %slice3A_115 = vector.extract_strided_slice %add3A_26 {offsets = [5, 0], sizes = [1, 2048], strides = [1, 1]} : vector<13x2048xf32> to vector<1x2048xf32>
    %get3A_116 = arith.constant 0 : index
    %get3A_117 = arith.constant 5 : index
    %get3A_118 = vector.load %arg4[%get3A_116, %get3A_117] : memref<64x13xf32, #tpu.memory_space<vmem>>, vector<64x1xf32>
    %mul3A_119 = vector.broadcast %slice3A_115 : vector<1x2048xf32> to vector<64x2048xf32>
    %mul3A_120 = vector.broadcast %get3A_118 : vector<64x1xf32> to vector<64x2048xf32>
    %mul3A_121 = arith.mulf %mul3A_119, %mul3A_120 : vector<64x2048xf32>
    %get3A_122 = arith.constant 0 : index
    %get3A_123 = arith.constant 5 : index
    %get3A_124 = vector.load %arg5[%get3A_122, %get3A_123] : memref<64x13xf32, #tpu.memory_space<vmem>>, vector<64x1xf32>
    %add3A_125 = vector.broadcast %get3A_124 : vector<64x1xf32> to vector<64x2048xf32>
    %add3A_126 = arith.addf %mul3A_121, %add3A_125 : vector<64x2048xf32>
    %swap3A_127 = arith.constant 5 : index
    %swap3A_128 = arith.constant 0 : index
    %swap3A_129 = arith.constant 0 : index
    %swap3A_130 = vector.load %arg6[%swap3A_127, %swap3A_128, %swap3A_129] : memref<13x64x2048xf32, #tpu.memory_space<vmem>>, vector<1x64x2048xf32>
    %swap3A_131 = vector.shape_cast %swap3A_130 : vector<1x64x2048xf32> to vector<64x2048xf32>
    %swap3A_132 = vector.shape_cast %add3A_126 : vector<64x2048xf32> to vector<1x64x2048xf32>
    tpu.vector_store %arg6[%swap3A_127, %swap3A_128, %swap3A_129], %swap3A_132 {strides = array<i32>} : memref<13x64x2048xf32, #tpu.memory_space<vmem>>, vector<1x64x2048xf32>,
    %slice3A_133 = vector.extract_strided_slice %add3A_26 {offsets = [6, 0], sizes = [1, 2048], strides = [1, 1]} : vector<13x2048xf32> to vector<1x2048xf32>
    %get3A_134 = arith.constant 0 : index
    %get3A_135 = arith.constant 6 : index
    %get3A_136 = vector.load %arg4[%get3A_134, %get3A_135] : memref<64x13xf32, #tpu.memory_space<vmem>>, vector<64x1xf32>
    %mul3A_137 = vector.broadcast %slice3A_133 : vector<1x2048xf32> to vector<64x2048xf32>
    %mul3A_138 = vector.broadcast %get3A_136 : vector<64x1xf32> to vector<64x2048xf32>
    %mul3A_139 = arith.mulf %mul3A_137, %mul3A_138 : vector<64x2048xf32>
    %get3A_140 = arith.constant 0 : index
    %get3A_141 = arith.constant 6 : index
    %get3A_142 = vector.load %arg5[%get3A_140, %get3A_141] : memref<64x13xf32, #tpu.memory_space<vmem>>, vector<64x1xf32>
    %add3A_143 = vector.broadcast %get3A_142 : vector<64x1xf32> to vector<64x2048xf32>
    %add3A_144 = arith.addf %mul3A_139, %add3A_143 : vector<64x2048xf32>
    %swap3A_145 = arith.constant 6 : index
    %swap3A_146 = arith.constant 0 : index
    %swap3A_147 = arith.constant 0 : index
    %swap3A_148 = vector.load %arg6[%swap3A_145, %swap3A_146, %swap3A_147] : memref<13x64x2048xf32, #tpu.memory_space<vmem>>, vector<1x64x2048xf32>
    %swap3A_149 = vector.shape_cast %swap3A_148 : vector<1x64x2048xf32> to vector<64x2048xf32>
    %swap3A_150 = vector.shape_cast %add3A_144 : vector<64x2048xf32> to vector<1x64x2048xf32>
    tpu.vector_store %arg6[%swap3A_145, %swap3A_146, %swap3A_147], %swap3A_150 {strides = array<i32>} : memref<13x64x2048xf32, #tpu.memory_space<vmem>>, vector<1x64x2048xf32>,
    %slice3A_151 = vector.extract_strided_slice %add3A_26 {offsets = [7, 0], sizes = [1, 2048], strides = [1, 1]} : vector<13x2048xf32> to vector<1x2048xf32>
    %get3A_152 = arith.constant 0 : index
    %get3A_153 = arith.constant 7 : index
    %get3A_154 = vector.load %arg4[%get3A_152, %get3A_153] : memref<64x13xf32, #tpu.memory_space<vmem>>, vector<64x1xf32>
    %mul3A_155 = vector.broadcast %slice3A_151 : vector<1x2048xf32> to vector<64x2048xf32>
    %mul3A_156 = vector.broadcast %get3A_154 : vector<64x1xf32> to vector<64x2048xf32>
    %mul3A_157 = arith.mulf %mul3A_155, %mul3A_156 : vector<64x2048xf32>
    %get3A_158 = arith.constant 0 : index
    %get3A_159 = arith.constant 7 : index
    %get3A_160 = vector.load %arg5[%get3A_158, %get3A_159] : memref<64x13xf32, #tpu.memory_space<vmem>>, vector<64x1xf32>
    %add3A_161 = vector.broadcast %get3A_160 : vector<64x1xf32> to vector<64x2048xf32>
    %add3A_162 = arith.addf %mul3A_157, %add3A_161 : vector<64x2048xf32>
    %swap3A_163 = arith.constant 7 : index
    %swap3A_164 = arith.constant 0 : index
    %swap3A_165 = arith.constant 0 : index
    %swap3A_166 = vector.load %arg6[%swap3A_163, %swap3A_164, %swap3A_165] : memref<13x64x2048xf32, #tpu.memory_space<vmem>>, vector<1x64x2048xf32>
    %swap3A_167 = vector.shape_cast %swap3A_166 : vector<1x64x2048xf32> to vector<64x2048xf32>
    %swap3A_168 = vector.shape_cast %add3A_162 : vector<64x2048xf32> to vector<1x64x2048xf32>
    tpu.vector_store %arg6[%swap3A_163, %swap3A_164, %swap3A_165], %swap3A_168 {strides = array<i32>} : memref<13x64x2048xf32, #tpu.memory_space<vmem>>, vector<1x64x2048xf32>,
    %slice3A_169 = vector.extract_strided_slice %add3A_26 {offsets = [8, 0], sizes = [1, 2048], strides = [1, 1]} : vector<13x2048xf32> to vector<1x2048xf32>
    %get3A_170 = arith.constant 0 : index
    %get3A_171 = arith.constant 8 : index
    %get3A_172 = vector.load %arg4[%get3A_170, %get3A_171] : memref<64x13xf32, #tpu.memory_space<vmem>>, vector<64x1xf32>
    %mul3A_173 = vector.broadcast %slice3A_169 : vector<1x2048xf32> to vector<64x2048xf32>
    %mul3A_174 = vector.broadcast %get3A_172 : vector<64x1xf32> to vector<64x2048xf32>
    %mul3A_175 = arith.mulf %mul3A_173, %mul3A_174 : vector<64x2048xf32>
    %get3A_176 = arith.constant 0 : index
    %get3A_177 = arith.constant 8 : index
    %get3A_178 = vector.load %arg5[%get3A_176, %get3A_177] : memref<64x13xf32, #tpu.memory_space<vmem>>, vector<64x1xf32>
    %add3A_179 = vector.broadcast %get3A_178 : vector<64x1xf32> to vector<64x2048xf32>
    %add3A_180 = arith.addf %mul3A_175, %add3A_179 : vector<64x2048xf32>
    %swap3A_181 = arith.constant 8 : index
    %swap3A_182 = arith.constant 0 : index
    %swap3A_183 = arith.constant 0 : index
    %swap3A_184 = vector.load %arg6[%swap3A_181, %swap3A_182, %swap3A_183] : memref<13x64x2048xf32, #tpu.memory_space<vmem>>, vector<1x64x2048xf32>
    %swap3A_185 = vector.shape_cast %swap3A_184 : vector<1x64x2048xf32> to vector<64x2048xf32>
    %swap3A_186 = vector.shape_cast %add3A_180 : vector<64x2048xf32> to vector<1x64x2048xf32>
    tpu.vector_store %arg6[%swap3A_181, %swap3A_182, %swap3A_183], %swap3A_186 {strides = array<i32>} : memref<13x64x2048xf32, #tpu.memory_space<vmem>>, vector<1x64x2048xf32>,
    %slice3A_187 = vector.extract_strided_slice %add3A_26 {offsets = [9, 0], sizes = [1, 2048], strides = [1, 1]} : vector<13x2048xf32> to vector<1x2048xf32>
    %get3A_188 = arith.constant 0 : index
    %get3A_189 = arith.constant 9 : index
    %get3A_190 = vector.load %arg4[%get3A_188, %get3A_189] : memref<64x13xf32, #tpu.memory_space<vmem>>, vector<64x1xf32>
    %mul3A_191 = vector.broadcast %slice3A_187 : vector<1x2048xf32> to vector<64x2048xf32>
    %mul3A_192 = vector.broadcast %get3A_190 : vector<64x1xf32> to vector<64x2048xf32>
    %mul3A_193 = arith.mulf %mul3A_191, %mul3A_192 : vector<64x2048xf32>
    %get3A_194 = arith.constant 0 : index
    %get3A_195 = arith.constant 9 : index
    %get3A_196 = vector.load %arg5[%get3A_194, %get3A_195] : memref<64x13xf32, #tpu.memory_space<vmem>>, vector<64x1xf32>
    %add3A_197 = vector.broadcast %get3A_196 : vector<64x1xf32> to vector<64x2048xf32>
    %add3A_198 = arith.addf %mul3A_193, %add3A_197 : vector<64x2048xf32>
    %swap3A_199 = arith.constant 9 : index
    %swap3A_200 = arith.constant 0 : index
    %swap3A_201 = arith.constant 0 : index
    %swap3A_202 = vector.load %arg6[%swap3A_199, %swap3A_200, %swap3A_201] : memref<13x64x2048xf32, #tpu.memory_space<vmem>>, vector<1x64x2048xf32>
    %swap3A_203 = vector.shape_cast %swap3A_202 : vector<1x64x2048xf32> to vector<64x2048xf32>
    %swap3A_204 = vector.shape_cast %add3A_198 : vector<64x2048xf32> to vector<1x64x2048xf32>
    tpu.vector_store %arg6[%swap3A_199, %swap3A_200, %swap3A_201], %swap3A_204 {strides = array<i32>} : memref<13x64x2048xf32, #tpu.memory_space<vmem>>, vector<1x64x2048xf32>,
    %slice3A_205 = vector.extract_strided_slice %add3A_26 {offsets = [10, 0], sizes = [1, 2048], strides = [1, 1]} : vector<13x2048xf32> to vector<1x2048xf32>
    %get3A_206 = arith.constant 0 : index
    %get3A_207 = arith.constant 10 : index
    %get3A_208 = vector.load %arg4[%get3A_206, %get3A_207] : memref<64x13xf32, #tpu.memory_space<vmem>>, vector<64x1xf32>
    %mul3A_209 = vector.broadcast %slice3A_205 : vector<1x2048xf32> to vector<64x2048xf32>
    %mul3A_210 = vector.broadcast %get3A_208 : vector<64x1xf32> to vector<64x2048xf32>
    %mul3A_211 = arith.mulf %mul3A_209, %mul3A_210 : vector<64x2048xf32>
    %get3A_212 = arith.constant 0 : index
    %get3A_213 = arith.constant 10 : index
    %get3A_214 = vector.load %arg5[%get3A_212, %get3A_213] : memref<64x13xf32, #tpu.memory_space<vmem>>, vector<64x1xf32>
    %add3A_215 = vector.broadcast %get3A_214 : vector<64x1xf32> to vector<64x2048xf32>
    %add3A_216 = arith.addf %mul3A_211, %add3A_215 : vector<64x2048xf32>
    %swap3A_217 = arith.constant 10 : index
    %swap3A_218 = arith.constant 0 : index
    %swap3A_219 = arith.constant 0 : index
    %swap3A_220 = vector.load %arg6[%swap3A_217, %swap3A_218, %swap3A_219] : memref<13x64x2048xf32, #tpu.memory_space<vmem>>, vector<1x64x2048xf32>
    %swap3A_221 = vector.shape_cast %swap3A_220 : vector<1x64x2048xf32> to vector<64x2048xf32>
    %swap3A_222 = vector.shape_cast %add3A_216 : vector<64x2048xf32> to vector<1x64x2048xf32>
    tpu.vector_store %arg6[%swap3A_217, %swap3A_218, %swap3A_219], %swap3A_222 {strides = array<i32>} : memref<13x64x2048xf32, #tpu.memory_space<vmem>>, vector<1x64x2048xf32>,
    %slice3A_223 = vector.extract_strided_slice %add3A_26 {offsets = [11, 0], sizes = [1, 2048], strides = [1, 1]} : vector<13x2048xf32> to vector<1x2048xf32>
    %get3A_224 = arith.constant 0 : index
    %get3A_225 = arith.constant 11 : index
    %get3A_226 = vector.load %arg4[%get3A_224, %get3A_225] : memref<64x13xf32, #tpu.memory_space<vmem>>, vector<64x1xf32>
    %mul3A_227 = vector.broadcast %slice3A_223 : vector<1x2048xf32> to vector<64x2048xf32>
    %mul3A_228 = vector.broadcast %get3A_226 : vector<64x1xf32> to vector<64x2048xf32>
    %mul3A_229 = arith.mulf %mul3A_227, %mul3A_228 : vector<64x2048xf32>
    %get3A_230 = arith.constant 0 : index
    %get3A_231 = arith.constant 11 : index
    %get3A_232 = vector.load %arg5[%get3A_230, %get3A_231] : memref<64x13xf32, #tpu.memory_space<vmem>>, vector<64x1xf32>
    %add3A_233 = vector.broadcast %get3A_232 : vector<64x1xf32> to vector<64x2048xf32>
    %add3A_234 = arith.addf %mul3A_229, %add3A_233 : vector<64x2048xf32>
    %swap3A_235 = arith.constant 11 : index
    %swap3A_236 = arith.constant 0 : index
    %swap3A_237 = arith.constant 0 : index
    %swap3A_238 = vector.load %arg6[%swap3A_235, %swap3A_236, %swap3A_237] : memref<13x64x2048xf32, #tpu.memory_space<vmem>>, vector<1x64x2048xf32>
    %swap3A_239 = vector.shape_cast %swap3A_238 : vector<1x64x2048xf32> to vector<64x2048xf32>
    %swap3A_240 = vector.shape_cast %add3A_234 : vector<64x2048xf32> to vector<1x64x2048xf32>
    tpu.vector_store %arg6[%swap3A_235, %swap3A_236, %swap3A_237], %swap3A_240 {strides = array<i32>} : memref<13x64x2048xf32, #tpu.memory_space<vmem>>, vector<1x64x2048xf32>,
    %slice3A_241 = vector.extract_strided_slice %add3A_26 {offsets = [12, 0], sizes = [1, 2048], strides = [1, 1]} : vector<13x2048xf32> to vector<1x2048xf32>
    %get3A_242 = arith.constant 0 : index
    %get3A_243 = arith.constant 12 : index
    %get3A_244 = vector.load %arg4[%get3A_242, %get3A_243] : memref<64x13xf32, #tpu.memory_space<vmem>>, vector<64x1xf32>
    %mul3A_245 = vector.broadcast %slice3A_241 : vector<1x2048xf32> to vector<64x2048xf32>
    %mul3A_246 = vector.broadcast %get3A_244 : vector<64x1xf32> to vector<64x2048xf32>
    %mul3A_247 = arith.mulf %mul3A_245, %mul3A_246 : vector<64x2048xf32>
    %get3A_248 = arith.constant 0 : index
    %get3A_249 = arith.constant 12 : index
    %get3A_250 = vector.load %arg5[%get3A_248, %get3A_249] : memref<64x13xf32, #tpu.memory_space<vmem>>, vector<64x1xf32>
    %add3A_251 = vector.broadcast %get3A_250 : vector<64x1xf32> to vector<64x2048xf32>
    %add3A_252 = arith.addf %mul3A_247, %add3A_251 : vector<64x2048xf32>
    %swap3A_253 = arith.constant 12 : index
    %swap3A_254 = arith.constant 0 : index
    %swap3A_255 = arith.constant 0 : index
    %swap3A_256 = vector.load %arg6[%swap3A_253, %swap3A_254, %swap3A_255] : memref<13x64x2048xf32, #tpu.memory_space<vmem>>, vector<1x64x2048xf32>
    %swap3A_257 = vector.shape_cast %swap3A_256 : vector<1x64x2048xf32> to vector<64x2048xf32>
    %swap3A_258 = vector.shape_cast %add3A_252 : vector<64x2048xf32> to vector<1x64x2048xf32>
    tpu.vector_store %arg6[%swap3A_253, %swap3A_254, %swap3A_255], %swap3A_258 {strides = array<i32>} : memref<13x64x2048xf32, #tpu.memory_space<vmem>>, vector<1x64x2048xf32>,
    return
  }
  func.func @transform_0(%arg0: i32) -> (i32, i32) {
    %c0_i32 = arith.constant 0 : i32
    %c0_i32_0 = arith.constant 0 : i32
    return %c0_i32, %arg0 : i32, i32
  }
  func.func @transform_1(%arg0: i32) -> (i32, i32) {
    %c0_i32 = arith.constant 0 : i32
    %c0_i32_0 = arith.constant 0 : i32
    %c0_i32_1 = arith.constant 0 : i32
    return %c0_i32, %c0_i32_0 : i32, i32
  }
  func.func @transform_2(%arg0: i32) -> (i32, i32) {
    %c0_i32 = arith.constant 0 : i32
    %c0_i32_0 = arith.constant 0 : i32
    %c0_i32_1 = arith.constant 0 : i32
    return %c0_i32, %c0_i32_0 : i32, i32
  }
  func.func @transform_3(%arg0: i32) -> (i32, i32) {
    %c0_i32 = arith.constant 0 : i32
    %c0_i32_0 = arith.constant 0 : i32
    %c0_i32_1 = arith.constant 0 : i32
    return %c0_i32, %c0_i32_0 : i32, i32
  }
  func.func @transform_4(%arg0: i32) -> (i32, i32) {
    %c0_i32 = arith.constant 0 : i32
    %c0_i32_0 = arith.constant 0 : i32
    %c0_i32_1 = arith.constant 0 : i32
    return %c0_i32, %c0_i32_0 : i32, i32
  }
  func.func @transform_5(%arg0: i32) -> (i32, i32, i32) {
    %c0_i32 = arith.constant 0 : i32
    %c0_i32_0 = arith.constant 0 : i32
    %c0_i32_1 = arith.constant 0 : i32
    return %c0_i32, %c0_i32_0, %arg0 : i32, i32, i32
  }
}

</mosaic_0001>

<sc_bundles>
// kernel: kernel.5.cloned.1.call-start
scs
__scs_entry_jumppad:
0x0: {  	(pc) =	sbr.rel $0x88, $3  }
0x1: {  	(tag) =	ssettag $0x0;
	lr =	simm.s32 $0x1  }
0x2: {  	[smem:$0x3F9A] =	sst lr;
	_ =	strace $0xD0000000  }
0x3: {  	_ = 	snop  }
0x4: {  	_ = 	snop  }
0x5: {  	_ = 	snop  }
0x6: {  	_ = 	snop  }
0x7: {  	_ = 	snop  }
__scs_overlays_trampoline_lowered:
0x8: {  	[smem:$0x3FA9] =	sst s0  }
0x9: {  	[smem:$0x3FAA] =	sst s1  }
0xa: {  	[smem:$0x3FAB] =	sst s2  }
0xb: {  	[smem:$0x3FAC] =	sst s3  }
0xc: {  	[smem:$0x3FAD] =	sst s4  }
0xd: {  	[smem:$0x3FAE] =	sst s5  }
0xe: {  	[smem:$0x3FAF] =	sst s6  }
0xf: {  	[smem:$0x3FB0] =	sst s7  }
0x10: {  	[smem:$0x3FB1] =	sst s8  }
0x11: {  	[smem:$0x3FB2] =	sst s9;
	s0 =	simm.s32 @!p0 $0x0  }
0x12: {  	s1 =	sld [smem:$0x3F98];
	s0 =	simm.s32 @p0 $0x1  }
0x13: {  	[smem:$0x3FB3] =	sst s0;
	s0 =	simm.s32 @!p1 $0x0  }
0x14: {  	s2 =	sld [smem:$0x3F97];
	s0 =	simm.s32 @p1 $0x1  }
0x15: {  	[smem:$0x3FB4] =	sst s0;
	s0 =	simm.s32 @!p2 $0x0  }
0x16: {  	s3 =	sld [smem:$0x3FDB];
	s0 =	simm.s32 @p2 $0x1  }
0x17: {  	s4 =	simm.s32 $0x1BF5;
	[smem:$0x3FB6] =	sst s0  }
0x18: {  	s0 =	sld [smem:$0x3F99];
	_ =	swait.ge [sflag:s4], $0x0  }
0x19: {  	s7 =	sld [smem:$0x3F9A]  }
0x1a: {  	s8 =	sadd.s32 $0xFFFFE003, lr  }
0x1b: {  	s9 =	sadd.s32 $0xFFFFFEF7, lr;
	s5 =	simm.s32 $0xFFFFFFFF;
	p2 =	slt.u32 s8, $0xFFFFF086  }
0x1c: {  	p1 =	slt.u32 s9, $0xF7A;
	s5 =	simm.s32 @!p2 $0x0  }
0x1d: {  	s5 =	simm.s32 @p1 $0x1;
	p0 =	seq.s32 s7, s2  }
0x1e: {  	s7 =	smul.u32 @!p0 $0xF7A, s2;
	p2 =	seq.s32 @!p0 s5, $0x0  }
0x1f: {  	s9 =	smul.u32 $0xF7A, s1;
	s8 =	simm.s32 @!p0 $0x1BF5;
	p2 =	por !p2, p0  }
0x20: {  	[sflag:s8] =	ssyncset.s32 @!p0 $0xFFFFF086;
	s6 =	sadd.s32 @!p0 s3, s7;
	s7 =	simm.s32 @!p0 $0x108  }
0x21: {  	s3 =	sadd.s32 s3, s9;
	s6 =	sadd.s32 @!p0 $0x88, s6;
	s7 =	simm.s32 @p2 $0x1082  }
0x22: {  	[simem:s7], [sflag:s8] =	dma.local @!p0 [hbm:s6], $0xF7A  }
0x23: {  	s9 =	sor.u32 $0xD0000000, s2;
	s6 =	simm.s32 $0x108;
	_ =	swait.ge @!p0 [sflag:s8], $0x0  }
0x24: {  	s3 =	sadd.s32 $0x88, s3;
	s6 =	simm.s32 @!p1 $0x1082;
	[sflag:s4] =	ssyncset.s32 $0xFFFFF086  }
0x25: {  	[simem:s6], [sflag:s4] =	dma.local [hbm:s3], $0xF7A  }
0x26: {  	[smem:$0x3F9A] =	sst s1;
	(tag) =	ssettag s2;
	_ =	strace s9  }
0x27: {  	s1 =	sld [smem:$0x3FAA]  }
0x28: {  	s2 =	sld [smem:$0x3FAB]  }
0x29: {  	s4 =	sld [smem:$0x3FAD]  }
0x2a: {  	p0 =	seq.s32 s5, $0x0;
	s5 =	sld [smem:$0x3FAE]  }
0x2b: {  	s6 =	sld [smem:$0x3FAF]  }
0x2c: {  	s7 =	sld [smem:$0x3FB0]  }
0x2d: {  	s3 =	simm.s32 $0x108;
	s8 =	sld [smem:$0x3FB1]  }
0x2e: {  	s3 =	simm.s32 @!p0 $0x1082;
	s9 =	sld [smem:$0x3FB2]  }
0x2f: {  	lr =	sadd.s32 s0, s3;
	s0 =	sld [smem:$0x3FA9]  }
0x30: {  	s3 =	sld [smem:$0x3FAC]  }
0x31: {  	[smem:$0x3FB5] =	sst s10  }
0x32: {  	s10 =	sld [smem:$0x3FB3];
	_ =	sdelay $0x3  }
0x33: {  	p0 =	seq.s32 s10, $0x1;
	s10 =	sld [smem:$0x3FB5];
	_ =	sdelay $0x3  }
0x34: {  	[smem:$0x3FB5] =	sst s10  }
0x35: {  	s10 =	sld [smem:$0x3FB4];
	_ =	sdelay $0x3  }
0x36: {  	p1 =	seq.s32 s10, $0x1;
	s10 =	sld [smem:$0x3FB5];
	_ =	sdelay $0x3  }
0x37: {  	[smem:$0x3FB5] =	sst s10  }
0x38: {  	s10 =	sld [smem:$0x3FB6]  }
0x39: {  	_ = 	snop;
	(pc) =	sbr.ind lr, $3  }
0x3a: {  	_ = 	snop  }
0x3b: {  	_ = 	snop  }
0x3c: {  	p2 =	seq.s32 s10, $0x1;
	s10 =	sld [smem:$0x3FB5]  }
0x3d: {  	_ =	shalt  }
0x3e: {  	_ =	shalt  }
0x3f: {  	_ =	shalt  }
0x40: {  	_ =	shalt  }
0x41: {  	_ =	shalt  }
0x42: {  	_ =	shalt  }
0x43: {  	_ =	shalt  }
0x44: {  	_ =	shalt  }
0x45: {  	_ =	shalt  }
0x46: {  	_ =	shalt  }
0x47: {  	_ =	shalt  }
0x48: {  	_ =	shalt  }
0x49: {  	_ =	shalt  }
0x4a: {  	_ =	shalt  }
0x4b: {  	_ =	shalt  }
0x4c: {  	_ =	shalt  }
0x4d: {  	_ =	shalt  }
0x4e: {  	_ =	shalt  }
0x4f: {  	_ =	shalt  }
0x50: {  	_ =	shalt  }
0x51: {  	_ =	shalt  }
0x52: {  	_ =	shalt  }
0x53: {  	_ =	shalt  }
0x54: {  	_ =	shalt  }
0x55: {  	_ =	shalt  }
0x56: {  	_ =	shalt  }
0x57: {  	_ =	shalt  }
0x58: {  	_ =	shalt  }
0x59: {  	_ =	shalt  }
0x5a: {  	_ =	shalt  }
0x5b: {  	_ =	shalt  }
0x5c: {  	_ =	shalt  }
0x5d: {  	_ =	shalt  }
0x5e: {  	_ =	shalt  }
0x5f: {  	_ =	shalt  }
0x60: {  	_ =	shalt  }
0x61: {  	_ =	shalt  }
0x62: {  	_ =	shalt  }
0x63: {  	_ =	shalt  }
0x64: {  	_ =	shalt  }
0x65: {  	_ =	shalt  }
0x66: {  	_ =	shalt  }
0x67: {  	_ =	shalt  }
0x68: {  	_ =	shalt  }
0x69: {  	_ =	shalt  }
0x6a: {  	_ =	shalt  }
0x6b: {  	_ =	shalt  }
0x6c: {  	_ =	shalt  }
0x6d: {  	_ =	shalt  }
0x6e: {  	_ =	shalt  }
0x6f: {  	_ =	shalt  }
0x70: {  	_ =	shalt  }
0x71: {  	_ =	shalt  }
0x72: {  	_ =	shalt  }
0x73: {  	_ =	shalt  }
0x74: {  	_ =	shalt  }
0x75: {  	_ =	shalt  }
0x76: {  	_ =	shalt  }
0x77: {  	_ =	shalt  }
0x78: {  	_ =	shalt  }
0x79: {  	_ =	shalt  }
0x7a: {  	_ =	shalt  }
0x7b: {  	_ =	shalt  }
0x7c: {  	_ =	shalt  }
0x7d: {  	_ =	shalt  }
0x7e: {  	_ =	shalt  }
0x7f: {  	_ =	shalt  }
0x80: {  	_ =	shalt  }
0x81: {  	_ =	shalt  }
0x82: {  	_ =	shalt  }
0x83: {  	_ =	shalt  }
0x84: {  	_ =	shalt  }
0x85: {  	_ =	shalt  }
0x86: {  	_ =	shalt  }
0x87: {  	_ =	shalt  }
.Lfunc_end0:
.L_simem_size_0:
called_computation_lowered:
.L_overlay_start_0:
0x88: {  	s2 =	sld [smem:$0x3FD9]  }
0x89: {  	s3 =	sld [smem:$0x3FFE];
	_ =	sdelay $0x1  }
0x8a: {  	s1 =	srdreg.scid  }
0x8b: {  	s0 =	sand.u32 $0x1, s1  }
0x8c: {  	s14 =	sshll.u32 s0, $0xA;
	s2 =	sadd.s32 s3, s2  }
0x8d: {  	s2 =	sadd.s32 s2, s14  }
0x8e: {  	[smem:$0x3FC1] =	sst s2  }
0x8f: {  	_ = 	snop  }
0x90: {  	s2 =	sld [smem:$0x3FD0];
	_ =	sdelay $0x2  }
0x91: {  	s15 =	simm.s32 $0xA;
	s4 =	simm.s32 $0x10  }
0x92: {  	[smem:s4], [sflag:s15] =	dma.local [hbm:s2], $0x1  }
0x93: {  	_ =	swait.eq [sflag:s15], $0x1  }
0x94: {  	[sflag:s15] =	ssyncset.done $0x0  }
0x95: {  	[sflag:s15] =	ssyncadd.s32 $0xFFFFFFFF  }
0x96: {  	s16 =	sld [smem:$0x10];
	(tm) =	ssettm $0x1  }
0x97: {  	s17 =	sld [smem:$0x3FFB];
	_ =	sdelay $0x3  }
0x98: {  	_ =	strace s17  }
0x99: {  	s3 =	sld [smem:$0x3FFC];
	_ =	sdelay $0x3  }
0x9a: {  	_ =	strace s3  }
0x9b: {  	s3 =	sld [smem:$0x3FFD];
	_ =	sdelay $0x3  }
0x9c: {  	_ =	strace s3  }
0x9d: {  	_ =	strace $0x8FFFFFFF  }
0x9e: {  	s18 =	sld [smem:$0x3FDB];
	_ =	sdelay $0x1  }
0x9f: {  	s19 =	simm.s32 $_scs_section_size  }
0xa0: {  	s5 =	simm.s32 $_size__tile_overlayer_lowered;
	s6 =	simm.s32 $_tile_overlayer_lowered  }
0xa1: {  	s22 =	simm.s32 $0x1BFF;
	s21 =	sshll.u32 s6, $0x1;
	s3 =	sadd.s32 s19, s18  }
0xa2: {  	s7 =	simm.s32 $0x0;
	s20 =	sshll.u32 s5, $0x1;
	s5 =	sadd.s32 s21, s3  }
0xa3: {  	[timem:s7], [sflag:s22] =	dma.local [hbm:s5], s20  }
0xa4: {  	_ =	swait.ge [sflag:s22], s20  }
0xa5: {  	s4 =	ssub.s32 $0x0, s20;
	[sflag:s22] =	ssyncset.done $0x0  }
0xa6: {  	[sflag:s22] =	ssyncadd.s32 s4;
	_ =	sdelay $0x1  }
0xa7: {  	s23 =	simm.s32 $0x1B8B  }
0xa8: {  	_ =	swait.ge [sflag:s23], $0x1  }
0xa9: {  	[sflag:s23] =	ssyncset.done $0x0  }
0xaa: {  	s25 =	simm.s32 $0x1B8E;
	s24 =	sld [smem:$0x3FFE];
	[sflag:s23] =	ssyncadd.s32 $0xFFFFFFFF  }
0xab: {  	s26 =	simm.s32 $execute0_lowered;
	[smem:$0x3FD2] =	sst s25  }
0xac: {  	s5 =	sshll.u32 s26, $0x1;
	_ =	strace $0x80000046;
	[dreg:$0x1] =	wrdreg $0xFFFFFFFF  }
0xad: {  	s28 =	simm.s32 $_size_execute0_lowered;
	s3 =	sadd.s32 s3, s5;
	[dreg:$0x0] =	wrdreg $0x0  }
0xae: {  	s5 =	sshll.u32 s28, $0x1;
	[dreg:$0x2] =	wrdreg s3  }
0xaf: {  	[dreg:$0x3] =	wrdreg s5  }
0xb0: {  	[dreg:$0x4] =	wrdreg $0xC0  }
0xb1: {  	_ =	task [dreg:s7], $0x5FFFF  }
0xb2: {  	[dreg:$0x1] =	wrdreg $0xFFFFFFFF  }
0xb3: {  	[dreg:$0x0] =	wrdreg $0x60  }
0xb4: {  	[dreg:$0x2] =	wrdreg s16  }
0xb5: {  	[dreg:$0x3] =	wrdreg s24  }
0xb6: {  	[dreg:$0x4] =	wrdreg $0x9  }
0xb7: {  	_ =	task.clear_ibuf [dreg:s7], $0x5FFFF;
	_ =	strace $0x90000046  }
0xb8: {  	s29 =	simm.s32 $0x9;
	_ =	strace $0x80000048  }
0xb9: {  	_ =	swait.ge [sflag:s29], $0x1  }
0xba: {  	[sflag:s29] =	ssyncadd.s32 $0xFFFFFFFF  }
0xbb: {  	_ =	strace $0x90000048  }
0xbc: {  	_ =	sfence  }
0xbd: {  	s30 =	sld [smem:$0x0];
	_ =	sdelay $0x2  }
0xbe: {  	s31 =	sshll.u32 s1, $0xD;
	s1 =	sshrl.u32 s1, $0x2  }
0xbf: {  	s3 =	sand.u32 $0x4000, s31;
	s1 =	sadd.s32 s1, s30  }
0xc0: {  	s0 =	sor.u32 s3, s0;
	s1 =	sshll.u32 s1, $0x11  }
0xc1: {  	s0 =	sor.u32 s1, s0  }
0xc2: {  	s0 =	sadd.s32 $0x8F2B, s0  }
0xc3: {  	[sflag:s0] =	ssyncadd.remote.s32 $0x1  }
0xc4: {  	_ =	sfence.sel $0xFFFF  }
0xc5: {  	[dreg:$0x0] =	wrdreg $0xFFFFFFFF;
	(pc) =	sbr.abs _section_cstart, $3  }
0xc6: {  	[dreg:$0x1] =	wrdreg $0xFFFFFFFF  }
0xc7: {  	_ =	task.clear_ibuf [dreg:s7], $0x2FFFF;
	_ =	strace $0x9FFFFFFF  }
0xc8: {  	(tm) =	ssettm $0x7FFFFFFF  }
0xc9: {  	_ =	shalt  }
tec
execute0_lowered:
.L_overlay_start_1:
0x0: {  	(tag) =	ssettag $0x1  }
0x1: {  	s0 =	rddreg [dreg:$0x0]  }
0x2: {  	s1 =	rddreg [dreg:$0x1]  }
0x3: {  	s2 =	simm.s32 $0x0;
	s3 =	srdreg.scid;
	s4 =	stileid.u32  }
0x4: {  	s10 =	simm.s32 $0x4000;
	s11 =	simm.s32 $0x9;
	s12 =	simm.s32 $0x13400  }
0x5: {  	s13 =	simm.s32 $0x100;
	s14 =	simm.s32 $0x3400;
	s15 =	simm.s32 $0x7400  }
0x6: {  	s16 =	simm.s32 $0x1;
	s17 =	simm.s32 $0xB400;
	s18 =	simm.s32 $0x2  }
0x7: {  	s19 =	simm.s32 $0xF400;
	s20 =	simm.s32 $0x3;
	s21 =	simm.s32 $0x5  }
0x8: {  	s22 =	simm.s32 $0x4;
	s23 =	simm.s32 $0x6;
	s24 =	simm.s32 $0x7  }
0x9: {  	s25 =	simm.s32 $0x8;
	s26 =	simm.s32 $0x0;
	[smem:$0x7FF] =	sst s2  }
0xa: {  	s5 =	sand.u32 $0x1, s3;
	s3 =	sadd.s32 $0xF43200, s1;
	s6 =	sshll.u32 s4, $0xA  }
.Ltmp0:
0xb: {  	s4 =	sadd.s32 $0xE00, s1;
	s7 =	sshll.u32 s5, $0x9;
	(pc) =	sbr.rel .LBB2_1-.Ltmp0, $4  }
0xc: {  	_ =	strace $0x80000047;
	s5 =	ssub.s32 $0x2, s5;
	s6 =	sor.u32 s7, s6  }
0xd: {  	s8 =	sshrl.u32 s5, $0x1;
	s7 =	sshll.u32 s6, $0x3;
	s6 =	sshrl.u32 s6, $0x3  }
0xe: {  	s8 =	ssub.s32 s5, s8;
	s1 =	sadd.s32 s7, s1;
	s5 =	sadd.s32 s0, s6  }
0xf: {  	s8 =	smax.u32 s8, $0x1;
	s6 =	sadd.s32 $0x1000, s1;
	s7 =	sadd.s32 $0x1800, s1  }
.LBB2_12:
0x10: {  	s26 =	sadd.s32 $0x1, s26  }
0x11: {  	_ =	swait.ge [sflag:s24], $0x4000;
	p0 =	sne.s32 s26, s8  }
.Ltmp1:
0x12: {  	[sflag:s24] =	ssyncset.done $0x0;
	(pc) =	sbr.rel @!p0 .LBB2_13-.Ltmp1, $4  }
0x13: {  	[sflag:s24] =	ssyncadd.s32 $0xFFFFC000  }
0x14: {  	_ =	swait.ge [sflag:s25], $0x4000  }
0x15: {  	[sflag:s25] =	ssyncset.done $0x0  }
0x16: {  	[sflag:s25] =	ssyncadd.s32 $0xFFFFC000  }
.LBB2_1:
0x17: {  	s0 =	simm.s32 $0x200  }
0x18: {  	[tilespmem:s2], [sflag:$0x9] =	stream.strided.gather [hbm4b:s5+s0], $0x3400, s10, s0, $0x38;
	[tilespmem:$0x13A80] =	vst v63  }
0x19: {  	_ =	swait.ge [sflag:s11], $0x3400  }
0x1a: {  	[sflag:s11] =	ssyncset.done $0x0  }
0x1b: {  	[sflag:s11] =	ssyncadd.s32 $0xFFFFCC00  }
0x1c: {  	[tilespmem:s12], [sflag:$0x9] =	stream.linear.gather [hbm4b:s4+s2], $0x680, $0x38;
	[tilespmem:$0x13A80] =	vst v63  }
0x1d: {  	_ =	swait.ge [sflag:s11], $0x680  }
0x1e: {  	[sflag:s11] =	ssyncset.done $0x0  }
0x1f: {  	[sflag:s11] =	ssyncadd.s32 $0xFFFFF980  }
0x20: {  	[tilespmem:s14], [sflag:$0x1] =	stream.indirect.gather [hbm4b:s3+s13], $0x40, s2, s13, $0xb8;
	[tilespmem:$0x13A80] =	vst v63  }
0x21: {  	s28 =	simm.s32 $0x0  }
0x22: {  	[tilespmem:s15], [sflag:$0x2] =	stream.indirect.gather [hbm4b:s3+s13], $0x40, s13, s13, $0xb8;
	[tilespmem:$0x13A80] =	vst v63  }
.LBB2_2:
0x23: {  	_ =	swait.ge [sflag:s16], $0x4000  }
0x24: {  	s0 =	sshll.u32 s28, $0x7;
	[sflag:s16] =	ssyncset.done $0x0  }
0x25: {  	s30 =	sand.u32 $0x3FFFFF80, s0;
	[sflag:s16] =	ssyncadd.s32 $0xFFFFC000  }
0x26: {  	v0 =	vld [tilespmem:s30+$0x13400]  }
0x27: {  	v2 =	vld [tilespmem:s30+$0x13410]  }
0x28: {  	v1 =	vld [tilespmem:s30+$0x13420]  }
0x29: {  	s0 =	simm.s32 $0x3600;
	v3 =	vld [tilespmem:s30+$0x13430]  }
0x2a: {  	v4 =	vld [tilespmem:s0+$0xFFFFFE10]  }
0x2b: {  	v5 =	vld [tilespmem:s0+$0xFFFFFE20]  }
0x2c: {  	v6 =	vld [tilespmem:s0+$0xFFFFFE30]  }
0x2d: {  	v7 =	vld [tilespmem:s0+$0xFFFFFE40]  }
0x2e: {  	v8 =	vld [tilespmem:s0+$0xFFFFFE50]  }
0x2f: {  	v9 =	vld [tilespmem:s0+$0xFFFFFE60];
	v4 =	vadd.f32 v4, v2  }
0x30: {  	v10 =	vld [tilespmem:s0+$0xFFFFFE70];
	v5 =	vadd.f32 v5, v1  }
0x31: {  	v12 =	vld [tilespmem:s0+$0x10];
	v6 =	vadd.f32 v6, v3;
	[tilespmem:s0+$0xFFFFFE10] =	vst v4  }
0x32: {  	v13 =	vld [tilespmem:s0+$0x20];
	v7 =	vadd.f32 v7, v0;
	[tilespmem:s0+$0xFFFFFE20] =	vst v5  }
0x33: {  	v14 =	vld [tilespmem:s0+$0x30];
	v8 =	vadd.f32 v8, v2;
	[tilespmem:s0+$0xFFFFFE30] =	vst v6  }
0x34: {  	v15 =	vld [tilespmem:s0+$0x40];
	v9 =	vadd.f32 v9, v1;
	[tilespmem:s0+$0xFFFFFE40] =	vst v7  }
0x35: {  	v16 =	vld [tilespmem:s0+$0x50];
	v10 =	vadd.f32 v10, v3;
	[tilespmem:s0+$0xFFFFFE50] =	vst v8  }
0x36: {  	v11 =	vld [tilespmem:s0+$0x1F0];
	v12 =	vadd.f32 v12, v2;
	[tilespmem:s0+$0xFFFFFE60] =	vst v9  }
0x37: {  	v49 =	vld [tilespmem:s0+$0xFFFFFEF0];
	v13 =	vadd.f32 v13, v1;
	[tilespmem:s0+$0xFFFFFE70] =	vst v10  }
0x38: {  	v50 =	vld [tilespmem:s0+$0xFFFFFF00];
	v14 =	vadd.f32 v14, v3;
	[tilespmem:s0+$0x10] =	vst v12  }
0x39: {  	v51 =	vld [tilespmem:s0+$0xFFFFFF10];
	v15 =	vadd.f32 v15, v0;
	[tilespmem:s0+$0x20] =	vst v13  }
0x3a: {  	v52 =	vld [tilespmem:s0+$0xFFFFFF20];
	v16 =	vadd.f32 v16, v2;
	[tilespmem:s0+$0x30] =	vst v14  }
0x3b: {  	v53 =	vld [tilespmem:s0+$0xFFFFFF30];
	v8 =	vadd.f32 v11, v3;
	[tilespmem:s0+$0x40] =	vst v15  }
0x3c: {  	v54 =	vld [tilespmem:s0+$0xE0];
	[tilespmem:s0+$0x50] =	vst v16;
	v12 =	vadd.f32 v49, v3  }
0x3d: {  	v55 =	vld [tilespmem:s0+$0xF0];
	v13 =	vadd.f32 v50, v0;
	[tilespmem:s0+$0x1F0] =	vst v8  }
0x3e: {  	v56 =	vld [tilespmem:s0+$0x100];
	v14 =	vadd.f32 v51, v2;
	[tilespmem:s0+$0xFFFFFEF0] =	vst v12  }
0x3f: {  	v57 =	vld [tilespmem:s0+$0x110];
	v15 =	vadd.f32 v52, v1;
	[tilespmem:s0+$0xFFFFFF00] =	vst v13  }
0x40: {  	v58 =	vld [tilespmem:s0+$0x120];
	v16 =	vadd.f32 v53, v3;
	[tilespmem:s0+$0xFFFFFF10] =	vst v14  }
0x41: {  	v9 =	vld [tilespmem:s0+$0x0];
	[tilespmem:s0+$0xFFFFFF20] =	vst v15;
	v12 =	vadd.f32 v54, v1  }
0x42: {  	v4 =	vld [tilespmem:s0+$0xFFFFFE80];
	[tilespmem:s0+$0xFFFFFF30] =	vst v16;
	v13 =	vadd.f32 v55, v3  }
0x43: {  	v5 =	vld [tilespmem:s0+$0xFFFFFE90];
	v14 =	vadd.f32 v56, v0;
	[tilespmem:s0+$0xE0] =	vst v12  }
0x44: {  	v6 =	vld [tilespmem:s0+$0xFFFFFEA0];
	v15 =	vadd.f32 v57, v2;
	[tilespmem:s0+$0xF0] =	vst v13  }
0x45: {  	v7 =	vld [tilespmem:s0+$0xFFFFFEB0];
	v16 =	vadd.f32 v58, v1;
	[tilespmem:s0+$0x100] =	vst v14  }
0x46: {  	v11 =	vld [tilespmem:s0+$0xFFFFFEC0];
	[tilespmem:s0+$0x110] =	vst v15;
	v9 =	vadd.f32 v9, v0  }
0x47: {  	v10 =	vld [tilespmem:s0+$0x60];
	[tilespmem:s0+$0x120] =	vst v16;
	v4 =	vadd.f32 v4, v0  }
0x48: {  	v8 =	vld [tilespmem:s0+$0xFFFFFED0];
	v5 =	vadd.f32 v5, v2;
	[tilespmem:s0+$0x0] =	vst v9  }
0x49: {  	v6 =	vadd.f32 v6, v1;
	v9 =	vld [tilespmem:s0+$0xFFFFFEE0];
	[tilespmem:s0+$0xFFFFFE80] =	vst v4  }
0x4a: {  	v7 =	vadd.f32 v7, v3;
	v4 =	vld [tilespmem:s0+$0x70];
	[tilespmem:s0+$0xFFFFFE90] =	vst v5  }
0x4b: {  	v11 =	vadd.f32 v11, v0;
	v5 =	vld [tilespmem:s0+$0x80];
	[tilespmem:s0+$0xFFFFFEA0] =	vst v6  }
0x4c: {  	v10 =	vadd.f32 v10, v1;
	v6 =	vld [tilespmem:s0+$0x90];
	[tilespmem:s0+$0xFFFFFEB0] =	vst v7  }
0x4d: {  	v7 =	vld [tilespmem:s0+$0xA0];
	v8 =	vadd.f32 v8, v2;
	[tilespmem:s0+$0xFFFFFEC0] =	vst v11  }
0x4e: {  	v11 =	vld [tilespmem:s0+$0xB0];
	[tilespmem:s0+$0x60] =	vst v10;
	v9 =	vadd.f32 v9, v1  }
0x4f: {  	v10 =	vld [tilespmem:s0+$0xFFFFFF40];
	[tilespmem:s0+$0xFFFFFED0] =	vst v8;
	v4 =	vadd.f32 v4, v3  }
0x50: {  	v8 =	vld [tilespmem:s0+$0xC0];
	v5 =	vadd.f32 v5, v0;
	[tilespmem:s0+$0xFFFFFEE0] =	vst v9  }
0x51: {  	v6 =	vadd.f32 v6, v2;
	v9 =	vld [tilespmem:s0+$0xD0];
	[tilespmem:s0+$0x70] =	vst v4  }
0x52: {  	v7 =	vadd.f32 v7, v1;
	v4 =	vld [tilespmem:s0+$0xFFFFFF50];
	[tilespmem:s0+$0x80] =	vst v5  }
0x53: {  	v11 =	vadd.f32 v11, v3;
	v5 =	vld [tilespmem:s0+$0xFFFFFF60];
	[tilespmem:s0+$0x90] =	vst v6  }
0x54: {  	v10 =	vadd.f32 v10, v0;
	v6 =	vld [tilespmem:s0+$0xFFFFFF70];
	[tilespmem:s0+$0xA0] =	vst v7  }
0x55: {  	v7 =	vld [tilespmem:s0+$0xFFFFFF80];
	[tilespmem:s0+$0xB0] =	vst v11;
	v8 =	vadd.f32 v8, v0  }
0x56: {  	[tilespmem:s0+$0xFFFFFF40] =	vst v10;
	v10 =	vld [tilespmem:s0+$0x130];
	v9 =	vadd.f32 v9, v2  }
0x57: {  	v11 =	vld [tilespmem:s0+$0xFFFFFF90];
	[tilespmem:s0+$0xC0] =	vst v8;
	v4 =	vadd.f32 v4, v2  }
0x58: {  	v59 =	vld [tilespmem:s0+$0xFFFFFFC0];
	v5 =	vadd.f32 v5, v1;
	[tilespmem:s0+$0xD0] =	vst v9  }
0x59: {  	v8 =	vld [tilespmem:s0+$0xFFFFFFA0];
	v6 =	vadd.f32 v6, v3;
	[tilespmem:s0+$0xFFFFFF50] =	vst v4  }
0x5a: {  	v61 =	vld [tilespmem:s0+$0xFFFFFFE0];
	v7 =	vadd.f32 v7, v0;
	[tilespmem:s0+$0xFFFFFF60] =	vst v5  }
0x5b: {  	v10 =	vadd.f32 v10, v3;
	v9 =	vld [tilespmem:s0+$0xFFFFFFB0];
	[tilespmem:s0+$0xFFFFFF70] =	vst v6  }
0x5c: {  	v11 =	vadd.f32 v11, v2;
	v4 =	vld [tilespmem:s0+$0x140];
	[tilespmem:s0+$0xFFFFFF80] =	vst v7  }
0x5d: {  	v5 =	vld [tilespmem:s0+$0x150];
	[tilespmem:s0+$0x130] =	vst v10;
	v10 =	vadd.f32 v59, v0  }
0x5e: {  	v6 =	vld [tilespmem:s0+$0x160];
	v8 =	vadd.f32 v8, v1;
	[tilespmem:s0+$0xFFFFFF90] =	vst v11  }
0x5f: {  	v60 =	vld [tilespmem:s0+$0xFFFFFFD0];
	[tilespmem:s0+$0xFFFFFFC0] =	vst v10;
	v10 =	vadd.f32 v61, v1  }
0x60: {  	v7 =	vld [tilespmem:s0+$0x170];
	[tilespmem:s0+$0xFFFFFFA0] =	vst v8;
	v9 =	vadd.f32 v9, v3  }
0x61: {  	v62 =	vld [tilespmem:s0+$0xFFFFFFF0];
	[tilespmem:s0+$0xFFFFFFE0] =	vst v10;
	v4 =	vadd.f32 v4, v0  }
0x62: {  	v11 =	vld [tilespmem:s0+$0x180];
	v5 =	vadd.f32 v5, v2;
	[tilespmem:s0+$0xFFFFFFB0] =	vst v9  }
0x63: {  	v8 =	vld [tilespmem:s0+$0x190];
	v6 =	vadd.f32 v6, v1;
	[tilespmem:s0+$0x140] =	vst v4  }
0x64: {  	v63 =	vld [tilespmem:s0+$0x1A0];
	v9 =	vadd.f32 v60, v2;
	[tilespmem:s0+$0x150] =	vst v5  }
0x65: {  	v7 =	vadd.f32 v7, v3;
	v4 =	vld [tilespmem:s0+$0x1B0];
	[tilespmem:s0+$0x160] =	vst v6  }
0x66: {  	v5 =	vld [tilespmem:s0+$0x1C0];
	[tilespmem:s0+$0xFFFFFFD0] =	vst v9;
	v9 =	vadd.f32 v62, v3  }
0x67: {  	v10 =	vadd.f32 v11, v0;
	v6 =	vld [tilespmem:s0+$0x1D0];
	[tilespmem:s0+$0x170] =	vst v7  }
0x68: {  	v7 =	vld [tilespmem:s0+$0x1E0];
	[tilespmem:s0+$0xFFFFFFF0] =	vst v9;
	v9 =	vadd.f32 v8, v2  }
0x69: {  	s29 =	simm.s32 $0x0;
	s1 =	simm.s32 $0x3A00;
	[tilespmem:s0+$0x180] =	vst v10;
	v10 =	vadd.f32 v63, v1;
	v8 =	vld [tilespmem:s0+$0xFFFFFE00]  }
.LBB2_3:
0x6a: {  	v11 =	vld [tilespmem:s1+$0x1F0];
	s29 =	sadd.s32 $0x2, s29;
	[tilespmem:s0+$0x190] =	vst v9;
	v4 =	vadd.f32 v4, v3  }
0x6b: {  	v9 =	vld [tilespmem:s1+$0xFFFFFE10];
	p0 =	slt.u32 s29, $0x1E;
	[tilespmem:s0+$0x1A0] =	vst v10;
	v5 =	vadd.f32 v5, v0  }
0x6c: {  	v10 =	vld [tilespmem:s1+$0xFFFFFE20];
	[tilespmem:s0+$0x1B0] =	vst v4;
	v4 =	vadd.f32 v6, v2  }
0x6d: {  	v6 =	vld [tilespmem:s1+$0xFFFFFE30];
	[tilespmem:s0+$0x1C0] =	vst v5;
	v5 =	vadd.f32 v7, v1  }
0x6e: {  	v7 =	vld [tilespmem:s1+$0xFFFFFE40];
	v8 =	vadd.f32 v8, v0;
	[tilespmem:s0+$0x1D0] =	vst v4  }
0x6f: {  	v4 =	vld [tilespmem:s1+$0xFFFFFE50];
	v11 =	vadd.f32 v11, v3;
	[tilespmem:s0+$0x1E0] =	vst v5  }
0x70: {  	v5 =	vadd.f32 v9, v2;
	v9 =	vld [tilespmem:s1+$0xFFFFFE60];
	[tilespmem:s0+$0xFFFFFE00] =	vst v8;
	s0 =	smov.u32 s1  }
0x71: {  	v8 =	vadd.f32 v10, v1;
	v10 =	vld [tilespmem:s1+$0xFFFFFE70];
	[tilespmem:s1+$0x1F0] =	vst v11  }
0x72: {  	[tilespmem:s1+$0xFFFFFE10] =	vst v5;
	v5 =	vadd.f32 v6, v3;
	v6 =	vld [tilespmem:s1+$0xFFFFFE80]  }
0x73: {  	[tilespmem:s1+$0xFFFFFE20] =	vst v8;
	v7 =	vadd.f32 v7, v0;
	v8 =	vld [tilespmem:s1+$0xFFFFFE90]  }
0x74: {  	[tilespmem:s1+$0xFFFFFE30] =	vst v5;
	v4 =	vadd.f32 v4, v2;
	v5 =	vld [tilespmem:s1+$0xFFFFFEA0]  }
0x75: {  	[tilespmem:s1+$0xFFFFFE40] =	vst v7;
	v7 =	vadd.f32 v9, v1;
	v9 =	vld [tilespmem:s1+$0xFFFFFEB0]  }
0x76: {  	[tilespmem:s1+$0xFFFFFE50] =	vst v4;
	v4 =	vadd.f32 v10, v3;
	v10 =	vld [tilespmem:s1+$0xFFFFFEC0]  }
0x77: {  	[tilespmem:s1+$0xFFFFFE60] =	vst v7;
	v6 =	vadd.f32 v6, v0;
	v7 =	vld [tilespmem:s1+$0xFFFFFED0]  }
0x78: {  	[tilespmem:s1+$0xFFFFFE70] =	vst v4;
	v4 =	vadd.f32 v8, v2;
	v8 =	vld [tilespmem:s1+$0xFFFFFEE0]  }
0x79: {  	[tilespmem:s1+$0xFFFFFE80] =	vst v6;
	v5 =	vadd.f32 v5, v1;
	v6 =	vld [tilespmem:s1+$0xFFFFFEF0]  }
0x7a: {  	[tilespmem:s1+$0xFFFFFE90] =	vst v4;
	v4 =	vadd.f32 v9, v3;
	v9 =	vld [tilespmem:s1+$0xFFFFFF00]  }
0x7b: {  	[tilespmem:s1+$0xFFFFFEA0] =	vst v5;
	v5 =	vadd.f32 v10, v0;
	v10 =	vld [tilespmem:s1+$0xFFFFFF10]  }
0x7c: {  	[tilespmem:s1+$0xFFFFFEB0] =	vst v4;
	v4 =	vadd.f32 v7, v2;
	v7 =	vld [tilespmem:s1+$0xFFFFFF20]  }
0x7d: {  	[tilespmem:s1+$0xFFFFFEC0] =	vst v5;
	v5 =	vadd.f32 v8, v1;
	v8 =	vld [tilespmem:s1+$0xFFFFFF30]  }
0x7e: {  	[tilespmem:s1+$0xFFFFFED0] =	vst v4;
	v4 =	vadd.f32 v6, v3;
	v6 =	vld [tilespmem:s1+$0xFFFFFF40]  }
0x7f: {  	[tilespmem:s1+$0xFFFFFEE0] =	vst v5;
	v5 =	vadd.f32 v9, v0;
	v9 =	vld [tilespmem:s1+$0xFFFFFF50]  }
0x80: {  	[tilespmem:s1+$0xFFFFFEF0] =	vst v4;
	v4 =	vadd.f32 v10, v2;
	v10 =	vld [tilespmem:s1+$0xFFFFFF60]  }
0x81: {  	[tilespmem:s1+$0xFFFFFF00] =	vst v5;
	v5 =	vadd.f32 v7, v1;
	v7 =	vld [tilespmem:s1+$0xFFFFFF70]  }
0x82: {  	[tilespmem:s1+$0xFFFFFF10] =	vst v4;
	v4 =	vadd.f32 v8, v3;
	v8 =	vld [tilespmem:s1+$0xFFFFFF80]  }
0x83: {  	[tilespmem:s1+$0xFFFFFF20] =	vst v5;
	v5 =	vadd.f32 v6, v0;
	v6 =	vld [tilespmem:s1+$0xFFFFFF90]  }
0x84: {  	[tilespmem:s1+$0xFFFFFF30] =	vst v4;
	v4 =	vadd.f32 v9, v2;
	v9 =	vld [tilespmem:s1+$0xFFFFFFA0]  }
0x85: {  	[tilespmem:s1+$0xFFFFFF40] =	vst v5;
	v5 =	vadd.f32 v10, v1;
	v10 =	vld [tilespmem:s1+$0xFFFFFFB0]  }
0x86: {  	[tilespmem:s1+$0xFFFFFF50] =	vst v4;
	v4 =	vadd.f32 v7, v3;
	v7 =	vld [tilespmem:s1+$0xFFFFFFC0]  }
0x87: {  	[tilespmem:s1+$0xFFFFFF60] =	vst v5;
	v5 =	vadd.f32 v8, v0;
	v8 =	vld [tilespmem:s1+$0xFFFFFFD0]  }
0x88: {  	[tilespmem:s1+$0xFFFFFF70] =	vst v4;
	v4 =	vadd.f32 v6, v2;
	v6 =	vld [tilespmem:s1+$0xFFFFFFE0]  }
0x89: {  	[tilespmem:s1+$0xFFFFFF80] =	vst v5;
	v5 =	vadd.f32 v9, v1;
	v9 =	vld [tilespmem:s1+$0xFFFFFFF0]  }
0x8a: {  	[tilespmem:s1+$0xFFFFFF90] =	vst v4;
	v4 =	vadd.f32 v10, v3;
	v10 =	vld [tilespmem:s1+$0x0]  }
0x8b: {  	[tilespmem:s1+$0xFFFFFFA0] =	vst v5;
	v5 =	vadd.f32 v7, v0;
	v7 =	vld [tilespmem:s1+$0x10]  }
0x8c: {  	[tilespmem:s1+$0xFFFFFFB0] =	vst v4;
	v4 =	vadd.f32 v8, v2;
	v8 =	vld [tilespmem:s1+$0x20]  }
0x8d: {  	[tilespmem:s1+$0xFFFFFFC0] =	vst v5;
	v5 =	vadd.f32 v6, v1;
	v6 =	vld [tilespmem:s1+$0x30]  }
0x8e: {  	[tilespmem:s1+$0xFFFFFFD0] =	vst v4;
	v4 =	vadd.f32 v9, v3;
	v9 =	vld [tilespmem:s1+$0x40]  }
0x8f: {  	[tilespmem:s1+$0xFFFFFFE0] =	vst v5;
	v5 =	vadd.f32 v10, v0;
	v10 =	vld [tilespmem:s1+$0x50]  }
0x90: {  	[tilespmem:s1+$0xFFFFFFF0] =	vst v4;
	v4 =	vadd.f32 v7, v2;
	v7 =	vld [tilespmem:s1+$0x60]  }
0x91: {  	[tilespmem:s1+$0x0] =	vst v5;
	v5 =	vadd.f32 v8, v1;
	v8 =	vld [tilespmem:s1+$0x70]  }
0x92: {  	[tilespmem:s1+$0x10] =	vst v4;
	v4 =	vadd.f32 v6, v3;
	v6 =	vld [tilespmem:s1+$0x80]  }
0x93: {  	[tilespmem:s1+$0x20] =	vst v5;
	v5 =	vadd.f32 v9, v0;
	v9 =	vld [tilespmem:s1+$0x90]  }
0x94: {  	[tilespmem:s1+$0x30] =	vst v4;
	v4 =	vadd.f32 v10, v2;
	v10 =	vld [tilespmem:s1+$0xA0]  }
0x95: {  	[tilespmem:s1+$0x40] =	vst v5;
	v5 =	vadd.f32 v7, v1;
	v7 =	vld [tilespmem:s1+$0xB0]  }
0x96: {  	[tilespmem:s1+$0x50] =	vst v4;
	v4 =	vadd.f32 v8, v3;
	v8 =	vld [tilespmem:s1+$0xC0]  }
0x97: {  	[tilespmem:s1+$0x60] =	vst v5;
	v5 =	vadd.f32 v6, v0;
	v6 =	vld [tilespmem:s1+$0xD0]  }
0x98: {  	[tilespmem:s1+$0x70] =	vst v4;
	v4 =	vadd.f32 v9, v2;
	v9 =	vld [tilespmem:s1+$0xE0]  }
0x99: {  	[tilespmem:s1+$0x80] =	vst v5;
	v5 =	vadd.f32 v10, v1;
	v10 =	vld [tilespmem:s1+$0xF0]  }
0x9a: {  	[tilespmem:s1+$0x90] =	vst v4;
	v4 =	vadd.f32 v7, v3;
	v7 =	vld [tilespmem:s1+$0x100]  }
0x9b: {  	[tilespmem:s1+$0xA0] =	vst v5;
	v5 =	vadd.f32 v8, v0;
	v8 =	vld [tilespmem:s1+$0x110]  }
0x9c: {  	[tilespmem:s1+$0xB0] =	vst v4;
	v4 =	vadd.f32 v6, v2;
	v6 =	vld [tilespmem:s1+$0x120]  }
0x9d: {  	[tilespmem:s1+$0xC0] =	vst v5;
	v5 =	vadd.f32 v9, v1;
	v9 =	vld [tilespmem:s1+$0x130]  }
0x9e: {  	[tilespmem:s1+$0xD0] =	vst v4;
	v4 =	vadd.f32 v10, v3;
	v10 =	vld [tilespmem:s1+$0x140]  }
0x9f: {  	[tilespmem:s1+$0xE0] =	vst v5;
	v5 =	vadd.f32 v7, v0;
	v7 =	vld [tilespmem:s1+$0x150]  }
0xa0: {  	[tilespmem:s1+$0xF0] =	vst v4;
	v4 =	vadd.f32 v8, v2;
	v8 =	vld [tilespmem:s1+$0x160]  }
0xa1: {  	[tilespmem:s1+$0x100] =	vst v5;
	v5 =	vadd.f32 v6, v1;
	v6 =	vld [tilespmem:s1+$0x170]  }
0xa2: {  	[tilespmem:s1+$0x110] =	vst v4;
	v4 =	vadd.f32 v9, v3;
	v9 =	vld [tilespmem:s1+$0x180]  }
0xa3: {  	[tilespmem:s1+$0x120] =	vst v5;
	v5 =	vadd.f32 v10, v0;
	v10 =	vld [tilespmem:s1+$0x190]  }
0xa4: {  	[tilespmem:s1+$0x130] =	vst v4;
	v7 =	vadd.f32 v7, v2;
	v11 =	vld [tilespmem:s1+$0x1A0]  }
.Ltmp2:
0xa5: {  	[tilespmem:s1+$0x140] =	vst v5;
	v8 =	vadd.f32 v8, v1;
	v4 =	vld [tilespmem:s1+$0x1B0];
	(pc) =	sbr.rel @p0 .LBB2_3-.Ltmp2, $4  }
0xa6: {  	[tilespmem:s1+$0x150] =	vst v7;
	v7 =	vadd.f32 v6, v3;
	v5 =	vld [tilespmem:s1+$0x1C0]  }
0xa7: {  	[tilespmem:s1+$0x160] =	vst v8;
	v12 =	vadd.f32 v9, v0;
	v6 =	vld [tilespmem:s1+$0x1D0]  }
0xa8: {  	[tilespmem:s1+$0x170] =	vst v7;
	v9 =	vadd.f32 v10, v2;
	v7 =	vld [tilespmem:s1+$0x1E0]  }
0xa9: {  	s1 =	sadd.s32 $0x400, s1;
	v8 =	vld [tilespmem:s0+$0xFFFFFE00];
	[tilespmem:s0+$0x180] =	vst v12;
	v10 =	vadd.f32 v11, v1  }
0xaa: {  	[tilespmem:s0+$0x190] =	vst v9;
	v3 =	vadd.f32 v4, v3  }
0xab: {  	[tilespmem:s0+$0x1A0] =	vst v10;
	v4 =	vadd.f32 v5, v0  }
0xac: {  	[tilespmem:s0+$0x1B0] =	vst v3;
	v2 =	vadd.f32 v6, v2  }
0xad: {  	[tilespmem:s0+$0x1C0] =	vst v4;
	v1 =	vadd.f32 v7, v1  }
0xae: {  	v0 =	vadd.f32 v8, v0;
	[tilespmem:s0+$0x1D0] =	vst v2  }
0xaf: {  	s31 =	sshll.u32 s28, $0x12;
	[tilespmem:s0+$0x1E0] =	vst v1  }
0xb0: {  	p0 =	seq.s32 s28, $0x0;
	s1 =	sadd.s32 s31, s6;
	[tilespmem:s0+$0xFFFFFE00] =	vst v0  }
0xb1: {  	[hbm4b:s1+s2] =	stream.linear.scatter [tilespmem:s14], [sflag:$0x5], $0x4000, $0x38;
	[tilespmem:$0x13A80] =	vst v63  }
0xb2: {  	s0 =	sshll.u32 s28, $0x2;
	s1 =	simm.s32 @!p0 $0x7  }
0xb3: {  	s29 =	sor.u32 $0x2, s0;
	_ =	swait.ge @!p0 [sflag:s1], $0x4000  }
0xb4: {  	s9 =	sshll.u32 s29, $0x8;
	[sflag:s1] =	ssyncset.done @!p0 $0x0  }
0xb5: {  	s9 =	sand.u32 $0x3FFFFF00, s9;
	[sflag:s1] =	ssyncadd.s32 @!p0 $0xFFFFC000  }
0xb6: {  	[tilespmem:s17], [sflag:$0x3] =	stream.indirect.gather [hbm4b:s3+s13], $0x40, s9, s13, $0xb8;
	[tilespmem:$0x13A80] =	vst v63  }
0xb7: {  	_ =	swait.ge [sflag:s18], $0x4000  }
0xb8: {  	[sflag:s18] =	ssyncset.done $0x0  }
0xb9: {  	[sflag:s18] =	ssyncadd.s32 $0xFFFFC000  }
0xba: {  	v0 =	vld [tilespmem:s30+$0x13400]  }
0xbb: {  	v2 =	vld [tilespmem:s30+$0x13410]  }
0xbc: {  	v1 =	vld [tilespmem:s30+$0x13420]  }
0xbd: {  	v3 =	vld [tilespmem:s30+$0x13430];
	s30 =	simm.s32 $0x7600  }
0xbe: {  	v4 =	vld [tilespmem:s30+$0xFFFFFE10]  }
0xbf: {  	v5 =	vld [tilespmem:s30+$0xFFFFFE20]  }
0xc0: {  	v6 =	vld [tilespmem:s30+$0xFFFFFE30]  }
0xc1: {  	v7 =	vld [tilespmem:s30+$0xFFFFFE40]  }
0xc2: {  	v8 =	vld [tilespmem:s30+$0xFFFFFE50]  }
0xc3: {  	v9 =	vld [tilespmem:s30+$0xFFFFFE60];
	v4 =	vadd.f32 v4, v2  }
0xc4: {  	v10 =	vld [tilespmem:s30+$0xFFFFFE70];
	v5 =	vadd.f32 v5, v1  }
0xc5: {  	v12 =	vld [tilespmem:s30+$0x10];
	v6 =	vadd.f32 v6, v3;
	[tilespmem:s30+$0xFFFFFE10] =	vst v4  }
0xc6: {  	v13 =	vld [tilespmem:s30+$0x20];
	v7 =	vadd.f32 v7, v0;
	[tilespmem:s30+$0xFFFFFE20] =	vst v5  }
0xc7: {  	v14 =	vld [tilespmem:s30+$0x30];
	v8 =	vadd.f32 v8, v2;
	[tilespmem:s30+$0xFFFFFE30] =	vst v6  }
0xc8: {  	v15 =	vld [tilespmem:s30+$0x40];
	v9 =	vadd.f32 v9, v1;
	[tilespmem:s30+$0xFFFFFE40] =	vst v7  }
0xc9: {  	v16 =	vld [tilespmem:s30+$0x50];
	v10 =	vadd.f32 v10, v3;
	[tilespmem:s30+$0xFFFFFE50] =	vst v8  }
0xca: {  	v11 =	vld [tilespmem:s30+$0x1F0];
	v12 =	vadd.f32 v12, v2;
	[tilespmem:s30+$0xFFFFFE60] =	vst v9  }
0xcb: {  	v49 =	vld [tilespmem:s30+$0xFFFFFEF0];
	v13 =	vadd.f32 v13, v1;
	[tilespmem:s30+$0xFFFFFE70] =	vst v10  }
0xcc: {  	v50 =	vld [tilespmem:s30+$0xFFFFFF00];
	v14 =	vadd.f32 v14, v3;
	[tilespmem:s30+$0x10] =	vst v12  }
0xcd: {  	v51 =	vld [tilespmem:s30+$0xFFFFFF10];
	v15 =	vadd.f32 v15, v0;
	[tilespmem:s30+$0x20] =	vst v13  }
0xce: {  	v52 =	vld [tilespmem:s30+$0xFFFFFF20];
	v16 =	vadd.f32 v16, v2;
	[tilespmem:s30+$0x30] =	vst v14  }
0xcf: {  	v53 =	vld [tilespmem:s30+$0xFFFFFF30];
	v8 =	vadd.f32 v11, v3;
	[tilespmem:s30+$0x40] =	vst v15  }
0xd0: {  	v54 =	vld [tilespmem:s30+$0xE0];
	[tilespmem:s30+$0x50] =	vst v16;
	v12 =	vadd.f32 v49, v3  }
0xd1: {  	v55 =	vld [tilespmem:s30+$0xF0];
	v13 =	vadd.f32 v50, v0;
	[tilespmem:s30+$0x1F0] =	vst v8  }
0xd2: {  	v56 =	vld [tilespmem:s30+$0x100];
	v14 =	vadd.f32 v51, v2;
	[tilespmem:s30+$0xFFFFFEF0] =	vst v12  }
0xd3: {  	v57 =	vld [tilespmem:s30+$0x110];
	v15 =	vadd.f32 v52, v1;
	[tilespmem:s30+$0xFFFFFF00] =	vst v13  }
0xd4: {  	v58 =	vld [tilespmem:s30+$0x120];
	v16 =	vadd.f32 v53, v3;
	[tilespmem:s30+$0xFFFFFF10] =	vst v14  }
0xd5: {  	v9 =	vld [tilespmem:s30+$0x0];
	[tilespmem:s30+$0xFFFFFF20] =	vst v15;
	v12 =	vadd.f32 v54, v1  }
0xd6: {  	v4 =	vld [tilespmem:s30+$0xFFFFFE80];
	[tilespmem:s30+$0xFFFFFF30] =	vst v16;
	v13 =	vadd.f32 v55, v3  }
0xd7: {  	v5 =	vld [tilespmem:s30+$0xFFFFFE90];
	v14 =	vadd.f32 v56, v0;
	[tilespmem:s30+$0xE0] =	vst v12  }
0xd8: {  	v6 =	vld [tilespmem:s30+$0xFFFFFEA0];
	v15 =	vadd.f32 v57, v2;
	[tilespmem:s30+$0xF0] =	vst v13  }
0xd9: {  	v7 =	vld [tilespmem:s30+$0xFFFFFEB0];
	v16 =	vadd.f32 v58, v1;
	[tilespmem:s30+$0x100] =	vst v14  }
0xda: {  	v11 =	vld [tilespmem:s30+$0xFFFFFEC0];
	[tilespmem:s30+$0x110] =	vst v15;
	v9 =	vadd.f32 v9, v0  }
0xdb: {  	v10 =	vld [tilespmem:s30+$0x60];
	[tilespmem:s30+$0x120] =	vst v16;
	v4 =	vadd.f32 v4, v0  }
0xdc: {  	v8 =	vld [tilespmem:s30+$0xFFFFFED0];
	v5 =	vadd.f32 v5, v2;
	[tilespmem:s30+$0x0] =	vst v9  }
0xdd: {  	v6 =	vadd.f32 v6, v1;
	v9 =	vld [tilespmem:s30+$0xFFFFFEE0];
	[tilespmem:s30+$0xFFFFFE80] =	vst v4  }
0xde: {  	v7 =	vadd.f32 v7, v3;
	v4 =	vld [tilespmem:s30+$0x70];
	[tilespmem:s30+$0xFFFFFE90] =	vst v5  }
0xdf: {  	v11 =	vadd.f32 v11, v0;
	v5 =	vld [tilespmem:s30+$0x80];
	[tilespmem:s30+$0xFFFFFEA0] =	vst v6  }
0xe0: {  	v10 =	vadd.f32 v10, v1;
	v6 =	vld [tilespmem:s30+$0x90];
	[tilespmem:s30+$0xFFFFFEB0] =	vst v7  }
0xe1: {  	v7 =	vld [tilespmem:s30+$0xA0];
	v8 =	vadd.f32 v8, v2;
	[tilespmem:s30+$0xFFFFFEC0] =	vst v11  }
0xe2: {  	v11 =	vld [tilespmem:s30+$0xB0];
	[tilespmem:s30+$0x60] =	vst v10;
	v9 =	vadd.f32 v9, v1  }
0xe3: {  	v10 =	vld [tilespmem:s30+$0xFFFFFF40];
	[tilespmem:s30+$0xFFFFFED0] =	vst v8;
	v4 =	vadd.f32 v4, v3  }
0xe4: {  	v8 =	vld [tilespmem:s30+$0xC0];
	v5 =	vadd.f32 v5, v0;
	[tilespmem:s30+$0xFFFFFEE0] =	vst v9  }
0xe5: {  	v6 =	vadd.f32 v6, v2;
	v9 =	vld [tilespmem:s30+$0xD0];
	[tilespmem:s30+$0x70] =	vst v4  }
0xe6: {  	v7 =	vadd.f32 v7, v1;
	v4 =	vld [tilespmem:s30+$0xFFFFFF50];
	[tilespmem:s30+$0x80] =	vst v5  }
0xe7: {  	v11 =	vadd.f32 v11, v3;
	v5 =	vld [tilespmem:s30+$0xFFFFFF60];
	[tilespmem:s30+$0x90] =	vst v6  }
0xe8: {  	v10 =	vadd.f32 v10, v0;
	v6 =	vld [tilespmem:s30+$0xFFFFFF70];
	[tilespmem:s30+$0xA0] =	vst v7  }
0xe9: {  	v7 =	vld [tilespmem:s30+$0xFFFFFF80];
	[tilespmem:s30+$0xB0] =	vst v11;
	v8 =	vadd.f32 v8, v0  }
0xea: {  	[tilespmem:s30+$0xFFFFFF40] =	vst v10;
	v10 =	vld [tilespmem:s30+$0x130];
	v9 =	vadd.f32 v9, v2  }
0xeb: {  	v11 =	vld [tilespmem:s30+$0xFFFFFF90];
	[tilespmem:s30+$0xC0] =	vst v8;
	v4 =	vadd.f32 v4, v2  }
0xec: {  	v59 =	vld [tilespmem:s30+$0xFFFFFFC0];
	v5 =	vadd.f32 v5, v1;
	[tilespmem:s30+$0xD0] =	vst v9  }
0xed: {  	v8 =	vld [tilespmem:s30+$0xFFFFFFA0];
	v6 =	vadd.f32 v6, v3;
	[tilespmem:s30+$0xFFFFFF50] =	vst v4  }
0xee: {  	v61 =	vld [tilespmem:s30+$0xFFFFFFE0];
	v7 =	vadd.f32 v7, v0;
	[tilespmem:s30+$0xFFFFFF60] =	vst v5  }
0xef: {  	v10 =	vadd.f32 v10, v3;
	v9 =	vld [tilespmem:s30+$0xFFFFFFB0];
	[tilespmem:s30+$0xFFFFFF70] =	vst v6  }
0xf0: {  	v11 =	vadd.f32 v11, v2;
	v4 =	vld [tilespmem:s30+$0x140];
	[tilespmem:s30+$0xFFFFFF80] =	vst v7  }
0xf1: {  	v5 =	vld [tilespmem:s30+$0x150];
	[tilespmem:s30+$0x130] =	vst v10;
	v10 =	vadd.f32 v59, v0  }
0xf2: {  	v6 =	vld [tilespmem:s30+$0x160];
	v8 =	vadd.f32 v8, v1;
	[tilespmem:s30+$0xFFFFFF90] =	vst v11  }
0xf3: {  	v60 =	vld [tilespmem:s30+$0xFFFFFFD0];
	[tilespmem:s30+$0xFFFFFFC0] =	vst v10;
	v10 =	vadd.f32 v61, v1  }
0xf4: {  	v7 =	vld [tilespmem:s30+$0x170];
	[tilespmem:s30+$0xFFFFFFA0] =	vst v8;
	v9 =	vadd.f32 v9, v3  }
0xf5: {  	v62 =	vld [tilespmem:s30+$0xFFFFFFF0];
	[tilespmem:s30+$0xFFFFFFE0] =	vst v10;
	v4 =	vadd.f32 v4, v0  }
0xf6: {  	v11 =	vld [tilespmem:s30+$0x180];
	v5 =	vadd.f32 v5, v2;
	[tilespmem:s30+$0xFFFFFFB0] =	vst v9  }
0xf7: {  	v8 =	vld [tilespmem:s30+$0x190];
	v6 =	vadd.f32 v6, v1;
	[tilespmem:s30+$0x140] =	vst v4  }
0xf8: {  	v63 =	vld [tilespmem:s30+$0x1A0];
	v9 =	vadd.f32 v60, v2;
	[tilespmem:s30+$0x150] =	vst v5  }
0xf9: {  	v7 =	vadd.f32 v7, v3;
	v4 =	vld [tilespmem:s30+$0x1B0];
	[tilespmem:s30+$0x160] =	vst v6  }
0xfa: {  	v5 =	vld [tilespmem:s30+$0x1C0];
	[tilespmem:s30+$0xFFFFFFD0] =	vst v9;
	v9 =	vadd.f32 v62, v3  }
0xfb: {  	v10 =	vadd.f32 v11, v0;
	v6 =	vld [tilespmem:s30+$0x1D0];
	[tilespmem:s30+$0x170] =	vst v7  }
0xfc: {  	v7 =	vld [tilespmem:s30+$0x1E0];
	[tilespmem:s30+$0xFFFFFFF0] =	vst v9;
	v9 =	vadd.f32 v8, v2  }
0xfd: {  	s1 =	simm.s32 $0x0;
	s9 =	simm.s32 $0x7A00;
	[tilespmem:s30+$0x180] =	vst v10;
	v10 =	vadd.f32 v63, v1;
	v8 =	vld [tilespmem:s30+$0xFFFFFE00]  }
.LBB2_5:
0xfe: {  	v11 =	vld [tilespmem:s9+$0x1F0];
	s1 =	sadd.s32 $0x2, s1;
	[tilespmem:s30+$0x190] =	vst v9;
	v4 =	vadd.f32 v4, v3  }
0xff: {  	v9 =	vld [tilespmem:s9+$0xFFFFFE10];
	p1 =	slt.u32 s1, $0x1E;
	[tilespmem:s30+$0x1A0] =	vst v10;
	v5 =	vadd.f32 v5, v0  }
0x100: {  	v10 =	vld [tilespmem:s9+$0xFFFFFE20];
	[tilespmem:s30+$0x1B0] =	vst v4;
	v4 =	vadd.f32 v6, v2  }
0x101: {  	v6 =	vld [tilespmem:s9+$0xFFFFFE30];
	[tilespmem:s30+$0x1C0] =	vst v5;
	v5 =	vadd.f32 v7, v1  }
0x102: {  	v7 =	vld [tilespmem:s9+$0xFFFFFE40];
	v8 =	vadd.f32 v8, v0;
	[tilespmem:s30+$0x1D0] =	vst v4  }
0x103: {  	v4 =	vld [tilespmem:s9+$0xFFFFFE50];
	v11 =	vadd.f32 v11, v3;
	[tilespmem:s30+$0x1E0] =	vst v5  }
0x104: {  	v5 =	vadd.f32 v9, v2;
	v9 =	vld [tilespmem:s9+$0xFFFFFE60];
	[tilespmem:s30+$0xFFFFFE00] =	vst v8;
	s30 =	smov.u32 s9  }
0x105: {  	v8 =	vadd.f32 v10, v1;
	v10 =	vld [tilespmem:s9+$0xFFFFFE70];
	[tilespmem:s9+$0x1F0] =	vst v11  }
0x106: {  	[tilespmem:s9+$0xFFFFFE10] =	vst v5;
	v5 =	vadd.f32 v6, v3;
	v6 =	vld [tilespmem:s9+$0xFFFFFE80]  }
0x107: {  	[tilespmem:s9+$0xFFFFFE20] =	vst v8;
	v7 =	vadd.f32 v7, v0;
	v8 =	vld [tilespmem:s9+$0xFFFFFE90]  }
0x108: {  	[tilespmem:s9+$0xFFFFFE30] =	vst v5;
	v4 =	vadd.f32 v4, v2;
	v5 =	vld [tilespmem:s9+$0xFFFFFEA0]  }
0x109: {  	[tilespmem:s9+$0xFFFFFE40] =	vst v7;
	v7 =	vadd.f32 v9, v1;
	v9 =	vld [tilespmem:s9+$0xFFFFFEB0]  }
0x10a: {  	[tilespmem:s9+$0xFFFFFE50] =	vst v4;
	v4 =	vadd.f32 v10, v3;
	v10 =	vld [tilespmem:s9+$0xFFFFFEC0]  }
0x10b: {  	[tilespmem:s9+$0xFFFFFE60] =	vst v7;
	v6 =	vadd.f32 v6, v0;
	v7 =	vld [tilespmem:s9+$0xFFFFFED0]  }
0x10c: {  	[tilespmem:s9+$0xFFFFFE70] =	vst v4;
	v4 =	vadd.f32 v8, v2;
	v8 =	vld [tilespmem:s9+$0xFFFFFEE0]  }
0x10d: {  	[tilespmem:s9+$0xFFFFFE80] =	vst v6;
	v5 =	vadd.f32 v5, v1;
	v6 =	vld [tilespmem:s9+$0xFFFFFEF0]  }
0x10e: {  	[tilespmem:s9+$0xFFFFFE90] =	vst v4;
	v4 =	vadd.f32 v9, v3;
	v9 =	vld [tilespmem:s9+$0xFFFFFF00]  }
0x10f: {  	[tilespmem:s9+$0xFFFFFEA0] =	vst v5;
	v5 =	vadd.f32 v10, v0;
	v10 =	vld [tilespmem:s9+$0xFFFFFF10]  }
0x110: {  	[tilespmem:s9+$0xFFFFFEB0] =	vst v4;
	v4 =	vadd.f32 v7, v2;
	v7 =	vld [tilespmem:s9+$0xFFFFFF20]  }
0x111: {  	[tilespmem:s9+$0xFFFFFEC0] =	vst v5;
	v5 =	vadd.f32 v8, v1;
	v8 =	vld [tilespmem:s9+$0xFFFFFF30]  }
0x112: {  	[tilespmem:s9+$0xFFFFFED0] =	vst v4;
	v4 =	vadd.f32 v6, v3;
	v6 =	vld [tilespmem:s9+$0xFFFFFF40]  }
0x113: {  	[tilespmem:s9+$0xFFFFFEE0] =	vst v5;
	v5 =	vadd.f32 v9, v0;
	v9 =	vld [tilespmem:s9+$0xFFFFFF50]  }
0x114: {  	[tilespmem:s9+$0xFFFFFEF0] =	vst v4;
	v4 =	vadd.f32 v10, v2;
	v10 =	vld [tilespmem:s9+$0xFFFFFF60]  }
0x115: {  	[tilespmem:s9+$0xFFFFFF00] =	vst v5;
	v5 =	vadd.f32 v7, v1;
	v7 =	vld [tilespmem:s9+$0xFFFFFF70]  }
0x116: {  	[tilespmem:s9+$0xFFFFFF10] =	vst v4;
	v4 =	vadd.f32 v8, v3;
	v8 =	vld [tilespmem:s9+$0xFFFFFF80]  }
0x117: {  	[tilespmem:s9+$0xFFFFFF20] =	vst v5;
	v5 =	vadd.f32 v6, v0;
	v6 =	vld [tilespmem:s9+$0xFFFFFF90]  }
0x118: {  	[tilespmem:s9+$0xFFFFFF30] =	vst v4;
	v4 =	vadd.f32 v9, v2;
	v9 =	vld [tilespmem:s9+$0xFFFFFFA0]  }
0x119: {  	[tilespmem:s9+$0xFFFFFF40] =	vst v5;
	v5 =	vadd.f32 v10, v1;
	v10 =	vld [tilespmem:s9+$0xFFFFFFB0]  }
0x11a: {  	[tilespmem:s9+$0xFFFFFF50] =	vst v4;
	v4 =	vadd.f32 v7, v3;
	v7 =	vld [tilespmem:s9+$0xFFFFFFC0]  }
0x11b: {  	[tilespmem:s9+$0xFFFFFF60] =	vst v5;
	v5 =	vadd.f32 v8, v0;
	v8 =	vld [tilespmem:s9+$0xFFFFFFD0]  }
0x11c: {  	[tilespmem:s9+$0xFFFFFF70] =	vst v4;
	v4 =	vadd.f32 v6, v2;
	v6 =	vld [tilespmem:s9+$0xFFFFFFE0]  }
0x11d: {  	[tilespmem:s9+$0xFFFFFF80] =	vst v5;
	v5 =	vadd.f32 v9, v1;
	v9 =	vld [tilespmem:s9+$0xFFFFFFF0]  }
0x11e: {  	[tilespmem:s9+$0xFFFFFF90] =	vst v4;
	v4 =	vadd.f32 v10, v3;
	v10 =	vld [tilespmem:s9+$0x0]  }
0x11f: {  	[tilespmem:s9+$0xFFFFFFA0] =	vst v5;
	v5 =	vadd.f32 v7, v0;
	v7 =	vld [tilespmem:s9+$0x10]  }
0x120: {  	[tilespmem:s9+$0xFFFFFFB0] =	vst v4;
	v4 =	vadd.f32 v8, v2;
	v8 =	vld [tilespmem:s9+$0x20]  }
0x121: {  	[tilespmem:s9+$0xFFFFFFC0] =	vst v5;
	v5 =	vadd.f32 v6, v1;
	v6 =	vld [tilespmem:s9+$0x30]  }
0x122: {  	[tilespmem:s9+$0xFFFFFFD0] =	vst v4;
	v4 =	vadd.f32 v9, v3;
	v9 =	vld [tilespmem:s9+$0x40]  }
0x123: {  	[tilespmem:s9+$0xFFFFFFE0] =	vst v5;
	v5 =	vadd.f32 v10, v0;
	v10 =	vld [tilespmem:s9+$0x50]  }
0x124: {  	[tilespmem:s9+$0xFFFFFFF0] =	vst v4;
	v4 =	vadd.f32 v7, v2;
	v7 =	vld [tilespmem:s9+$0x60]  }
0x125: {  	[tilespmem:s9+$0x0] =	vst v5;
	v5 =	vadd.f32 v8, v1;
	v8 =	vld [tilespmem:s9+$0x70]  }
0x126: {  	[tilespmem:s9+$0x10] =	vst v4;
	v4 =	vadd.f32 v6, v3;
	v6 =	vld [tilespmem:s9+$0x80]  }
0x127: {  	[tilespmem:s9+$0x20] =	vst v5;
	v5 =	vadd.f32 v9, v0;
	v9 =	vld [tilespmem:s9+$0x90]  }
0x128: {  	[tilespmem:s9+$0x30] =	vst v4;
	v4 =	vadd.f32 v10, v2;
	v10 =	vld [tilespmem:s9+$0xA0]  }
0x129: {  	[tilespmem:s9+$0x40] =	vst v5;
	v5 =	vadd.f32 v7, v1;
	v7 =	vld [tilespmem:s9+$0xB0]  }
0x12a: {  	[tilespmem:s9+$0x50] =	vst v4;
	v4 =	vadd.f32 v8, v3;
	v8 =	vld [tilespmem:s9+$0xC0]  }
0x12b: {  	[tilespmem:s9+$0x60] =	vst v5;
	v5 =	vadd.f32 v6, v0;
	v6 =	vld [tilespmem:s9+$0xD0]  }
0x12c: {  	[tilespmem:s9+$0x70] =	vst v4;
	v4 =	vadd.f32 v9, v2;
	v9 =	vld [tilespmem:s9+$0xE0]  }
0x12d: {  	[tilespmem:s9+$0x80] =	vst v5;
	v5 =	vadd.f32 v10, v1;
	v10 =	vld [tilespmem:s9+$0xF0]  }
0x12e: {  	[tilespmem:s9+$0x90] =	vst v4;
	v4 =	vadd.f32 v7, v3;
	v7 =	vld [tilespmem:s9+$0x100]  }
0x12f: {  	[tilespmem:s9+$0xA0] =	vst v5;
	v5 =	vadd.f32 v8, v0;
	v8 =	vld [tilespmem:s9+$0x110]  }
0x130: {  	[tilespmem:s9+$0xB0] =	vst v4;
	v4 =	vadd.f32 v6, v2;
	v6 =	vld [tilespmem:s9+$0x120]  }
0x131: {  	[tilespmem:s9+$0xC0] =	vst v5;
	v5 =	vadd.f32 v9, v1;
	v9 =	vld [tilespmem:s9+$0x130]  }
0x132: {  	[tilespmem:s9+$0xD0] =	vst v4;
	v4 =	vadd.f32 v10, v3;
	v10 =	vld [tilespmem:s9+$0x140]  }
0x133: {  	[tilespmem:s9+$0xE0] =	vst v5;
	v5 =	vadd.f32 v7, v0;
	v7 =	vld [tilespmem:s9+$0x150]  }
0x134: {  	[tilespmem:s9+$0xF0] =	vst v4;
	v4 =	vadd.f32 v8, v2;
	v8 =	vld [tilespmem:s9+$0x160]  }
0x135: {  	[tilespmem:s9+$0x100] =	vst v5;
	v5 =	vadd.f32 v6, v1;
	v6 =	vld [tilespmem:s9+$0x170]  }
0x136: {  	[tilespmem:s9+$0x110] =	vst v4;
	v4 =	vadd.f32 v9, v3;
	v9 =	vld [tilespmem:s9+$0x180]  }
0x137: {  	[tilespmem:s9+$0x120] =	vst v5;
	v5 =	vadd.f32 v10, v0;
	v10 =	vld [tilespmem:s9+$0x190]  }
0x138: {  	[tilespmem:s9+$0x130] =	vst v4;
	v7 =	vadd.f32 v7, v2;
	v11 =	vld [tilespmem:s9+$0x1A0]  }
.Ltmp3:
0x139: {  	[tilespmem:s9+$0x140] =	vst v5;
	v8 =	vadd.f32 v8, v1;
	v4 =	vld [tilespmem:s9+$0x1B0];
	(pc) =	sbr.rel @p1 .LBB2_5-.Ltmp3, $4  }
0x13a: {  	[tilespmem:s9+$0x150] =	vst v7;
	v7 =	vadd.f32 v6, v3;
	v5 =	vld [tilespmem:s9+$0x1C0]  }
0x13b: {  	[tilespmem:s9+$0x160] =	vst v8;
	v12 =	vadd.f32 v9, v0;
	v6 =	vld [tilespmem:s9+$0x1D0]  }
0x13c: {  	[tilespmem:s9+$0x170] =	vst v7;
	v9 =	vadd.f32 v10, v2;
	v7 =	vld [tilespmem:s9+$0x1E0]  }
0x13d: {  	s9 =	sadd.s32 $0x400, s9;
	v8 =	vld [tilespmem:s30+$0xFFFFFE00];
	[tilespmem:s30+$0x180] =	vst v12;
	v10 =	vadd.f32 v11, v1  }
0x13e: {  	[tilespmem:s30+$0x190] =	vst v9;
	v3 =	vadd.f32 v4, v3  }
0x13f: {  	[tilespmem:s30+$0x1A0] =	vst v10;
	v4 =	vadd.f32 v5, v0  }
0x140: {  	[tilespmem:s30+$0x1B0] =	vst v3;
	v2 =	vadd.f32 v6, v2  }
0x141: {  	[tilespmem:s30+$0x1C0] =	vst v4;
	v1 =	vadd.f32 v7, v1  }
0x142: {  	v0 =	vadd.f32 v8, v0;
	[tilespmem:s30+$0x1D0] =	vst v2  }
0x143: {  	[tilespmem:s30+$0x1E0] =	vst v1  }
0x144: {  	s1 =	sadd.s32 s31, s7;
	[tilespmem:s30+$0xFFFFFE00] =	vst v0  }
0x145: {  	[hbm4b:s1+s2] =	stream.linear.scatter [tilespmem:s15], [sflag:$0x6], $0x4000, $0x38;
	[tilespmem:$0x13A80] =	vst v63  }
0x146: {  	s30 =	sor.u32 $0x3, s0;
	s1 =	simm.s32 @!p0 $0x8  }
0x147: {  	s0 =	sshll.u32 s30, $0x8;
	_ =	swait.ge @!p0 [sflag:s1], $0x4000  }
0x148: {  	s0 =	sand.u32 $0x3E00, s0;
	[sflag:s1] =	ssyncset.done @!p0 $0x0  }
0x149: {  	s0 =	sor.u32 $0x100, s0;
	[sflag:s1] =	ssyncadd.s32 @!p0 $0xFFFFC000  }
0x14a: {  	[tilespmem:s19], [sflag:$0x4] =	stream.indirect.gather [hbm4b:s3+s13], $0x40, s0, s13, $0xb8;
	[tilespmem:$0x13A80] =	vst v63  }
0x14b: {  	_ =	swait.ge [sflag:s20], $0x4000  }
0x14c: {  	s31 =	sshll.u32 s29, $0x5;
	[sflag:s20] =	ssyncset.done $0x0  }
0x14d: {  	s0 =	sand.u32 $0x3FFFFFE0, s31;
	[sflag:s20] =	ssyncadd.s32 $0xFFFFC000  }
0x14e: {  	v0 =	vld [tilespmem:s0+$0x13400]  }
0x14f: {  	v2 =	vld [tilespmem:s0+$0x13410]  }
0x150: {  	v1 =	vld [tilespmem:s0+$0x13420]  }
0x151: {  	v3 =	vld [tilespmem:s0+$0x13430];
	s0 =	simm.s32 $0xB600  }
0x152: {  	v4 =	vld [tilespmem:s0+$0xFFFFFE10]  }
0x153: {  	v5 =	vld [tilespmem:s0+$0xFFFFFE20]  }
0x154: {  	v6 =	vld [tilespmem:s0+$0xFFFFFE30]  }
0x155: {  	v7 =	vld [tilespmem:s0+$0xFFFFFE40]  }
0x156: {  	v8 =	vld [tilespmem:s0+$0xFFFFFE50]  }
0x157: {  	v9 =	vld [tilespmem:s0+$0xFFFFFE60];
	v4 =	vadd.f32 v4, v2  }
0x158: {  	v10 =	vld [tilespmem:s0+$0xFFFFFE70];
	v5 =	vadd.f32 v5, v1  }
0x159: {  	v12 =	vld [tilespmem:s0+$0x10];
	v6 =	vadd.f32 v6, v3;
	[tilespmem:s0+$0xFFFFFE10] =	vst v4  }
0x15a: {  	v13 =	vld [tilespmem:s0+$0x20];
	v7 =	vadd.f32 v7, v0;
	[tilespmem:s0+$0xFFFFFE20] =	vst v5  }
0x15b: {  	v14 =	vld [tilespmem:s0+$0x30];
	v8 =	vadd.f32 v8, v2;
	[tilespmem:s0+$0xFFFFFE30] =	vst v6  }
0x15c: {  	v15 =	vld [tilespmem:s0+$0x40];
	v9 =	vadd.f32 v9, v1;
	[tilespmem:s0+$0xFFFFFE40] =	vst v7  }
0x15d: {  	v16 =	vld [tilespmem:s0+$0x50];
	v10 =	vadd.f32 v10, v3;
	[tilespmem:s0+$0xFFFFFE50] =	vst v8  }
0x15e: {  	v11 =	vld [tilespmem:s0+$0x1F0];
	v12 =	vadd.f32 v12, v2;
	[tilespmem:s0+$0xFFFFFE60] =	vst v9  }
0x15f: {  	v49 =	vld [tilespmem:s0+$0xFFFFFEF0];
	v13 =	vadd.f32 v13, v1;
	[tilespmem:s0+$0xFFFFFE70] =	vst v10  }
0x160: {  	v50 =	vld [tilespmem:s0+$0xFFFFFF00];
	v14 =	vadd.f32 v14, v3;
	[tilespmem:s0+$0x10] =	vst v12  }
0x161: {  	v51 =	vld [tilespmem:s0+$0xFFFFFF10];
	v15 =	vadd.f32 v15, v0;
	[tilespmem:s0+$0x20] =	vst v13  }
0x162: {  	v52 =	vld [tilespmem:s0+$0xFFFFFF20];
	v16 =	vadd.f32 v16, v2;
	[tilespmem:s0+$0x30] =	vst v14  }
0x163: {  	v53 =	vld [tilespmem:s0+$0xFFFFFF30];
	v8 =	vadd.f32 v11, v3;
	[tilespmem:s0+$0x40] =	vst v15  }
0x164: {  	v54 =	vld [tilespmem:s0+$0xE0];
	[tilespmem:s0+$0x50] =	vst v16;
	v12 =	vadd.f32 v49, v3  }
0x165: {  	v55 =	vld [tilespmem:s0+$0xF0];
	v13 =	vadd.f32 v50, v0;
	[tilespmem:s0+$0x1F0] =	vst v8  }
0x166: {  	v56 =	vld [tilespmem:s0+$0x100];
	v14 =	vadd.f32 v51, v2;
	[tilespmem:s0+$0xFFFFFEF0] =	vst v12  }
0x167: {  	v57 =	vld [tilespmem:s0+$0x110];
	v15 =	vadd.f32 v52, v1;
	[tilespmem:s0+$0xFFFFFF00] =	vst v13  }
0x168: {  	v58 =	vld [tilespmem:s0+$0x120];
	v16 =	vadd.f32 v53, v3;
	[tilespmem:s0+$0xFFFFFF10] =	vst v14  }
0x169: {  	v9 =	vld [tilespmem:s0+$0x0];
	[tilespmem:s0+$0xFFFFFF20] =	vst v15;
	v12 =	vadd.f32 v54, v1  }
0x16a: {  	v4 =	vld [tilespmem:s0+$0xFFFFFE80];
	[tilespmem:s0+$0xFFFFFF30] =	vst v16;
	v13 =	vadd.f32 v55, v3  }
0x16b: {  	v5 =	vld [tilespmem:s0+$0xFFFFFE90];
	v14 =	vadd.f32 v56, v0;
	[tilespmem:s0+$0xE0] =	vst v12  }
0x16c: {  	v6 =	vld [tilespmem:s0+$0xFFFFFEA0];
	v15 =	vadd.f32 v57, v2;
	[tilespmem:s0+$0xF0] =	vst v13  }
0x16d: {  	v7 =	vld [tilespmem:s0+$0xFFFFFEB0];
	v16 =	vadd.f32 v58, v1;
	[tilespmem:s0+$0x100] =	vst v14  }
0x16e: {  	v11 =	vld [tilespmem:s0+$0xFFFFFEC0];
	[tilespmem:s0+$0x110] =	vst v15;
	v9 =	vadd.f32 v9, v0  }
0x16f: {  	v10 =	vld [tilespmem:s0+$0x60];
	[tilespmem:s0+$0x120] =	vst v16;
	v4 =	vadd.f32 v4, v0  }
0x170: {  	v8 =	vld [tilespmem:s0+$0xFFFFFED0];
	v5 =	vadd.f32 v5, v2;
	[tilespmem:s0+$0x0] =	vst v9  }
0x171: {  	v6 =	vadd.f32 v6, v1;
	v9 =	vld [tilespmem:s0+$0xFFFFFEE0];
	[tilespmem:s0+$0xFFFFFE80] =	vst v4  }
0x172: {  	v7 =	vadd.f32 v7, v3;
	v4 =	vld [tilespmem:s0+$0x70];
	[tilespmem:s0+$0xFFFFFE90] =	vst v5  }
0x173: {  	v11 =	vadd.f32 v11, v0;
	v5 =	vld [tilespmem:s0+$0x80];
	[tilespmem:s0+$0xFFFFFEA0] =	vst v6  }
0x174: {  	v10 =	vadd.f32 v10, v1;
	v6 =	vld [tilespmem:s0+$0x90];
	[tilespmem:s0+$0xFFFFFEB0] =	vst v7  }
0x175: {  	v7 =	vld [tilespmem:s0+$0xA0];
	v8 =	vadd.f32 v8, v2;
	[tilespmem:s0+$0xFFFFFEC0] =	vst v11  }
0x176: {  	v11 =	vld [tilespmem:s0+$0xB0];
	[tilespmem:s0+$0x60] =	vst v10;
	v9 =	vadd.f32 v9, v1  }
0x177: {  	v10 =	vld [tilespmem:s0+$0xFFFFFF40];
	[tilespmem:s0+$0xFFFFFED0] =	vst v8;
	v4 =	vadd.f32 v4, v3  }
0x178: {  	v8 =	vld [tilespmem:s0+$0xC0];
	v5 =	vadd.f32 v5, v0;
	[tilespmem:s0+$0xFFFFFEE0] =	vst v9  }
0x179: {  	v6 =	vadd.f32 v6, v2;
	v9 =	vld [tilespmem:s0+$0xD0];
	[tilespmem:s0+$0x70] =	vst v4  }
0x17a: {  	v7 =	vadd.f32 v7, v1;
	v4 =	vld [tilespmem:s0+$0xFFFFFF50];
	[tilespmem:s0+$0x80] =	vst v5  }
0x17b: {  	v11 =	vadd.f32 v11, v3;
	v5 =	vld [tilespmem:s0+$0xFFFFFF60];
	[tilespmem:s0+$0x90] =	vst v6  }
0x17c: {  	v10 =	vadd.f32 v10, v0;
	v6 =	vld [tilespmem:s0+$0xFFFFFF70];
	[tilespmem:s0+$0xA0] =	vst v7  }
0x17d: {  	v7 =	vld [tilespmem:s0+$0xFFFFFF80];
	[tilespmem:s0+$0xB0] =	vst v11;
	v8 =	vadd.f32 v8, v0  }
0x17e: {  	[tilespmem:s0+$0xFFFFFF40] =	vst v10;
	v10 =	vld [tilespmem:s0+$0x130];
	v9 =	vadd.f32 v9, v2  }
0x17f: {  	v11 =	vld [tilespmem:s0+$0xFFFFFF90];
	[tilespmem:s0+$0xC0] =	vst v8;
	v4 =	vadd.f32 v4, v2  }
0x180: {  	v59 =	vld [tilespmem:s0+$0xFFFFFFC0];
	v5 =	vadd.f32 v5, v1;
	[tilespmem:s0+$0xD0] =	vst v9  }
0x181: {  	v8 =	vld [tilespmem:s0+$0xFFFFFFA0];
	v6 =	vadd.f32 v6, v3;
	[tilespmem:s0+$0xFFFFFF50] =	vst v4  }
0x182: {  	v61 =	vld [tilespmem:s0+$0xFFFFFFE0];
	v7 =	vadd.f32 v7, v0;
	[tilespmem:s0+$0xFFFFFF60] =	vst v5  }
0x183: {  	v10 =	vadd.f32 v10, v3;
	v9 =	vld [tilespmem:s0+$0xFFFFFFB0];
	[tilespmem:s0+$0xFFFFFF70] =	vst v6  }
0x184: {  	v11 =	vadd.f32 v11, v2;
	v4 =	vld [tilespmem:s0+$0x140];
	[tilespmem:s0+$0xFFFFFF80] =	vst v7  }
0x185: {  	v5 =	vld [tilespmem:s0+$0x150];
	[tilespmem:s0+$0x130] =	vst v10;
	v10 =	vadd.f32 v59, v0  }
0x186: {  	v6 =	vld [tilespmem:s0+$0x160];
	v8 =	vadd.f32 v8, v1;
	[tilespmem:s0+$0xFFFFFF90] =	vst v11  }
0x187: {  	v60 =	vld [tilespmem:s0+$0xFFFFFFD0];
	[tilespmem:s0+$0xFFFFFFC0] =	vst v10;
	v10 =	vadd.f32 v61, v1  }
0x188: {  	v7 =	vld [tilespmem:s0+$0x170];
	[tilespmem:s0+$0xFFFFFFA0] =	vst v8;
	v9 =	vadd.f32 v9, v3  }
0x189: {  	v62 =	vld [tilespmem:s0+$0xFFFFFFF0];
	[tilespmem:s0+$0xFFFFFFE0] =	vst v10;
	v4 =	vadd.f32 v4, v0  }
0x18a: {  	v11 =	vld [tilespmem:s0+$0x180];
	v5 =	vadd.f32 v5, v2;
	[tilespmem:s0+$0xFFFFFFB0] =	vst v9  }
0x18b: {  	v8 =	vld [tilespmem:s0+$0x190];
	v6 =	vadd.f32 v6, v1;
	[tilespmem:s0+$0x140] =	vst v4  }
0x18c: {  	v63 =	vld [tilespmem:s0+$0x1A0];
	v9 =	vadd.f32 v60, v2;
	[tilespmem:s0+$0x150] =	vst v5  }
0x18d: {  	v7 =	vadd.f32 v7, v3;
	v4 =	vld [tilespmem:s0+$0x1B0];
	[tilespmem:s0+$0x160] =	vst v6  }
0x18e: {  	v5 =	vld [tilespmem:s0+$0x1C0];
	[tilespmem:s0+$0xFFFFFFD0] =	vst v9;
	v9 =	vadd.f32 v62, v3  }
0x18f: {  	v10 =	vadd.f32 v11, v0;
	v6 =	vld [tilespmem:s0+$0x1D0];
	[tilespmem:s0+$0x170] =	vst v7  }
0x190: {  	v7 =	vld [tilespmem:s0+$0x1E0];
	[tilespmem:s0+$0xFFFFFFF0] =	vst v9;
	v9 =	vadd.f32 v8, v2  }
0x191: {  	s9 =	simm.s32 $0xBA00;
	s1 =	simm.s32 $0x0;
	[tilespmem:s0+$0x180] =	vst v10;
	v10 =	vadd.f32 v63, v1;
	v8 =	vld [tilespmem:s0+$0xFFFFFE00]  }
.LBB2_7:
0x192: {  	v11 =	vld [tilespmem:s9+$0x1F0];
	s1 =	sadd.s32 $0x2, s1;
	[tilespmem:s0+$0x190] =	vst v9;
	v4 =	vadd.f32 v4, v3  }
0x193: {  	v9 =	vld [tilespmem:s9+$0xFFFFFE10];
	p0 =	slt.u32 s1, $0x1E;
	[tilespmem:s0+$0x1A0] =	vst v10;
	v5 =	vadd.f32 v5, v0  }
0x194: {  	v10 =	vld [tilespmem:s9+$0xFFFFFE20];
	[tilespmem:s0+$0x1B0] =	vst v4;
	v4 =	vadd.f32 v6, v2  }
0x195: {  	v6 =	vld [tilespmem:s9+$0xFFFFFE30];
	[tilespmem:s0+$0x1C0] =	vst v5;
	v5 =	vadd.f32 v7, v1  }
0x196: {  	v7 =	vld [tilespmem:s9+$0xFFFFFE40];
	v8 =	vadd.f32 v8, v0;
	[tilespmem:s0+$0x1D0] =	vst v4  }
0x197: {  	v4 =	vld [tilespmem:s9+$0xFFFFFE50];
	v11 =	vadd.f32 v11, v3;
	[tilespmem:s0+$0x1E0] =	vst v5  }
0x198: {  	v5 =	vadd.f32 v9, v2;
	v9 =	vld [tilespmem:s9+$0xFFFFFE60];
	[tilespmem:s0+$0xFFFFFE00] =	vst v8;
	s0 =	smov.u32 s9  }
0x199: {  	v8 =	vadd.f32 v10, v1;
	v10 =	vld [tilespmem:s9+$0xFFFFFE70];
	[tilespmem:s9+$0x1F0] =	vst v11  }
0x19a: {  	[tilespmem:s9+$0xFFFFFE10] =	vst v5;
	v5 =	vadd.f32 v6, v3;
	v6 =	vld [tilespmem:s9+$0xFFFFFE80]  }
0x19b: {  	[tilespmem:s9+$0xFFFFFE20] =	vst v8;
	v7 =	vadd.f32 v7, v0;
	v8 =	vld [tilespmem:s9+$0xFFFFFE90]  }
0x19c: {  	[tilespmem:s9+$0xFFFFFE30] =	vst v5;
	v4 =	vadd.f32 v4, v2;
	v5 =	vld [tilespmem:s9+$0xFFFFFEA0]  }
0x19d: {  	[tilespmem:s9+$0xFFFFFE40] =	vst v7;
	v7 =	vadd.f32 v9, v1;
	v9 =	vld [tilespmem:s9+$0xFFFFFEB0]  }
0x19e: {  	[tilespmem:s9+$0xFFFFFE50] =	vst v4;
	v4 =	vadd.f32 v10, v3;
	v10 =	vld [tilespmem:s9+$0xFFFFFEC0]  }
0x19f: {  	[tilespmem:s9+$0xFFFFFE60] =	vst v7;
	v6 =	vadd.f32 v6, v0;
	v7 =	vld [tilespmem:s9+$0xFFFFFED0]  }
0x1a0: {  	[tilespmem:s9+$0xFFFFFE70] =	vst v4;
	v4 =	vadd.f32 v8, v2;
	v8 =	vld [tilespmem:s9+$0xFFFFFEE0]  }
0x1a1: {  	[tilespmem:s9+$0xFFFFFE80] =	vst v6;
	v5 =	vadd.f32 v5, v1;
	v6 =	vld [tilespmem:s9+$0xFFFFFEF0]  }
0x1a2: {  	[tilespmem:s9+$0xFFFFFE90] =	vst v4;
	v4 =	vadd.f32 v9, v3;
	v9 =	vld [tilespmem:s9+$0xFFFFFF00]  }
0x1a3: {  	[tilespmem:s9+$0xFFFFFEA0] =	vst v5;
	v5 =	vadd.f32 v10, v0;
	v10 =	vld [tilespmem:s9+$0xFFFFFF10]  }
0x1a4: {  	[tilespmem:s9+$0xFFFFFEB0] =	vst v4;
	v4 =	vadd.f32 v7, v2;
	v7 =	vld [tilespmem:s9+$0xFFFFFF20]  }
0x1a5: {  	[tilespmem:s9+$0xFFFFFEC0] =	vst v5;
	v5 =	vadd.f32 v8, v1;
	v8 =	vld [tilespmem:s9+$0xFFFFFF30]  }
0x1a6: {  	[tilespmem:s9+$0xFFFFFED0] =	vst v4;
	v4 =	vadd.f32 v6, v3;
	v6 =	vld [tilespmem:s9+$0xFFFFFF40]  }
0x1a7: {  	[tilespmem:s9+$0xFFFFFEE0] =	vst v5;
	v5 =	vadd.f32 v9, v0;
	v9 =	vld [tilespmem:s9+$0xFFFFFF50]  }
0x1a8: {  	[tilespmem:s9+$0xFFFFFEF0] =	vst v4;
	v4 =	vadd.f32 v10, v2;
	v10 =	vld [tilespmem:s9+$0xFFFFFF60]  }
0x1a9: {  	[tilespmem:s9+$0xFFFFFF00] =	vst v5;
	v5 =	vadd.f32 v7, v1;
	v7 =	vld [tilespmem:s9+$0xFFFFFF70]  }
0x1aa: {  	[tilespmem:s9+$0xFFFFFF10] =	vst v4;
	v4 =	vadd.f32 v8, v3;
	v8 =	vld [tilespmem:s9+$0xFFFFFF80]  }
0x1ab: {  	[tilespmem:s9+$0xFFFFFF20] =	vst v5;
	v5 =	vadd.f32 v6, v0;
	v6 =	vld [tilespmem:s9+$0xFFFFFF90]  }
0x1ac: {  	[tilespmem:s9+$0xFFFFFF30] =	vst v4;
	v4 =	vadd.f32 v9, v2;
	v9 =	vld [tilespmem:s9+$0xFFFFFFA0]  }
0x1ad: {  	[tilespmem:s9+$0xFFFFFF40] =	vst v5;
	v5 =	vadd.f32 v10, v1;
	v10 =	vld [tilespmem:s9+$0xFFFFFFB0]  }
0x1ae: {  	[tilespmem:s9+$0xFFFFFF50] =	vst v4;
	v4 =	vadd.f32 v7, v3;
	v7 =	vld [tilespmem:s9+$0xFFFFFFC0]  }
0x1af: {  	[tilespmem:s9+$0xFFFFFF60] =	vst v5;
	v5 =	vadd.f32 v8, v0;
	v8 =	vld [tilespmem:s9+$0xFFFFFFD0]  }
0x1b0: {  	[tilespmem:s9+$0xFFFFFF70] =	vst v4;
	v4 =	vadd.f32 v6, v2;
	v6 =	vld [tilespmem:s9+$0xFFFFFFE0]  }
0x1b1: {  	[tilespmem:s9+$0xFFFFFF80] =	vst v5;
	v5 =	vadd.f32 v9, v1;
	v9 =	vld [tilespmem:s9+$0xFFFFFFF0]  }
0x1b2: {  	[tilespmem:s9+$0xFFFFFF90] =	vst v4;
	v4 =	vadd.f32 v10, v3;
	v10 =	vld [tilespmem:s9+$0x0]  }
0x1b3: {  	[tilespmem:s9+$0xFFFFFFA0] =	vst v5;
	v5 =	vadd.f32 v7, v0;
	v7 =	vld [tilespmem:s9+$0x10]  }
0x1b4: {  	[tilespmem:s9+$0xFFFFFFB0] =	vst v4;
	v4 =	vadd.f32 v8, v2;
	v8 =	vld [tilespmem:s9+$0x20]  }
0x1b5: {  	[tilespmem:s9+$0xFFFFFFC0] =	vst v5;
	v5 =	vadd.f32 v6, v1;
	v6 =	vld [tilespmem:s9+$0x30]  }
0x1b6: {  	[tilespmem:s9+$0xFFFFFFD0] =	vst v4;
	v4 =	vadd.f32 v9, v3;
	v9 =	vld [tilespmem:s9+$0x40]  }
0x1b7: {  	[tilespmem:s9+$0xFFFFFFE0] =	vst v5;
	v5 =	vadd.f32 v10, v0;
	v10 =	vld [tilespmem:s9+$0x50]  }
0x1b8: {  	[tilespmem:s9+$0xFFFFFFF0] =	vst v4;
	v4 =	vadd.f32 v7, v2;
	v7 =	vld [tilespmem:s9+$0x60]  }
0x1b9: {  	[tilespmem:s9+$0x0] =	vst v5;
	v5 =	vadd.f32 v8, v1;
	v8 =	vld [tilespmem:s9+$0x70]  }
0x1ba: {  	[tilespmem:s9+$0x10] =	vst v4;
	v4 =	vadd.f32 v6, v3;
	v6 =	vld [tilespmem:s9+$0x80]  }
0x1bb: {  	[tilespmem:s9+$0x20] =	vst v5;
	v5 =	vadd.f32 v9, v0;
	v9 =	vld [tilespmem:s9+$0x90]  }
0x1bc: {  	[tilespmem:s9+$0x30] =	vst v4;
	v4 =	vadd.f32 v10, v2;
	v10 =	vld [tilespmem:s9+$0xA0]  }
0x1bd: {  	[tilespmem:s9+$0x40] =	vst v5;
	v5 =	vadd.f32 v7, v1;
	v7 =	vld [tilespmem:s9+$0xB0]  }
0x1be: {  	[tilespmem:s9+$0x50] =	vst v4;
	v4 =	vadd.f32 v8, v3;
	v8 =	vld [tilespmem:s9+$0xC0]  }
0x1bf: {  	[tilespmem:s9+$0x60] =	vst v5;
	v5 =	vadd.f32 v6, v0;
	v6 =	vld [tilespmem:s9+$0xD0]  }
0x1c0: {  	[tilespmem:s9+$0x70] =	vst v4;
	v4 =	vadd.f32 v9, v2;
	v9 =	vld [tilespmem:s9+$0xE0]  }
0x1c1: {  	[tilespmem:s9+$0x80] =	vst v5;
	v5 =	vadd.f32 v10, v1;
	v10 =	vld [tilespmem:s9+$0xF0]  }
0x1c2: {  	[tilespmem:s9+$0x90] =	vst v4;
	v4 =	vadd.f32 v7, v3;
	v7 =	vld [tilespmem:s9+$0x100]  }
0x1c3: {  	[tilespmem:s9+$0xA0] =	vst v5;
	v5 =	vadd.f32 v8, v0;
	v8 =	vld [tilespmem:s9+$0x110]  }
0x1c4: {  	[tilespmem:s9+$0xB0] =	vst v4;
	v4 =	vadd.f32 v6, v2;
	v6 =	vld [tilespmem:s9+$0x120]  }
0x1c5: {  	[tilespmem:s9+$0xC0] =	vst v5;
	v5 =	vadd.f32 v9, v1;
	v9 =	vld [tilespmem:s9+$0x130]  }
0x1c6: {  	[tilespmem:s9+$0xD0] =	vst v4;
	v4 =	vadd.f32 v10, v3;
	v10 =	vld [tilespmem:s9+$0x140]  }
0x1c7: {  	[tilespmem:s9+$0xE0] =	vst v5;
	v5 =	vadd.f32 v7, v0;
	v7 =	vld [tilespmem:s9+$0x150]  }
0x1c8: {  	[tilespmem:s9+$0xF0] =	vst v4;
	v4 =	vadd.f32 v8, v2;
	v8 =	vld [tilespmem:s9+$0x160]  }
0x1c9: {  	[tilespmem:s9+$0x100] =	vst v5;
	v5 =	vadd.f32 v6, v1;
	v6 =	vld [tilespmem:s9+$0x170]  }
0x1ca: {  	[tilespmem:s9+$0x110] =	vst v4;
	v4 =	vadd.f32 v9, v3;
	v9 =	vld [tilespmem:s9+$0x180]  }
0x1cb: {  	[tilespmem:s9+$0x120] =	vst v5;
	v5 =	vadd.f32 v10, v0;
	v10 =	vld [tilespmem:s9+$0x190]  }
0x1cc: {  	[tilespmem:s9+$0x130] =	vst v4;
	v7 =	vadd.f32 v7, v2;
	v11 =	vld [tilespmem:s9+$0x1A0]  }
.Ltmp4:
0x1cd: {  	[tilespmem:s9+$0x140] =	vst v5;
	v8 =	vadd.f32 v8, v1;
	v4 =	vld [tilespmem:s9+$0x1B0];
	(pc) =	sbr.rel @p0 .LBB2_7-.Ltmp4, $4  }
0x1ce: {  	[tilespmem:s9+$0x150] =	vst v7;
	v7 =	vadd.f32 v6, v3;
	v5 =	vld [tilespmem:s9+$0x1C0]  }
0x1cf: {  	[tilespmem:s9+$0x160] =	vst v8;
	v12 =	vadd.f32 v9, v0;
	v6 =	vld [tilespmem:s9+$0x1D0]  }
0x1d0: {  	[tilespmem:s9+$0x170] =	vst v7;
	v9 =	vadd.f32 v10, v2;
	v7 =	vld [tilespmem:s9+$0x1E0]  }
0x1d1: {  	s9 =	sadd.s32 $0x400, s9;
	v8 =	vld [tilespmem:s0+$0xFFFFFE00];
	[tilespmem:s0+$0x180] =	vst v12;
	v10 =	vadd.f32 v11, v1  }
0x1d2: {  	[tilespmem:s0+$0x190] =	vst v9;
	v3 =	vadd.f32 v4, v3  }
0x1d3: {  	[tilespmem:s0+$0x1A0] =	vst v10;
	v4 =	vadd.f32 v5, v0  }
0x1d4: {  	[tilespmem:s0+$0x1B0] =	vst v3;
	v2 =	vadd.f32 v6, v2  }
0x1d5: {  	[tilespmem:s0+$0x1C0] =	vst v4;
	v1 =	vadd.f32 v7, v1  }
0x1d6: {  	v0 =	vadd.f32 v8, v0;
	[tilespmem:s0+$0x1D0] =	vst v2  }
0x1d7: {  	s1 =	sshll.u32 s29, $0x10;
	[tilespmem:s0+$0x1E0] =	vst v1  }
0x1d8: {  	p0 =	seq.s32 s28, $0xC;
	s9 =	sadd.s32 s1, s6;
	[tilespmem:s0+$0xFFFFFE00] =	vst v0  }
0x1d9: {  	[hbm4b:s9+s2] =	stream.linear.scatter [tilespmem:s17], [sflag:$0x7], $0x4000, $0x38;
	[tilespmem:$0x13A80] =	vst v63  }
0x1da: {  	s0 =	sshll.u32 @!p0 s28, $0xA;
	_ =	swait.ge [sflag:s21], $0x4000  }
0x1db: {  	s1 =	simm.s32 @!p0 $0x100;
	s0 =	sand.u32 @!p0 $0x3FFFFC00, s0;
	[sflag:s21] =	ssyncset.done $0x0  }
0x1dc: {  	s9 =	simm.s32 @!p0 $0x3400;
	s0 =	sadd.s32 @!p0 $0x400, s0;
	[sflag:s21] =	ssyncadd.s32 $0xFFFFC000  }
0x1dd: {  	[tilespmem:s9], [sflag:$0x1] =	stream.indirect.gather @!p0 [hbm4b:s3+s1], $0x40, s0, s1, $0xb8;
	[tilespmem:$0x13A80] =	vst v63  }
0x1de: {  	_ =	swait.ge [sflag:s22], $0x4000  }
0x1df: {  	s31 =	sshll.u32 s30, $0x5;
	[sflag:s22] =	ssyncset.done $0x0  }
0x1e0: {  	s0 =	sand.u32 $0x3FFFFFC0, s31;
	[sflag:s22] =	ssyncadd.s32 $0xFFFFC000  }
0x1e1: {  	v0 =	vld [tilespmem:s0+$0x13400]  }
0x1e2: {  	v2 =	vld [tilespmem:s0+$0x13410]  }
0x1e3: {  	v1 =	vld [tilespmem:s0+$0x13420]  }
0x1e4: {  	v3 =	vld [tilespmem:s0+$0x13430];
	s0 =	simm.s32 $0xF600  }
0x1e5: {  	v4 =	vld [tilespmem:s0+$0xFFFFFE10]  }
0x1e6: {  	v5 =	vld [tilespmem:s0+$0xFFFFFE20]  }
0x1e7: {  	v6 =	vld [tilespmem:s0+$0xFFFFFE30]  }
0x1e8: {  	v7 =	vld [tilespmem:s0+$0xFFFFFE40]  }
0x1e9: {  	v8 =	vld [tilespmem:s0+$0xFFFFFE50]  }
0x1ea: {  	v9 =	vld [tilespmem:s0+$0xFFFFFE60];
	v4 =	vadd.f32 v4, v2  }
0x1eb: {  	v10 =	vld [tilespmem:s0+$0xFFFFFE70];
	v5 =	vadd.f32 v5, v1  }
0x1ec: {  	v12 =	vld [tilespmem:s0+$0x10];
	v6 =	vadd.f32 v6, v3;
	[tilespmem:s0+$0xFFFFFE10] =	vst v4  }
0x1ed: {  	v13 =	vld [tilespmem:s0+$0x20];
	v7 =	vadd.f32 v7, v0;
	[tilespmem:s0+$0xFFFFFE20] =	vst v5  }
0x1ee: {  	v14 =	vld [tilespmem:s0+$0x30];
	v8 =	vadd.f32 v8, v2;
	[tilespmem:s0+$0xFFFFFE30] =	vst v6  }
0x1ef: {  	v15 =	vld [tilespmem:s0+$0x40];
	v9 =	vadd.f32 v9, v1;
	[tilespmem:s0+$0xFFFFFE40] =	vst v7  }
0x1f0: {  	v16 =	vld [tilespmem:s0+$0x50];
	v10 =	vadd.f32 v10, v3;
	[tilespmem:s0+$0xFFFFFE50] =	vst v8  }
0x1f1: {  	v11 =	vld [tilespmem:s0+$0x1F0];
	v12 =	vadd.f32 v12, v2;
	[tilespmem:s0+$0xFFFFFE60] =	vst v9  }
0x1f2: {  	v49 =	vld [tilespmem:s0+$0xFFFFFEF0];
	v13 =	vadd.f32 v13, v1;
	[tilespmem:s0+$0xFFFFFE70] =	vst v10  }
0x1f3: {  	v50 =	vld [tilespmem:s0+$0xFFFFFF00];
	v14 =	vadd.f32 v14, v3;
	[tilespmem:s0+$0x10] =	vst v12  }
0x1f4: {  	v51 =	vld [tilespmem:s0+$0xFFFFFF10];
	v15 =	vadd.f32 v15, v0;
	[tilespmem:s0+$0x20] =	vst v13  }
0x1f5: {  	v52 =	vld [tilespmem:s0+$0xFFFFFF20];
	v16 =	vadd.f32 v16, v2;
	[tilespmem:s0+$0x30] =	vst v14  }
0x1f6: {  	v53 =	vld [tilespmem:s0+$0xFFFFFF30];
	v8 =	vadd.f32 v11, v3;
	[tilespmem:s0+$0x40] =	vst v15  }
0x1f7: {  	v54 =	vld [tilespmem:s0+$0xE0];
	[tilespmem:s0+$0x50] =	vst v16;
	v12 =	vadd.f32 v49, v3  }
0x1f8: {  	v55 =	vld [tilespmem:s0+$0xF0];
	v13 =	vadd.f32 v50, v0;
	[tilespmem:s0+$0x1F0] =	vst v8  }
0x1f9: {  	v56 =	vld [tilespmem:s0+$0x100];
	v14 =	vadd.f32 v51, v2;
	[tilespmem:s0+$0xFFFFFEF0] =	vst v12  }
0x1fa: {  	v57 =	vld [tilespmem:s0+$0x110];
	v15 =	vadd.f32 v52, v1;
	[tilespmem:s0+$0xFFFFFF00] =	vst v13  }
0x1fb: {  	v58 =	vld [tilespmem:s0+$0x120];
	v16 =	vadd.f32 v53, v3;
	[tilespmem:s0+$0xFFFFFF10] =	vst v14  }
0x1fc: {  	v9 =	vld [tilespmem:s0+$0x0];
	[tilespmem:s0+$0xFFFFFF20] =	vst v15;
	v12 =	vadd.f32 v54, v1  }
0x1fd: {  	v4 =	vld [tilespmem:s0+$0xFFFFFE80];
	[tilespmem:s0+$0xFFFFFF30] =	vst v16;
	v13 =	vadd.f32 v55, v3  }
0x1fe: {  	v5 =	vld [tilespmem:s0+$0xFFFFFE90];
	v14 =	vadd.f32 v56, v0;
	[tilespmem:s0+$0xE0] =	vst v12  }
0x1ff: {  	v6 =	vld [tilespmem:s0+$0xFFFFFEA0];
	v15 =	vadd.f32 v57, v2;
	[tilespmem:s0+$0xF0] =	vst v13  }
0x200: {  	v7 =	vld [tilespmem:s0+$0xFFFFFEB0];
	v16 =	vadd.f32 v58, v1;
	[tilespmem:s0+$0x100] =	vst v14  }
0x201: {  	v11 =	vld [tilespmem:s0+$0xFFFFFEC0];
	[tilespmem:s0+$0x110] =	vst v15;
	v9 =	vadd.f32 v9, v0  }
0x202: {  	v10 =	vld [tilespmem:s0+$0x60];
	[tilespmem:s0+$0x120] =	vst v16;
	v4 =	vadd.f32 v4, v0  }
0x203: {  	v8 =	vld [tilespmem:s0+$0xFFFFFED0];
	v5 =	vadd.f32 v5, v2;
	[tilespmem:s0+$0x0] =	vst v9  }
0x204: {  	v6 =	vadd.f32 v6, v1;
	v9 =	vld [tilespmem:s0+$0xFFFFFEE0];
	[tilespmem:s0+$0xFFFFFE80] =	vst v4  }
0x205: {  	v7 =	vadd.f32 v7, v3;
	v4 =	vld [tilespmem:s0+$0x70];
	[tilespmem:s0+$0xFFFFFE90] =	vst v5  }
0x206: {  	v11 =	vadd.f32 v11, v0;
	v5 =	vld [tilespmem:s0+$0x80];
	[tilespmem:s0+$0xFFFFFEA0] =	vst v6  }
0x207: {  	v10 =	vadd.f32 v10, v1;
	v6 =	vld [tilespmem:s0+$0x90];
	[tilespmem:s0+$0xFFFFFEB0] =	vst v7  }
0x208: {  	v7 =	vld [tilespmem:s0+$0xA0];
	v8 =	vadd.f32 v8, v2;
	[tilespmem:s0+$0xFFFFFEC0] =	vst v11  }
0x209: {  	v11 =	vld [tilespmem:s0+$0xB0];
	[tilespmem:s0+$0x60] =	vst v10;
	v9 =	vadd.f32 v9, v1  }
0x20a: {  	v10 =	vld [tilespmem:s0+$0xFFFFFF40];
	[tilespmem:s0+$0xFFFFFED0] =	vst v8;
	v4 =	vadd.f32 v4, v3  }
0x20b: {  	v8 =	vld [tilespmem:s0+$0xC0];
	v5 =	vadd.f32 v5, v0;
	[tilespmem:s0+$0xFFFFFEE0] =	vst v9  }
0x20c: {  	v6 =	vadd.f32 v6, v2;
	v9 =	vld [tilespmem:s0+$0xD0];
	[tilespmem:s0+$0x70] =	vst v4  }
0x20d: {  	v7 =	vadd.f32 v7, v1;
	v4 =	vld [tilespmem:s0+$0xFFFFFF50];
	[tilespmem:s0+$0x80] =	vst v5  }
0x20e: {  	v11 =	vadd.f32 v11, v3;
	v5 =	vld [tilespmem:s0+$0xFFFFFF60];
	[tilespmem:s0+$0x90] =	vst v6  }
0x20f: {  	v10 =	vadd.f32 v10, v0;
	v6 =	vld [tilespmem:s0+$0xFFFFFF70];
	[tilespmem:s0+$0xA0] =	vst v7  }
0x210: {  	v7 =	vld [tilespmem:s0+$0xFFFFFF80];
	[tilespmem:s0+$0xB0] =	vst v11;
	v8 =	vadd.f32 v8, v0  }
0x211: {  	[tilespmem:s0+$0xFFFFFF40] =	vst v10;
	v10 =	vld [tilespmem:s0+$0x130];
	v9 =	vadd.f32 v9, v2  }
0x212: {  	v11 =	vld [tilespmem:s0+$0xFFFFFF90];
	[tilespmem:s0+$0xC0] =	vst v8;
	v4 =	vadd.f32 v4, v2  }
0x213: {  	v59 =	vld [tilespmem:s0+$0xFFFFFFC0];
	v5 =	vadd.f32 v5, v1;
	[tilespmem:s0+$0xD0] =	vst v9  }
0x214: {  	v8 =	vld [tilespmem:s0+$0xFFFFFFA0];
	v6 =	vadd.f32 v6, v3;
	[tilespmem:s0+$0xFFFFFF50] =	vst v4  }
0x215: {  	v61 =	vld [tilespmem:s0+$0xFFFFFFE0];
	v7 =	vadd.f32 v7, v0;
	[tilespmem:s0+$0xFFFFFF60] =	vst v5  }
0x216: {  	v10 =	vadd.f32 v10, v3;
	v9 =	vld [tilespmem:s0+$0xFFFFFFB0];
	[tilespmem:s0+$0xFFFFFF70] =	vst v6  }
0x217: {  	v11 =	vadd.f32 v11, v2;
	v4 =	vld [tilespmem:s0+$0x140];
	[tilespmem:s0+$0xFFFFFF80] =	vst v7  }
0x218: {  	v5 =	vld [tilespmem:s0+$0x150];
	[tilespmem:s0+$0x130] =	vst v10;
	v10 =	vadd.f32 v59, v0  }
0x219: {  	v6 =	vld [tilespmem:s0+$0x160];
	v8 =	vadd.f32 v8, v1;
	[tilespmem:s0+$0xFFFFFF90] =	vst v11  }
0x21a: {  	v60 =	vld [tilespmem:s0+$0xFFFFFFD0];
	[tilespmem:s0+$0xFFFFFFC0] =	vst v10;
	v10 =	vadd.f32 v61, v1  }
0x21b: {  	v7 =	vld [tilespmem:s0+$0x170];
	[tilespmem:s0+$0xFFFFFFA0] =	vst v8;
	v9 =	vadd.f32 v9, v3  }
0x21c: {  	v62 =	vld [tilespmem:s0+$0xFFFFFFF0];
	[tilespmem:s0+$0xFFFFFFE0] =	vst v10;
	v4 =	vadd.f32 v4, v0  }
0x21d: {  	v11 =	vld [tilespmem:s0+$0x180];
	v5 =	vadd.f32 v5, v2;
	[tilespmem:s0+$0xFFFFFFB0] =	vst v9  }
0x21e: {  	v8 =	vld [tilespmem:s0+$0x190];
	v6 =	vadd.f32 v6, v1;
	[tilespmem:s0+$0x140] =	vst v4  }
0x21f: {  	v63 =	vld [tilespmem:s0+$0x1A0];
	v9 =	vadd.f32 v60, v2;
	[tilespmem:s0+$0x150] =	vst v5  }
0x220: {  	v7 =	vadd.f32 v7, v3;
	v4 =	vld [tilespmem:s0+$0x1B0];
	[tilespmem:s0+$0x160] =	vst v6  }
0x221: {  	v5 =	vld [tilespmem:s0+$0x1C0];
	[tilespmem:s0+$0xFFFFFFD0] =	vst v9;
	v9 =	vadd.f32 v62, v3  }
0x222: {  	v10 =	vadd.f32 v11, v0;
	v6 =	vld [tilespmem:s0+$0x1D0];
	[tilespmem:s0+$0x170] =	vst v7  }
0x223: {  	v7 =	vld [tilespmem:s0+$0x1E0];
	[tilespmem:s0+$0xFFFFFFF0] =	vst v9;
	v9 =	vadd.f32 v8, v2  }
0x224: {  	s29 =	sshrl.u32 s30, $0x1;
	s1 =	simm.s32 $0x0;
	s9 =	simm.s32 $0xFA00;
	[tilespmem:s0+$0x180] =	vst v10;
	v10 =	vadd.f32 v63, v1;
	v8 =	vld [tilespmem:s0+$0xFFFFFE00]  }
.LBB2_9:
0x225: {  	v11 =	vld [tilespmem:s9+$0x1F0];
	s1 =	sadd.s32 $0x2, s1;
	[tilespmem:s0+$0x190] =	vst v9;
	v4 =	vadd.f32 v4, v3  }
0x226: {  	v9 =	vld [tilespmem:s9+$0xFFFFFE10];
	p1 =	slt.u32 s1, $0x1E;
	[tilespmem:s0+$0x1A0] =	vst v10;
	v5 =	vadd.f32 v5, v0  }
0x227: {  	v10 =	vld [tilespmem:s9+$0xFFFFFE20];
	[tilespmem:s0+$0x1B0] =	vst v4;
	v4 =	vadd.f32 v6, v2  }
0x228: {  	v6 =	vld [tilespmem:s9+$0xFFFFFE30];
	[tilespmem:s0+$0x1C0] =	vst v5;
	v5 =	vadd.f32 v7, v1  }
0x229: {  	v7 =	vld [tilespmem:s9+$0xFFFFFE40];
	v8 =	vadd.f32 v8, v0;
	[tilespmem:s0+$0x1D0] =	vst v4  }
0x22a: {  	v4 =	vld [tilespmem:s9+$0xFFFFFE50];
	v11 =	vadd.f32 v11, v3;
	[tilespmem:s0+$0x1E0] =	vst v5  }
0x22b: {  	v5 =	vadd.f32 v9, v2;
	v9 =	vld [tilespmem:s9+$0xFFFFFE60];
	[tilespmem:s0+$0xFFFFFE00] =	vst v8;
	s0 =	smov.u32 s9  }
0x22c: {  	v8 =	vadd.f32 v10, v1;
	v10 =	vld [tilespmem:s9+$0xFFFFFE70];
	[tilespmem:s9+$0x1F0] =	vst v11  }
0x22d: {  	[tilespmem:s9+$0xFFFFFE10] =	vst v5;
	v5 =	vadd.f32 v6, v3;
	v6 =	vld [tilespmem:s9+$0xFFFFFE80]  }
0x22e: {  	[tilespmem:s9+$0xFFFFFE20] =	vst v8;
	v7 =	vadd.f32 v7, v0;
	v8 =	vld [tilespmem:s9+$0xFFFFFE90]  }
0x22f: {  	[tilespmem:s9+$0xFFFFFE30] =	vst v5;
	v4 =	vadd.f32 v4, v2;
	v5 =	vld [tilespmem:s9+$0xFFFFFEA0]  }
0x230: {  	[tilespmem:s9+$0xFFFFFE40] =	vst v7;
	v7 =	vadd.f32 v9, v1;
	v9 =	vld [tilespmem:s9+$0xFFFFFEB0]  }
0x231: {  	[tilespmem:s9+$0xFFFFFE50] =	vst v4;
	v4 =	vadd.f32 v10, v3;
	v10 =	vld [tilespmem:s9+$0xFFFFFEC0]  }
0x232: {  	[tilespmem:s9+$0xFFFFFE60] =	vst v7;
	v6 =	vadd.f32 v6, v0;
	v7 =	vld [tilespmem:s9+$0xFFFFFED0]  }
0x233: {  	[tilespmem:s9+$0xFFFFFE70] =	vst v4;
	v4 =	vadd.f32 v8, v2;
	v8 =	vld [tilespmem:s9+$0xFFFFFEE0]  }
0x234: {  	[tilespmem:s9+$0xFFFFFE80] =	vst v6;
	v5 =	vadd.f32 v5, v1;
	v6 =	vld [tilespmem:s9+$0xFFFFFEF0]  }
0x235: {  	[tilespmem:s9+$0xFFFFFE90] =	vst v4;
	v4 =	vadd.f32 v9, v3;
	v9 =	vld [tilespmem:s9+$0xFFFFFF00]  }
0x236: {  	[tilespmem:s9+$0xFFFFFEA0] =	vst v5;
	v5 =	vadd.f32 v10, v0;
	v10 =	vld [tilespmem:s9+$0xFFFFFF10]  }
0x237: {  	[tilespmem:s9+$0xFFFFFEB0] =	vst v4;
	v4 =	vadd.f32 v7, v2;
	v7 =	vld [tilespmem:s9+$0xFFFFFF20]  }
0x238: {  	[tilespmem:s9+$0xFFFFFEC0] =	vst v5;
	v5 =	vadd.f32 v8, v1;
	v8 =	vld [tilespmem:s9+$0xFFFFFF30]  }
0x239: {  	[tilespmem:s9+$0xFFFFFED0] =	vst v4;
	v4 =	vadd.f32 v6, v3;
	v6 =	vld [tilespmem:s9+$0xFFFFFF40]  }
0x23a: {  	[tilespmem:s9+$0xFFFFFEE0] =	vst v5;
	v5 =	vadd.f32 v9, v0;
	v9 =	vld [tilespmem:s9+$0xFFFFFF50]  }
0x23b: {  	[tilespmem:s9+$0xFFFFFEF0] =	vst v4;
	v4 =	vadd.f32 v10, v2;
	v10 =	vld [tilespmem:s9+$0xFFFFFF60]  }
0x23c: {  	[tilespmem:s9+$0xFFFFFF00] =	vst v5;
	v5 =	vadd.f32 v7, v1;
	v7 =	vld [tilespmem:s9+$0xFFFFFF70]  }
0x23d: {  	[tilespmem:s9+$0xFFFFFF10] =	vst v4;
	v4 =	vadd.f32 v8, v3;
	v8 =	vld [tilespmem:s9+$0xFFFFFF80]  }
0x23e: {  	[tilespmem:s9+$0xFFFFFF20] =	vst v5;
	v5 =	vadd.f32 v6, v0;
	v6 =	vld [tilespmem:s9+$0xFFFFFF90]  }
0x23f: {  	[tilespmem:s9+$0xFFFFFF30] =	vst v4;
	v4 =	vadd.f32 v9, v2;
	v9 =	vld [tilespmem:s9+$0xFFFFFFA0]  }
0x240: {  	[tilespmem:s9+$0xFFFFFF40] =	vst v5;
	v5 =	vadd.f32 v10, v1;
	v10 =	vld [tilespmem:s9+$0xFFFFFFB0]  }
0x241: {  	[tilespmem:s9+$0xFFFFFF50] =	vst v4;
	v4 =	vadd.f32 v7, v3;
	v7 =	vld [tilespmem:s9+$0xFFFFFFC0]  }
0x242: {  	[tilespmem:s9+$0xFFFFFF60] =	vst v5;
	v5 =	vadd.f32 v8, v0;
	v8 =	vld [tilespmem:s9+$0xFFFFFFD0]  }
0x243: {  	[tilespmem:s9+$0xFFFFFF70] =	vst v4;
	v4 =	vadd.f32 v6, v2;
	v6 =	vld [tilespmem:s9+$0xFFFFFFE0]  }
0x244: {  	[tilespmem:s9+$0xFFFFFF80] =	vst v5;
	v5 =	vadd.f32 v9, v1;
	v9 =	vld [tilespmem:s9+$0xFFFFFFF0]  }
0x245: {  	[tilespmem:s9+$0xFFFFFF90] =	vst v4;
	v4 =	vadd.f32 v10, v3;
	v10 =	vld [tilespmem:s9+$0x0]  }
0x246: {  	[tilespmem:s9+$0xFFFFFFA0] =	vst v5;
	v5 =	vadd.f32 v7, v0;
	v7 =	vld [tilespmem:s9+$0x10]  }
0x247: {  	[tilespmem:s9+$0xFFFFFFB0] =	vst v4;
	v4 =	vadd.f32 v8, v2;
	v8 =	vld [tilespmem:s9+$0x20]  }
0x248: {  	[tilespmem:s9+$0xFFFFFFC0] =	vst v5;
	v5 =	vadd.f32 v6, v1;
	v6 =	vld [tilespmem:s9+$0x30]  }
0x249: {  	[tilespmem:s9+$0xFFFFFFD0] =	vst v4;
	v4 =	vadd.f32 v9, v3;
	v9 =	vld [tilespmem:s9+$0x40]  }
0x24a: {  	[tilespmem:s9+$0xFFFFFFE0] =	vst v5;
	v5 =	vadd.f32 v10, v0;
	v10 =	vld [tilespmem:s9+$0x50]  }
0x24b: {  	[tilespmem:s9+$0xFFFFFFF0] =	vst v4;
	v4 =	vadd.f32 v7, v2;
	v7 =	vld [tilespmem:s9+$0x60]  }
0x24c: {  	[tilespmem:s9+$0x0] =	vst v5;
	v5 =	vadd.f32 v8, v1;
	v8 =	vld [tilespmem:s9+$0x70]  }
0x24d: {  	[tilespmem:s9+$0x10] =	vst v4;
	v4 =	vadd.f32 v6, v3;
	v6 =	vld [tilespmem:s9+$0x80]  }
0x24e: {  	[tilespmem:s9+$0x20] =	vst v5;
	v5 =	vadd.f32 v9, v0;
	v9 =	vld [tilespmem:s9+$0x90]  }
0x24f: {  	[tilespmem:s9+$0x30] =	vst v4;
	v4 =	vadd.f32 v10, v2;
	v10 =	vld [tilespmem:s9+$0xA0]  }
0x250: {  	[tilespmem:s9+$0x40] =	vst v5;
	v5 =	vadd.f32 v7, v1;
	v7 =	vld [tilespmem:s9+$0xB0]  }
0x251: {  	[tilespmem:s9+$0x50] =	vst v4;
	v4 =	vadd.f32 v8, v3;
	v8 =	vld [tilespmem:s9+$0xC0]  }
0x252: {  	[tilespmem:s9+$0x60] =	vst v5;
	v5 =	vadd.f32 v6, v0;
	v6 =	vld [tilespmem:s9+$0xD0]  }
0x253: {  	[tilespmem:s9+$0x70] =	vst v4;
	v4 =	vadd.f32 v9, v2;
	v9 =	vld [tilespmem:s9+$0xE0]  }
0x254: {  	[tilespmem:s9+$0x80] =	vst v5;
	v5 =	vadd.f32 v10, v1;
	v10 =	vld [tilespmem:s9+$0xF0]  }
0x255: {  	[tilespmem:s9+$0x90] =	vst v4;
	v4 =	vadd.f32 v7, v3;
	v7 =	vld [tilespmem:s9+$0x100]  }
0x256: {  	[tilespmem:s9+$0xA0] =	vst v5;
	v5 =	vadd.f32 v8, v0;
	v8 =	vld [tilespmem:s9+$0x110]  }
0x257: {  	[tilespmem:s9+$0xB0] =	vst v4;
	v4 =	vadd.f32 v6, v2;
	v6 =	vld [tilespmem:s9+$0x120]  }
0x258: {  	[tilespmem:s9+$0xC0] =	vst v5;
	v5 =	vadd.f32 v9, v1;
	v9 =	vld [tilespmem:s9+$0x130]  }
0x259: {  	[tilespmem:s9+$0xD0] =	vst v4;
	v4 =	vadd.f32 v10, v3;
	v10 =	vld [tilespmem:s9+$0x140]  }
0x25a: {  	[tilespmem:s9+$0xE0] =	vst v5;
	v5 =	vadd.f32 v7, v0;
	v7 =	vld [tilespmem:s9+$0x150]  }
0x25b: {  	[tilespmem:s9+$0xF0] =	vst v4;
	v4 =	vadd.f32 v8, v2;
	v8 =	vld [tilespmem:s9+$0x160]  }
0x25c: {  	[tilespmem:s9+$0x100] =	vst v5;
	v5 =	vadd.f32 v6, v1;
	v6 =	vld [tilespmem:s9+$0x170]  }
0x25d: {  	[tilespmem:s9+$0x110] =	vst v4;
	v4 =	vadd.f32 v9, v3;
	v9 =	vld [tilespmem:s9+$0x180]  }
0x25e: {  	[tilespmem:s9+$0x120] =	vst v5;
	v5 =	vadd.f32 v10, v0;
	v10 =	vld [tilespmem:s9+$0x190]  }
0x25f: {  	[tilespmem:s9+$0x130] =	vst v4;
	v7 =	vadd.f32 v7, v2;
	v11 =	vld [tilespmem:s9+$0x1A0]  }
.Ltmp5:
0x260: {  	[tilespmem:s9+$0x140] =	vst v5;
	v8 =	vadd.f32 v8, v1;
	v4 =	vld [tilespmem:s9+$0x1B0];
	(pc) =	sbr.rel @p1 .LBB2_9-.Ltmp5, $4  }
0x261: {  	[tilespmem:s9+$0x150] =	vst v7;
	v7 =	vadd.f32 v6, v3;
	v5 =	vld [tilespmem:s9+$0x1C0]  }
0x262: {  	[tilespmem:s9+$0x160] =	vst v8;
	v12 =	vadd.f32 v9, v0;
	v6 =	vld [tilespmem:s9+$0x1D0]  }
0x263: {  	[tilespmem:s9+$0x170] =	vst v7;
	v9 =	vadd.f32 v10, v2;
	v7 =	vld [tilespmem:s9+$0x1E0]  }
0x264: {  	s9 =	sadd.s32 $0x400, s9;
	v8 =	vld [tilespmem:s0+$0xFFFFFE00];
	[tilespmem:s0+$0x180] =	vst v12;
	v10 =	vadd.f32 v11, v1  }
0x265: {  	[tilespmem:s0+$0x190] =	vst v9;
	v3 =	vadd.f32 v4, v3  }
0x266: {  	[tilespmem:s0+$0x1A0] =	vst v10;
	v62 =	vadd.f32 v5, v0  }
0x267: {  	[tilespmem:s0+$0x1B0] =	vst v3;
	v2 =	vadd.f32 v6, v2  }
0x268: {  	[tilespmem:s0+$0x1C0] =	vst v62;
	v1 =	vadd.f32 v7, v1  }
0x269: {  	v63 =	vadd.f32 v8, v0;
	[tilespmem:s0+$0x1D0] =	vst v2  }
0x26a: {  	s1 =	sshll.u32 s29, $0x11;
	[tilespmem:s0+$0x1E0] =	vst v1  }
.Ltmp6:
0x26b: {  	s31 =	sadd.s32 s1, s7;
	[tilespmem:s0+$0xFFFFFE00] =	vst v63;
	(pc) =	sbr.rel @p0 .LBB2_12-.Ltmp6, $4  }
0x26c: {  	[hbm4b:s31+s2] =	stream.linear.scatter [tilespmem:s19], [sflag:$0x8], $0x4000, $0x38;
	[tilespmem:$0x13A80] =	vst v63  }
0x26d: {  	_ =	swait.ge [sflag:s23], $0x4000  }
0x26e: {  	[sflag:s23] =	ssyncset.done $0x0  }
0x26f: {  	[sflag:s23] =	ssyncadd.s32 $0xFFFFC000  }
.Ltmp7:
0x270: {  	(pc) =	sbr.rel .LBB2_2-.Ltmp7, $4  }
0x271: {  	s0 =	sshll.u32 s28, $0xA  }
0x272: {  	s0 =	sand.u32 $0x3FFFFC00, s0  }
0x273: {  	s28 =	sadd.s32 $0x1, s28;
	s0 =	sadd.s32 $0x500, s0  }
0x274: {  	[tilespmem:s15], [sflag:$0x2] =	stream.indirect.gather [hbm4b:s3+s13], $0x40, s0, s13, $0xb8;
	[tilespmem:$0x13A80] =	vst v63  }
.LBB2_13:
0x275: {  	_ =	sfence.sel $0x180000  }
0x276: {  	[bflag:$0x0] =	sbarrier.arrive $0xFFFF  }
0x277: {  	_ =	strace $0x90000047  }
0x278: {  	s0 =	stileid.u32;
	[bflag:$0x2] =	sbarrier.arrive $0xFFFF  }
0x279: {  	p0 =	sne.s32 s0, $0x0;
	s0 =	rddreg [dreg:$0x2]  }
0x27a: {  	s0 =	sadd.s32 @!p0 $0x100000, s0  }
0x27b: {  	[sflag:s0] =	ssyncadd.tile.s32 @!p0 $0x1;
	_ =	shalt  }
.Lfunc_end2:
_tile_overlayer_lowered:
.L_overlay_start_2:
0x27c: {  	(tag) =	ssettag $0x2  }
0x27d: {  	s0 =	rddreg [dreg:$0x0];
	s2 =	stileid.u32  }
0x27e: {  	s1 =	rddreg [dreg:$0x1];
	p0 =	sne.s32 s2, $0x0  }
0x27f: {  	s3 =	rddreg [dreg:$0x2];
	[bflag:$0x3] =	sbarrier.arrive $0xFFFF;
	s2 =	simm.s32 @!p0 $0x1C09  }
0x280: {  	[timem:s3], [sflag:s2] =	dma.local @!p0 [hbm:s0], s1  }
0x281: {  	s0 =	simm.s32 @!p0 $0x9  }
0x282: {  	_ =	swait.ge @!p0 [sflag:s0], s1  }
0x283: {  	s1 =	ssub.s32 @!p0 $0x0, s1;
	[sflag:s0] =	ssyncset.done @!p0 $0x0  }
0x284: {  	[sflag:s0] =	ssyncadd.s32 @!p0 s1  }
0x285: {  	[bflag:$0x3] =	sbarrier.arrive $0xFFFF  }
0x286: {  	_ =	shalt  }

</sc_bundles>
